<compile_context>
chip_gen: v7x
topology: tpu7x:2x2x1
jax: 0.10.2.dev20260603
libtpu: 0.0.44.dev20260713+nightly
codegen_flags: <defaults>
</compile_context>

<pallas_src>
import functools

import jax
import jax.numpy as jnp
from jax import lax
from jax.experimental import pallas as pl
from jax.experimental.pallas import tpu as pltpu
from jax.experimental.pallas import tpu_sc as plsc

N_NODES = 10000
N_EDGES = 320000
D = 128
NC = 2
NS = 16
E_TILE = N_EDGES // NS
CH = 80
N_CH = E_TILE // CH
ROWS_A = 624
TAIL_BASE = NS * ROWS_A
TAIL = N_NODES - TAIL_BASE

_mesh = plsc.VectorSubcoreMesh(
    core_axis_name="c", subcore_axis_name="s", num_cores=NC, num_subcores=NS)


@functools.partial(
    pl.kernel,
    out_type=[
        jax.ShapeDtypeStruct((NC, N_NODES, D), jnp.float32),
        jax.ShapeDtypeStruct((NC * N_NODES,), jnp.float32),
    ],
    mesh=_mesh,
    scratch_types=[
        pltpu.VMEM((3, CH, D), jnp.float32),
        pltpu.VMEM((3, CH), jnp.int32),
        pltpu.VMEM((CH,), jnp.float32),
        pltpu.VMEM((ROWS_A,), jnp.float32),
        pltpu.VMEM_SHARED((N_NODES, D), jnp.float32),
        pltpu.VMEM_SHARED((N_NODES,), jnp.float32),
        pltpu.SemaphoreType.DMA,
        pltpu.SemaphoreType.DMA,
        pltpu.SemaphoreType.DMA,
        pltpu.SemaphoreType.DMA,
        pltpu.SemaphoreType.DMA,
        pltpu.SemaphoreType.DMA,
    ],
)
def _segment_sums(efeat, eidx, sums_out, cnts_out,
                  feat_buf, idx_buf, ones_buf, zcnt_buf, sum_sh, cnt_sh,
                  lsem0, lsem1, lsem2, ssem0, ssem1, ssem2):
    cid = lax.axis_index("c")
    sid = lax.axis_index("s")
    lsem = (lsem0, lsem1, lsem2)
    ssem = (ssem0, ssem1, ssem2)
    z16 = jnp.zeros((16,), jnp.float32)
    o16 = jnp.ones((16,), jnp.float32)
    e_base = sid * E_TILE

    def _fire_loads(g, b, idx_row, col0):
        base = e_base + g * CH
        pltpu.async_copy(eidx.at[pl.ds(idx_row * N_EDGES + base, CH)],
                         idx_buf.at[b], lsem[b])
        pltpu.async_copy(efeat.at[pl.ds(base, CH), pl.ds(col0, D)],
                         feat_buf.at[b], lsem[b])

    @pl.when(cid == 0)
    def _():
        _fire_loads(0, 0, 1, 0)
        _fire_loads(1, 1, 1, 0)

    @pl.when(cid == 1)
    def _():
        _fire_loads(0, 0, 0, D)
        _fire_loads(1, 1, 0, D)

    def _zero_feat_row(i, carry):
        for j in range(D // 16):
            feat_buf[2, i, pl.ds(j * 16, 16)] = z16
        return carry

    lax.fori_loop(0, CH, _zero_feat_row, 0)

    for i in range(ROWS_A // 16):
        zcnt_buf[pl.ds(i * 16, 16)] = z16
    for i in range(CH // 16):
        ones_buf[pl.ds(i * 16, 16)] = o16

    base_r = sid * ROWS_A
    off_z = 0
    while off_z < ROWS_A:
        nz = min(CH, ROWS_A - off_z)
        pltpu.sync_copy(feat_buf.at[2, pl.ds(0, nz)],
                        sum_sh.at[pl.ds(base_r + off_z, nz)])
        off_z += nz
    pltpu.sync_copy(zcnt_buf, cnt_sh.at[pl.ds(base_r, ROWS_A)])

    @pl.when(sid == NS - 1)
    def _():
        pltpu.sync_copy(feat_buf.at[2, pl.ds(0, TAIL)],
                        sum_sh.at[pl.ds(TAIL_BASE, TAIL)])
        pltpu.sync_copy(zcnt_buf.at[pl.ds(0, TAIL)],
                        cnt_sh.at[pl.ds(TAIL_BASE, TAIL)])

    N_MAIN = (N_CH // 3) * 3

    def _wait_loads(g, b, idx_row, col0):
        base = e_base + g * CH
        pltpu.make_async_copy(eidx.at[pl.ds(idx_row * N_EDGES + base, CH)],
                              idx_buf.at[b], lsem[b]).wait()
        pltpu.make_async_copy(efeat.at[pl.ds(base, CH), pl.ds(col0, D)],
                              feat_buf.at[b], lsem[b]).wait()

    def _fire_scatter(b):
        pltpu.async_copy(feat_buf.at[b], sum_sh.at[idx_buf.at[b]],
                         ssem[b], add=True)
        pltpu.async_copy(ones_buf, cnt_sh.at[idx_buf.at[b]], ssem[b], add=True)

    def _wait_scatter(b):
        pltpu.make_async_copy(feat_buf.at[b], sum_sh.at[idx_buf.at[b]],
                              ssem[b]).wait()
        pltpu.make_async_copy(ones_buf, cnt_sh.at[idx_buf.at[b]],
                              ssem[b]).wait()

    def _core_loop(idx_row, col0):
        plsc.subcore_barrier()

        def _body(g2, carry):
            for u in range(3):
                g = g2 * 3 + u
                b = u
                bm1 = (u - 1) % 3
                _wait_loads(g, b, idx_row, col0)
                _fire_scatter(b)
                if u == 0:
                    @pl.when(g2 > 0)
                    def _():
                        _wait_scatter(bm1)
                    _fire_loads(g + 2, bm1, idx_row, col0)
                else:
                    _wait_scatter(bm1)
                    if u == 2:
                        @pl.when(g2 < N_MAIN // 3 - 1)
                        def _():
                            _fire_loads(g + 2, bm1, idx_row, col0)
                    else:
                        _fire_loads(g + 2, bm1, idx_row, col0)
            return carry

        lax.fori_loop(0, N_MAIN // 3, _body, 0)

        _wait_loads(N_MAIN, 0, idx_row, col0)
        _fire_scatter(0)
        _wait_scatter(2)
        _wait_scatter(0)

    @pl.when(cid == 0)
    def _():
        _core_loop(1, 0)

    @pl.when(cid == 1)
    def _():
        _core_loop(0, D)

    plsc.subcore_barrier()

    @pl.when(cid == 0)
    def _():
        pltpu.sync_copy(sum_sh.at[pl.ds(base_r, ROWS_A)],
                        sums_out.at[0, pl.ds(base_r, ROWS_A)])
        pltpu.sync_copy(cnt_sh.at[pl.ds(base_r, ROWS_A)], zcnt_buf)
        pltpu.sync_copy(zcnt_buf, cnts_out.at[pl.ds(base_r, ROWS_A)])

        @pl.when(sid == NS - 1)
        def _():
            pltpu.sync_copy(sum_sh.at[pl.ds(TAIL_BASE, TAIL)],
                            sums_out.at[0, pl.ds(TAIL_BASE, TAIL)])
            pltpu.sync_copy(cnt_sh.at[pl.ds(TAIL_BASE, TAIL)],
                            zcnt_buf.at[pl.ds(0, TAIL)])
            pltpu.sync_copy(zcnt_buf.at[pl.ds(0, TAIL)],
                            cnts_out.at[pl.ds(TAIL_BASE, TAIL)])

    @pl.when(cid == 1)
    def _():
        pltpu.sync_copy(sum_sh.at[pl.ds(base_r, ROWS_A)],
                        sums_out.at[1, pl.ds(base_r, ROWS_A)])
        pltpu.sync_copy(cnt_sh.at[pl.ds(base_r, ROWS_A)], zcnt_buf)
        pltpu.sync_copy(zcnt_buf, cnts_out.at[pl.ds(N_NODES + base_r, ROWS_A)])

        @pl.when(sid == NS - 1)
        def _():
            pltpu.sync_copy(sum_sh.at[pl.ds(TAIL_BASE, TAIL)],
                            sums_out.at[1, pl.ds(TAIL_BASE, TAIL)])
            pltpu.sync_copy(cnt_sh.at[pl.ds(TAIL_BASE, TAIL)],
                            zcnt_buf.at[pl.ds(0, TAIL)])
            pltpu.sync_copy(zcnt_buf.at[pl.ds(0, TAIL)],
                            cnts_out.at[pl.ds(N_NODES + TAIL_BASE, TAIL)])


def _tc_heads_body(sums_ref, cnts_ref, wh_ref, bh_ref, wt_ref, bt_ref,
                   nh_ref, nt_ref):
    rec = 1.0 / jnp.maximum(cnts_ref[...], 1.0)
    recb = lax.broadcast_in_dim(rec, (NC, N_NODES, D), (0, 1))
    nf = 0.5 * (sums_ref[0] * recb[0] + sums_ref[1] * recb[1])
    nh_ref[...] = jnp.dot(nf, wh_ref[...],
                          preferred_element_type=jnp.float32) + bh_ref[...]
    nt_ref[...] = jnp.dot(nf, wt_ref[...],
                          preferred_element_type=jnp.float32) + bt_ref[...]


_tc_heads = pl.pallas_call(
    _tc_heads_body,
    out_shape=[jax.ShapeDtypeStruct((N_NODES, D), jnp.float32),
               jax.ShapeDtypeStruct((N_NODES, D), jnp.float32)],
)


@functools.partial(
    pl.kernel,
    out_type=jax.ShapeDtypeStruct((N_EDGES, 2 * D), jnp.float32),
    mesh=_mesh,
    scratch_types=[
        pltpu.VMEM((3, CH), jnp.int32),
        pltpu.VMEM((3, CH, D), jnp.float32),
        pltpu.VMEM_SHARED((N_NODES, D), jnp.float32),
        pltpu.SemaphoreType.DMA,
        pltpu.SemaphoreType.DMA,
        pltpu.SemaphoreType.DMA,
        pltpu.SemaphoreType.DMA,
        pltpu.SemaphoreType.DMA,
        pltpu.SemaphoreType.DMA,
        pltpu.SemaphoreType.DMA,
        pltpu.SemaphoreType.DMA,
        pltpu.SemaphoreType.DMA,
    ],
)
def _gather_heads(nh, nt, eidx, out, idx_buf, rows_buf, tab_sh,
                  lsem0, lsem1, lsem2, wsem0, wsem1, wsem2,
                  gsem0, gsem1, gsem2):
    cid = lax.axis_index("c")
    sid = lax.axis_index("s")
    lsem = (lsem0, lsem1, lsem2)
    wsem = (wsem0, wsem1, wsem2)
    gsem = (gsem0, gsem1, gsem2)
    base_r = sid * ROWS_A
    e_base = sid * E_TILE
    N_MAIN = (N_CH // 3) * 3

    def _fire_idx(g, b, idx_row):
        pltpu.async_copy(eidx.at[pl.ds(idx_row * N_EDGES + e_base + g * CH, CH)],
                         idx_buf.at[b], lsem[b])

    def _wait_idx(g, b, idx_row):
        pltpu.make_async_copy(
            eidx.at[pl.ds(idx_row * N_EDGES + e_base + g * CH, CH)],
            idx_buf.at[b], lsem[b]).wait()

    def _fire_store(g, b, col0):
        pltpu.async_copy(rows_buf.at[b],
                         out.at[pl.ds(e_base + g * CH, CH), pl.ds(col0, D)],
                         wsem[b])

    def _wait_store(g, b, col0):
        pltpu.make_async_copy(rows_buf.at[b],
                              out.at[pl.ds(e_base + g * CH, CH), pl.ds(col0, D)],
                              wsem[b]).wait()

    def _stage_and_loop(tab, idx_row, col0):
        _fire_idx(0, 0, idx_row)
        _fire_idx(1, 1, idx_row)
        pltpu.sync_copy(tab.at[pl.ds(base_r, ROWS_A)],
                        tab_sh.at[pl.ds(base_r, ROWS_A)])

        @pl.when(sid == NS - 1)
        def _():
            pltpu.sync_copy(tab.at[pl.ds(TAIL_BASE, TAIL)],
                            tab_sh.at[pl.ds(TAIL_BASE, TAIL)])

        plsc.subcore_barrier()

        def _body(g2, carry):
            for u in range(3):
                g = g2 * 3 + u
                b = u
                bm1 = (u - 1) % 3
                _wait_idx(g, b, idx_row)
                @pl.when(g2 > 0)
                def _():
                    _wait_store(g - 3, b, col0)

                pltpu.async_copy(tab_sh.at[idx_buf.at[b]], rows_buf.at[b],
                                 gsem[b])
                if u == 0:
                    @pl.when(g2 > 0)
                    def _():
                        pltpu.make_async_copy(tab_sh.at[idx_buf.at[bm1]],
                                              rows_buf.at[bm1],
                                              gsem[bm1]).wait()
                        _fire_store(g - 1, bm1, col0)
                    _fire_idx(g + 2, bm1, idx_row)
                else:
                    pltpu.make_async_copy(tab_sh.at[idx_buf.at[bm1]],
                                          rows_buf.at[bm1], gsem[bm1]).wait()
                    _fire_store(g - 1, bm1, col0)
                    if u == 2:
                        @pl.when(g2 < N_MAIN // 3 - 1)
                        def _():
                            _fire_idx(g + 2, bm1, idx_row)
                    else:
                        _fire_idx(g + 2, bm1, idx_row)
            return carry

        lax.fori_loop(0, N_MAIN // 3, _body, 0)

        _wait_idx(N_MAIN, 0, idx_row)
        _wait_store(N_MAIN - 3, 0, col0)
        pltpu.async_copy(tab_sh.at[idx_buf.at[0]], rows_buf.at[0], gsem[0])
        pltpu.make_async_copy(tab_sh.at[idx_buf.at[2]], rows_buf.at[2],
                              gsem[2]).wait()
        _fire_store(N_MAIN - 1, 2, col0)
        pltpu.make_async_copy(tab_sh.at[idx_buf.at[0]], rows_buf.at[0],
                              gsem[0]).wait()
        _fire_store(N_MAIN, 0, col0)
        _wait_store(N_MAIN - 2, 1, col0)
        _wait_store(N_MAIN - 1, 2, col0)
        _wait_store(N_MAIN, 0, col0)

    @pl.when(cid == 0)
    def _():
        _stage_and_loop(nh, 0, 0)

    @pl.when(cid == 1)
    def _():
        _stage_and_loop(nt, 1, D)


def kernel(efeat, edge_index, W_head, b_head, W_tail, b_tail):
    eidx_flat = edge_index.reshape(-1)
    sums, cnts = _segment_sums(efeat, eidx_flat)
    nh, nt = _tc_heads(sums, cnts.reshape(NC, N_NODES),
                       W_head, b_head.reshape(1, D),
                       W_tail, b_tail.reshape(1, D))
    return _gather_heads(nh, nt, eidx_flat)

# --- scband reference (transcript-rebuilt; emitter-appended) ---
"""Pipeline reference for scband-directed-layer-62337155334183 (READ-ONLY COPY).

The authoritative reference and input builder live on the scoring server;
editing this copy changes nothing except your own understanding.
"""

import jax, jax.numpy as jnp
import numpy as np

N_NODES = 10000
N_EDGES = 320000
INP_DIM = 128
OUT_DIM = 128


def setup_inputs(seed: int = 0) -> dict:
    key = jax.random.key(seed)
    ks = jax.random.split(key, 6)
    efeat = jax.random.normal(ks[0], (N_EDGES, 2 * INP_DIM), dtype=jnp.float32)
    edge_index = jax.random.randint(ks[1], (2, N_EDGES), 0, N_NODES, dtype=jnp.int32)
    W_head = jax.random.normal(ks[2], (INP_DIM, OUT_DIM), dtype=jnp.float32) * (1.0 / np.sqrt(INP_DIM))
    b_head = jnp.zeros((OUT_DIM,), dtype=jnp.float32)
    W_tail = jax.random.normal(ks[3], (INP_DIM, OUT_DIM), dtype=jnp.float32) * (1.0 / np.sqrt(INP_DIM))
    b_tail = jnp.zeros((OUT_DIM,), dtype=jnp.float32)
    return {"efeat": efeat, "edge_index": edge_index, "W_head": W_head, "b_head": b_head, "W_tail": W_tail, "b_tail": b_tail}


def reference(efeat, edge_index, W_head, b_head, W_tail, b_tail):
    src = edge_index[0]
    dst = edge_index[1]
    head, tail = jnp.split(efeat, 2, axis=-1)

    # g.update_all(copy_e('head'), mean): per-node mean of incoming edges' head feats
    sum_in = jax.ops.segment_sum(head, dst, num_segments=N_NODES)
    cnt_in = jax.ops.segment_sum(jnp.ones((N_EDGES, 1), efeat.dtype), dst, num_segments=N_NODES)
    mean_in = sum_in / jnp.maximum(cnt_in, 1.0)

    # rg.update_all(copy_e('tail'), mean): reversed graph -> mean over outgoing edges' tail feats
    sum_out = jax.ops.segment_sum(tail, src, num_segments=N_NODES)
    cnt_out = jax.ops.segment_sum(jnp.ones((N_EDGES, 1), efeat.dtype), src, num_segments=N_NODES)
    mean_out = sum_out / jnp.maximum(cnt_out, 1.0)

    nfeat = (mean_in + mean_out) / 2.0

    # computed in original forward but unused downstream
    virtual_head = head.mean(axis=0)
    virtual_tail = tail.mean(axis=0)
    _ = (virtual_head, virtual_tail)

    # self_included=False: head'=src nfeat, tail'=dst nfeat
    h = jnp.take(nfeat, src, axis=0)
    t = jnp.take(nfeat, dst, axis=0)
    head_out = h @ W_head + b_head
    tail_out = t @ W_tail + b_tail
    efeat_out = jnp.concatenate([head_out, tail_out], axis=-1)
    return efeat_out  # activation is Identity

if __name__ == "__main__":
    import jax
    _d = setup_inputs()
    print(jax.jit(kernel)(*tuple(_d.values())))

</pallas_src>

<mosaic_0001>
#map = affine_map<(d0, d1) -> (0, 0)>
#map1 = affine_map<(d0, d1) -> (0)>
#map2 = affine_map<(d0, d1) -> (0, 0, 0)>
module attributes {stable_mosaic.version = 14 : i64} {
  func.func @_segment_sums(%arg0: i32, %arg1: i32, %arg2: memref<320000x256xf32, #tpu.memory_space<hbm>>, %arg3: memref<640000xi32, #tpu.memory_space<hbm>>, %arg4: memref<2x10000x128xf32, #tpu.memory_space<hbm>>, %arg5: memref<20000xf32, #tpu.memory_space<hbm>>, %arg6: memref<3x80x128xf32, #tpu.memory_space<vmem>>, %arg7: memref<3x80xi32, #tpu.memory_space<vmem>>, %arg8: memref<80xf32, #tpu.memory_space<vmem>>, %arg9: memref<624xf32, #tpu.memory_space<vmem>>, %arg10: memref<10000x128xf32, #tpu.memory_space<vmem_shared>>, %arg11: memref<10000xf32, #tpu.memory_space<vmem_shared>>, %arg12: memref<!tpu.dma_semaphore, #tpu.memory_space<semaphore_mem>>, %arg13: memref<!tpu.dma_semaphore, #tpu.memory_space<semaphore_mem>>, %arg14: memref<!tpu.dma_semaphore, #tpu.memory_space<semaphore_mem>>, %arg15: memref<!tpu.dma_semaphore, #tpu.memory_space<semaphore_mem>>, %arg16: memref<!tpu.dma_semaphore, #tpu.memory_space<semaphore_mem>>, %arg17: memref<!tpu.dma_semaphore, #tpu.memory_space<semaphore_mem>>) attributes {dimension_semantics = [#tpu.dimension_semantics<core_parallel>, #tpu.dimension_semantics<subcore_parallel>], iteration_bounds = array<i64: 2, 16>, scalar_prefetch = 0 : i64, scratch_operands = 12 : i64, tpu.core_type = #tpu.core_type<sc_vector_subcore>, window_params = [{transform_indices = #map}, {transform_indices = #map1}, {transform_indices = #map2}, {transform_indices = #map1}]} {
    %broadcast_in_dim3A = arith.constant 0.000000e+00 : f32
    %broadcast_in_dim3A_0 = vector.broadcast %broadcast_in_dim3A : f32 to vector<16xf32>
    %broadcast_in_dim3A_1 = arith.constant 1.000000e+00 : f32
    %broadcast_in_dim3A_2 = vector.broadcast %broadcast_in_dim3A_1 : f32 to vector<16xf32>
    %mul3A = arith.constant 20000 : i32
    %mul3A_3 = arith.muli %arg1, %mul3A : i32
    %eq3A = arith.constant 0 : i32
    %eq3A_4 = arith.cmpi eq, %arg0, %eq3A : i32
    %convert_element_type3A = arith.extui %eq3A_4 : i1 to i32
    %cond3A = arith.constant 0 : i32
    %cond3A_5 = arith.cmpi ne, %convert_element_type3A, %cond3A : i32
    scf.if %cond3A_5 {
      %add3A_240 = arith.constant 0 : i32
      %add3A_241 = arith.addi %mul3A_3, %add3A_240 : i32
      %add3A_242 = arith.constant 320000 : i32
      %add3A_243 = arith.addi %add3A_242, %add3A_241 : i32
      %dma_start3A = arith.constant 0 : i32
      %dma_start3A_244 = arith.constant 0 : i32
      %dma_start3A_245 = tpu.memref_slice %arg7[%dma_start3A, %dma_start3A_244] : memref<3x80xi32, #tpu.memory_space<vmem>> -> memref<1x80xi32, #tpu.memory_space<vmem>>
      %dma_start3A_246 = tpu.memref_squeeze %dma_start3A_245 : memref<1x80xi32, #tpu.memory_space<vmem>> -> memref<80xi32, #tpu.memory_space<vmem>>
      %dma_start3A_247 = tpu.memref_slice %arg3[%add3A_243] : memref<640000xi32, #tpu.memory_space<hbm>> -> memref<80xi32, #tpu.memory_space<hbm>>
      %dma_start3A_248 = arith.constant 0 : i32
      %dma_start3A_249 = tpu.memref_slice %arg7[%dma_start3A, %dma_start3A_248] : memref<3x80xi32, #tpu.memory_space<vmem>> -> memref<1x80xi32, #tpu.memory_space<vmem>>
      %dma_start3A_250 = tpu.memref_squeeze %dma_start3A_249 : memref<1x80xi32, #tpu.memory_space<vmem>> -> memref<80xi32, #tpu.memory_space<vmem>>
      %dma_start3A_251 = tpu.memref_slice %arg3[%add3A_243] : memref<640000xi32, #tpu.memory_space<hbm>> -> memref<80xi32, #tpu.memory_space<hbm>>
      tpu.enqueue_dma source(%dma_start3A_251 : memref<80xi32, #tpu.memory_space<hbm>>) target(%dma_start3A_250 : memref<80xi32, #tpu.memory_space<vmem>>) target_semaphore(%arg12 : memref<!tpu.dma_semaphore, #tpu.memory_space<semaphore_mem>>)
      %dma_start3A_252 = arith.constant 0 : i32
      %dma_start3A_253 = arith.constant 0 : i32
      %dma_start3A_254 = arith.constant 0 : i32
      %dma_start3A_255 = tpu.memref_slice %arg6[%dma_start3A_252, %dma_start3A_253, %dma_start3A_254] : memref<3x80x128xf32, #tpu.memory_space<vmem>> -> memref<1x80x128xf32, #tpu.memory_space<vmem>>
      %dma_start3A_256 = tpu.memref_squeeze %dma_start3A_255 : memref<1x80x128xf32, #tpu.memory_space<vmem>> -> memref<80x128xf32, #tpu.memory_space<vmem>>
      %dma_start3A_257 = arith.constant 0 : i32
      %dma_start3A_258 = tpu.memref_slice %arg2[%add3A_241, %dma_start3A_257] : memref<320000x256xf32, #tpu.memory_space<hbm>> -> memref<80x128xf32, #tpu.memory_space<hbm>>
      %dma_start3A_259 = arith.constant 0 : i32
      %dma_start3A_260 = arith.constant 0 : i32
      %dma_start3A_261 = tpu.memref_slice %arg6[%dma_start3A_252, %dma_start3A_259, %dma_start3A_260] : memref<3x80x128xf32, #tpu.memory_space<vmem>> -> memref<1x80x128xf32, #tpu.memory_space<vmem>>
      %dma_start3A_262 = tpu.memref_squeeze %dma_start3A_261 : memref<1x80x128xf32, #tpu.memory_space<vmem>> -> memref<80x128xf32, #tpu.memory_space<vmem>>
      %dma_start3A_263 = arith.constant 0 : i32
      %dma_start3A_264 = tpu.memref_slice %arg2[%add3A_241, %dma_start3A_263] : memref<320000x256xf32, #tpu.memory_space<hbm>> -> memref<80x128xf32, #tpu.memory_space<hbm>>
      tpu.enqueue_dma source(%dma_start3A_264 : memref<80x128xf32, #tpu.memory_space<hbm>>) target(%dma_start3A_262 : memref<80x128xf32, #tpu.memory_space<vmem>>) target_semaphore(%arg12 : memref<!tpu.dma_semaphore, #tpu.memory_space<semaphore_mem>>)
      %add3A_265 = arith.constant 80 : i32
      %add3A_266 = arith.addi %mul3A_3, %add3A_265 : i32
      %add3A_267 = arith.constant 320000 : i32
      %add3A_268 = arith.addi %add3A_267, %add3A_266 : i32
      %dma_start3A_269 = arith.constant 1 : i32
      %dma_start3A_270 = arith.constant 0 : i32
      %dma_start3A_271 = tpu.memref_slice %arg7[%dma_start3A_269, %dma_start3A_270] : memref<3x80xi32, #tpu.memory_space<vmem>> -> memref<1x80xi32, #tpu.memory_space<vmem>>
      %dma_start3A_272 = tpu.memref_squeeze %dma_start3A_271 : memref<1x80xi32, #tpu.memory_space<vmem>> -> memref<80xi32, #tpu.memory_space<vmem>>
      %dma_start3A_273 = tpu.memref_slice %arg3[%add3A_268] : memref<640000xi32, #tpu.memory_space<hbm>> -> memref<80xi32, #tpu.memory_space<hbm>>
      %dma_start3A_274 = arith.constant 0 : i32
      %dma_start3A_275 = tpu.memref_slice %arg7[%dma_start3A_269, %dma_start3A_274] : memref<3x80xi32, #tpu.memory_space<vmem>> -> memref<1x80xi32, #tpu.memory_space<vmem>>
      %dma_start3A_276 = tpu.memref_squeeze %dma_start3A_275 : memref<1x80xi32, #tpu.memory_space<vmem>> -> memref<80xi32, #tpu.memory_space<vmem>>
      %dma_start3A_277 = tpu.memref_slice %arg3[%add3A_268] : memref<640000xi32, #tpu.memory_space<hbm>> -> memref<80xi32, #tpu.memory_space<hbm>>
      tpu.enqueue_dma source(%dma_start3A_277 : memref<80xi32, #tpu.memory_space<hbm>>) target(%dma_start3A_276 : memref<80xi32, #tpu.memory_space<vmem>>) target_semaphore(%arg13 : memref<!tpu.dma_semaphore, #tpu.memory_space<semaphore_mem>>)
      %dma_start3A_278 = arith.constant 1 : i32
      %dma_start3A_279 = arith.constant 0 : i32
      %dma_start3A_280 = arith.constant 0 : i32
      %dma_start3A_281 = tpu.memref_slice %arg6[%dma_start3A_278, %dma_start3A_279, %dma_start3A_280] : memref<3x80x128xf32, #tpu.memory_space<vmem>> -> memref<1x80x128xf32, #tpu.memory_space<vmem>>
      %dma_start3A_282 = tpu.memref_squeeze %dma_start3A_281 : memref<1x80x128xf32, #tpu.memory_space<vmem>> -> memref<80x128xf32, #tpu.memory_space<vmem>>
      %dma_start3A_283 = arith.constant 0 : i32
      %dma_start3A_284 = tpu.memref_slice %arg2[%add3A_266, %dma_start3A_283] : memref<320000x256xf32, #tpu.memory_space<hbm>> -> memref<80x128xf32, #tpu.memory_space<hbm>>
      %dma_start3A_285 = arith.constant 0 : i32
      %dma_start3A_286 = arith.constant 0 : i32
      %dma_start3A_287 = tpu.memref_slice %arg6[%dma_start3A_278, %dma_start3A_285, %dma_start3A_286] : memref<3x80x128xf32, #tpu.memory_space<vmem>> -> memref<1x80x128xf32, #tpu.memory_space<vmem>>
      %dma_start3A_288 = tpu.memref_squeeze %dma_start3A_287 : memref<1x80x128xf32, #tpu.memory_space<vmem>> -> memref<80x128xf32, #tpu.memory_space<vmem>>
      %dma_start3A_289 = arith.constant 0 : i32
      %dma_start3A_290 = tpu.memref_slice %arg2[%add3A_266, %dma_start3A_289] : memref<320000x256xf32, #tpu.memory_space<hbm>> -> memref<80x128xf32, #tpu.memory_space<hbm>>
      tpu.enqueue_dma source(%dma_start3A_290 : memref<80x128xf32, #tpu.memory_space<hbm>>) target(%dma_start3A_288 : memref<80x128xf32, #tpu.memory_space<vmem>>) target_semaphore(%arg13 : memref<!tpu.dma_semaphore, #tpu.memory_space<semaphore_mem>>)
    } else {
    }
    %eq3A_6 = arith.constant 1 : i32
    %eq3A_7 = arith.cmpi eq, %arg0, %eq3A_6 : i32
    %convert_element_type3A_8 = arith.extui %eq3A_7 : i1 to i32
    %cond3A_9 = arith.constant 0 : i32
    %cond3A_10 = arith.cmpi ne, %convert_element_type3A_8, %cond3A_9 : i32
    scf.if %cond3A_10 {
      %add3A_240 = arith.constant 0 : i32
      %add3A_241 = arith.addi %mul3A_3, %add3A_240 : i32
      %add3A_242 = arith.constant 0 : i32
      %add3A_243 = arith.addi %add3A_242, %add3A_241 : i32
      %dma_start3A = arith.constant 0 : i32
      %dma_start3A_244 = arith.constant 0 : i32
      %dma_start3A_245 = tpu.memref_slice %arg7[%dma_start3A, %dma_start3A_244] : memref<3x80xi32, #tpu.memory_space<vmem>> -> memref<1x80xi32, #tpu.memory_space<vmem>>
      %dma_start3A_246 = tpu.memref_squeeze %dma_start3A_245 : memref<1x80xi32, #tpu.memory_space<vmem>> -> memref<80xi32, #tpu.memory_space<vmem>>
      %dma_start3A_247 = tpu.memref_slice %arg3[%add3A_243] : memref<640000xi32, #tpu.memory_space<hbm>> -> memref<80xi32, #tpu.memory_space<hbm>>
      %dma_start3A_248 = arith.constant 0 : i32
      %dma_start3A_249 = tpu.memref_slice %arg7[%dma_start3A, %dma_start3A_248] : memref<3x80xi32, #tpu.memory_space<vmem>> -> memref<1x80xi32, #tpu.memory_space<vmem>>
      %dma_start3A_250 = tpu.memref_squeeze %dma_start3A_249 : memref<1x80xi32, #tpu.memory_space<vmem>> -> memref<80xi32, #tpu.memory_space<vmem>>
      %dma_start3A_251 = tpu.memref_slice %arg3[%add3A_243] : memref<640000xi32, #tpu.memory_space<hbm>> -> memref<80xi32, #tpu.memory_space<hbm>>
      tpu.enqueue_dma source(%dma_start3A_251 : memref<80xi32, #tpu.memory_space<hbm>>) target(%dma_start3A_250 : memref<80xi32, #tpu.memory_space<vmem>>) target_semaphore(%arg12 : memref<!tpu.dma_semaphore, #tpu.memory_space<semaphore_mem>>)
      %dma_start3A_252 = arith.constant 0 : i32
      %dma_start3A_253 = arith.constant 0 : i32
      %dma_start3A_254 = arith.constant 0 : i32
      %dma_start3A_255 = tpu.memref_slice %arg6[%dma_start3A_252, %dma_start3A_253, %dma_start3A_254] : memref<3x80x128xf32, #tpu.memory_space<vmem>> -> memref<1x80x128xf32, #tpu.memory_space<vmem>>
      %dma_start3A_256 = tpu.memref_squeeze %dma_start3A_255 : memref<1x80x128xf32, #tpu.memory_space<vmem>> -> memref<80x128xf32, #tpu.memory_space<vmem>>
      %dma_start3A_257 = arith.constant 128 : i32
      %dma_start3A_258 = tpu.memref_slice %arg2[%add3A_241, %dma_start3A_257] : memref<320000x256xf32, #tpu.memory_space<hbm>> -> memref<80x128xf32, #tpu.memory_space<hbm>>
      %dma_start3A_259 = arith.constant 0 : i32
      %dma_start3A_260 = arith.constant 0 : i32
      %dma_start3A_261 = tpu.memref_slice %arg6[%dma_start3A_252, %dma_start3A_259, %dma_start3A_260] : memref<3x80x128xf32, #tpu.memory_space<vmem>> -> memref<1x80x128xf32, #tpu.memory_space<vmem>>
      %dma_start3A_262 = tpu.memref_squeeze %dma_start3A_261 : memref<1x80x128xf32, #tpu.memory_space<vmem>> -> memref<80x128xf32, #tpu.memory_space<vmem>>
      %dma_start3A_263 = arith.constant 128 : i32
      %dma_start3A_264 = tpu.memref_slice %arg2[%add3A_241, %dma_start3A_263] : memref<320000x256xf32, #tpu.memory_space<hbm>> -> memref<80x128xf32, #tpu.memory_space<hbm>>
      tpu.enqueue_dma source(%dma_start3A_264 : memref<80x128xf32, #tpu.memory_space<hbm>>) target(%dma_start3A_262 : memref<80x128xf32, #tpu.memory_space<vmem>>) target_semaphore(%arg12 : memref<!tpu.dma_semaphore, #tpu.memory_space<semaphore_mem>>)
      %add3A_265 = arith.constant 80 : i32
      %add3A_266 = arith.addi %mul3A_3, %add3A_265 : i32
      %add3A_267 = arith.constant 0 : i32
      %add3A_268 = arith.addi %add3A_267, %add3A_266 : i32
      %dma_start3A_269 = arith.constant 1 : i32
      %dma_start3A_270 = arith.constant 0 : i32
      %dma_start3A_271 = tpu.memref_slice %arg7[%dma_start3A_269, %dma_start3A_270] : memref<3x80xi32, #tpu.memory_space<vmem>> -> memref<1x80xi32, #tpu.memory_space<vmem>>
      %dma_start3A_272 = tpu.memref_squeeze %dma_start3A_271 : memref<1x80xi32, #tpu.memory_space<vmem>> -> memref<80xi32, #tpu.memory_space<vmem>>
      %dma_start3A_273 = tpu.memref_slice %arg3[%add3A_268] : memref<640000xi32, #tpu.memory_space<hbm>> -> memref<80xi32, #tpu.memory_space<hbm>>
      %dma_start3A_274 = arith.constant 0 : i32
      %dma_start3A_275 = tpu.memref_slice %arg7[%dma_start3A_269, %dma_start3A_274] : memref<3x80xi32, #tpu.memory_space<vmem>> -> memref<1x80xi32, #tpu.memory_space<vmem>>
      %dma_start3A_276 = tpu.memref_squeeze %dma_start3A_275 : memref<1x80xi32, #tpu.memory_space<vmem>> -> memref<80xi32, #tpu.memory_space<vmem>>
      %dma_start3A_277 = tpu.memref_slice %arg3[%add3A_268] : memref<640000xi32, #tpu.memory_space<hbm>> -> memref<80xi32, #tpu.memory_space<hbm>>
      tpu.enqueue_dma source(%dma_start3A_277 : memref<80xi32, #tpu.memory_space<hbm>>) target(%dma_start3A_276 : memref<80xi32, #tpu.memory_space<vmem>>) target_semaphore(%arg13 : memref<!tpu.dma_semaphore, #tpu.memory_space<semaphore_mem>>)
      %dma_start3A_278 = arith.constant 1 : i32
      %dma_start3A_279 = arith.constant 0 : i32
      %dma_start3A_280 = arith.constant 0 : i32
      %dma_start3A_281 = tpu.memref_slice %arg6[%dma_start3A_278, %dma_start3A_279, %dma_start3A_280] : memref<3x80x128xf32, #tpu.memory_space<vmem>> -> memref<1x80x128xf32, #tpu.memory_space<vmem>>
      %dma_start3A_282 = tpu.memref_squeeze %dma_start3A_281 : memref<1x80x128xf32, #tpu.memory_space<vmem>> -> memref<80x128xf32, #tpu.memory_space<vmem>>
      %dma_start3A_283 = arith.constant 128 : i32
      %dma_start3A_284 = tpu.memref_slice %arg2[%add3A_266, %dma_start3A_283] : memref<320000x256xf32, #tpu.memory_space<hbm>> -> memref<80x128xf32, #tpu.memory_space<hbm>>
      %dma_start3A_285 = arith.constant 0 : i32
      %dma_start3A_286 = arith.constant 0 : i32
      %dma_start3A_287 = tpu.memref_slice %arg6[%dma_start3A_278, %dma_start3A_285, %dma_start3A_286] : memref<3x80x128xf32, #tpu.memory_space<vmem>> -> memref<1x80x128xf32, #tpu.memory_space<vmem>>
      %dma_start3A_288 = tpu.memref_squeeze %dma_start3A_287 : memref<1x80x128xf32, #tpu.memory_space<vmem>> -> memref<80x128xf32, #tpu.memory_space<vmem>>
      %dma_start3A_289 = arith.constant 128 : i32
      %dma_start3A_290 = tpu.memref_slice %arg2[%add3A_266, %dma_start3A_289] : memref<320000x256xf32, #tpu.memory_space<hbm>> -> memref<80x128xf32, #tpu.memory_space<hbm>>
      tpu.enqueue_dma source(%dma_start3A_290 : memref<80x128xf32, #tpu.memory_space<hbm>>) target(%dma_start3A_288 : memref<80x128xf32, #tpu.memory_space<vmem>>) target_semaphore(%arg13 : memref<!tpu.dma_semaphore, #tpu.memory_space<semaphore_mem>>)
    } else {
    }
    %scan3A = arith.constant 0 : i32
    %scan3A_11 = arith.constant 0 : i32
    %scan3A_12 = arith.constant 80 : i32
    %scan3A_13 = arith.addi %scan3A_11, %scan3A_12 : i32
    %scan3A_14 = arith.constant 1 : i32
    scf.for %scan3A_240 = %scan3A_11 to %scan3A_13 step %scan3A_14  : i32 {
      %swap3A_241 = arith.constant 2 : i32
      %swap3A_242 = arith.index_cast %swap3A_241 : i32 to index
      %swap3A_243 = arith.index_cast %scan3A_240 : i32 to index
      %swap3A_244 = arith.constant 0 : index
      %swap3A_245 = tpu.vector_load %arg6[%swap3A_242, %swap3A_243, %swap3A_244] {strides = array<i32>} : memref<3x80x128xf32, #tpu.memory_space<vmem>>, vector<1x1x16xf32>,
      %swap3A_246 = vector.shape_cast %swap3A_245 : vector<1x1x16xf32> to vector<16xf32>
      %swap3A_247 = vector.shape_cast %broadcast_in_dim3A_0 : vector<16xf32> to vector<1x1x16xf32>
      tpu.vector_store %arg6[%swap3A_242, %swap3A_243, %swap3A_244], %swap3A_247 {strides = array<i32>} : memref<3x80x128xf32, #tpu.memory_space<vmem>>, vector<1x1x16xf32>,
      %swap3A_248 = arith.constant 2 : i32
      %swap3A_249 = arith.index_cast %swap3A_248 : i32 to index
      %swap3A_250 = arith.index_cast %scan3A_240 : i32 to index
      %swap3A_251 = arith.constant 16 : index
      %swap3A_252 = tpu.vector_load %arg6[%swap3A_249, %swap3A_250, %swap3A_251] {strides = array<i32>} : memref<3x80x128xf32, #tpu.memory_space<vmem>>, vector<1x1x16xf32>,
      %swap3A_253 = vector.shape_cast %swap3A_252 : vector<1x1x16xf32> to vector<16xf32>
      %swap3A_254 = vector.shape_cast %broadcast_in_dim3A_0 : vector<16xf32> to vector<1x1x16xf32>
      tpu.vector_store %arg6[%swap3A_249, %swap3A_250, %swap3A_251], %swap3A_254 {strides = array<i32>} : memref<3x80x128xf32, #tpu.memory_space<vmem>>, vector<1x1x16xf32>,
      %swap3A_255 = arith.constant 2 : i32
      %swap3A_256 = arith.index_cast %swap3A_255 : i32 to index
      %swap3A_257 = arith.index_cast %scan3A_240 : i32 to index
      %swap3A_258 = arith.constant 32 : index
      %swap3A_259 = tpu.vector_load %arg6[%swap3A_256, %swap3A_257, %swap3A_258] {strides = array<i32>} : memref<3x80x128xf32, #tpu.memory_space<vmem>>, vector<1x1x16xf32>,
      %swap3A_260 = vector.shape_cast %swap3A_259 : vector<1x1x16xf32> to vector<16xf32>
      %swap3A_261 = vector.shape_cast %broadcast_in_dim3A_0 : vector<16xf32> to vector<1x1x16xf32>
      tpu.vector_store %arg6[%swap3A_256, %swap3A_257, %swap3A_258], %swap3A_261 {strides = array<i32>} : memref<3x80x128xf32, #tpu.memory_space<vmem>>, vector<1x1x16xf32>,
      %swap3A_262 = arith.constant 2 : i32
      %swap3A_263 = arith.index_cast %swap3A_262 : i32 to index
      %swap3A_264 = arith.index_cast %scan3A_240 : i32 to index
      %swap3A_265 = arith.constant 48 : index
      %swap3A_266 = tpu.vector_load %arg6[%swap3A_263, %swap3A_264, %swap3A_265] {strides = array<i32>} : memref<3x80x128xf32, #tpu.memory_space<vmem>>, vector<1x1x16xf32>,
      %swap3A_267 = vector.shape_cast %swap3A_266 : vector<1x1x16xf32> to vector<16xf32>
      %swap3A_268 = vector.shape_cast %broadcast_in_dim3A_0 : vector<16xf32> to vector<1x1x16xf32>
      tpu.vector_store %arg6[%swap3A_263, %swap3A_264, %swap3A_265], %swap3A_268 {strides = array<i32>} : memref<3x80x128xf32, #tpu.memory_space<vmem>>, vector<1x1x16xf32>,
      %swap3A_269 = arith.constant 2 : i32
      %swap3A_270 = arith.index_cast %swap3A_269 : i32 to index
      %swap3A_271 = arith.index_cast %scan3A_240 : i32 to index
      %swap3A_272 = arith.constant 64 : index
      %swap3A_273 = tpu.vector_load %arg6[%swap3A_270, %swap3A_271, %swap3A_272] {strides = array<i32>} : memref<3x80x128xf32, #tpu.memory_space<vmem>>, vector<1x1x16xf32>,
      %swap3A_274 = vector.shape_cast %swap3A_273 : vector<1x1x16xf32> to vector<16xf32>
      %swap3A_275 = vector.shape_cast %broadcast_in_dim3A_0 : vector<16xf32> to vector<1x1x16xf32>
      tpu.vector_store %arg6[%swap3A_270, %swap3A_271, %swap3A_272], %swap3A_275 {strides = array<i32>} : memref<3x80x128xf32, #tpu.memory_space<vmem>>, vector<1x1x16xf32>,
      %swap3A_276 = arith.constant 2 : i32
      %swap3A_277 = arith.index_cast %swap3A_276 : i32 to index
      %swap3A_278 = arith.index_cast %scan3A_240 : i32 to index
      %swap3A_279 = arith.constant 80 : index
      %swap3A_280 = tpu.vector_load %arg6[%swap3A_277, %swap3A_278, %swap3A_279] {strides = array<i32>} : memref<3x80x128xf32, #tpu.memory_space<vmem>>, vector<1x1x16xf32>,
      %swap3A_281 = vector.shape_cast %swap3A_280 : vector<1x1x16xf32> to vector<16xf32>
      %swap3A_282 = vector.shape_cast %broadcast_in_dim3A_0 : vector<16xf32> to vector<1x1x16xf32>
      tpu.vector_store %arg6[%swap3A_277, %swap3A_278, %swap3A_279], %swap3A_282 {strides = array<i32>} : memref<3x80x128xf32, #tpu.memory_space<vmem>>, vector<1x1x16xf32>,
      %swap3A_283 = arith.constant 2 : i32
      %swap3A_284 = arith.index_cast %swap3A_283 : i32 to index
      %swap3A_285 = arith.index_cast %scan3A_240 : i32 to index
      %swap3A_286 = arith.constant 96 : index
      %swap3A_287 = tpu.vector_load %arg6[%swap3A_284, %swap3A_285, %swap3A_286] {strides = array<i32>} : memref<3x80x128xf32, #tpu.memory_space<vmem>>, vector<1x1x16xf32>,
      %swap3A_288 = vector.shape_cast %swap3A_287 : vector<1x1x16xf32> to vector<16xf32>
      %swap3A_289 = vector.shape_cast %broadcast_in_dim3A_0 : vector<16xf32> to vector<1x1x16xf32>
      tpu.vector_store %arg6[%swap3A_284, %swap3A_285, %swap3A_286], %swap3A_289 {strides = array<i32>} : memref<3x80x128xf32, #tpu.memory_space<vmem>>, vector<1x1x16xf32>,
      %swap3A_290 = arith.constant 2 : i32
      %swap3A_291 = arith.index_cast %swap3A_290 : i32 to index
      %swap3A_292 = arith.index_cast %scan3A_240 : i32 to index
      %swap3A_293 = arith.constant 112 : index
      %swap3A_294 = tpu.vector_load %arg6[%swap3A_291, %swap3A_292, %swap3A_293] {strides = array<i32>} : memref<3x80x128xf32, #tpu.memory_space<vmem>>, vector<1x1x16xf32>,
      %swap3A_295 = vector.shape_cast %swap3A_294 : vector<1x1x16xf32> to vector<16xf32>
      %swap3A_296 = vector.shape_cast %broadcast_in_dim3A_0 : vector<16xf32> to vector<1x1x16xf32>
      tpu.vector_store %arg6[%swap3A_291, %swap3A_292, %swap3A_293], %swap3A_296 {strides = array<i32>} : memref<3x80x128xf32, #tpu.memory_space<vmem>>, vector<1x1x16xf32>,
    }
    %scan3A_15 = arith.constant 80 : i32
    %swap3A = arith.constant 0 : index
    %swap3A_16 = tpu.vector_load %arg9[%swap3A] {strides = array<i32>} : memref<624xf32, #tpu.memory_space<vmem>>, vector<16xf32>,
    %swap3A_17 = vector.shape_cast %swap3A_16 : vector<16xf32> to vector<16xf32>
    %swap3A_18 = vector.shape_cast %broadcast_in_dim3A_0 : vector<16xf32> to vector<16xf32>
    tpu.vector_store %arg9[%swap3A], %swap3A_18 {strides = array<i32>} : memref<624xf32, #tpu.memory_space<vmem>>, vector<16xf32>,
    %swap3A_19 = arith.constant 16 : index
    %swap3A_20 = tpu.vector_load %arg9[%swap3A_19] {strides = array<i32>} : memref<624xf32, #tpu.memory_space<vmem>>, vector<16xf32>,
    %swap3A_21 = vector.shape_cast %swap3A_20 : vector<16xf32> to vector<16xf32>
    %swap3A_22 = vector.shape_cast %broadcast_in_dim3A_0 : vector<16xf32> to vector<16xf32>
    tpu.vector_store %arg9[%swap3A_19], %swap3A_22 {strides = array<i32>} : memref<624xf32, #tpu.memory_space<vmem>>, vector<16xf32>,
    %swap3A_23 = arith.constant 32 : index
    %swap3A_24 = tpu.vector_load %arg9[%swap3A_23] {strides = array<i32>} : memref<624xf32, #tpu.memory_space<vmem>>, vector<16xf32>,
    %swap3A_25 = vector.shape_cast %swap3A_24 : vector<16xf32> to vector<16xf32>
    %swap3A_26 = vector.shape_cast %broadcast_in_dim3A_0 : vector<16xf32> to vector<16xf32>
    tpu.vector_store %arg9[%swap3A_23], %swap3A_26 {strides = array<i32>} : memref<624xf32, #tpu.memory_space<vmem>>, vector<16xf32>,
    %swap3A_27 = arith.constant 48 : index
    %swap3A_28 = tpu.vector_load %arg9[%swap3A_27] {strides = array<i32>} : memref<624xf32, #tpu.memory_space<vmem>>, vector<16xf32>,
    %swap3A_29 = vector.shape_cast %swap3A_28 : vector<16xf32> to vector<16xf32>
    %swap3A_30 = vector.shape_cast %broadcast_in_dim3A_0 : vector<16xf32> to vector<16xf32>
    tpu.vector_store %arg9[%swap3A_27], %swap3A_30 {strides = array<i32>} : memref<624xf32, #tpu.memory_space<vmem>>, vector<16xf32>,
    %swap3A_31 = arith.constant 64 : index
    %swap3A_32 = tpu.vector_load %arg9[%swap3A_31] {strides = array<i32>} : memref<624xf32, #tpu.memory_space<vmem>>, vector<16xf32>,
    %swap3A_33 = vector.shape_cast %swap3A_32 : vector<16xf32> to vector<16xf32>
    %swap3A_34 = vector.shape_cast %broadcast_in_dim3A_0 : vector<16xf32> to vector<16xf32>
    tpu.vector_store %arg9[%swap3A_31], %swap3A_34 {strides = array<i32>} : memref<624xf32, #tpu.memory_space<vmem>>, vector<16xf32>,
    %swap3A_35 = arith.constant 80 : index
    %swap3A_36 = tpu.vector_load %arg9[%swap3A_35] {strides = array<i32>} : memref<624xf32, #tpu.memory_space<vmem>>, vector<16xf32>,
    %swap3A_37 = vector.shape_cast %swap3A_36 : vector<16xf32> to vector<16xf32>
    %swap3A_38 = vector.shape_cast %broadcast_in_dim3A_0 : vector<16xf32> to vector<16xf32>
    tpu.vector_store %arg9[%swap3A_35], %swap3A_38 {strides = array<i32>} : memref<624xf32, #tpu.memory_space<vmem>>, vector<16xf32>,
    %swap3A_39 = arith.constant 96 : index
    %swap3A_40 = tpu.vector_load %arg9[%swap3A_39] {strides = array<i32>} : memref<624xf32, #tpu.memory_space<vmem>>, vector<16xf32>,
    %swap3A_41 = vector.shape_cast %swap3A_40 : vector<16xf32> to vector<16xf32>
    %swap3A_42 = vector.shape_cast %broadcast_in_dim3A_0 : vector<16xf32> to vector<16xf32>
    tpu.vector_store %arg9[%swap3A_39], %swap3A_42 {strides = array<i32>} : memref<624xf32, #tpu.memory_space<vmem>>, vector<16xf32>,
    %swap3A_43 = arith.constant 112 : index
    %swap3A_44 = tpu.vector_load %arg9[%swap3A_43] {strides = array<i32>} : memref<624xf32, #tpu.memory_space<vmem>>, vector<16xf32>,
    %swap3A_45 = vector.shape_cast %swap3A_44 : vector<16xf32> to vector<16xf32>
    %swap3A_46 = vector.shape_cast %broadcast_in_dim3A_0 : vector<16xf32> to vector<16xf32>
    tpu.vector_store %arg9[%swap3A_43], %swap3A_46 {strides = array<i32>} : memref<624xf32, #tpu.memory_space<vmem>>, vector<16xf32>,
    %swap3A_47 = arith.constant 128 : index
    %swap3A_48 = tpu.vector_load %arg9[%swap3A_47] {strides = array<i32>} : memref<624xf32, #tpu.memory_space<vmem>>, vector<16xf32>,
    %swap3A_49 = vector.shape_cast %swap3A_48 : vector<16xf32> to vector<16xf32>
    %swap3A_50 = vector.shape_cast %broadcast_in_dim3A_0 : vector<16xf32> to vector<16xf32>
    tpu.vector_store %arg9[%swap3A_47], %swap3A_50 {strides = array<i32>} : memref<624xf32, #tpu.memory_space<vmem>>, vector<16xf32>,
    %swap3A_51 = arith.constant 144 : index
    %swap3A_52 = tpu.vector_load %arg9[%swap3A_51] {strides = array<i32>} : memref<624xf32, #tpu.memory_space<vmem>>, vector<16xf32>,
    %swap3A_53 = vector.shape_cast %swap3A_52 : vector<16xf32> to vector<16xf32>
    %swap3A_54 = vector.shape_cast %broadcast_in_dim3A_0 : vector<16xf32> to vector<16xf32>
    tpu.vector_store %arg9[%swap3A_51], %swap3A_54 {strides = array<i32>} : memref<624xf32, #tpu.memory_space<vmem>>, vector<16xf32>,
    %swap3A_55 = arith.constant 160 : index
    %swap3A_56 = tpu.vector_load %arg9[%swap3A_55] {strides = array<i32>} : memref<624xf32, #tpu.memory_space<vmem>>, vector<16xf32>,
    %swap3A_57 = vector.shape_cast %swap3A_56 : vector<16xf32> to vector<16xf32>
    %swap3A_58 = vector.shape_cast %broadcast_in_dim3A_0 : vector<16xf32> to vector<16xf32>
    tpu.vector_store %arg9[%swap3A_55], %swap3A_58 {strides = array<i32>} : memref<624xf32, #tpu.memory_space<vmem>>, vector<16xf32>,
    %swap3A_59 = arith.constant 176 : index
    %swap3A_60 = tpu.vector_load %arg9[%swap3A_59] {strides = array<i32>} : memref<624xf32, #tpu.memory_space<vmem>>, vector<16xf32>,
    %swap3A_61 = vector.shape_cast %swap3A_60 : vector<16xf32> to vector<16xf32>
    %swap3A_62 = vector.shape_cast %broadcast_in_dim3A_0 : vector<16xf32> to vector<16xf32>
    tpu.vector_store %arg9[%swap3A_59], %swap3A_62 {strides = array<i32>} : memref<624xf32, #tpu.memory_space<vmem>>, vector<16xf32>,
    %swap3A_63 = arith.constant 192 : index
    %swap3A_64 = tpu.vector_load %arg9[%swap3A_63] {strides = array<i32>} : memref<624xf32, #tpu.memory_space<vmem>>, vector<16xf32>,
    %swap3A_65 = vector.shape_cast %swap3A_64 : vector<16xf32> to vector<16xf32>
    %swap3A_66 = vector.shape_cast %broadcast_in_dim3A_0 : vector<16xf32> to vector<16xf32>
    tpu.vector_store %arg9[%swap3A_63], %swap3A_66 {strides = array<i32>} : memref<624xf32, #tpu.memory_space<vmem>>, vector<16xf32>,
    %swap3A_67 = arith.constant 208 : index
    %swap3A_68 = tpu.vector_load %arg9[%swap3A_67] {strides = array<i32>} : memref<624xf32, #tpu.memory_space<vmem>>, vector<16xf32>,
    %swap3A_69 = vector.shape_cast %swap3A_68 : vector<16xf32> to vector<16xf32>
    %swap3A_70 = vector.shape_cast %broadcast_in_dim3A_0 : vector<16xf32> to vector<16xf32>
    tpu.vector_store %arg9[%swap3A_67], %swap3A_70 {strides = array<i32>} : memref<624xf32, #tpu.memory_space<vmem>>, vector<16xf32>,
    %swap3A_71 = arith.constant 224 : index
    %swap3A_72 = tpu.vector_load %arg9[%swap3A_71] {strides = array<i32>} : memref<624xf32, #tpu.memory_space<vmem>>, vector<16xf32>,
    %swap3A_73 = vector.shape_cast %swap3A_72 : vector<16xf32> to vector<16xf32>
    %swap3A_74 = vector.shape_cast %broadcast_in_dim3A_0 : vector<16xf32> to vector<16xf32>
    tpu.vector_store %arg9[%swap3A_71], %swap3A_74 {strides = array<i32>} : memref<624xf32, #tpu.memory_space<vmem>>, vector<16xf32>,
    %swap3A_75 = arith.constant 240 : index
    %swap3A_76 = tpu.vector_load %arg9[%swap3A_75] {strides = array<i32>} : memref<624xf32, #tpu.memory_space<vmem>>, vector<16xf32>,
    %swap3A_77 = vector.shape_cast %swap3A_76 : vector<16xf32> to vector<16xf32>
    %swap3A_78 = vector.shape_cast %broadcast_in_dim3A_0 : vector<16xf32> to vector<16xf32>
    tpu.vector_store %arg9[%swap3A_75], %swap3A_78 {strides = array<i32>} : memref<624xf32, #tpu.memory_space<vmem>>, vector<16xf32>,
    %swap3A_79 = arith.constant 256 : index
    %swap3A_80 = tpu.vector_load %arg9[%swap3A_79] {strides = array<i32>} : memref<624xf32, #tpu.memory_space<vmem>>, vector<16xf32>,
    %swap3A_81 = vector.shape_cast %swap3A_80 : vector<16xf32> to vector<16xf32>
    %swap3A_82 = vector.shape_cast %broadcast_in_dim3A_0 : vector<16xf32> to vector<16xf32>
    tpu.vector_store %arg9[%swap3A_79], %swap3A_82 {strides = array<i32>} : memref<624xf32, #tpu.memory_space<vmem>>, vector<16xf32>,
    %swap3A_83 = arith.constant 272 : index
    %swap3A_84 = tpu.vector_load %arg9[%swap3A_83] {strides = array<i32>} : memref<624xf32, #tpu.memory_space<vmem>>, vector<16xf32>,
    %swap3A_85 = vector.shape_cast %swap3A_84 : vector<16xf32> to vector<16xf32>
    %swap3A_86 = vector.shape_cast %broadcast_in_dim3A_0 : vector<16xf32> to vector<16xf32>
    tpu.vector_store %arg9[%swap3A_83], %swap3A_86 {strides = array<i32>} : memref<624xf32, #tpu.memory_space<vmem>>, vector<16xf32>,
    %swap3A_87 = arith.constant 288 : index
    %swap3A_88 = tpu.vector_load %arg9[%swap3A_87] {strides = array<i32>} : memref<624xf32, #tpu.memory_space<vmem>>, vector<16xf32>,
    %swap3A_89 = vector.shape_cast %swap3A_88 : vector<16xf32> to vector<16xf32>
    %swap3A_90 = vector.shape_cast %broadcast_in_dim3A_0 : vector<16xf32> to vector<16xf32>
    tpu.vector_store %arg9[%swap3A_87], %swap3A_90 {strides = array<i32>} : memref<624xf32, #tpu.memory_space<vmem>>, vector<16xf32>,
    %swap3A_91 = arith.constant 304 : index
    %swap3A_92 = tpu.vector_load %arg9[%swap3A_91] {strides = array<i32>} : memref<624xf32, #tpu.memory_space<vmem>>, vector<16xf32>,
    %swap3A_93 = vector.shape_cast %swap3A_92 : vector<16xf32> to vector<16xf32>
    %swap3A_94 = vector.shape_cast %broadcast_in_dim3A_0 : vector<16xf32> to vector<16xf32>
    tpu.vector_store %arg9[%swap3A_91], %swap3A_94 {strides = array<i32>} : memref<624xf32, #tpu.memory_space<vmem>>, vector<16xf32>,
    %swap3A_95 = arith.constant 320 : index
    %swap3A_96 = tpu.vector_load %arg9[%swap3A_95] {strides = array<i32>} : memref<624xf32, #tpu.memory_space<vmem>>, vector<16xf32>,
    %swap3A_97 = vector.shape_cast %swap3A_96 : vector<16xf32> to vector<16xf32>
    %swap3A_98 = vector.shape_cast %broadcast_in_dim3A_0 : vector<16xf32> to vector<16xf32>
    tpu.vector_store %arg9[%swap3A_95], %swap3A_98 {strides = array<i32>} : memref<624xf32, #tpu.memory_space<vmem>>, vector<16xf32>,
    %swap3A_99 = arith.constant 336 : index
    %swap3A_100 = tpu.vector_load %arg9[%swap3A_99] {strides = array<i32>} : memref<624xf32, #tpu.memory_space<vmem>>, vector<16xf32>,
    %swap3A_101 = vector.shape_cast %swap3A_100 : vector<16xf32> to vector<16xf32>
    %swap3A_102 = vector.shape_cast %broadcast_in_dim3A_0 : vector<16xf32> to vector<16xf32>
    tpu.vector_store %arg9[%swap3A_99], %swap3A_102 {strides = array<i32>} : memref<624xf32, #tpu.memory_space<vmem>>, vector<16xf32>,
    %swap3A_103 = arith.constant 352 : index
    %swap3A_104 = tpu.vector_load %arg9[%swap3A_103] {strides = array<i32>} : memref<624xf32, #tpu.memory_space<vmem>>, vector<16xf32>,
    %swap3A_105 = vector.shape_cast %swap3A_104 : vector<16xf32> to vector<16xf32>
    %swap3A_106 = vector.shape_cast %broadcast_in_dim3A_0 : vector<16xf32> to vector<16xf32>
    tpu.vector_store %arg9[%swap3A_103], %swap3A_106 {strides = array<i32>} : memref<624xf32, #tpu.memory_space<vmem>>, vector<16xf32>,
    %swap3A_107 = arith.constant 368 : index
    %swap3A_108 = tpu.vector_load %arg9[%swap3A_107] {strides = array<i32>} : memref<624xf32, #tpu.memory_space<vmem>>, vector<16xf32>,
    %swap3A_109 = vector.shape_cast %swap3A_108 : vector<16xf32> to vector<16xf32>
    %swap3A_110 = vector.shape_cast %broadcast_in_dim3A_0 : vector<16xf32> to vector<16xf32>
    tpu.vector_store %arg9[%swap3A_107], %swap3A_110 {strides = array<i32>} : memref<624xf32, #tpu.memory_space<vmem>>, vector<16xf32>,
    %swap3A_111 = arith.constant 384 : index
    %swap3A_112 = tpu.vector_load %arg9[%swap3A_111] {strides = array<i32>} : memref<624xf32, #tpu.memory_space<vmem>>, vector<16xf32>,
    %swap3A_113 = vector.shape_cast %swap3A_112 : vector<16xf32> to vector<16xf32>
    %swap3A_114 = vector.shape_cast %broadcast_in_dim3A_0 : vector<16xf32> to vector<16xf32>
    tpu.vector_store %arg9[%swap3A_111], %swap3A_114 {strides = array<i32>} : memref<624xf32, #tpu.memory_space<vmem>>, vector<16xf32>,
    %swap3A_115 = arith.constant 400 : index
    %swap3A_116 = tpu.vector_load %arg9[%swap3A_115] {strides = array<i32>} : memref<624xf32, #tpu.memory_space<vmem>>, vector<16xf32>,
    %swap3A_117 = vector.shape_cast %swap3A_116 : vector<16xf32> to vector<16xf32>
    %swap3A_118 = vector.shape_cast %broadcast_in_dim3A_0 : vector<16xf32> to vector<16xf32>
    tpu.vector_store %arg9[%swap3A_115], %swap3A_118 {strides = array<i32>} : memref<624xf32, #tpu.memory_space<vmem>>, vector<16xf32>,
    %swap3A_119 = arith.constant 416 : index
    %swap3A_120 = tpu.vector_load %arg9[%swap3A_119] {strides = array<i32>} : memref<624xf32, #tpu.memory_space<vmem>>, vector<16xf32>,
    %swap3A_121 = vector.shape_cast %swap3A_120 : vector<16xf32> to vector<16xf32>
    %swap3A_122 = vector.shape_cast %broadcast_in_dim3A_0 : vector<16xf32> to vector<16xf32>
    tpu.vector_store %arg9[%swap3A_119], %swap3A_122 {strides = array<i32>} : memref<624xf32, #tpu.memory_space<vmem>>, vector<16xf32>,
    %swap3A_123 = arith.constant 432 : index
    %swap3A_124 = tpu.vector_load %arg9[%swap3A_123] {strides = array<i32>} : memref<624xf32, #tpu.memory_space<vmem>>, vector<16xf32>,
    %swap3A_125 = vector.shape_cast %swap3A_124 : vector<16xf32> to vector<16xf32>
    %swap3A_126 = vector.shape_cast %broadcast_in_dim3A_0 : vector<16xf32> to vector<16xf32>
    tpu.vector_store %arg9[%swap3A_123], %swap3A_126 {strides = array<i32>} : memref<624xf32, #tpu.memory_space<vmem>>, vector<16xf32>,
    %swap3A_127 = arith.constant 448 : index
    %swap3A_128 = tpu.vector_load %arg9[%swap3A_127] {strides = array<i32>} : memref<624xf32, #tpu.memory_space<vmem>>, vector<16xf32>,
    %swap3A_129 = vector.shape_cast %swap3A_128 : vector<16xf32> to vector<16xf32>
    %swap3A_130 = vector.shape_cast %broadcast_in_dim3A_0 : vector<16xf32> to vector<16xf32>
    tpu.vector_store %arg9[%swap3A_127], %swap3A_130 {strides = array<i32>} : memref<624xf32, #tpu.memory_space<vmem>>, vector<16xf32>,
    %swap3A_131 = arith.constant 464 : index
    %swap3A_132 = tpu.vector_load %arg9[%swap3A_131] {strides = array<i32>} : memref<624xf32, #tpu.memory_space<vmem>>, vector<16xf32>,
    %swap3A_133 = vector.shape_cast %swap3A_132 : vector<16xf32> to vector<16xf32>
    %swap3A_134 = vector.shape_cast %broadcast_in_dim3A_0 : vector<16xf32> to vector<16xf32>
    tpu.vector_store %arg9[%swap3A_131], %swap3A_134 {strides = array<i32>} : memref<624xf32, #tpu.memory_space<vmem>>, vector<16xf32>,
    %swap3A_135 = arith.constant 480 : index
    %swap3A_136 = tpu.vector_load %arg9[%swap3A_135] {strides = array<i32>} : memref<624xf32, #tpu.memory_space<vmem>>, vector<16xf32>,
    %swap3A_137 = vector.shape_cast %swap3A_136 : vector<16xf32> to vector<16xf32>
    %swap3A_138 = vector.shape_cast %broadcast_in_dim3A_0 : vector<16xf32> to vector<16xf32>
    tpu.vector_store %arg9[%swap3A_135], %swap3A_138 {strides = array<i32>} : memref<624xf32, #tpu.memory_space<vmem>>, vector<16xf32>,
    %swap3A_139 = arith.constant 496 : index
    %swap3A_140 = tpu.vector_load %arg9[%swap3A_139] {strides = array<i32>} : memref<624xf32, #tpu.memory_space<vmem>>, vector<16xf32>,
    %swap3A_141 = vector.shape_cast %swap3A_140 : vector<16xf32> to vector<16xf32>
    %swap3A_142 = vector.shape_cast %broadcast_in_dim3A_0 : vector<16xf32> to vector<16xf32>
    tpu.vector_store %arg9[%swap3A_139], %swap3A_142 {strides = array<i32>} : memref<624xf32, #tpu.memory_space<vmem>>, vector<16xf32>,
    %swap3A_143 = arith.constant 512 : index
    %swap3A_144 = tpu.vector_load %arg9[%swap3A_143] {strides = array<i32>} : memref<624xf32, #tpu.memory_space<vmem>>, vector<16xf32>,
    %swap3A_145 = vector.shape_cast %swap3A_144 : vector<16xf32> to vector<16xf32>
    %swap3A_146 = vector.shape_cast %broadcast_in_dim3A_0 : vector<16xf32> to vector<16xf32>
    tpu.vector_store %arg9[%swap3A_143], %swap3A_146 {strides = array<i32>} : memref<624xf32, #tpu.memory_space<vmem>>, vector<16xf32>,
    %swap3A_147 = arith.constant 528 : index
    %swap3A_148 = tpu.vector_load %arg9[%swap3A_147] {strides = array<i32>} : memref<624xf32, #tpu.memory_space<vmem>>, vector<16xf32>,
    %swap3A_149 = vector.shape_cast %swap3A_148 : vector<16xf32> to vector<16xf32>
    %swap3A_150 = vector.shape_cast %broadcast_in_dim3A_0 : vector<16xf32> to vector<16xf32>
    tpu.vector_store %arg9[%swap3A_147], %swap3A_150 {strides = array<i32>} : memref<624xf32, #tpu.memory_space<vmem>>, vector<16xf32>,
    %swap3A_151 = arith.constant 544 : index
    %swap3A_152 = tpu.vector_load %arg9[%swap3A_151] {strides = array<i32>} : memref<624xf32, #tpu.memory_space<vmem>>, vector<16xf32>,
    %swap3A_153 = vector.shape_cast %swap3A_152 : vector<16xf32> to vector<16xf32>
    %swap3A_154 = vector.shape_cast %broadcast_in_dim3A_0 : vector<16xf32> to vector<16xf32>
    tpu.vector_store %arg9[%swap3A_151], %swap3A_154 {strides = array<i32>} : memref<624xf32, #tpu.memory_space<vmem>>, vector<16xf32>,
    %swap3A_155 = arith.constant 560 : index
    %swap3A_156 = tpu.vector_load %arg9[%swap3A_155] {strides = array<i32>} : memref<624xf32, #tpu.memory_space<vmem>>, vector<16xf32>,
    %swap3A_157 = vector.shape_cast %swap3A_156 : vector<16xf32> to vector<16xf32>
    %swap3A_158 = vector.shape_cast %broadcast_in_dim3A_0 : vector<16xf32> to vector<16xf32>
    tpu.vector_store %arg9[%swap3A_155], %swap3A_158 {strides = array<i32>} : memref<624xf32, #tpu.memory_space<vmem>>, vector<16xf32>,
    %swap3A_159 = arith.constant 576 : index
    %swap3A_160 = tpu.vector_load %arg9[%swap3A_159] {strides = array<i32>} : memref<624xf32, #tpu.memory_space<vmem>>, vector<16xf32>,
    %swap3A_161 = vector.shape_cast %swap3A_160 : vector<16xf32> to vector<16xf32>
    %swap3A_162 = vector.shape_cast %broadcast_in_dim3A_0 : vector<16xf32> to vector<16xf32>
    tpu.vector_store %arg9[%swap3A_159], %swap3A_162 {strides = array<i32>} : memref<624xf32, #tpu.memory_space<vmem>>, vector<16xf32>,
    %swap3A_163 = arith.constant 592 : index
    %swap3A_164 = tpu.vector_load %arg9[%swap3A_163] {strides = array<i32>} : memref<624xf32, #tpu.memory_space<vmem>>, vector<16xf32>,
    %swap3A_165 = vector.shape_cast %swap3A_164 : vector<16xf32> to vector<16xf32>
    %swap3A_166 = vector.shape_cast %broadcast_in_dim3A_0 : vector<16xf32> to vector<16xf32>
    tpu.vector_store %arg9[%swap3A_163], %swap3A_166 {strides = array<i32>} : memref<624xf32, #tpu.memory_space<vmem>>, vector<16xf32>,
    %swap3A_167 = arith.constant 608 : index
    %swap3A_168 = tpu.vector_load %arg9[%swap3A_167] {strides = array<i32>} : memref<624xf32, #tpu.memory_space<vmem>>, vector<16xf32>,
    %swap3A_169 = vector.shape_cast %swap3A_168 : vector<16xf32> to vector<16xf32>
    %swap3A_170 = vector.shape_cast %broadcast_in_dim3A_0 : vector<16xf32> to vector<16xf32>
    tpu.vector_store %arg9[%swap3A_167], %swap3A_170 {strides = array<i32>} : memref<624xf32, #tpu.memory_space<vmem>>, vector<16xf32>,
    %swap3A_171 = arith.constant 0 : index
    %swap3A_172 = tpu.vector_load %arg8[%swap3A_171] {strides = array<i32>} : memref<80xf32, #tpu.memory_space<vmem>>, vector<16xf32>,
    %swap3A_173 = vector.shape_cast %swap3A_172 : vector<16xf32> to vector<16xf32>
    %swap3A_174 = vector.shape_cast %broadcast_in_dim3A_2 : vector<16xf32> to vector<16xf32>
    tpu.vector_store %arg8[%swap3A_171], %swap3A_174 {strides = array<i32>} : memref<80xf32, #tpu.memory_space<vmem>>, vector<16xf32>,
    %swap3A_175 = arith.constant 16 : index
    %swap3A_176 = tpu.vector_load %arg8[%swap3A_175] {strides = array<i32>} : memref<80xf32, #tpu.memory_space<vmem>>, vector<16xf32>,
    %swap3A_177 = vector.shape_cast %swap3A_176 : vector<16xf32> to vector<16xf32>
    %swap3A_178 = vector.shape_cast %broadcast_in_dim3A_2 : vector<16xf32> to vector<16xf32>
    tpu.vector_store %arg8[%swap3A_175], %swap3A_178 {strides = array<i32>} : memref<80xf32, #tpu.memory_space<vmem>>, vector<16xf32>,
    %swap3A_179 = arith.constant 32 : index
    %swap3A_180 = tpu.vector_load %arg8[%swap3A_179] {strides = array<i32>} : memref<80xf32, #tpu.memory_space<vmem>>, vector<16xf32>,
    %swap3A_181 = vector.shape_cast %swap3A_180 : vector<16xf32> to vector<16xf32>
    %swap3A_182 = vector.shape_cast %broadcast_in_dim3A_2 : vector<16xf32> to vector<16xf32>
    tpu.vector_store %arg8[%swap3A_179], %swap3A_182 {strides = array<i32>} : memref<80xf32, #tpu.memory_space<vmem>>, vector<16xf32>,
    %swap3A_183 = arith.constant 48 : index
    %swap3A_184 = tpu.vector_load %arg8[%swap3A_183] {strides = array<i32>} : memref<80xf32, #tpu.memory_space<vmem>>, vector<16xf32>,
    %swap3A_185 = vector.shape_cast %swap3A_184 : vector<16xf32> to vector<16xf32>
    %swap3A_186 = vector.shape_cast %broadcast_in_dim3A_2 : vector<16xf32> to vector<16xf32>
    tpu.vector_store %arg8[%swap3A_183], %swap3A_186 {strides = array<i32>} : memref<80xf32, #tpu.memory_space<vmem>>, vector<16xf32>,
    %swap3A_187 = arith.constant 64 : index
    %swap3A_188 = tpu.vector_load %arg8[%swap3A_187] {strides = array<i32>} : memref<80xf32, #tpu.memory_space<vmem>>, vector<16xf32>,
    %swap3A_189 = vector.shape_cast %swap3A_188 : vector<16xf32> to vector<16xf32>
    %swap3A_190 = vector.shape_cast %broadcast_in_dim3A_2 : vector<16xf32> to vector<16xf32>
    tpu.vector_store %arg8[%swap3A_187], %swap3A_190 {strides = array<i32>} : memref<80xf32, #tpu.memory_space<vmem>>, vector<16xf32>,
    %mul3A_191 = arith.constant 624 : i32
    %mul3A_192 = arith.muli %arg1, %mul3A_191 : i32
    %add3A = arith.constant 0 : i32
    %add3A_193 = arith.addi %mul3A_192, %add3A : i32
    %run_scoped3A = arith.constant 2 : i32
    "tpu.region"() ({
      %run_scoped3A_240 = tpu.sem_alloc : memref<!tpu.dma_semaphore, #tpu.memory_space<semaphore_mem>>
      %dma_start3A = arith.constant 0 : i32
      %dma_start3A_241 = arith.constant 0 : i32
      %dma_start3A_242 = tpu.memref_slice %arg6[%run_scoped3A, %dma_start3A, %dma_start3A_241] : memref<3x80x128xf32, #tpu.memory_space<vmem>> -> memref<1x80x128xf32, #tpu.memory_space<vmem>>
      %dma_start3A_243 = tpu.memref_squeeze %dma_start3A_242 : memref<1x80x128xf32, #tpu.memory_space<vmem>> -> memref<80x128xf32, #tpu.memory_space<vmem>>
      %dma_start3A_244 = arith.constant 0 : i32
      %dma_start3A_245 = tpu.memref_slice %arg10[%add3A_193, %dma_start3A_244] : memref<10000x128xf32, #tpu.memory_space<vmem_shared>> -> memref<80x128xf32, #tpu.memory_space<vmem_shared>>
      %dma_start3A_246 = arith.constant 0 : i32
      %dma_start3A_247 = tpu.memref_slice %arg10[%add3A_193, %dma_start3A_246] : memref<10000x128xf32, #tpu.memory_space<vmem_shared>> -> memref<80x128xf32, #tpu.memory_space<vmem_shared>>
      %dma_start3A_248 = arith.constant 0 : i32
      %dma_start3A_249 = arith.constant 0 : i32
      %dma_start3A_250 = tpu.memref_slice %arg6[%run_scoped3A, %dma_start3A_248, %dma_start3A_249] : memref<3x80x128xf32, #tpu.memory_space<vmem>> -> memref<1x80x128xf32, #tpu.memory_space<vmem>>
      %dma_start3A_251 = tpu.memref_squeeze %dma_start3A_250 : memref<1x80x128xf32, #tpu.memory_space<vmem>> -> memref<80x128xf32, #tpu.memory_space<vmem>>
      tpu.enqueue_dma source(%dma_start3A_251 : memref<80x128xf32, #tpu.memory_space<vmem>>) target(%dma_start3A_247 : memref<80x128xf32, #tpu.memory_space<vmem_shared>>) target_semaphore(%run_scoped3A_240 : memref<!tpu.dma_semaphore, #tpu.memory_space<semaphore_mem>>)
      %dma_wait3A = arith.constant 0 : i32
      %dma_wait3A_252 = arith.constant 0 : i32
      %dma_wait3A_253 = tpu.memref_slice %arg6[%run_scoped3A, %dma_wait3A, %dma_wait3A_252] : memref<3x80x128xf32, #tpu.memory_space<vmem>> -> memref<1x80x128xf32, #tpu.memory_space<vmem>>
      %dma_wait3A_254 = tpu.memref_squeeze %dma_wait3A_253 : memref<1x80x128xf32, #tpu.memory_space<vmem>> -> memref<80x128xf32, #tpu.memory_space<vmem>>
      %dma_wait3A_255 = arith.constant 0 : i32
      %dma_wait3A_256 = tpu.memref_slice %arg10[%add3A_193, %dma_wait3A_255] : memref<10000x128xf32, #tpu.memory_space<vmem_shared>> -> memref<80x128xf32, #tpu.memory_space<vmem_shared>>
      %dma_wait3A_257 = arith.constant 0 : i32
      %dma_wait3A_258 = tpu.memref_slice %arg10[%add3A_193, %dma_wait3A_257] : memref<10000x128xf32, #tpu.memory_space<vmem_shared>> -> memref<80x128xf32, #tpu.memory_space<vmem_shared>>
      %dma_wait3A_259 = arith.constant 0 : i32
      %dma_wait3A_260 = arith.constant 0 : i32
      %dma_wait3A_261 = tpu.memref_slice %arg6[%run_scoped3A, %dma_wait3A_259, %dma_wait3A_260] : memref<3x80x128xf32, #tpu.memory_space<vmem>> -> memref<1x80x128xf32, #tpu.memory_space<vmem>>
      %dma_wait3A_262 = tpu.memref_squeeze %dma_wait3A_261 : memref<1x80x128xf32, #tpu.memory_space<vmem>> -> memref<80x128xf32, #tpu.memory_space<vmem>>
      tpu.wait_dma2 semaphore(%run_scoped3A_240 : memref<!tpu.dma_semaphore, #tpu.memory_space<semaphore_mem>>) src(%dma_wait3A_262 : memref<80x128xf32, #tpu.memory_space<vmem>>) dst(%dma_wait3A_258 : memref<80x128xf32, #tpu.memory_space<vmem_shared>>)
      tpu.yield
    }) : () -> ()
    %add3A_194 = arith.constant 80 : i32
    %add3A_195 = arith.addi %mul3A_192, %add3A_194 : i32
    %run_scoped3A_196 = arith.constant 2 : i32
    "tpu.region"() ({
      %run_scoped3A_240 = tpu.sem_alloc : memref<!tpu.dma_semaphore, #tpu.memory_space<semaphore_mem>>
      %dma_start3A = arith.constant 0 : i32
      %dma_start3A_241 = arith.constant 0 : i32
      %dma_start3A_242 = tpu.memref_slice %arg6[%run_scoped3A_196, %dma_start3A, %dma_start3A_241] : memref<3x80x128xf32, #tpu.memory_space<vmem>> -> memref<1x80x128xf32, #tpu.memory_space<vmem>>
      %dma_start3A_243 = tpu.memref_squeeze %dma_start3A_242 : memref<1x80x128xf32, #tpu.memory_space<vmem>> -> memref<80x128xf32, #tpu.memory_space<vmem>>
      %dma_start3A_244 = arith.constant 0 : i32
      %dma_start3A_245 = tpu.memref_slice %arg10[%add3A_195, %dma_start3A_244] : memref<10000x128xf32, #tpu.memory_space<vmem_shared>> -> memref<80x128xf32, #tpu.memory_space<vmem_shared>>
      %dma_start3A_246 = arith.constant 0 : i32
      %dma_start3A_247 = tpu.memref_slice %arg10[%add3A_195, %dma_start3A_246] : memref<10000x128xf32, #tpu.memory_space<vmem_shared>> -> memref<80x128xf32, #tpu.memory_space<vmem_shared>>
      %dma_start3A_248 = arith.constant 0 : i32
      %dma_start3A_249 = arith.constant 0 : i32
      %dma_start3A_250 = tpu.memref_slice %arg6[%run_scoped3A_196, %dma_start3A_248, %dma_start3A_249] : memref<3x80x128xf32, #tpu.memory_space<vmem>> -> memref<1x80x128xf32, #tpu.memory_space<vmem>>
      %dma_start3A_251 = tpu.memref_squeeze %dma_start3A_250 : memref<1x80x128xf32, #tpu.memory_space<vmem>> -> memref<80x128xf32, #tpu.memory_space<vmem>>
      tpu.enqueue_dma source(%dma_start3A_251 : memref<80x128xf32, #tpu.memory_space<vmem>>) target(%dma_start3A_247 : memref<80x128xf32, #tpu.memory_space<vmem_shared>>) target_semaphore(%run_scoped3A_240 : memref<!tpu.dma_semaphore, #tpu.memory_space<semaphore_mem>>)
      %dma_wait3A = arith.constant 0 : i32
      %dma_wait3A_252 = arith.constant 0 : i32
      %dma_wait3A_253 = tpu.memref_slice %arg6[%run_scoped3A_196, %dma_wait3A, %dma_wait3A_252] : memref<3x80x128xf32, #tpu.memory_space<vmem>> -> memref<1x80x128xf32, #tpu.memory_space<vmem>>
      %dma_wait3A_254 = tpu.memref_squeeze %dma_wait3A_253 : memref<1x80x128xf32, #tpu.memory_space<vmem>> -> memref<80x128xf32, #tpu.memory_space<vmem>>
      %dma_wait3A_255 = arith.constant 0 : i32
      %dma_wait3A_256 = tpu.memref_slice %arg10[%add3A_195, %dma_wait3A_255] : memref<10000x128xf32, #tpu.memory_space<vmem_shared>> -> memref<80x128xf32, #tpu.memory_space<vmem_shared>>
      %dma_wait3A_257 = arith.constant 0 : i32
      %dma_wait3A_258 = tpu.memref_slice %arg10[%add3A_195, %dma_wait3A_257] : memref<10000x128xf32, #tpu.memory_space<vmem_shared>> -> memref<80x128xf32, #tpu.memory_space<vmem_shared>>
      %dma_wait3A_259 = arith.constant 0 : i32
      %dma_wait3A_260 = arith.constant 0 : i32
      %dma_wait3A_261 = tpu.memref_slice %arg6[%run_scoped3A_196, %dma_wait3A_259, %dma_wait3A_260] : memref<3x80x128xf32, #tpu.memory_space<vmem>> -> memref<1x80x128xf32, #tpu.memory_space<vmem>>
      %dma_wait3A_262 = tpu.memref_squeeze %dma_wait3A_261 : memref<1x80x128xf32, #tpu.memory_space<vmem>> -> memref<80x128xf32, #tpu.memory_space<vmem>>
      tpu.wait_dma2 semaphore(%run_scoped3A_240 : memref<!tpu.dma_semaphore, #tpu.memory_space<semaphore_mem>>) src(%dma_wait3A_262 : memref<80x128xf32, #tpu.memory_space<vmem>>) dst(%dma_wait3A_258 : memref<80x128xf32, #tpu.memory_space<vmem_shared>>)
      tpu.yield
    }) : () -> ()
    %add3A_197 = arith.constant 160 : i32
    %add3A_198 = arith.addi %mul3A_192, %add3A_197 : i32
    %run_scoped3A_199 = arith.constant 2 : i32
    "tpu.region"() ({
      %run_scoped3A_240 = tpu.sem_alloc : memref<!tpu.dma_semaphore, #tpu.memory_space<semaphore_mem>>
      %dma_start3A = arith.constant 0 : i32
      %dma_start3A_241 = arith.constant 0 : i32
      %dma_start3A_242 = tpu.memref_slice %arg6[%run_scoped3A_199, %dma_start3A, %dma_start3A_241] : memref<3x80x128xf32, #tpu.memory_space<vmem>> -> memref<1x80x128xf32, #tpu.memory_space<vmem>>
      %dma_start3A_243 = tpu.memref_squeeze %dma_start3A_242 : memref<1x80x128xf32, #tpu.memory_space<vmem>> -> memref<80x128xf32, #tpu.memory_space<vmem>>
      %dma_start3A_244 = arith.constant 0 : i32
      %dma_start3A_245 = tpu.memref_slice %arg10[%add3A_198, %dma_start3A_244] : memref<10000x128xf32, #tpu.memory_space<vmem_shared>> -> memref<80x128xf32, #tpu.memory_space<vmem_shared>>
      %dma_start3A_246 = arith.constant 0 : i32
      %dma_start3A_247 = tpu.memref_slice %arg10[%add3A_198, %dma_start3A_246] : memref<10000x128xf32, #tpu.memory_space<vmem_shared>> -> memref<80x128xf32, #tpu.memory_space<vmem_shared>>
      %dma_start3A_248 = arith.constant 0 : i32
      %dma_start3A_249 = arith.constant 0 : i32
      %dma_start3A_250 = tpu.memref_slice %arg6[%run_scoped3A_199, %dma_start3A_248, %dma_start3A_249] : memref<3x80x128xf32, #tpu.memory_space<vmem>> -> memref<1x80x128xf32, #tpu.memory_space<vmem>>
      %dma_start3A_251 = tpu.memref_squeeze %dma_start3A_250 : memref<1x80x128xf32, #tpu.memory_space<vmem>> -> memref<80x128xf32, #tpu.memory_space<vmem>>
      tpu.enqueue_dma source(%dma_start3A_251 : memref<80x128xf32, #tpu.memory_space<vmem>>) target(%dma_start3A_247 : memref<80x128xf32, #tpu.memory_space<vmem_shared>>) target_semaphore(%run_scoped3A_240 : memref<!tpu.dma_semaphore, #tpu.memory_space<semaphore_mem>>)
      %dma_wait3A = arith.constant 0 : i32
      %dma_wait3A_252 = arith.constant 0 : i32
      %dma_wait3A_253 = tpu.memref_slice %arg6[%run_scoped3A_199, %dma_wait3A, %dma_wait3A_252] : memref<3x80x128xf32, #tpu.memory_space<vmem>> -> memref<1x80x128xf32, #tpu.memory_space<vmem>>
      %dma_wait3A_254 = tpu.memref_squeeze %dma_wait3A_253 : memref<1x80x128xf32, #tpu.memory_space<vmem>> -> memref<80x128xf32, #tpu.memory_space<vmem>>
      %dma_wait3A_255 = arith.constant 0 : i32
      %dma_wait3A_256 = tpu.memref_slice %arg10[%add3A_198, %dma_wait3A_255] : memref<10000x128xf32, #tpu.memory_space<vmem_shared>> -> memref<80x128xf32, #tpu.memory_space<vmem_shared>>
      %dma_wait3A_257 = arith.constant 0 : i32
      %dma_wait3A_258 = tpu.memref_slice %arg10[%add3A_198, %dma_wait3A_257] : memref<10000x128xf32, #tpu.memory_space<vmem_shared>> -> memref<80x128xf32, #tpu.memory_space<vmem_shared>>
      %dma_wait3A_259 = arith.constant 0 : i32
      %dma_wait3A_260 = arith.constant 0 : i32
      %dma_wait3A_261 = tpu.memref_slice %arg6[%run_scoped3A_199, %dma_wait3A_259, %dma_wait3A_260] : memref<3x80x128xf32, #tpu.memory_space<vmem>> -> memref<1x80x128xf32, #tpu.memory_space<vmem>>
      %dma_wait3A_262 = tpu.memref_squeeze %dma_wait3A_261 : memref<1x80x128xf32, #tpu.memory_space<vmem>> -> memref<80x128xf32, #tpu.memory_space<vmem>>
      tpu.wait_dma2 semaphore(%run_scoped3A_240 : memref<!tpu.dma_semaphore, #tpu.memory_space<semaphore_mem>>) src(%dma_wait3A_262 : memref<80x128xf32, #tpu.memory_space<vmem>>) dst(%dma_wait3A_258 : memref<80x128xf32, #tpu.memory_space<vmem_shared>>)
      tpu.yield
    }) : () -> ()
    %add3A_200 = arith.constant 240 : i32
    %add3A_201 = arith.addi %mul3A_192, %add3A_200 : i32
    %run_scoped3A_202 = arith.constant 2 : i32
    "tpu.region"() ({
      %run_scoped3A_240 = tpu.sem_alloc : memref<!tpu.dma_semaphore, #tpu.memory_space<semaphore_mem>>
      %dma_start3A = arith.constant 0 : i32
      %dma_start3A_241 = arith.constant 0 : i32
      %dma_start3A_242 = tpu.memref_slice %arg6[%run_scoped3A_202, %dma_start3A, %dma_start3A_241] : memref<3x80x128xf32, #tpu.memory_space<vmem>> -> memref<1x80x128xf32, #tpu.memory_space<vmem>>
      %dma_start3A_243 = tpu.memref_squeeze %dma_start3A_242 : memref<1x80x128xf32, #tpu.memory_space<vmem>> -> memref<80x128xf32, #tpu.memory_space<vmem>>
      %dma_start3A_244 = arith.constant 0 : i32
      %dma_start3A_245 = tpu.memref_slice %arg10[%add3A_201, %dma_start3A_244] : memref<10000x128xf32, #tpu.memory_space<vmem_shared>> -> memref<80x128xf32, #tpu.memory_space<vmem_shared>>
      %dma_start3A_246 = arith.constant 0 : i32
      %dma_start3A_247 = tpu.memref_slice %arg10[%add3A_201, %dma_start3A_246] : memref<10000x128xf32, #tpu.memory_space<vmem_shared>> -> memref<80x128xf32, #tpu.memory_space<vmem_shared>>
      %dma_start3A_248 = arith.constant 0 : i32
      %dma_start3A_249 = arith.constant 0 : i32
      %dma_start3A_250 = tpu.memref_slice %arg6[%run_scoped3A_202, %dma_start3A_248, %dma_start3A_249] : memref<3x80x128xf32, #tpu.memory_space<vmem>> -> memref<1x80x128xf32, #tpu.memory_space<vmem>>
      %dma_start3A_251 = tpu.memref_squeeze %dma_start3A_250 : memref<1x80x128xf32, #tpu.memory_space<vmem>> -> memref<80x128xf32, #tpu.memory_space<vmem>>
      tpu.enqueue_dma source(%dma_start3A_251 : memref<80x128xf32, #tpu.memory_space<vmem>>) target(%dma_start3A_247 : memref<80x128xf32, #tpu.memory_space<vmem_shared>>) target_semaphore(%run_scoped3A_240 : memref<!tpu.dma_semaphore, #tpu.memory_space<semaphore_mem>>)
      %dma_wait3A = arith.constant 0 : i32
      %dma_wait3A_252 = arith.constant 0 : i32
      %dma_wait3A_253 = tpu.memref_slice %arg6[%run_scoped3A_202, %dma_wait3A, %dma_wait3A_252] : memref<3x80x128xf32, #tpu.memory_space<vmem>> -> memref<1x80x128xf32, #tpu.memory_space<vmem>>
      %dma_wait3A_254 = tpu.memref_squeeze %dma_wait3A_253 : memref<1x80x128xf32, #tpu.memory_space<vmem>> -> memref<80x128xf32, #tpu.memory_space<vmem>>
      %dma_wait3A_255 = arith.constant 0 : i32
      %dma_wait3A_256 = tpu.memref_slice %arg10[%add3A_201, %dma_wait3A_255] : memref<10000x128xf32, #tpu.memory_space<vmem_shared>> -> memref<80x128xf32, #tpu.memory_space<vmem_shared>>
      %dma_wait3A_257 = arith.constant 0 : i32
      %dma_wait3A_258 = tpu.memref_slice %arg10[%add3A_201, %dma_wait3A_257] : memref<10000x128xf32, #tpu.memory_space<vmem_shared>> -> memref<80x128xf32, #tpu.memory_space<vmem_shared>>
      %dma_wait3A_259 = arith.constant 0 : i32
      %dma_wait3A_260 = arith.constant 0 : i32
      %dma_wait3A_261 = tpu.memref_slice %arg6[%run_scoped3A_202, %dma_wait3A_259, %dma_wait3A_260] : memref<3x80x128xf32, #tpu.memory_space<vmem>> -> memref<1x80x128xf32, #tpu.memory_space<vmem>>
      %dma_wait3A_262 = tpu.memref_squeeze %dma_wait3A_261 : memref<1x80x128xf32, #tpu.memory_space<vmem>> -> memref<80x128xf32, #tpu.memory_space<vmem>>
      tpu.wait_dma2 semaphore(%run_scoped3A_240 : memref<!tpu.dma_semaphore, #tpu.memory_space<semaphore_mem>>) src(%dma_wait3A_262 : memref<80x128xf32, #tpu.memory_space<vmem>>) dst(%dma_wait3A_258 : memref<80x128xf32, #tpu.memory_space<vmem_shared>>)
      tpu.yield
    }) : () -> ()
    %add3A_203 = arith.constant 320 : i32
    %add3A_204 = arith.addi %mul3A_192, %add3A_203 : i32
    %run_scoped3A_205 = arith.constant 2 : i32
    "tpu.region"() ({
      %run_scoped3A_240 = tpu.sem_alloc : memref<!tpu.dma_semaphore, #tpu.memory_space<semaphore_mem>>
      %dma_start3A = arith.constant 0 : i32
      %dma_start3A_241 = arith.constant 0 : i32
      %dma_start3A_242 = tpu.memref_slice %arg6[%run_scoped3A_205, %dma_start3A, %dma_start3A_241] : memref<3x80x128xf32, #tpu.memory_space<vmem>> -> memref<1x80x128xf32, #tpu.memory_space<vmem>>
      %dma_start3A_243 = tpu.memref_squeeze %dma_start3A_242 : memref<1x80x128xf32, #tpu.memory_space<vmem>> -> memref<80x128xf32, #tpu.memory_space<vmem>>
      %dma_start3A_244 = arith.constant 0 : i32
      %dma_start3A_245 = tpu.memref_slice %arg10[%add3A_204, %dma_start3A_244] : memref<10000x128xf32, #tpu.memory_space<vmem_shared>> -> memref<80x128xf32, #tpu.memory_space<vmem_shared>>
      %dma_start3A_246 = arith.constant 0 : i32
      %dma_start3A_247 = tpu.memref_slice %arg10[%add3A_204, %dma_start3A_246] : memref<10000x128xf32, #tpu.memory_space<vmem_shared>> -> memref<80x128xf32, #tpu.memory_space<vmem_shared>>
      %dma_start3A_248 = arith.constant 0 : i32
      %dma_start3A_249 = arith.constant 0 : i32
      %dma_start3A_250 = tpu.memref_slice %arg6[%run_scoped3A_205, %dma_start3A_248, %dma_start3A_249] : memref<3x80x128xf32, #tpu.memory_space<vmem>> -> memref<1x80x128xf32, #tpu.memory_space<vmem>>
      %dma_start3A_251 = tpu.memref_squeeze %dma_start3A_250 : memref<1x80x128xf32, #tpu.memory_space<vmem>> -> memref<80x128xf32, #tpu.memory_space<vmem>>
      tpu.enqueue_dma source(%dma_start3A_251 : memref<80x128xf32, #tpu.memory_space<vmem>>) target(%dma_start3A_247 : memref<80x128xf32, #tpu.memory_space<vmem_shared>>) target_semaphore(%run_scoped3A_240 : memref<!tpu.dma_semaphore, #tpu.memory_space<semaphore_mem>>)
      %dma_wait3A = arith.constant 0 : i32
      %dma_wait3A_252 = arith.constant 0 : i32
      %dma_wait3A_253 = tpu.memref_slice %arg6[%run_scoped3A_205, %dma_wait3A, %dma_wait3A_252] : memref<3x80x128xf32, #tpu.memory_space<vmem>> -> memref<1x80x128xf32, #tpu.memory_space<vmem>>
      %dma_wait3A_254 = tpu.memref_squeeze %dma_wait3A_253 : memref<1x80x128xf32, #tpu.memory_space<vmem>> -> memref<80x128xf32, #tpu.memory_space<vmem>>
      %dma_wait3A_255 = arith.constant 0 : i32
      %dma_wait3A_256 = tpu.memref_slice %arg10[%add3A_204, %dma_wait3A_255] : memref<10000x128xf32, #tpu.memory_space<vmem_shared>> -> memref<80x128xf32, #tpu.memory_space<vmem_shared>>
      %dma_wait3A_257 = arith.constant 0 : i32
      %dma_wait3A_258 = tpu.memref_slice %arg10[%add3A_204, %dma_wait3A_257] : memref<10000x128xf32, #tpu.memory_space<vmem_shared>> -> memref<80x128xf32, #tpu.memory_space<vmem_shared>>
      %dma_wait3A_259 = arith.constant 0 : i32
      %dma_wait3A_260 = arith.constant 0 : i32
      %dma_wait3A_261 = tpu.memref_slice %arg6[%run_scoped3A_205, %dma_wait3A_259, %dma_wait3A_260] : memref<3x80x128xf32, #tpu.memory_space<vmem>> -> memref<1x80x128xf32, #tpu.memory_space<vmem>>
      %dma_wait3A_262 = tpu.memref_squeeze %dma_wait3A_261 : memref<1x80x128xf32, #tpu.memory_space<vmem>> -> memref<80x128xf32, #tpu.memory_space<vmem>>
      tpu.wait_dma2 semaphore(%run_scoped3A_240 : memref<!tpu.dma_semaphore, #tpu.memory_space<semaphore_mem>>) src(%dma_wait3A_262 : memref<80x128xf32, #tpu.memory_space<vmem>>) dst(%dma_wait3A_258 : memref<80x128xf32, #tpu.memory_space<vmem_shared>>)
      tpu.yield
    }) : () -> ()
    %add3A_206 = arith.constant 400 : i32
    %add3A_207 = arith.addi %mul3A_192, %add3A_206 : i32
    %run_scoped3A_208 = arith.constant 2 : i32
    "tpu.region"() ({
      %run_scoped3A_240 = tpu.sem_alloc : memref<!tpu.dma_semaphore, #tpu.memory_space<semaphore_mem>>
      %dma_start3A = arith.constant 0 : i32
      %dma_start3A_241 = arith.constant 0 : i32
      %dma_start3A_242 = tpu.memref_slice %arg6[%run_scoped3A_208, %dma_start3A, %dma_start3A_241] : memref<3x80x128xf32, #tpu.memory_space<vmem>> -> memref<1x80x128xf32, #tpu.memory_space<vmem>>
      %dma_start3A_243 = tpu.memref_squeeze %dma_start3A_242 : memref<1x80x128xf32, #tpu.memory_space<vmem>> -> memref<80x128xf32, #tpu.memory_space<vmem>>
      %dma_start3A_244 = arith.constant 0 : i32
      %dma_start3A_245 = tpu.memref_slice %arg10[%add3A_207, %dma_start3A_244] : memref<10000x128xf32, #tpu.memory_space<vmem_shared>> -> memref<80x128xf32, #tpu.memory_space<vmem_shared>>
      %dma_start3A_246 = arith.constant 0 : i32
      %dma_start3A_247 = tpu.memref_slice %arg10[%add3A_207, %dma_start3A_246] : memref<10000x128xf32, #tpu.memory_space<vmem_shared>> -> memref<80x128xf32, #tpu.memory_space<vmem_shared>>
      %dma_start3A_248 = arith.constant 0 : i32
      %dma_start3A_249 = arith.constant 0 : i32
      %dma_start3A_250 = tpu.memref_slice %arg6[%run_scoped3A_208, %dma_start3A_248, %dma_start3A_249] : memref<3x80x128xf32, #tpu.memory_space<vmem>> -> memref<1x80x128xf32, #tpu.memory_space<vmem>>
      %dma_start3A_251 = tpu.memref_squeeze %dma_start3A_250 : memref<1x80x128xf32, #tpu.memory_space<vmem>> -> memref<80x128xf32, #tpu.memory_space<vmem>>
      tpu.enqueue_dma source(%dma_start3A_251 : memref<80x128xf32, #tpu.memory_space<vmem>>) target(%dma_start3A_247 : memref<80x128xf32, #tpu.memory_space<vmem_shared>>) target_semaphore(%run_scoped3A_240 : memref<!tpu.dma_semaphore, #tpu.memory_space<semaphore_mem>>)
      %dma_wait3A = arith.constant 0 : i32
      %dma_wait3A_252 = arith.constant 0 : i32
      %dma_wait3A_253 = tpu.memref_slice %arg6[%run_scoped3A_208, %dma_wait3A, %dma_wait3A_252] : memref<3x80x128xf32, #tpu.memory_space<vmem>> -> memref<1x80x128xf32, #tpu.memory_space<vmem>>
      %dma_wait3A_254 = tpu.memref_squeeze %dma_wait3A_253 : memref<1x80x128xf32, #tpu.memory_space<vmem>> -> memref<80x128xf32, #tpu.memory_space<vmem>>
      %dma_wait3A_255 = arith.constant 0 : i32
      %dma_wait3A_256 = tpu.memref_slice %arg10[%add3A_207, %dma_wait3A_255] : memref<10000x128xf32, #tpu.memory_space<vmem_shared>> -> memref<80x128xf32, #tpu.memory_space<vmem_shared>>
      %dma_wait3A_257 = arith.constant 0 : i32
      %dma_wait3A_258 = tpu.memref_slice %arg10[%add3A_207, %dma_wait3A_257] : memref<10000x128xf32, #tpu.memory_space<vmem_shared>> -> memref<80x128xf32, #tpu.memory_space<vmem_shared>>
      %dma_wait3A_259 = arith.constant 0 : i32
      %dma_wait3A_260 = arith.constant 0 : i32
      %dma_wait3A_261 = tpu.memref_slice %arg6[%run_scoped3A_208, %dma_wait3A_259, %dma_wait3A_260] : memref<3x80x128xf32, #tpu.memory_space<vmem>> -> memref<1x80x128xf32, #tpu.memory_space<vmem>>
      %dma_wait3A_262 = tpu.memref_squeeze %dma_wait3A_261 : memref<1x80x128xf32, #tpu.memory_space<vmem>> -> memref<80x128xf32, #tpu.memory_space<vmem>>
      tpu.wait_dma2 semaphore(%run_scoped3A_240 : memref<!tpu.dma_semaphore, #tpu.memory_space<semaphore_mem>>) src(%dma_wait3A_262 : memref<80x128xf32, #tpu.memory_space<vmem>>) dst(%dma_wait3A_258 : memref<80x128xf32, #tpu.memory_space<vmem_shared>>)
      tpu.yield
    }) : () -> ()
    %add3A_209 = arith.constant 480 : i32
    %add3A_210 = arith.addi %mul3A_192, %add3A_209 : i32
    %run_scoped3A_211 = arith.constant 2 : i32
    "tpu.region"() ({
      %run_scoped3A_240 = tpu.sem_alloc : memref<!tpu.dma_semaphore, #tpu.memory_space<semaphore_mem>>
      %dma_start3A = arith.constant 0 : i32
      %dma_start3A_241 = arith.constant 0 : i32
      %dma_start3A_242 = tpu.memref_slice %arg6[%run_scoped3A_211, %dma_start3A, %dma_start3A_241] : memref<3x80x128xf32, #tpu.memory_space<vmem>> -> memref<1x80x128xf32, #tpu.memory_space<vmem>>
      %dma_start3A_243 = tpu.memref_squeeze %dma_start3A_242 : memref<1x80x128xf32, #tpu.memory_space<vmem>> -> memref<80x128xf32, #tpu.memory_space<vmem>>
      %dma_start3A_244 = arith.constant 0 : i32
      %dma_start3A_245 = tpu.memref_slice %arg10[%add3A_210, %dma_start3A_244] : memref<10000x128xf32, #tpu.memory_space<vmem_shared>> -> memref<80x128xf32, #tpu.memory_space<vmem_shared>>
      %dma_start3A_246 = arith.constant 0 : i32
      %dma_start3A_247 = tpu.memref_slice %arg10[%add3A_210, %dma_start3A_246] : memref<10000x128xf32, #tpu.memory_space<vmem_shared>> -> memref<80x128xf32, #tpu.memory_space<vmem_shared>>
      %dma_start3A_248 = arith.constant 0 : i32
      %dma_start3A_249 = arith.constant 0 : i32
      %dma_start3A_250 = tpu.memref_slice %arg6[%run_scoped3A_211, %dma_start3A_248, %dma_start3A_249] : memref<3x80x128xf32, #tpu.memory_space<vmem>> -> memref<1x80x128xf32, #tpu.memory_space<vmem>>
      %dma_start3A_251 = tpu.memref_squeeze %dma_start3A_250 : memref<1x80x128xf32, #tpu.memory_space<vmem>> -> memref<80x128xf32, #tpu.memory_space<vmem>>
      tpu.enqueue_dma source(%dma_start3A_251 : memref<80x128xf32, #tpu.memory_space<vmem>>) target(%dma_start3A_247 : memref<80x128xf32, #tpu.memory_space<vmem_shared>>) target_semaphore(%run_scoped3A_240 : memref<!tpu.dma_semaphore, #tpu.memory_space<semaphore_mem>>)
      %dma_wait3A = arith.constant 0 : i32
      %dma_wait3A_252 = arith.constant 0 : i32
      %dma_wait3A_253 = tpu.memref_slice %arg6[%run_scoped3A_211, %dma_wait3A, %dma_wait3A_252] : memref<3x80x128xf32, #tpu.memory_space<vmem>> -> memref<1x80x128xf32, #tpu.memory_space<vmem>>
      %dma_wait3A_254 = tpu.memref_squeeze %dma_wait3A_253 : memref<1x80x128xf32, #tpu.memory_space<vmem>> -> memref<80x128xf32, #tpu.memory_space<vmem>>
      %dma_wait3A_255 = arith.constant 0 : i32
      %dma_wait3A_256 = tpu.memref_slice %arg10[%add3A_210, %dma_wait3A_255] : memref<10000x128xf32, #tpu.memory_space<vmem_shared>> -> memref<80x128xf32, #tpu.memory_space<vmem_shared>>
      %dma_wait3A_257 = arith.constant 0 : i32
      %dma_wait3A_258 = tpu.memref_slice %arg10[%add3A_210, %dma_wait3A_257] : memref<10000x128xf32, #tpu.memory_space<vmem_shared>> -> memref<80x128xf32, #tpu.memory_space<vmem_shared>>
      %dma_wait3A_259 = arith.constant 0 : i32
      %dma_wait3A_260 = arith.constant 0 : i32
      %dma_wait3A_261 = tpu.memref_slice %arg6[%run_scoped3A_211, %dma_wait3A_259, %dma_wait3A_260] : memref<3x80x128xf32, #tpu.memory_space<vmem>> -> memref<1x80x128xf32, #tpu.memory_space<vmem>>
      %dma_wait3A_262 = tpu.memref_squeeze %dma_wait3A_261 : memref<1x80x128xf32, #tpu.memory_space<vmem>> -> memref<80x128xf32, #tpu.memory_space<vmem>>
      tpu.wait_dma2 semaphore(%run_scoped3A_240 : memref<!tpu.dma_semaphore, #tpu.memory_space<semaphore_mem>>) src(%dma_wait3A_262 : memref<80x128xf32, #tpu.memory_space<vmem>>) dst(%dma_wait3A_258 : memref<80x128xf32, #tpu.memory_space<vmem_shared>>)
      tpu.yield
    }) : () -> ()
    %add3A_212 = arith.constant 560 : i32
    %add3A_213 = arith.addi %mul3A_192, %add3A_212 : i32
    %run_scoped3A_214 = arith.constant 2 : i32
    "tpu.region"() ({
      %run_scoped3A_240 = tpu.sem_alloc : memref<!tpu.dma_semaphore, #tpu.memory_space<semaphore_mem>>
      %dma_start3A = arith.constant 0 : i32
      %dma_start3A_241 = arith.constant 0 : i32
      %dma_start3A_242 = tpu.memref_slice %arg6[%run_scoped3A_214, %dma_start3A, %dma_start3A_241] : memref<3x80x128xf32, #tpu.memory_space<vmem>> -> memref<1x64x128xf32, #tpu.memory_space<vmem>>
      %dma_start3A_243 = tpu.memref_squeeze %dma_start3A_242 : memref<1x64x128xf32, #tpu.memory_space<vmem>> -> memref<64x128xf32, #tpu.memory_space<vmem>>
      %dma_start3A_244 = arith.constant 0 : i32
      %dma_start3A_245 = tpu.memref_slice %arg10[%add3A_213, %dma_start3A_244] : memref<10000x128xf32, #tpu.memory_space<vmem_shared>> -> memref<64x128xf32, #tpu.memory_space<vmem_shared>>
      %dma_start3A_246 = arith.constant 0 : i32
      %dma_start3A_247 = tpu.memref_slice %arg10[%add3A_213, %dma_start3A_246] : memref<10000x128xf32, #tpu.memory_space<vmem_shared>> -> memref<64x128xf32, #tpu.memory_space<vmem_shared>>
      %dma_start3A_248 = arith.constant 0 : i32
      %dma_start3A_249 = arith.constant 0 : i32
      %dma_start3A_250 = tpu.memref_slice %arg6[%run_scoped3A_214, %dma_start3A_248, %dma_start3A_249] : memref<3x80x128xf32, #tpu.memory_space<vmem>> -> memref<1x64x128xf32, #tpu.memory_space<vmem>>
      %dma_start3A_251 = tpu.memref_squeeze %dma_start3A_250 : memref<1x64x128xf32, #tpu.memory_space<vmem>> -> memref<64x128xf32, #tpu.memory_space<vmem>>
      tpu.enqueue_dma source(%dma_start3A_251 : memref<64x128xf32, #tpu.memory_space<vmem>>) target(%dma_start3A_247 : memref<64x128xf32, #tpu.memory_space<vmem_shared>>) target_semaphore(%run_scoped3A_240 : memref<!tpu.dma_semaphore, #tpu.memory_space<semaphore_mem>>)
      %dma_wait3A = arith.constant 0 : i32
      %dma_wait3A_252 = arith.constant 0 : i32
      %dma_wait3A_253 = tpu.memref_slice %arg6[%run_scoped3A_214, %dma_wait3A, %dma_wait3A_252] : memref<3x80x128xf32, #tpu.memory_space<vmem>> -> memref<1x64x128xf32, #tpu.memory_space<vmem>>
      %dma_wait3A_254 = tpu.memref_squeeze %dma_wait3A_253 : memref<1x64x128xf32, #tpu.memory_space<vmem>> -> memref<64x128xf32, #tpu.memory_space<vmem>>
      %dma_wait3A_255 = arith.constant 0 : i32
      %dma_wait3A_256 = tpu.memref_slice %arg10[%add3A_213, %dma_wait3A_255] : memref<10000x128xf32, #tpu.memory_space<vmem_shared>> -> memref<64x128xf32, #tpu.memory_space<vmem_shared>>
      %dma_wait3A_257 = arith.constant 0 : i32
      %dma_wait3A_258 = tpu.memref_slice %arg10[%add3A_213, %dma_wait3A_257] : memref<10000x128xf32, #tpu.memory_space<vmem_shared>> -> memref<64x128xf32, #tpu.memory_space<vmem_shared>>
      %dma_wait3A_259 = arith.constant 0 : i32
      %dma_wait3A_260 = arith.constant 0 : i32
      %dma_wait3A_261 = tpu.memref_slice %arg6[%run_scoped3A_214, %dma_wait3A_259, %dma_wait3A_260] : memref<3x80x128xf32, #tpu.memory_space<vmem>> -> memref<1x64x128xf32, #tpu.memory_space<vmem>>
      %dma_wait3A_262 = tpu.memref_squeeze %dma_wait3A_261 : memref<1x64x128xf32, #tpu.memory_space<vmem>> -> memref<64x128xf32, #tpu.memory_space<vmem>>
      tpu.wait_dma2 semaphore(%run_scoped3A_240 : memref<!tpu.dma_semaphore, #tpu.memory_space<semaphore_mem>>) src(%dma_wait3A_262 : memref<64x128xf32, #tpu.memory_space<vmem>>) dst(%dma_wait3A_258 : memref<64x128xf32, #tpu.memory_space<vmem_shared>>)
      tpu.yield
    }) : () -> ()
    "tpu.region"() ({
      %run_scoped3A_240 = tpu.sem_alloc : memref<!tpu.dma_semaphore, #tpu.memory_space<semaphore_mem>>
      %dma_start3A = tpu.memref_slice %arg11[%mul3A_192] : memref<10000xf32, #tpu.memory_space<vmem_shared>> -> memref<624xf32, #tpu.memory_space<vmem_shared>>
      %dma_start3A_241 = tpu.memref_slice %arg11[%mul3A_192] : memref<10000xf32, #tpu.memory_space<vmem_shared>> -> memref<624xf32, #tpu.memory_space<vmem_shared>>
      tpu.enqueue_dma source(%arg9 : memref<624xf32, #tpu.memory_space<vmem>>) target(%dma_start3A_241 : memref<624xf32, #tpu.memory_space<vmem_shared>>) target_semaphore(%run_scoped3A_240 : memref<!tpu.dma_semaphore, #tpu.memory_space<semaphore_mem>>)
      %dma_wait3A = tpu.memref_slice %arg11[%mul3A_192] : memref<10000xf32, #tpu.memory_space<vmem_shared>> -> memref<624xf32, #tpu.memory_space<vmem_shared>>
      %dma_wait3A_242 = tpu.memref_slice %arg11[%mul3A_192] : memref<10000xf32, #tpu.memory_space<vmem_shared>> -> memref<624xf32, #tpu.memory_space<vmem_shared>>
      tpu.wait_dma2 semaphore(%run_scoped3A_240 : memref<!tpu.dma_semaphore, #tpu.memory_space<semaphore_mem>>) src(%arg9 : memref<624xf32, #tpu.memory_space<vmem>>) dst(%dma_wait3A_242 : memref<624xf32, #tpu.memory_space<vmem_shared>>)
      tpu.yield
    }) : () -> ()
    %eq3A_215 = arith.constant 15 : i32
    %eq3A_216 = arith.cmpi eq, %arg1, %eq3A_215 : i32
    %convert_element_type3A_217 = arith.extui %eq3A_216 : i1 to i32
    %cond3A_218 = arith.constant 0 : i32
    %cond3A_219 = arith.cmpi ne, %convert_element_type3A_217, %cond3A_218 : i32
    scf.if %cond3A_219 {
      %run_scoped3A_240 = arith.constant 2 : i32
      "tpu.region"() ({
        %run_scoped3A_241 = tpu.sem_alloc : memref<!tpu.dma_semaphore, #tpu.memory_space<semaphore_mem>>
        %dma_start3A = arith.constant 0 : i32
        %dma_start3A_242 = arith.constant 0 : i32
        %dma_start3A_243 = tpu.memref_slice %arg6[%run_scoped3A_240, %dma_start3A, %dma_start3A_242] : memref<3x80x128xf32, #tpu.memory_space<vmem>> -> memref<1x16x128xf32, #tpu.memory_space<vmem>>
        %dma_start3A_244 = tpu.memref_squeeze %dma_start3A_243 : memref<1x16x128xf32, #tpu.memory_space<vmem>> -> memref<16x128xf32, #tpu.memory_space<vmem>>
        %dma_start3A_245 = arith.constant 9984 : i32
        %dma_start3A_246 = arith.constant 0 : i32
        %dma_start3A_247 = tpu.memref_slice %arg10[%dma_start3A_245, %dma_start3A_246] : memref<10000x128xf32, #tpu.memory_space<vmem_shared>> -> memref<16x128xf32, #tpu.memory_space<vmem_shared>>
        %dma_start3A_248 = arith.constant 9984 : i32
        %dma_start3A_249 = arith.constant 0 : i32
        %dma_start3A_250 = tpu.memref_slice %arg10[%dma_start3A_248, %dma_start3A_249] : memref<10000x128xf32, #tpu.memory_space<vmem_shared>> -> memref<16x128xf32, #tpu.memory_space<vmem_shared>>
        %dma_start3A_251 = arith.constant 0 : i32
        %dma_start3A_252 = arith.constant 0 : i32
        %dma_start3A_253 = tpu.memref_slice %arg6[%run_scoped3A_240, %dma_start3A_251, %dma_start3A_252] : memref<3x80x128xf32, #tpu.memory_space<vmem>> -> memref<1x16x128xf32, #tpu.memory_space<vmem>>
        %dma_start3A_254 = tpu.memref_squeeze %dma_start3A_253 : memref<1x16x128xf32, #tpu.memory_space<vmem>> -> memref<16x128xf32, #tpu.memory_space<vmem>>
        tpu.enqueue_dma source(%dma_start3A_254 : memref<16x128xf32, #tpu.memory_space<vmem>>) target(%dma_start3A_250 : memref<16x128xf32, #tpu.memory_space<vmem_shared>>) target_semaphore(%run_scoped3A_241 : memref<!tpu.dma_semaphore, #tpu.memory_space<semaphore_mem>>)
        %dma_wait3A = arith.constant 0 : i32
        %dma_wait3A_255 = arith.constant 0 : i32
        %dma_wait3A_256 = tpu.memref_slice %arg6[%run_scoped3A_240, %dma_wait3A, %dma_wait3A_255] : memref<3x80x128xf32, #tpu.memory_space<vmem>> -> memref<1x16x128xf32, #tpu.memory_space<vmem>>
        %dma_wait3A_257 = tpu.memref_squeeze %dma_wait3A_256 : memref<1x16x128xf32, #tpu.memory_space<vmem>> -> memref<16x128xf32, #tpu.memory_space<vmem>>
        %dma_wait3A_258 = arith.constant 9984 : i32
        %dma_wait3A_259 = arith.constant 0 : i32
        %dma_wait3A_260 = tpu.memref_slice %arg10[%dma_wait3A_258, %dma_wait3A_259] : memref<10000x128xf32, #tpu.memory_space<vmem_shared>> -> memref<16x128xf32, #tpu.memory_space<vmem_shared>>
        %dma_wait3A_261 = arith.constant 9984 : i32
        %dma_wait3A_262 = arith.constant 0 : i32
        %dma_wait3A_263 = tpu.memref_slice %arg10[%dma_wait3A_261, %dma_wait3A_262] : memref<10000x128xf32, #tpu.memory_space<vmem_shared>> -> memref<16x128xf32, #tpu.memory_space<vmem_shared>>
        %dma_wait3A_264 = arith.constant 0 : i32
        %dma_wait3A_265 = arith.constant 0 : i32
        %dma_wait3A_266 = tpu.memref_slice %arg6[%run_scoped3A_240, %dma_wait3A_264, %dma_wait3A_265] : memref<3x80x128xf32, #tpu.memory_space<vmem>> -> memref<1x16x128xf32, #tpu.memory_space<vmem>>
        %dma_wait3A_267 = tpu.memref_squeeze %dma_wait3A_266 : memref<1x16x128xf32, #tpu.memory_space<vmem>> -> memref<16x128xf32, #tpu.memory_space<vmem>>
        tpu.wait_dma2 semaphore(%run_scoped3A_241 : memref<!tpu.dma_semaphore, #tpu.memory_space<semaphore_mem>>) src(%dma_wait3A_267 : memref<16x128xf32, #tpu.memory_space<vmem>>) dst(%dma_wait3A_263 : memref<16x128xf32, #tpu.memory_space<vmem_shared>>)
        tpu.yield
      }) : () -> ()
      "tpu.region"() ({
        %run_scoped3A_241 = tpu.sem_alloc : memref<!tpu.dma_semaphore, #tpu.memory_space<semaphore_mem>>
        %dma_start3A = arith.constant 0 : i32
        %dma_start3A_242 = tpu.memref_slice %arg9[%dma_start3A] : memref<624xf32, #tpu.memory_space<vmem>> -> memref<16xf32, #tpu.memory_space<vmem>>
        %dma_start3A_243 = arith.constant 9984 : i32
        %dma_start3A_244 = tpu.memref_slice %arg11[%dma_start3A_243] : memref<10000xf32, #tpu.memory_space<vmem_shared>> -> memref<16xf32, #tpu.memory_space<vmem_shared>>
        %dma_start3A_245 = arith.constant 9984 : i32
        %dma_start3A_246 = tpu.memref_slice %arg11[%dma_start3A_245] : memref<10000xf32, #tpu.memory_space<vmem_shared>> -> memref<16xf32, #tpu.memory_space<vmem_shared>>
        %dma_start3A_247 = arith.constant 0 : i32
        %dma_start3A_248 = tpu.memref_slice %arg9[%dma_start3A_247] : memref<624xf32, #tpu.memory_space<vmem>> -> memref<16xf32, #tpu.memory_space<vmem>>
        tpu.enqueue_dma source(%dma_start3A_248 : memref<16xf32, #tpu.memory_space<vmem>>) target(%dma_start3A_246 : memref<16xf32, #tpu.memory_space<vmem_shared>>) target_semaphore(%run_scoped3A_241 : memref<!tpu.dma_semaphore, #tpu.memory_space<semaphore_mem>>)
        %dma_wait3A = arith.constant 0 : i32
        %dma_wait3A_249 = tpu.memref_slice %arg9[%dma_wait3A] : memref<624xf32, #tpu.memory_space<vmem>> -> memref<16xf32, #tpu.memory_space<vmem>>
        %dma_wait3A_250 = arith.constant 9984 : i32
        %dma_wait3A_251 = tpu.memref_slice %arg11[%dma_wait3A_250] : memref<10000xf32, #tpu.memory_space<vmem_shared>> -> memref<16xf32, #tpu.memory_space<vmem_shared>>
        %dma_wait3A_252 = arith.constant 9984 : i32
        %dma_wait3A_253 = tpu.memref_slice %arg11[%dma_wait3A_252] : memref<10000xf32, #tpu.memory_space<vmem_shared>> -> memref<16xf32, #tpu.memory_space<vmem_shared>>
        %dma_wait3A_254 = arith.constant 0 : i32
        %dma_wait3A_255 = tpu.memref_slice %arg9[%dma_wait3A_254] : memref<624xf32, #tpu.memory_space<vmem>> -> memref<16xf32, #tpu.memory_space<vmem>>
        tpu.wait_dma2 semaphore(%run_scoped3A_241 : memref<!tpu.dma_semaphore, #tpu.memory_space<semaphore_mem>>) src(%dma_wait3A_255 : memref<16xf32, #tpu.memory_space<vmem>>) dst(%dma_wait3A_253 : memref<16xf32, #tpu.memory_space<vmem_shared>>)
        tpu.yield
      }) : () -> ()
    } else {
    }
    %eq3A_220 = arith.constant 0 : i32
    %eq3A_221 = arith.cmpi eq, %arg0, %eq3A_220 : i32
    %convert_element_type3A_222 = arith.extui %eq3A_221 : i1 to i32
    %cond3A_223 = arith.constant 0 : i32
    %cond3A_224 = arith.cmpi ne, %convert_element_type3A_222, %cond3A_223 : i32
    scf.if %cond3A_224 {
      %barrier3A_240 = arith.constant 0 : index
      tpu.barrier barrier_id(%barrier3A_240)
      %scan3A_241 = arith.constant 0 : i32
      %scan3A_242 = arith.constant 0 : i32
      %scan3A_243 = arith.constant 83 : i32
      %scan3A_244 = arith.addi %scan3A_242, %scan3A_243 : i32
      %scan3A_245 = arith.constant 1 : i32
      scf.for %scan3A_325 = %scan3A_242 to %scan3A_244 step %scan3A_245  : i32 {
        %mul3A_326 = arith.constant 3 : i32
        %mul3A_327 = arith.muli %scan3A_325, %mul3A_326 : i32
        %add3A_328 = arith.constant 0 : i32
        %add3A_329 = arith.addi %mul3A_327, %add3A_328 : i32
        %mul3A_330 = arith.constant 80 : i32
        %mul3A_331 = arith.muli %add3A_329, %mul3A_330 : i32
        %add3A_332 = arith.addi %mul3A_3, %mul3A_331 : i32
        %add3A_333 = arith.constant 320000 : i32
        %add3A_334 = arith.addi %add3A_333, %add3A_332 : i32
        %dma_wait3A_335 = arith.constant 0 : i32
        %dma_wait3A_336 = arith.constant 0 : i32
        %dma_wait3A_337 = tpu.memref_slice %arg7[%dma_wait3A_335, %dma_wait3A_336] : memref<3x80xi32, #tpu.memory_space<vmem>> -> memref<1x80xi32, #tpu.memory_space<vmem>>
        %dma_wait3A_338 = tpu.memref_squeeze %dma_wait3A_337 : memref<1x80xi32, #tpu.memory_space<vmem>> -> memref<80xi32, #tpu.memory_space<vmem>>
        %dma_wait3A_339 = tpu.memref_slice %arg3[%add3A_334] : memref<640000xi32, #tpu.memory_space<hbm>> -> memref<80xi32, #tpu.memory_space<hbm>>
        %dma_wait3A_340 = arith.constant 0 : i32
        %dma_wait3A_341 = tpu.memref_slice %arg7[%dma_wait3A_335, %dma_wait3A_340] : memref<3x80xi32, #tpu.memory_space<vmem>> -> memref<1x80xi32, #tpu.memory_space<vmem>>
        %dma_wait3A_342 = tpu.memref_squeeze %dma_wait3A_341 : memref<1x80xi32, #tpu.memory_space<vmem>> -> memref<80xi32, #tpu.memory_space<vmem>>
        %dma_wait3A_343 = tpu.memref_slice %arg3[%add3A_334] : memref<640000xi32, #tpu.memory_space<hbm>> -> memref<80xi32, #tpu.memory_space<hbm>>
        tpu.wait_dma2 semaphore(%arg12 : memref<!tpu.dma_semaphore, #tpu.memory_space<semaphore_mem>>) src(%dma_wait3A_343 : memref<80xi32, #tpu.memory_space<hbm>>) dst(%dma_wait3A_342 : memref<80xi32, #tpu.memory_space<vmem>>)
        %dma_wait3A_344 = arith.constant 0 : i32
        %dma_wait3A_345 = arith.constant 0 : i32
        %dma_wait3A_346 = arith.constant 0 : i32
        %dma_wait3A_347 = tpu.memref_slice %arg6[%dma_wait3A_344, %dma_wait3A_345, %dma_wait3A_346] : memref<3x80x128xf32, #tpu.memory_space<vmem>> -> memref<1x80x128xf32, #tpu.memory_space<vmem>>
        %dma_wait3A_348 = tpu.memref_squeeze %dma_wait3A_347 : memref<1x80x128xf32, #tpu.memory_space<vmem>> -> memref<80x128xf32, #tpu.memory_space<vmem>>
        %dma_wait3A_349 = arith.constant 0 : i32
        %dma_wait3A_350 = tpu.memref_slice %arg2[%add3A_332, %dma_wait3A_349] : memref<320000x256xf32, #tpu.memory_space<hbm>> -> memref<80x128xf32, #tpu.memory_space<hbm>>
        %dma_wait3A_351 = arith.constant 0 : i32
        %dma_wait3A_352 = arith.constant 0 : i32
        %dma_wait3A_353 = tpu.memref_slice %arg6[%dma_wait3A_344, %dma_wait3A_351, %dma_wait3A_352] : memref<3x80x128xf32, #tpu.memory_space<vmem>> -> memref<1x80x128xf32, #tpu.memory_space<vmem>>
        %dma_wait3A_354 = tpu.memref_squeeze %dma_wait3A_353 : memref<1x80x128xf32, #tpu.memory_space<vmem>> -> memref<80x128xf32, #tpu.memory_space<vmem>>
        %dma_wait3A_355 = arith.constant 0 : i32
        %dma_wait3A_356 = tpu.memref_slice %arg2[%add3A_332, %dma_wait3A_355] : memref<320000x256xf32, #tpu.memory_space<hbm>> -> memref<80x128xf32, #tpu.memory_space<hbm>>
        tpu.wait_dma2 semaphore(%arg12 : memref<!tpu.dma_semaphore, #tpu.memory_space<semaphore_mem>>) src(%dma_wait3A_356 : memref<80x128xf32, #tpu.memory_space<hbm>>) dst(%dma_wait3A_354 : memref<80x128xf32, #tpu.memory_space<vmem>>)
        %dma_start3A_357 = arith.constant 0 : i32
        %dma_start3A_358 = arith.constant 0 : i32
        %dma_start3A_359 = arith.constant 0 : i32
        %dma_start3A_360 = arith.constant 0 : i32
        %dma_start3A_361 = tpu.memref_slice %arg6[%dma_start3A_357, %dma_start3A_359, %dma_start3A_360] : memref<3x80x128xf32, #tpu.memory_space<vmem>> -> memref<1x80x128xf32, #tpu.memory_space<vmem>>
        %dma_start3A_362 = tpu.memref_squeeze %dma_start3A_361 : memref<1x80x128xf32, #tpu.memory_space<vmem>> -> memref<80x128xf32, #tpu.memory_space<vmem>>
        %dma_start3A_363 = arith.constant 0 : i32
        %dma_start3A_364 = tpu.memref_slice %arg7[%dma_start3A_358, %dma_start3A_363] : memref<3x80xi32, #tpu.memory_space<vmem>> -> memref<1x80xi32, #tpu.memory_space<vmem>>
        %dma_start3A_365 = tpu.memref_squeeze %dma_start3A_364 : memref<1x80xi32, #tpu.memory_space<vmem>> -> memref<80xi32, #tpu.memory_space<vmem>>
        %dma_start3A_366 = arith.constant 0 : i32
        %dma_start3A_367 = arith.constant 0 : i32
        %dma_start3A_368 = tpu.memref_slice %arg10[%dma_start3A_366, %dma_start3A_367] : memref<10000x128xf32, #tpu.memory_space<vmem_shared>> -> memref<10000x128xf32, #tpu.memory_space<vmem_shared>>
        tpu.enqueue_indirect_dma source(%dma_start3A_362 : memref<80x128xf32, #tpu.memory_space<vmem>>) target(%dma_start3A_368 : memref<10000x128xf32, #tpu.memory_space<vmem_shared>>) offsets(%dma_start3A_365 : memref<80xi32, #tpu.memory_space<vmem>>) semaphore(%arg15 : memref<!tpu.dma_semaphore, #tpu.memory_space<semaphore_mem>>) {add = true}
        %dma_start3A_369 = arith.constant 0 : i32
        %dma_start3A_370 = arith.constant 0 : i32
        %dma_start3A_371 = tpu.memref_slice %arg7[%dma_start3A_369, %dma_start3A_370] : memref<3x80xi32, #tpu.memory_space<vmem>> -> memref<1x80xi32, #tpu.memory_space<vmem>>
        %dma_start3A_372 = tpu.memref_squeeze %dma_start3A_371 : memref<1x80xi32, #tpu.memory_space<vmem>> -> memref<80xi32, #tpu.memory_space<vmem>>
        %dma_start3A_373 = arith.constant 0 : i32
        %dma_start3A_374 = tpu.memref_slice %arg11[%dma_start3A_373] : memref<10000xf32, #tpu.memory_space<vmem_shared>> -> memref<10000xf32, #tpu.memory_space<vmem_shared>>
        tpu.enqueue_indirect_dma source(%arg8 : memref<80xf32, #tpu.memory_space<vmem>>) target(%dma_start3A_374 : memref<10000xf32, #tpu.memory_space<vmem_shared>>) offsets(%dma_start3A_372 : memref<80xi32, #tpu.memory_space<vmem>>) semaphore(%arg15 : memref<!tpu.dma_semaphore, #tpu.memory_space<semaphore_mem>>) {add = true}
        %gt3A = arith.constant 0 : i32
        %gt3A_375 = arith.cmpi sgt, %scan3A_325, %gt3A : i32
        %convert_element_type3A_376 = arith.extui %gt3A_375 : i1 to i32
        %cond3A_377 = arith.constant 0 : i32
        %cond3A_378 = arith.cmpi ne, %convert_element_type3A_376, %cond3A_377 : i32
        scf.if %cond3A_378 {
          %dma_wait3A_575 = arith.constant 2 : i32
          %dma_wait3A_576 = arith.constant 2 : i32
          %dma_wait3A_577 = arith.constant 0 : i32
          %dma_wait3A_578 = arith.constant 0 : i32
          %dma_wait3A_579 = tpu.memref_slice %arg6[%dma_wait3A_575, %dma_wait3A_577, %dma_wait3A_578] : memref<3x80x128xf32, #tpu.memory_space<vmem>> -> memref<1x80x128xf32, #tpu.memory_space<vmem>>
          %dma_wait3A_580 = tpu.memref_squeeze %dma_wait3A_579 : memref<1x80x128xf32, #tpu.memory_space<vmem>> -> memref<80x128xf32, #tpu.memory_space<vmem>>
          %dma_wait3A_581 = arith.constant 0 : i32
          %dma_wait3A_582 = tpu.memref_slice %arg7[%dma_wait3A_576, %dma_wait3A_581] : memref<3x80xi32, #tpu.memory_space<vmem>> -> memref<1x80xi32, #tpu.memory_space<vmem>>
          %dma_wait3A_583 = tpu.memref_squeeze %dma_wait3A_582 : memref<1x80xi32, #tpu.memory_space<vmem>> -> memref<80xi32, #tpu.memory_space<vmem>>
          %dma_wait3A_584 = arith.constant 0 : i32
          %dma_wait3A_585 = arith.constant 0 : i32
          %dma_wait3A_586 = tpu.memref_slice %arg10[%dma_wait3A_584, %dma_wait3A_585] : memref<10000x128xf32, #tpu.memory_space<vmem_shared>> -> memref<10000x128xf32, #tpu.memory_space<vmem_shared>>
          tpu.wait_indirect_dma semaphore(%arg17 : memref<!tpu.dma_semaphore, #tpu.memory_space<semaphore_mem>>) src(%dma_wait3A_580 : memref<80x128xf32, #tpu.memory_space<vmem>>) dst(%dma_wait3A_586 : memref<10000x128xf32, #tpu.memory_space<vmem_shared>>)
          %dma_wait3A_587 = arith.constant 2 : i32
          %dma_wait3A_588 = arith.constant 0 : i32
          %dma_wait3A_589 = tpu.memref_slice %arg7[%dma_wait3A_587, %dma_wait3A_588] : memref<3x80xi32, #tpu.memory_space<vmem>> -> memref<1x80xi32, #tpu.memory_space<vmem>>
          %dma_wait3A_590 = tpu.memref_squeeze %dma_wait3A_589 : memref<1x80xi32, #tpu.memory_space<vmem>> -> memref<80xi32, #tpu.memory_space<vmem>>
          %dma_wait3A_591 = arith.constant 0 : i32
          %dma_wait3A_592 = tpu.memref_slice %arg11[%dma_wait3A_591] : memref<10000xf32, #tpu.memory_space<vmem_shared>> -> memref<10000xf32, #tpu.memory_space<vmem_shared>>
          tpu.wait_indirect_dma semaphore(%arg17 : memref<!tpu.dma_semaphore, #tpu.memory_space<semaphore_mem>>) src(%arg8 : memref<80xf32, #tpu.memory_space<vmem>>) dst(%dma_wait3A_592 : memref<10000xf32, #tpu.memory_space<vmem_shared>>)
        } else {
        }
        %add3A_379 = arith.constant 2 : i32
        %add3A_380 = arith.addi %add3A_329, %add3A_379 : i32
        %mul3A_381 = arith.constant 80 : i32
        %mul3A_382 = arith.muli %add3A_380, %mul3A_381 : i32
        %add3A_383 = arith.addi %mul3A_3, %mul3A_382 : i32
        %add3A_384 = arith.constant 320000 : i32
        %add3A_385 = arith.addi %add3A_384, %add3A_383 : i32
        %dma_start3A_386 = arith.constant 2 : i32
        %dma_start3A_387 = arith.constant 0 : i32
        %dma_start3A_388 = tpu.memref_slice %arg7[%dma_start3A_386, %dma_start3A_387] : memref<3x80xi32, #tpu.memory_space<vmem>> -> memref<1x80xi32, #tpu.memory_space<vmem>>
        %dma_start3A_389 = tpu.memref_squeeze %dma_start3A_388 : memref<1x80xi32, #tpu.memory_space<vmem>> -> memref<80xi32, #tpu.memory_space<vmem>>
        %dma_start3A_390 = tpu.memref_slice %arg3[%add3A_385] : memref<640000xi32, #tpu.memory_space<hbm>> -> memref<80xi32, #tpu.memory_space<hbm>>
        %dma_start3A_391 = arith.constant 0 : i32
        %dma_start3A_392 = tpu.memref_slice %arg7[%dma_start3A_386, %dma_start3A_391] : memref<3x80xi32, #tpu.memory_space<vmem>> -> memref<1x80xi32, #tpu.memory_space<vmem>>
        %dma_start3A_393 = tpu.memref_squeeze %dma_start3A_392 : memref<1x80xi32, #tpu.memory_space<vmem>> -> memref<80xi32, #tpu.memory_space<vmem>>
        %dma_start3A_394 = tpu.memref_slice %arg3[%add3A_385] : memref<640000xi32, #tpu.memory_space<hbm>> -> memref<80xi32, #tpu.memory_space<hbm>>
        tpu.enqueue_dma source(%dma_start3A_394 : memref<80xi32, #tpu.memory_space<hbm>>) target(%dma_start3A_393 : memref<80xi32, #tpu.memory_space<vmem>>) target_semaphore(%arg14 : memref<!tpu.dma_semaphore, #tpu.memory_space<semaphore_mem>>)
        %dma_start3A_395 = arith.constant 2 : i32
        %dma_start3A_396 = arith.constant 0 : i32
        %dma_start3A_397 = arith.constant 0 : i32
        %dma_start3A_398 = tpu.memref_slice %arg6[%dma_start3A_395, %dma_start3A_396, %dma_start3A_397] : memref<3x80x128xf32, #tpu.memory_space<vmem>> -> memref<1x80x128xf32, #tpu.memory_space<vmem>>
        %dma_start3A_399 = tpu.memref_squeeze %dma_start3A_398 : memref<1x80x128xf32, #tpu.memory_space<vmem>> -> memref<80x128xf32, #tpu.memory_space<vmem>>
        %dma_start3A_400 = arith.constant 0 : i32
        %dma_start3A_401 = tpu.memref_slice %arg2[%add3A_383, %dma_start3A_400] : memref<320000x256xf32, #tpu.memory_space<hbm>> -> memref<80x128xf32, #tpu.memory_space<hbm>>
        %dma_start3A_402 = arith.constant 0 : i32
        %dma_start3A_403 = arith.constant 0 : i32
        %dma_start3A_404 = tpu.memref_slice %arg6[%dma_start3A_395, %dma_start3A_402, %dma_start3A_403] : memref<3x80x128xf32, #tpu.memory_space<vmem>> -> memref<1x80x128xf32, #tpu.memory_space<vmem>>
        %dma_start3A_405 = tpu.memref_squeeze %dma_start3A_404 : memref<1x80x128xf32, #tpu.memory_space<vmem>> -> memref<80x128xf32, #tpu.memory_space<vmem>>
        %dma_start3A_406 = arith.constant 0 : i32
        %dma_start3A_407 = tpu.memref_slice %arg2[%add3A_383, %dma_start3A_406] : memref<320000x256xf32, #tpu.memory_space<hbm>> -> memref<80x128xf32, #tpu.memory_space<hbm>>
        tpu.enqueue_dma source(%dma_start3A_407 : memref<80x128xf32, #tpu.memory_space<hbm>>) target(%dma_start3A_405 : memref<80x128xf32, #tpu.memory_space<vmem>>) target_semaphore(%arg14 : memref<!tpu.dma_semaphore, #tpu.memory_space<semaphore_mem>>)
        %mul3A_408 = arith.constant 3 : i32
        %mul3A_409 = arith.muli %scan3A_325, %mul3A_408 : i32
        %add3A_410 = arith.constant 1 : i32
        %add3A_411 = arith.addi %mul3A_409, %add3A_410 : i32
        %mul3A_412 = arith.constant 80 : i32
        %mul3A_413 = arith.muli %add3A_411, %mul3A_412 : i32
        %add3A_414 = arith.addi %mul3A_3, %mul3A_413 : i32
        %add3A_415 = arith.constant 320000 : i32
        %add3A_416 = arith.addi %add3A_415, %add3A_414 : i32
        %dma_wait3A_417 = arith.constant 1 : i32
        %dma_wait3A_418 = arith.constant 0 : i32
        %dma_wait3A_419 = tpu.memref_slice %arg7[%dma_wait3A_417, %dma_wait3A_418] : memref<3x80xi32, #tpu.memory_space<vmem>> -> memref<1x80xi32, #tpu.memory_space<vmem>>
        %dma_wait3A_420 = tpu.memref_squeeze %dma_wait3A_419 : memref<1x80xi32, #tpu.memory_space<vmem>> -> memref<80xi32, #tpu.memory_space<vmem>>
        %dma_wait3A_421 = tpu.memref_slice %arg3[%add3A_416] : memref<640000xi32, #tpu.memory_space<hbm>> -> memref<80xi32, #tpu.memory_space<hbm>>
        %dma_wait3A_422 = arith.constant 0 : i32
        %dma_wait3A_423 = tpu.memref_slice %arg7[%dma_wait3A_417, %dma_wait3A_422] : memref<3x80xi32, #tpu.memory_space<vmem>> -> memref<1x80xi32, #tpu.memory_space<vmem>>
        %dma_wait3A_424 = tpu.memref_squeeze %dma_wait3A_423 : memref<1x80xi32, #tpu.memory_space<vmem>> -> memref<80xi32, #tpu.memory_space<vmem>>
        %dma_wait3A_425 = tpu.memref_slice %arg3[%add3A_416] : memref<640000xi32, #tpu.memory_space<hbm>> -> memref<80xi32, #tpu.memory_space<hbm>>
        tpu.wait_dma2 semaphore(%arg13 : memref<!tpu.dma_semaphore, #tpu.memory_space<semaphore_mem>>) src(%dma_wait3A_425 : memref<80xi32, #tpu.memory_space<hbm>>) dst(%dma_wait3A_424 : memref<80xi32, #tpu.memory_space<vmem>>)
        %dma_wait3A_426 = arith.constant 1 : i32
        %dma_wait3A_427 = arith.constant 0 : i32
        %dma_wait3A_428 = arith.constant 0 : i32
        %dma_wait3A_429 = tpu.memref_slice %arg6[%dma_wait3A_426, %dma_wait3A_427, %dma_wait3A_428] : memref<3x80x128xf32, #tpu.memory_space<vmem>> -> memref<1x80x128xf32, #tpu.memory_space<vmem>>
        %dma_wait3A_430 = tpu.memref_squeeze %dma_wait3A_429 : memref<1x80x128xf32, #tpu.memory_space<vmem>> -> memref<80x128xf32, #tpu.memory_space<vmem>>
        %dma_wait3A_431 = arith.constant 0 : i32
        %dma_wait3A_432 = tpu.memref_slice %arg2[%add3A_414, %dma_wait3A_431] : memref<320000x256xf32, #tpu.memory_space<hbm>> -> memref<80x128xf32, #tpu.memory_space<hbm>>
        %dma_wait3A_433 = arith.constant 0 : i32
        %dma_wait3A_434 = arith.constant 0 : i32
        %dma_wait3A_435 = tpu.memref_slice %arg6[%dma_wait3A_426, %dma_wait3A_433, %dma_wait3A_434] : memref<3x80x128xf32, #tpu.memory_space<vmem>> -> memref<1x80x128xf32, #tpu.memory_space<vmem>>
        %dma_wait3A_436 = tpu.memref_squeeze %dma_wait3A_435 : memref<1x80x128xf32, #tpu.memory_space<vmem>> -> memref<80x128xf32, #tpu.memory_space<vmem>>
        %dma_wait3A_437 = arith.constant 0 : i32
        %dma_wait3A_438 = tpu.memref_slice %arg2[%add3A_414, %dma_wait3A_437] : memref<320000x256xf32, #tpu.memory_space<hbm>> -> memref<80x128xf32, #tpu.memory_space<hbm>>
        tpu.wait_dma2 semaphore(%arg13 : memref<!tpu.dma_semaphore, #tpu.memory_space<semaphore_mem>>) src(%dma_wait3A_438 : memref<80x128xf32, #tpu.memory_space<hbm>>) dst(%dma_wait3A_436 : memref<80x128xf32, #tpu.memory_space<vmem>>)
        %dma_start3A_439 = arith.constant 1 : i32
        %dma_start3A_440 = arith.constant 1 : i32
        %dma_start3A_441 = arith.constant 0 : i32
        %dma_start3A_442 = arith.constant 0 : i32
        %dma_start3A_443 = tpu.memref_slice %arg6[%dma_start3A_439, %dma_start3A_441, %dma_start3A_442] : memref<3x80x128xf32, #tpu.memory_space<vmem>> -> memref<1x80x128xf32, #tpu.memory_space<vmem>>
        %dma_start3A_444 = tpu.memref_squeeze %dma_start3A_443 : memref<1x80x128xf32, #tpu.memory_space<vmem>> -> memref<80x128xf32, #tpu.memory_space<vmem>>
        %dma_start3A_445 = arith.constant 0 : i32
        %dma_start3A_446 = tpu.memref_slice %arg7[%dma_start3A_440, %dma_start3A_445] : memref<3x80xi32, #tpu.memory_space<vmem>> -> memref<1x80xi32, #tpu.memory_space<vmem>>
        %dma_start3A_447 = tpu.memref_squeeze %dma_start3A_446 : memref<1x80xi32, #tpu.memory_space<vmem>> -> memref<80xi32, #tpu.memory_space<vmem>>
        %dma_start3A_448 = arith.constant 0 : i32
        %dma_start3A_449 = arith.constant 0 : i32
        %dma_start3A_450 = tpu.memref_slice %arg10[%dma_start3A_448, %dma_start3A_449] : memref<10000x128xf32, #tpu.memory_space<vmem_shared>> -> memref<10000x128xf32, #tpu.memory_space<vmem_shared>>
        tpu.enqueue_indirect_dma source(%dma_start3A_444 : memref<80x128xf32, #tpu.memory_space<vmem>>) target(%dma_start3A_450 : memref<10000x128xf32, #tpu.memory_space<vmem_shared>>) offsets(%dma_start3A_447 : memref<80xi32, #tpu.memory_space<vmem>>) semaphore(%arg16 : memref<!tpu.dma_semaphore, #tpu.memory_space<semaphore_mem>>) {add = true}
        %dma_start3A_451 = arith.constant 1 : i32
        %dma_start3A_452 = arith.constant 0 : i32
        %dma_start3A_453 = tpu.memref_slice %arg7[%dma_start3A_451, %dma_start3A_452] : memref<3x80xi32, #tpu.memory_space<vmem>> -> memref<1x80xi32, #tpu.memory_space<vmem>>
        %dma_start3A_454 = tpu.memref_squeeze %dma_start3A_453 : memref<1x80xi32, #tpu.memory_space<vmem>> -> memref<80xi32, #tpu.memory_space<vmem>>
        %dma_start3A_455 = arith.constant 0 : i32
        %dma_start3A_456 = tpu.memref_slice %arg11[%dma_start3A_455] : memref<10000xf32, #tpu.memory_space<vmem_shared>> -> memref<10000xf32, #tpu.memory_space<vmem_shared>>
        tpu.enqueue_indirect_dma source(%arg8 : memref<80xf32, #tpu.memory_space<vmem>>) target(%dma_start3A_456 : memref<10000xf32, #tpu.memory_space<vmem_shared>>) offsets(%dma_start3A_454 : memref<80xi32, #tpu.memory_space<vmem>>) semaphore(%arg16 : memref<!tpu.dma_semaphore, #tpu.memory_space<semaphore_mem>>) {add = true}
        %dma_wait3A_457 = arith.constant 0 : i32
        %dma_wait3A_458 = arith.constant 0 : i32
        %dma_wait3A_459 = arith.constant 0 : i32
        %dma_wait3A_460 = arith.constant 0 : i32
        %dma_wait3A_461 = tpu.memref_slice %arg6[%dma_wait3A_457, %dma_wait3A_459, %dma_wait3A_460] : memref<3x80x128xf32, #tpu.memory_space<vmem>> -> memref<1x80x128xf32, #tpu.memory_space<vmem>>
        %dma_wait3A_462 = tpu.memref_squeeze %dma_wait3A_461 : memref<1x80x128xf32, #tpu.memory_space<vmem>> -> memref<80x128xf32, #tpu.memory_space<vmem>>
        %dma_wait3A_463 = arith.constant 0 : i32
        %dma_wait3A_464 = tpu.memref_slice %arg7[%dma_wait3A_458, %dma_wait3A_463] : memref<3x80xi32, #tpu.memory_space<vmem>> -> memref<1x80xi32, #tpu.memory_space<vmem>>
        %dma_wait3A_465 = tpu.memref_squeeze %dma_wait3A_464 : memref<1x80xi32, #tpu.memory_space<vmem>> -> memref<80xi32, #tpu.memory_space<vmem>>
        %dma_wait3A_466 = arith.constant 0 : i32
        %dma_wait3A_467 = arith.constant 0 : i32
        %dma_wait3A_468 = tpu.memref_slice %arg10[%dma_wait3A_466, %dma_wait3A_467] : memref<10000x128xf32, #tpu.memory_space<vmem_shared>> -> memref<10000x128xf32, #tpu.memory_space<vmem_shared>>
        tpu.wait_indirect_dma semaphore(%arg15 : memref<!tpu.dma_semaphore, #tpu.memory_space<semaphore_mem>>) src(%dma_wait3A_462 : memref<80x128xf32, #tpu.memory_space<vmem>>) dst(%dma_wait3A_468 : memref<10000x128xf32, #tpu.memory_space<vmem_shared>>)
        %dma_wait3A_469 = arith.constant 0 : i32
        %dma_wait3A_470 = arith.constant 0 : i32
        %dma_wait3A_471 = tpu.memref_slice %arg7[%dma_wait3A_469, %dma_wait3A_470] : memref<3x80xi32, #tpu.memory_space<vmem>> -> memref<1x80xi32, #tpu.memory_space<vmem>>
        %dma_wait3A_472 = tpu.memref_squeeze %dma_wait3A_471 : memref<1x80xi32, #tpu.memory_space<vmem>> -> memref<80xi32, #tpu.memory_space<vmem>>
        %dma_wait3A_473 = arith.constant 0 : i32
        %dma_wait3A_474 = tpu.memref_slice %arg11[%dma_wait3A_473] : memref<10000xf32, #tpu.memory_space<vmem_shared>> -> memref<10000xf32, #tpu.memory_space<vmem_shared>>
        tpu.wait_indirect_dma semaphore(%arg15 : memref<!tpu.dma_semaphore, #tpu.memory_space<semaphore_mem>>) src(%arg8 : memref<80xf32, #tpu.memory_space<vmem>>) dst(%dma_wait3A_474 : memref<10000xf32, #tpu.memory_space<vmem_shared>>)
        %add3A_475 = arith.constant 2 : i32
        %add3A_476 = arith.addi %add3A_411, %add3A_475 : i32
        %mul3A_477 = arith.constant 80 : i32
        %mul3A_478 = arith.muli %add3A_476, %mul3A_477 : i32
        %add3A_479 = arith.addi %mul3A_3, %mul3A_478 : i32
        %add3A_480 = arith.constant 320000 : i32
        %add3A_481 = arith.addi %add3A_480, %add3A_479 : i32
        %dma_start3A_482 = arith.constant 0 : i32
        %dma_start3A_483 = arith.constant 0 : i32
        %dma_start3A_484 = tpu.memref_slice %arg7[%dma_start3A_482, %dma_start3A_483] : memref<3x80xi32, #tpu.memory_space<vmem>> -> memref<1x80xi32, #tpu.memory_space<vmem>>
        %dma_start3A_485 = tpu.memref_squeeze %dma_start3A_484 : memref<1x80xi32, #tpu.memory_space<vmem>> -> memref<80xi32, #tpu.memory_space<vmem>>
        %dma_start3A_486 = tpu.memref_slice %arg3[%add3A_481] : memref<640000xi32, #tpu.memory_space<hbm>> -> memref<80xi32, #tpu.memory_space<hbm>>
        %dma_start3A_487 = arith.constant 0 : i32
        %dma_start3A_488 = tpu.memref_slice %arg7[%dma_start3A_482, %dma_start3A_487] : memref<3x80xi32, #tpu.memory_space<vmem>> -> memref<1x80xi32, #tpu.memory_space<vmem>>
        %dma_start3A_489 = tpu.memref_squeeze %dma_start3A_488 : memref<1x80xi32, #tpu.memory_space<vmem>> -> memref<80xi32, #tpu.memory_space<vmem>>
        %dma_start3A_490 = tpu.memref_slice %arg3[%add3A_481] : memref<640000xi32, #tpu.memory_space<hbm>> -> memref<80xi32, #tpu.memory_space<hbm>>
        tpu.enqueue_dma source(%dma_start3A_490 : memref<80xi32, #tpu.memory_space<hbm>>) target(%dma_start3A_489 : memref<80xi32, #tpu.memory_space<vmem>>) target_semaphore(%arg12 : memref<!tpu.dma_semaphore, #tpu.memory_space<semaphore_mem>>)
        %dma_start3A_491 = arith.constant 0 : i32
        %dma_start3A_492 = arith.constant 0 : i32
        %dma_start3A_493 = arith.constant 0 : i32
        %dma_start3A_494 = tpu.memref_slice %arg6[%dma_start3A_491, %dma_start3A_492, %dma_start3A_493] : memref<3x80x128xf32, #tpu.memory_space<vmem>> -> memref<1x80x128xf32, #tpu.memory_space<vmem>>
        %dma_start3A_495 = tpu.memref_squeeze %dma_start3A_494 : memref<1x80x128xf32, #tpu.memory_space<vmem>> -> memref<80x128xf32, #tpu.memory_space<vmem>>
        %dma_start3A_496 = arith.constant 0 : i32
        %dma_start3A_497 = tpu.memref_slice %arg2[%add3A_479, %dma_start3A_496] : memref<320000x256xf32, #tpu.memory_space<hbm>> -> memref<80x128xf32, #tpu.memory_space<hbm>>
        %dma_start3A_498 = arith.constant 0 : i32
        %dma_start3A_499 = arith.constant 0 : i32
        %dma_start3A_500 = tpu.memref_slice %arg6[%dma_start3A_491, %dma_start3A_498, %dma_start3A_499] : memref<3x80x128xf32, #tpu.memory_space<vmem>> -> memref<1x80x128xf32, #tpu.memory_space<vmem>>
        %dma_start3A_501 = tpu.memref_squeeze %dma_start3A_500 : memref<1x80x128xf32, #tpu.memory_space<vmem>> -> memref<80x128xf32, #tpu.memory_space<vmem>>
        %dma_start3A_502 = arith.constant 0 : i32
        %dma_start3A_503 = tpu.memref_slice %arg2[%add3A_479, %dma_start3A_502] : memref<320000x256xf32, #tpu.memory_space<hbm>> -> memref<80x128xf32, #tpu.memory_space<hbm>>
        tpu.enqueue_dma source(%dma_start3A_503 : memref<80x128xf32, #tpu.memory_space<hbm>>) target(%dma_start3A_501 : memref<80x128xf32, #tpu.memory_space<vmem>>) target_semaphore(%arg12 : memref<!tpu.dma_semaphore, #tpu.memory_space<semaphore_mem>>)
        %mul3A_504 = arith.constant 3 : i32
        %mul3A_505 = arith.muli %scan3A_325, %mul3A_504 : i32
        %add3A_506 = arith.constant 2 : i32
        %add3A_507 = arith.addi %mul3A_505, %add3A_506 : i32
        %mul3A_508 = arith.constant 80 : i32
        %mul3A_509 = arith.muli %add3A_507, %mul3A_508 : i32
        %add3A_510 = arith.addi %mul3A_3, %mul3A_509 : i32
        %add3A_511 = arith.constant 320000 : i32
        %add3A_512 = arith.addi %add3A_511, %add3A_510 : i32
        %dma_wait3A_513 = arith.constant 2 : i32
        %dma_wait3A_514 = arith.constant 0 : i32
        %dma_wait3A_515 = tpu.memref_slice %arg7[%dma_wait3A_513, %dma_wait3A_514] : memref<3x80xi32, #tpu.memory_space<vmem>> -> memref<1x80xi32, #tpu.memory_space<vmem>>
        %dma_wait3A_516 = tpu.memref_squeeze %dma_wait3A_515 : memref<1x80xi32, #tpu.memory_space<vmem>> -> memref<80xi32, #tpu.memory_space<vmem>>
        %dma_wait3A_517 = tpu.memref_slice %arg3[%add3A_512] : memref<640000xi32, #tpu.memory_space<hbm>> -> memref<80xi32, #tpu.memory_space<hbm>>
        %dma_wait3A_518 = arith.constant 0 : i32
        %dma_wait3A_519 = tpu.memref_slice %arg7[%dma_wait3A_513, %dma_wait3A_518] : memref<3x80xi32, #tpu.memory_space<vmem>> -> memref<1x80xi32, #tpu.memory_space<vmem>>
        %dma_wait3A_520 = tpu.memref_squeeze %dma_wait3A_519 : memref<1x80xi32, #tpu.memory_space<vmem>> -> memref<80xi32, #tpu.memory_space<vmem>>
        %dma_wait3A_521 = tpu.memref_slice %arg3[%add3A_512] : memref<640000xi32, #tpu.memory_space<hbm>> -> memref<80xi32, #tpu.memory_space<hbm>>
        tpu.wait_dma2 semaphore(%arg14 : memref<!tpu.dma_semaphore, #tpu.memory_space<semaphore_mem>>) src(%dma_wait3A_521 : memref<80xi32, #tpu.memory_space<hbm>>) dst(%dma_wait3A_520 : memref<80xi32, #tpu.memory_space<vmem>>)
        %dma_wait3A_522 = arith.constant 2 : i32
        %dma_wait3A_523 = arith.constant 0 : i32
        %dma_wait3A_524 = arith.constant 0 : i32
        %dma_wait3A_525 = tpu.memref_slice %arg6[%dma_wait3A_522, %dma_wait3A_523, %dma_wait3A_524] : memref<3x80x128xf32, #tpu.memory_space<vmem>> -> memref<1x80x128xf32, #tpu.memory_space<vmem>>
        %dma_wait3A_526 = tpu.memref_squeeze %dma_wait3A_525 : memref<1x80x128xf32, #tpu.memory_space<vmem>> -> memref<80x128xf32, #tpu.memory_space<vmem>>
        %dma_wait3A_527 = arith.constant 0 : i32
        %dma_wait3A_528 = tpu.memref_slice %arg2[%add3A_510, %dma_wait3A_527] : memref<320000x256xf32, #tpu.memory_space<hbm>> -> memref<80x128xf32, #tpu.memory_space<hbm>>
        %dma_wait3A_529 = arith.constant 0 : i32
        %dma_wait3A_530 = arith.constant 0 : i32
        %dma_wait3A_531 = tpu.memref_slice %arg6[%dma_wait3A_522, %dma_wait3A_529, %dma_wait3A_530] : memref<3x80x128xf32, #tpu.memory_space<vmem>> -> memref<1x80x128xf32, #tpu.memory_space<vmem>>
        %dma_wait3A_532 = tpu.memref_squeeze %dma_wait3A_531 : memref<1x80x128xf32, #tpu.memory_space<vmem>> -> memref<80x128xf32, #tpu.memory_space<vmem>>
        %dma_wait3A_533 = arith.constant 0 : i32
        %dma_wait3A_534 = tpu.memref_slice %arg2[%add3A_510, %dma_wait3A_533] : memref<320000x256xf32, #tpu.memory_space<hbm>> -> memref<80x128xf32, #tpu.memory_space<hbm>>
        tpu.wait_dma2 semaphore(%arg14 : memref<!tpu.dma_semaphore, #tpu.memory_space<semaphore_mem>>) src(%dma_wait3A_534 : memref<80x128xf32, #tpu.memory_space<hbm>>) dst(%dma_wait3A_532 : memref<80x128xf32, #tpu.memory_space<vmem>>)
        %dma_start3A_535 = arith.constant 2 : i32
        %dma_start3A_536 = arith.constant 2 : i32
        %dma_start3A_537 = arith.constant 0 : i32
        %dma_start3A_538 = arith.constant 0 : i32
        %dma_start3A_539 = tpu.memref_slice %arg6[%dma_start3A_535, %dma_start3A_537, %dma_start3A_538] : memref<3x80x128xf32, #tpu.memory_space<vmem>> -> memref<1x80x128xf32, #tpu.memory_space<vmem>>
        %dma_start3A_540 = tpu.memref_squeeze %dma_start3A_539 : memref<1x80x128xf32, #tpu.memory_space<vmem>> -> memref<80x128xf32, #tpu.memory_space<vmem>>
        %dma_start3A_541 = arith.constant 0 : i32
        %dma_start3A_542 = tpu.memref_slice %arg7[%dma_start3A_536, %dma_start3A_541] : memref<3x80xi32, #tpu.memory_space<vmem>> -> memref<1x80xi32, #tpu.memory_space<vmem>>
        %dma_start3A_543 = tpu.memref_squeeze %dma_start3A_542 : memref<1x80xi32, #tpu.memory_space<vmem>> -> memref<80xi32, #tpu.memory_space<vmem>>
        %dma_start3A_544 = arith.constant 0 : i32
        %dma_start3A_545 = arith.constant 0 : i32
        %dma_start3A_546 = tpu.memref_slice %arg10[%dma_start3A_544, %dma_start3A_545] : memref<10000x128xf32, #tpu.memory_space<vmem_shared>> -> memref<10000x128xf32, #tpu.memory_space<vmem_shared>>
        tpu.enqueue_indirect_dma source(%dma_start3A_540 : memref<80x128xf32, #tpu.memory_space<vmem>>) target(%dma_start3A_546 : memref<10000x128xf32, #tpu.memory_space<vmem_shared>>) offsets(%dma_start3A_543 : memref<80xi32, #tpu.memory_space<vmem>>) semaphore(%arg17 : memref<!tpu.dma_semaphore, #tpu.memory_space<semaphore_mem>>) {add = true}
        %dma_start3A_547 = arith.constant 2 : i32
        %dma_start3A_548 = arith.constant 0 : i32
        %dma_start3A_549 = tpu.memref_slice %arg7[%dma_start3A_547, %dma_start3A_548] : memref<3x80xi32, #tpu.memory_space<vmem>> -> memref<1x80xi32, #tpu.memory_space<vmem>>
        %dma_start3A_550 = tpu.memref_squeeze %dma_start3A_549 : memref<1x80xi32, #tpu.memory_space<vmem>> -> memref<80xi32, #tpu.memory_space<vmem>>
        %dma_start3A_551 = arith.constant 0 : i32
        %dma_start3A_552 = tpu.memref_slice %arg11[%dma_start3A_551] : memref<10000xf32, #tpu.memory_space<vmem_shared>> -> memref<10000xf32, #tpu.memory_space<vmem_shared>>
        tpu.enqueue_indirect_dma source(%arg8 : memref<80xf32, #tpu.memory_space<vmem>>) target(%dma_start3A_552 : memref<10000xf32, #tpu.memory_space<vmem_shared>>) offsets(%dma_start3A_550 : memref<80xi32, #tpu.memory_space<vmem>>) semaphore(%arg17 : memref<!tpu.dma_semaphore, #tpu.memory_space<semaphore_mem>>) {add = true}
        %dma_wait3A_553 = arith.constant 1 : i32
        %dma_wait3A_554 = arith.constant 1 : i32
        %dma_wait3A_555 = arith.constant 0 : i32
        %dma_wait3A_556 = arith.constant 0 : i32
        %dma_wait3A_557 = tpu.memref_slice %arg6[%dma_wait3A_553, %dma_wait3A_555, %dma_wait3A_556] : memref<3x80x128xf32, #tpu.memory_space<vmem>> -> memref<1x80x128xf32, #tpu.memory_space<vmem>>
        %dma_wait3A_558 = tpu.memref_squeeze %dma_wait3A_557 : memref<1x80x128xf32, #tpu.memory_space<vmem>> -> memref<80x128xf32, #tpu.memory_space<vmem>>
        %dma_wait3A_559 = arith.constant 0 : i32
        %dma_wait3A_560 = tpu.memref_slice %arg7[%dma_wait3A_554, %dma_wait3A_559] : memref<3x80xi32, #tpu.memory_space<vmem>> -> memref<1x80xi32, #tpu.memory_space<vmem>>
        %dma_wait3A_561 = tpu.memref_squeeze %dma_wait3A_560 : memref<1x80xi32, #tpu.memory_space<vmem>> -> memref<80xi32, #tpu.memory_space<vmem>>
        %dma_wait3A_562 = arith.constant 0 : i32
        %dma_wait3A_563 = arith.constant 0 : i32
        %dma_wait3A_564 = tpu.memref_slice %arg10[%dma_wait3A_562, %dma_wait3A_563] : memref<10000x128xf32, #tpu.memory_space<vmem_shared>> -> memref<10000x128xf32, #tpu.memory_space<vmem_shared>>
        tpu.wait_indirect_dma semaphore(%arg16 : memref<!tpu.dma_semaphore, #tpu.memory_space<semaphore_mem>>) src(%dma_wait3A_558 : memref<80x128xf32, #tpu.memory_space<vmem>>) dst(%dma_wait3A_564 : memref<10000x128xf32, #tpu.memory_space<vmem_shared>>)
        %dma_wait3A_565 = arith.constant 1 : i32
        %dma_wait3A_566 = arith.constant 0 : i32
        %dma_wait3A_567 = tpu.memref_slice %arg7[%dma_wait3A_565, %dma_wait3A_566] : memref<3x80xi32, #tpu.memory_space<vmem>> -> memref<1x80xi32, #tpu.memory_space<vmem>>
        %dma_wait3A_568 = tpu.memref_squeeze %dma_wait3A_567 : memref<1x80xi32, #tpu.memory_space<vmem>> -> memref<80xi32, #tpu.memory_space<vmem>>
        %dma_wait3A_569 = arith.constant 0 : i32
        %dma_wait3A_570 = tpu.memref_slice %arg11[%dma_wait3A_569] : memref<10000xf32, #tpu.memory_space<vmem_shared>> -> memref<10000xf32, #tpu.memory_space<vmem_shared>>
        tpu.wait_indirect_dma semaphore(%arg16 : memref<!tpu.dma_semaphore, #tpu.memory_space<semaphore_mem>>) src(%arg8 : memref<80xf32, #tpu.memory_space<vmem>>) dst(%dma_wait3A_570 : memref<10000xf32, #tpu.memory_space<vmem_shared>>)
        %lt3A = arith.constant 82 : i32
        %lt3A_571 = arith.cmpi slt, %scan3A_325, %lt3A : i32
        %convert_element_type3A_572 = arith.extui %lt3A_571 : i1 to i32
        %cond3A_573 = arith.constant 0 : i32
        %cond3A_574 = arith.cmpi ne, %convert_element_type3A_572, %cond3A_573 : i32
        scf.if %cond3A_574 {
          %add3A_575 = arith.constant 2 : i32
          %add3A_576 = arith.addi %add3A_507, %add3A_575 : i32
          %mul3A_577 = arith.constant 80 : i32
          %mul3A_578 = arith.muli %add3A_576, %mul3A_577 : i32
          %add3A_579 = arith.addi %mul3A_3, %mul3A_578 : i32
          %add3A_580 = arith.constant 320000 : i32
          %add3A_581 = arith.addi %add3A_580, %add3A_579 : i32
          %dma_start3A_582 = arith.constant 1 : i32
          %dma_start3A_583 = arith.constant 0 : i32
          %dma_start3A_584 = tpu.memref_slice %arg7[%dma_start3A_582, %dma_start3A_583] : memref<3x80xi32, #tpu.memory_space<vmem>> -> memref<1x80xi32, #tpu.memory_space<vmem>>
          %dma_start3A_585 = tpu.memref_squeeze %dma_start3A_584 : memref<1x80xi32, #tpu.memory_space<vmem>> -> memref<80xi32, #tpu.memory_space<vmem>>
          %dma_start3A_586 = tpu.memref_slice %arg3[%add3A_581] : memref<640000xi32, #tpu.memory_space<hbm>> -> memref<80xi32, #tpu.memory_space<hbm>>
          %dma_start3A_587 = arith.constant 0 : i32
          %dma_start3A_588 = tpu.memref_slice %arg7[%dma_start3A_582, %dma_start3A_587] : memref<3x80xi32, #tpu.memory_space<vmem>> -> memref<1x80xi32, #tpu.memory_space<vmem>>
          %dma_start3A_589 = tpu.memref_squeeze %dma_start3A_588 : memref<1x80xi32, #tpu.memory_space<vmem>> -> memref<80xi32, #tpu.memory_space<vmem>>
          %dma_start3A_590 = tpu.memref_slice %arg3[%add3A_581] : memref<640000xi32, #tpu.memory_space<hbm>> -> memref<80xi32, #tpu.memory_space<hbm>>
          tpu.enqueue_dma source(%dma_start3A_590 : memref<80xi32, #tpu.memory_space<hbm>>) target(%dma_start3A_589 : memref<80xi32, #tpu.memory_space<vmem>>) target_semaphore(%arg13 : memref<!tpu.dma_semaphore, #tpu.memory_space<semaphore_mem>>)
          %dma_start3A_591 = arith.constant 1 : i32
          %dma_start3A_592 = arith.constant 0 : i32
          %dma_start3A_593 = arith.constant 0 : i32
          %dma_start3A_594 = tpu.memref_slice %arg6[%dma_start3A_591, %dma_start3A_592, %dma_start3A_593] : memref<3x80x128xf32, #tpu.memory_space<vmem>> -> memref<1x80x128xf32, #tpu.memory_space<vmem>>
          %dma_start3A_595 = tpu.memref_squeeze %dma_start3A_594 : memref<1x80x128xf32, #tpu.memory_space<vmem>> -> memref<80x128xf32, #tpu.memory_space<vmem>>
          %dma_start3A_596 = arith.constant 0 : i32
          %dma_start3A_597 = tpu.memref_slice %arg2[%add3A_579, %dma_start3A_596] : memref<320000x256xf32, #tpu.memory_space<hbm>> -> memref<80x128xf32, #tpu.memory_space<hbm>>
          %dma_start3A_598 = arith.constant 0 : i32
          %dma_start3A_599 = arith.constant 0 : i32
          %dma_start3A_600 = tpu.memref_slice %arg6[%dma_start3A_591, %dma_start3A_598, %dma_start3A_599] : memref<3x80x128xf32, #tpu.memory_space<vmem>> -> memref<1x80x128xf32, #tpu.memory_space<vmem>>
          %dma_start3A_601 = tpu.memref_squeeze %dma_start3A_600 : memref<1x80x128xf32, #tpu.memory_space<vmem>> -> memref<80x128xf32, #tpu.memory_space<vmem>>
          %dma_start3A_602 = arith.constant 0 : i32
          %dma_start3A_603 = tpu.memref_slice %arg2[%add3A_579, %dma_start3A_602] : memref<320000x256xf32, #tpu.memory_space<hbm>> -> memref<80x128xf32, #tpu.memory_space<hbm>>
          tpu.enqueue_dma source(%dma_start3A_603 : memref<80x128xf32, #tpu.memory_space<hbm>>) target(%dma_start3A_601 : memref<80x128xf32, #tpu.memory_space<vmem>>) target_semaphore(%arg13 : memref<!tpu.dma_semaphore, #tpu.memory_space<semaphore_mem>>)
        } else {
        }
      }
      %scan3A_246 = arith.constant 83 : i32
      %add3A_247 = arith.constant 19920 : i32
      %add3A_248 = arith.addi %mul3A_3, %add3A_247 : i32
      %add3A_249 = arith.constant 320000 : i32
      %add3A_250 = arith.addi %add3A_249, %add3A_248 : i32
      %dma_wait3A = arith.constant 0 : i32
      %dma_wait3A_251 = arith.constant 0 : i32
      %dma_wait3A_252 = tpu.memref_slice %arg7[%dma_wait3A, %dma_wait3A_251] : memref<3x80xi32, #tpu.memory_space<vmem>> -> memref<1x80xi32, #tpu.memory_space<vmem>>
      %dma_wait3A_253 = tpu.memref_squeeze %dma_wait3A_252 : memref<1x80xi32, #tpu.memory_space<vmem>> -> memref<80xi32, #tpu.memory_space<vmem>>
      %dma_wait3A_254 = tpu.memref_slice %arg3[%add3A_250] : memref<640000xi32, #tpu.memory_space<hbm>> -> memref<80xi32, #tpu.memory_space<hbm>>
      %dma_wait3A_255 = arith.constant 0 : i32
      %dma_wait3A_256 = tpu.memref_slice %arg7[%dma_wait3A, %dma_wait3A_255] : memref<3x80xi32, #tpu.memory_space<vmem>> -> memref<1x80xi32, #tpu.memory_space<vmem>>
      %dma_wait3A_257 = tpu.memref_squeeze %dma_wait3A_256 : memref<1x80xi32, #tpu.memory_space<vmem>> -> memref<80xi32, #tpu.memory_space<vmem>>
      %dma_wait3A_258 = tpu.memref_slice %arg3[%add3A_250] : memref<640000xi32, #tpu.memory_space<hbm>> -> memref<80xi32, #tpu.memory_space<hbm>>
      tpu.wait_dma2 semaphore(%arg12 : memref<!tpu.dma_semaphore, #tpu.memory_space<semaphore_mem>>) src(%dma_wait3A_258 : memref<80xi32, #tpu.memory_space<hbm>>) dst(%dma_wait3A_257 : memref<80xi32, #tpu.memory_space<vmem>>)
      %dma_wait3A_259 = arith.constant 0 : i32
      %dma_wait3A_260 = arith.constant 0 : i32
      %dma_wait3A_261 = arith.constant 0 : i32
      %dma_wait3A_262 = tpu.memref_slice %arg6[%dma_wait3A_259, %dma_wait3A_260, %dma_wait3A_261] : memref<3x80x128xf32, #tpu.memory_space<vmem>> -> memref<1x80x128xf32, #tpu.memory_space<vmem>>
      %dma_wait3A_263 = tpu.memref_squeeze %dma_wait3A_262 : memref<1x80x128xf32, #tpu.memory_space<vmem>> -> memref<80x128xf32, #tpu.memory_space<vmem>>
      %dma_wait3A_264 = arith.constant 0 : i32
      %dma_wait3A_265 = tpu.memref_slice %arg2[%add3A_248, %dma_wait3A_264] : memref<320000x256xf32, #tpu.memory_space<hbm>> -> memref<80x128xf32, #tpu.memory_space<hbm>>
      %dma_wait3A_266 = arith.constant 0 : i32
      %dma_wait3A_267 = arith.constant 0 : i32
      %dma_wait3A_268 = tpu.memref_slice %arg6[%dma_wait3A_259, %dma_wait3A_266, %dma_wait3A_267] : memref<3x80x128xf32, #tpu.memory_space<vmem>> -> memref<1x80x128xf32, #tpu.memory_space<vmem>>
      %dma_wait3A_269 = tpu.memref_squeeze %dma_wait3A_268 : memref<1x80x128xf32, #tpu.memory_space<vmem>> -> memref<80x128xf32, #tpu.memory_space<vmem>>
      %dma_wait3A_270 = arith.constant 0 : i32
      %dma_wait3A_271 = tpu.memref_slice %arg2[%add3A_248, %dma_wait3A_270] : memref<320000x256xf32, #tpu.memory_space<hbm>> -> memref<80x128xf32, #tpu.memory_space<hbm>>
      tpu.wait_dma2 semaphore(%arg12 : memref<!tpu.dma_semaphore, #tpu.memory_space<semaphore_mem>>) src(%dma_wait3A_271 : memref<80x128xf32, #tpu.memory_space<hbm>>) dst(%dma_wait3A_269 : memref<80x128xf32, #tpu.memory_space<vmem>>)
      %dma_start3A = arith.constant 0 : i32
      %dma_start3A_272 = arith.constant 0 : i32
      %dma_start3A_273 = arith.constant 0 : i32
      %dma_start3A_274 = arith.constant 0 : i32
      %dma_start3A_275 = tpu.memref_slice %arg6[%dma_start3A, %dma_start3A_273, %dma_start3A_274] : memref<3x80x128xf32, #tpu.memory_space<vmem>> -> memref<1x80x128xf32, #tpu.memory_space<vmem>>
      %dma_start3A_276 = tpu.memref_squeeze %dma_start3A_275 : memref<1x80x128xf32, #tpu.memory_space<vmem>> -> memref<80x128xf32, #tpu.memory_space<vmem>>
      %dma_start3A_277 = arith.constant 0 : i32
      %dma_start3A_278 = tpu.memref_slice %arg7[%dma_start3A_272, %dma_start3A_277] : memref<3x80xi32, #tpu.memory_space<vmem>> -> memref<1x80xi32, #tpu.memory_space<vmem>>
      %dma_start3A_279 = tpu.memref_squeeze %dma_start3A_278 : memref<1x80xi32, #tpu.memory_space<vmem>> -> memref<80xi32, #tpu.memory_space<vmem>>
      %dma_start3A_280 = arith.constant 0 : i32
      %dma_start3A_281 = arith.constant 0 : i32
      %dma_start3A_282 = tpu.memref_slice %arg10[%dma_start3A_280, %dma_start3A_281] : memref<10000x128xf32, #tpu.memory_space<vmem_shared>> -> memref<10000x128xf32, #tpu.memory_space<vmem_shared>>
      tpu.enqueue_indirect_dma source(%dma_start3A_276 : memref<80x128xf32, #tpu.memory_space<vmem>>) target(%dma_start3A_282 : memref<10000x128xf32, #tpu.memory_space<vmem_shared>>) offsets(%dma_start3A_279 : memref<80xi32, #tpu.memory_space<vmem>>) semaphore(%arg15 : memref<!tpu.dma_semaphore, #tpu.memory_space<semaphore_mem>>) {add = true}
      %dma_start3A_283 = arith.constant 0 : i32
      %dma_start3A_284 = arith.constant 0 : i32
      %dma_start3A_285 = tpu.memref_slice %arg7[%dma_start3A_283, %dma_start3A_284] : memref<3x80xi32, #tpu.memory_space<vmem>> -> memref<1x80xi32, #tpu.memory_space<vmem>>
      %dma_start3A_286 = tpu.memref_squeeze %dma_start3A_285 : memref<1x80xi32, #tpu.memory_space<vmem>> -> memref<80xi32, #tpu.memory_space<vmem>>
      %dma_start3A_287 = arith.constant 0 : i32
      %dma_start3A_288 = tpu.memref_slice %arg11[%dma_start3A_287] : memref<10000xf32, #tpu.memory_space<vmem_shared>> -> memref<10000xf32, #tpu.memory_space<vmem_shared>>
      tpu.enqueue_indirect_dma source(%arg8 : memref<80xf32, #tpu.memory_space<vmem>>) target(%dma_start3A_288 : memref<10000xf32, #tpu.memory_space<vmem_shared>>) offsets(%dma_start3A_286 : memref<80xi32, #tpu.memory_space<vmem>>) semaphore(%arg15 : memref<!tpu.dma_semaphore, #tpu.memory_space<semaphore_mem>>) {add = true}
      %dma_wait3A_289 = arith.constant 2 : i32
      %dma_wait3A_290 = arith.constant 2 : i32
      %dma_wait3A_291 = arith.constant 0 : i32
      %dma_wait3A_292 = arith.constant 0 : i32
      %dma_wait3A_293 = tpu.memref_slice %arg6[%dma_wait3A_289, %dma_wait3A_291, %dma_wait3A_292] : memref<3x80x128xf32, #tpu.memory_space<vmem>> -> memref<1x80x128xf32, #tpu.memory_space<vmem>>
      %dma_wait3A_294 = tpu.memref_squeeze %dma_wait3A_293 : memref<1x80x128xf32, #tpu.memory_space<vmem>> -> memref<80x128xf32, #tpu.memory_space<vmem>>
      %dma_wait3A_295 = arith.constant 0 : i32
      %dma_wait3A_296 = tpu.memref_slice %arg7[%dma_wait3A_290, %dma_wait3A_295] : memref<3x80xi32, #tpu.memory_space<vmem>> -> memref<1x80xi32, #tpu.memory_space<vmem>>
      %dma_wait3A_297 = tpu.memref_squeeze %dma_wait3A_296 : memref<1x80xi32, #tpu.memory_space<vmem>> -> memref<80xi32, #tpu.memory_space<vmem>>
      %dma_wait3A_298 = arith.constant 0 : i32
      %dma_wait3A_299 = arith.constant 0 : i32
      %dma_wait3A_300 = tpu.memref_slice %arg10[%dma_wait3A_298, %dma_wait3A_299] : memref<10000x128xf32, #tpu.memory_space<vmem_shared>> -> memref<10000x128xf32, #tpu.memory_space<vmem_shared>>
      tpu.wait_indirect_dma semaphore(%arg17 : memref<!tpu.dma_semaphore, #tpu.memory_space<semaphore_mem>>) src(%dma_wait3A_294 : memref<80x128xf32, #tpu.memory_space<vmem>>) dst(%dma_wait3A_300 : memref<10000x128xf32, #tpu.memory_space<vmem_shared>>)
      %dma_wait3A_301 = arith.constant 2 : i32
      %dma_wait3A_302 = arith.constant 0 : i32
      %dma_wait3A_303 = tpu.memref_slice %arg7[%dma_wait3A_301, %dma_wait3A_302] : memref<3x80xi32, #tpu.memory_space<vmem>> -> memref<1x80xi32, #tpu.memory_space<vmem>>
      %dma_wait3A_304 = tpu.memref_squeeze %dma_wait3A_303 : memref<1x80xi32, #tpu.memory_space<vmem>> -> memref<80xi32, #tpu.memory_space<vmem>>
      %dma_wait3A_305 = arith.constant 0 : i32
      %dma_wait3A_306 = tpu.memref_slice %arg11[%dma_wait3A_305] : memref<10000xf32, #tpu.memory_space<vmem_shared>> -> memref<10000xf32, #tpu.memory_space<vmem_shared>>
      tpu.wait_indirect_dma semaphore(%arg17 : memref<!tpu.dma_semaphore, #tpu.memory_space<semaphore_mem>>) src(%arg8 : memref<80xf32, #tpu.memory_space<vmem>>) dst(%dma_wait3A_306 : memref<10000xf32, #tpu.memory_space<vmem_shared>>)
      %dma_wait3A_307 = arith.constant 0 : i32
      %dma_wait3A_308 = arith.constant 0 : i32
      %dma_wait3A_309 = arith.constant 0 : i32
      %dma_wait3A_310 = arith.constant 0 : i32
      %dma_wait3A_311 = tpu.memref_slice %arg6[%dma_wait3A_307, %dma_wait3A_309, %dma_wait3A_310] : memref<3x80x128xf32, #tpu.memory_space<vmem>> -> memref<1x80x128xf32, #tpu.memory_space<vmem>>
      %dma_wait3A_312 = tpu.memref_squeeze %dma_wait3A_311 : memref<1x80x128xf32, #tpu.memory_space<vmem>> -> memref<80x128xf32, #tpu.memory_space<vmem>>
      %dma_wait3A_313 = arith.constant 0 : i32
      %dma_wait3A_314 = tpu.memref_slice %arg7[%dma_wait3A_308, %dma_wait3A_313] : memref<3x80xi32, #tpu.memory_space<vmem>> -> memref<1x80xi32, #tpu.memory_space<vmem>>
      %dma_wait3A_315 = tpu.memref_squeeze %dma_wait3A_314 : memref<1x80xi32, #tpu.memory_space<vmem>> -> memref<80xi32, #tpu.memory_space<vmem>>
      %dma_wait3A_316 = arith.constant 0 : i32
      %dma_wait3A_317 = arith.constant 0 : i32
      %dma_wait3A_318 = tpu.memref_slice %arg10[%dma_wait3A_316, %dma_wait3A_317] : memref<10000x128xf32, #tpu.memory_space<vmem_shared>> -> memref<10000x128xf32, #tpu.memory_space<vmem_shared>>
      tpu.wait_indirect_dma semaphore(%arg15 : memref<!tpu.dma_semaphore, #tpu.memory_space<semaphore_mem>>) src(%dma_wait3A_312 : memref<80x128xf32, #tpu.memory_space<vmem>>) dst(%dma_wait3A_318 : memref<10000x128xf32, #tpu.memory_space<vmem_shared>>)
      %dma_wait3A_319 = arith.constant 0 : i32
      %dma_wait3A_320 = arith.constant 0 : i32
      %dma_wait3A_321 = tpu.memref_slice %arg7[%dma_wait3A_319, %dma_wait3A_320] : memref<3x80xi32, #tpu.memory_space<vmem>> -> memref<1x80xi32, #tpu.memory_space<vmem>>
      %dma_wait3A_322 = tpu.memref_squeeze %dma_wait3A_321 : memref<1x80xi32, #tpu.memory_space<vmem>> -> memref<80xi32, #tpu.memory_space<vmem>>
      %dma_wait3A_323 = arith.constant 0 : i32
      %dma_wait3A_324 = tpu.memref_slice %arg11[%dma_wait3A_323] : memref<10000xf32, #tpu.memory_space<vmem_shared>> -> memref<10000xf32, #tpu.memory_space<vmem_shared>>
      tpu.wait_indirect_dma semaphore(%arg15 : memref<!tpu.dma_semaphore, #tpu.memory_space<semaphore_mem>>) src(%arg8 : memref<80xf32, #tpu.memory_space<vmem>>) dst(%dma_wait3A_324 : memref<10000xf32, #tpu.memory_space<vmem_shared>>)
    } else {
    }
    %eq3A_225 = arith.constant 1 : i32
    %eq3A_226 = arith.cmpi eq, %arg0, %eq3A_225 : i32
    %convert_element_type3A_227 = arith.extui %eq3A_226 : i1 to i32
    %cond3A_228 = arith.constant 0 : i32
    %cond3A_229 = arith.cmpi ne, %convert_element_type3A_227, %cond3A_228 : i32
    scf.if %cond3A_229 {
      %barrier3A_240 = arith.constant 0 : index
      tpu.barrier barrier_id(%barrier3A_240)
      %scan3A_241 = arith.constant 0 : i32
      %scan3A_242 = arith.constant 0 : i32
      %scan3A_243 = arith.constant 83 : i32
      %scan3A_244 = arith.addi %scan3A_242, %scan3A_243 : i32
      %scan3A_245 = arith.constant 1 : i32
      scf.for %scan3A_325 = %scan3A_242 to %scan3A_244 step %scan3A_245  : i32 {
        %mul3A_326 = arith.constant 3 : i32
        %mul3A_327 = arith.muli %scan3A_325, %mul3A_326 : i32
        %add3A_328 = arith.constant 0 : i32
        %add3A_329 = arith.addi %mul3A_327, %add3A_328 : i32
        %mul3A_330 = arith.constant 80 : i32
        %mul3A_331 = arith.muli %add3A_329, %mul3A_330 : i32
        %add3A_332 = arith.addi %mul3A_3, %mul3A_331 : i32
        %add3A_333 = arith.constant 0 : i32
        %add3A_334 = arith.addi %add3A_333, %add3A_332 : i32
        %dma_wait3A_335 = arith.constant 0 : i32
        %dma_wait3A_336 = arith.constant 0 : i32
        %dma_wait3A_337 = tpu.memref_slice %arg7[%dma_wait3A_335, %dma_wait3A_336] : memref<3x80xi32, #tpu.memory_space<vmem>> -> memref<1x80xi32, #tpu.memory_space<vmem>>
        %dma_wait3A_338 = tpu.memref_squeeze %dma_wait3A_337 : memref<1x80xi32, #tpu.memory_space<vmem>> -> memref<80xi32, #tpu.memory_space<vmem>>
        %dma_wait3A_339 = tpu.memref_slice %arg3[%add3A_334] : memref<640000xi32, #tpu.memory_space<hbm>> -> memref<80xi32, #tpu.memory_space<hbm>>
        %dma_wait3A_340 = arith.constant 0 : i32
        %dma_wait3A_341 = tpu.memref_slice %arg7[%dma_wait3A_335, %dma_wait3A_340] : memref<3x80xi32, #tpu.memory_space<vmem>> -> memref<1x80xi32, #tpu.memory_space<vmem>>
        %dma_wait3A_342 = tpu.memref_squeeze %dma_wait3A_341 : memref<1x80xi32, #tpu.memory_space<vmem>> -> memref<80xi32, #tpu.memory_space<vmem>>
        %dma_wait3A_343 = tpu.memref_slice %arg3[%add3A_334] : memref<640000xi32, #tpu.memory_space<hbm>> -> memref<80xi32, #tpu.memory_space<hbm>>
        tpu.wait_dma2 semaphore(%arg12 : memref<!tpu.dma_semaphore, #tpu.memory_space<semaphore_mem>>) src(%dma_wait3A_343 : memref<80xi32, #tpu.memory_space<hbm>>) dst(%dma_wait3A_342 : memref<80xi32, #tpu.memory_space<vmem>>)
        %dma_wait3A_344 = arith.constant 0 : i32
        %dma_wait3A_345 = arith.constant 0 : i32
        %dma_wait3A_346 = arith.constant 0 : i32
        %dma_wait3A_347 = tpu.memref_slice %arg6[%dma_wait3A_344, %dma_wait3A_345, %dma_wait3A_346] : memref<3x80x128xf32, #tpu.memory_space<vmem>> -> memref<1x80x128xf32, #tpu.memory_space<vmem>>
        %dma_wait3A_348 = tpu.memref_squeeze %dma_wait3A_347 : memref<1x80x128xf32, #tpu.memory_space<vmem>> -> memref<80x128xf32, #tpu.memory_space<vmem>>
        %dma_wait3A_349 = arith.constant 128 : i32
        %dma_wait3A_350 = tpu.memref_slice %arg2[%add3A_332, %dma_wait3A_349] : memref<320000x256xf32, #tpu.memory_space<hbm>> -> memref<80x128xf32, #tpu.memory_space<hbm>>
        %dma_wait3A_351 = arith.constant 0 : i32
        %dma_wait3A_352 = arith.constant 0 : i32
        %dma_wait3A_353 = tpu.memref_slice %arg6[%dma_wait3A_344, %dma_wait3A_351, %dma_wait3A_352] : memref<3x80x128xf32, #tpu.memory_space<vmem>> -> memref<1x80x128xf32, #tpu.memory_space<vmem>>
        %dma_wait3A_354 = tpu.memref_squeeze %dma_wait3A_353 : memref<1x80x128xf32, #tpu.memory_space<vmem>> -> memref<80x128xf32, #tpu.memory_space<vmem>>
        %dma_wait3A_355 = arith.constant 128 : i32
        %dma_wait3A_356 = tpu.memref_slice %arg2[%add3A_332, %dma_wait3A_355] : memref<320000x256xf32, #tpu.memory_space<hbm>> -> memref<80x128xf32, #tpu.memory_space<hbm>>
        tpu.wait_dma2 semaphore(%arg12 : memref<!tpu.dma_semaphore, #tpu.memory_space<semaphore_mem>>) src(%dma_wait3A_356 : memref<80x128xf32, #tpu.memory_space<hbm>>) dst(%dma_wait3A_354 : memref<80x128xf32, #tpu.memory_space<vmem>>)
        %dma_start3A_357 = arith.constant 0 : i32
        %dma_start3A_358 = arith.constant 0 : i32
        %dma_start3A_359 = arith.constant 0 : i32
        %dma_start3A_360 = arith.constant 0 : i32
        %dma_start3A_361 = tpu.memref_slice %arg6[%dma_start3A_357, %dma_start3A_359, %dma_start3A_360] : memref<3x80x128xf32, #tpu.memory_space<vmem>> -> memref<1x80x128xf32, #tpu.memory_space<vmem>>
        %dma_start3A_362 = tpu.memref_squeeze %dma_start3A_361 : memref<1x80x128xf32, #tpu.memory_space<vmem>> -> memref<80x128xf32, #tpu.memory_space<vmem>>
        %dma_start3A_363 = arith.constant 0 : i32
        %dma_start3A_364 = tpu.memref_slice %arg7[%dma_start3A_358, %dma_start3A_363] : memref<3x80xi32, #tpu.memory_space<vmem>> -> memref<1x80xi32, #tpu.memory_space<vmem>>
        %dma_start3A_365 = tpu.memref_squeeze %dma_start3A_364 : memref<1x80xi32, #tpu.memory_space<vmem>> -> memref<80xi32, #tpu.memory_space<vmem>>
        %dma_start3A_366 = arith.constant 0 : i32
        %dma_start3A_367 = arith.constant 0 : i32
        %dma_start3A_368 = tpu.memref_slice %arg10[%dma_start3A_366, %dma_start3A_367] : memref<10000x128xf32, #tpu.memory_space<vmem_shared>> -> memref<10000x128xf32, #tpu.memory_space<vmem_shared>>
        tpu.enqueue_indirect_dma source(%dma_start3A_362 : memref<80x128xf32, #tpu.memory_space<vmem>>) target(%dma_start3A_368 : memref<10000x128xf32, #tpu.memory_space<vmem_shared>>) offsets(%dma_start3A_365 : memref<80xi32, #tpu.memory_space<vmem>>) semaphore(%arg15 : memref<!tpu.dma_semaphore, #tpu.memory_space<semaphore_mem>>) {add = true}
        %dma_start3A_369 = arith.constant 0 : i32
        %dma_start3A_370 = arith.constant 0 : i32
        %dma_start3A_371 = tpu.memref_slice %arg7[%dma_start3A_369, %dma_start3A_370] : memref<3x80xi32, #tpu.memory_space<vmem>> -> memref<1x80xi32, #tpu.memory_space<vmem>>
        %dma_start3A_372 = tpu.memref_squeeze %dma_start3A_371 : memref<1x80xi32, #tpu.memory_space<vmem>> -> memref<80xi32, #tpu.memory_space<vmem>>
        %dma_start3A_373 = arith.constant 0 : i32
        %dma_start3A_374 = tpu.memref_slice %arg11[%dma_start3A_373] : memref<10000xf32, #tpu.memory_space<vmem_shared>> -> memref<10000xf32, #tpu.memory_space<vmem_shared>>
        tpu.enqueue_indirect_dma source(%arg8 : memref<80xf32, #tpu.memory_space<vmem>>) target(%dma_start3A_374 : memref<10000xf32, #tpu.memory_space<vmem_shared>>) offsets(%dma_start3A_372 : memref<80xi32, #tpu.memory_space<vmem>>) semaphore(%arg15 : memref<!tpu.dma_semaphore, #tpu.memory_space<semaphore_mem>>) {add = true}
        %gt3A = arith.constant 0 : i32
        %gt3A_375 = arith.cmpi sgt, %scan3A_325, %gt3A : i32
        %convert_element_type3A_376 = arith.extui %gt3A_375 : i1 to i32
        %cond3A_377 = arith.constant 0 : i32
        %cond3A_378 = arith.cmpi ne, %convert_element_type3A_376, %cond3A_377 : i32
        scf.if %cond3A_378 {
          %dma_wait3A_575 = arith.constant 2 : i32
          %dma_wait3A_576 = arith.constant 2 : i32
          %dma_wait3A_577 = arith.constant 0 : i32
          %dma_wait3A_578 = arith.constant 0 : i32
          %dma_wait3A_579 = tpu.memref_slice %arg6[%dma_wait3A_575, %dma_wait3A_577, %dma_wait3A_578] : memref<3x80x128xf32, #tpu.memory_space<vmem>> -> memref<1x80x128xf32, #tpu.memory_space<vmem>>
          %dma_wait3A_580 = tpu.memref_squeeze %dma_wait3A_579 : memref<1x80x128xf32, #tpu.memory_space<vmem>> -> memref<80x128xf32, #tpu.memory_space<vmem>>
          %dma_wait3A_581 = arith.constant 0 : i32
          %dma_wait3A_582 = tpu.memref_slice %arg7[%dma_wait3A_576, %dma_wait3A_581] : memref<3x80xi32, #tpu.memory_space<vmem>> -> memref<1x80xi32, #tpu.memory_space<vmem>>
          %dma_wait3A_583 = tpu.memref_squeeze %dma_wait3A_582 : memref<1x80xi32, #tpu.memory_space<vmem>> -> memref<80xi32, #tpu.memory_space<vmem>>
          %dma_wait3A_584 = arith.constant 0 : i32
          %dma_wait3A_585 = arith.constant 0 : i32
          %dma_wait3A_586 = tpu.memref_slice %arg10[%dma_wait3A_584, %dma_wait3A_585] : memref<10000x128xf32, #tpu.memory_space<vmem_shared>> -> memref<10000x128xf32, #tpu.memory_space<vmem_shared>>
          tpu.wait_indirect_dma semaphore(%arg17 : memref<!tpu.dma_semaphore, #tpu.memory_space<semaphore_mem>>) src(%dma_wait3A_580 : memref<80x128xf32, #tpu.memory_space<vmem>>) dst(%dma_wait3A_586 : memref<10000x128xf32, #tpu.memory_space<vmem_shared>>)
          %dma_wait3A_587 = arith.constant 2 : i32
          %dma_wait3A_588 = arith.constant 0 : i32
          %dma_wait3A_589 = tpu.memref_slice %arg7[%dma_wait3A_587, %dma_wait3A_588] : memref<3x80xi32, #tpu.memory_space<vmem>> -> memref<1x80xi32, #tpu.memory_space<vmem>>
          %dma_wait3A_590 = tpu.memref_squeeze %dma_wait3A_589 : memref<1x80xi32, #tpu.memory_space<vmem>> -> memref<80xi32, #tpu.memory_space<vmem>>
          %dma_wait3A_591 = arith.constant 0 : i32
          %dma_wait3A_592 = tpu.memref_slice %arg11[%dma_wait3A_591] : memref<10000xf32, #tpu.memory_space<vmem_shared>> -> memref<10000xf32, #tpu.memory_space<vmem_shared>>
          tpu.wait_indirect_dma semaphore(%arg17 : memref<!tpu.dma_semaphore, #tpu.memory_space<semaphore_mem>>) src(%arg8 : memref<80xf32, #tpu.memory_space<vmem>>) dst(%dma_wait3A_592 : memref<10000xf32, #tpu.memory_space<vmem_shared>>)
        } else {
        }
        %add3A_379 = arith.constant 2 : i32
        %add3A_380 = arith.addi %add3A_329, %add3A_379 : i32
        %mul3A_381 = arith.constant 80 : i32
        %mul3A_382 = arith.muli %add3A_380, %mul3A_381 : i32
        %add3A_383 = arith.addi %mul3A_3, %mul3A_382 : i32
        %add3A_384 = arith.constant 0 : i32
        %add3A_385 = arith.addi %add3A_384, %add3A_383 : i32
        %dma_start3A_386 = arith.constant 2 : i32
        %dma_start3A_387 = arith.constant 0 : i32
        %dma_start3A_388 = tpu.memref_slice %arg7[%dma_start3A_386, %dma_start3A_387] : memref<3x80xi32, #tpu.memory_space<vmem>> -> memref<1x80xi32, #tpu.memory_space<vmem>>
        %dma_start3A_389 = tpu.memref_squeeze %dma_start3A_388 : memref<1x80xi32, #tpu.memory_space<vmem>> -> memref<80xi32, #tpu.memory_space<vmem>>
        %dma_start3A_390 = tpu.memref_slice %arg3[%add3A_385] : memref<640000xi32, #tpu.memory_space<hbm>> -> memref<80xi32, #tpu.memory_space<hbm>>
        %dma_start3A_391 = arith.constant 0 : i32
        %dma_start3A_392 = tpu.memref_slice %arg7[%dma_start3A_386, %dma_start3A_391] : memref<3x80xi32, #tpu.memory_space<vmem>> -> memref<1x80xi32, #tpu.memory_space<vmem>>
        %dma_start3A_393 = tpu.memref_squeeze %dma_start3A_392 : memref<1x80xi32, #tpu.memory_space<vmem>> -> memref<80xi32, #tpu.memory_space<vmem>>
        %dma_start3A_394 = tpu.memref_slice %arg3[%add3A_385] : memref<640000xi32, #tpu.memory_space<hbm>> -> memref<80xi32, #tpu.memory_space<hbm>>
        tpu.enqueue_dma source(%dma_start3A_394 : memref<80xi32, #tpu.memory_space<hbm>>) target(%dma_start3A_393 : memref<80xi32, #tpu.memory_space<vmem>>) target_semaphore(%arg14 : memref<!tpu.dma_semaphore, #tpu.memory_space<semaphore_mem>>)
        %dma_start3A_395 = arith.constant 2 : i32
        %dma_start3A_396 = arith.constant 0 : i32
        %dma_start3A_397 = arith.constant 0 : i32
        %dma_start3A_398 = tpu.memref_slice %arg6[%dma_start3A_395, %dma_start3A_396, %dma_start3A_397] : memref<3x80x128xf32, #tpu.memory_space<vmem>> -> memref<1x80x128xf32, #tpu.memory_space<vmem>>
        %dma_start3A_399 = tpu.memref_squeeze %dma_start3A_398 : memref<1x80x128xf32, #tpu.memory_space<vmem>> -> memref<80x128xf32, #tpu.memory_space<vmem>>
        %dma_start3A_400 = arith.constant 128 : i32
        %dma_start3A_401 = tpu.memref_slice %arg2[%add3A_383, %dma_start3A_400] : memref<320000x256xf32, #tpu.memory_space<hbm>> -> memref<80x128xf32, #tpu.memory_space<hbm>>
        %dma_start3A_402 = arith.constant 0 : i32
        %dma_start3A_403 = arith.constant 0 : i32
        %dma_start3A_404 = tpu.memref_slice %arg6[%dma_start3A_395, %dma_start3A_402, %dma_start3A_403] : memref<3x80x128xf32, #tpu.memory_space<vmem>> -> memref<1x80x128xf32, #tpu.memory_space<vmem>>
        %dma_start3A_405 = tpu.memref_squeeze %dma_start3A_404 : memref<1x80x128xf32, #tpu.memory_space<vmem>> -> memref<80x128xf32, #tpu.memory_space<vmem>>
        %dma_start3A_406 = arith.constant 128 : i32
        %dma_start3A_407 = tpu.memref_slice %arg2[%add3A_383, %dma_start3A_406] : memref<320000x256xf32, #tpu.memory_space<hbm>> -> memref<80x128xf32, #tpu.memory_space<hbm>>
        tpu.enqueue_dma source(%dma_start3A_407 : memref<80x128xf32, #tpu.memory_space<hbm>>) target(%dma_start3A_405 : memref<80x128xf32, #tpu.memory_space<vmem>>) target_semaphore(%arg14 : memref<!tpu.dma_semaphore, #tpu.memory_space<semaphore_mem>>)
        %mul3A_408 = arith.constant 3 : i32
        %mul3A_409 = arith.muli %scan3A_325, %mul3A_408 : i32
        %add3A_410 = arith.constant 1 : i32
        %add3A_411 = arith.addi %mul3A_409, %add3A_410 : i32
        %mul3A_412 = arith.constant 80 : i32
        %mul3A_413 = arith.muli %add3A_411, %mul3A_412 : i32
        %add3A_414 = arith.addi %mul3A_3, %mul3A_413 : i32
        %add3A_415 = arith.constant 0 : i32
        %add3A_416 = arith.addi %add3A_415, %add3A_414 : i32
        %dma_wait3A_417 = arith.constant 1 : i32
        %dma_wait3A_418 = arith.constant 0 : i32
        %dma_wait3A_419 = tpu.memref_slice %arg7[%dma_wait3A_417, %dma_wait3A_418] : memref<3x80xi32, #tpu.memory_space<vmem>> -> memref<1x80xi32, #tpu.memory_space<vmem>>
        %dma_wait3A_420 = tpu.memref_squeeze %dma_wait3A_419 : memref<1x80xi32, #tpu.memory_space<vmem>> -> memref<80xi32, #tpu.memory_space<vmem>>
        %dma_wait3A_421 = tpu.memref_slice %arg3[%add3A_416] : memref<640000xi32, #tpu.memory_space<hbm>> -> memref<80xi32, #tpu.memory_space<hbm>>
        %dma_wait3A_422 = arith.constant 0 : i32
        %dma_wait3A_423 = tpu.memref_slice %arg7[%dma_wait3A_417, %dma_wait3A_422] : memref<3x80xi32, #tpu.memory_space<vmem>> -> memref<1x80xi32, #tpu.memory_space<vmem>>
        %dma_wait3A_424 = tpu.memref_squeeze %dma_wait3A_423 : memref<1x80xi32, #tpu.memory_space<vmem>> -> memref<80xi32, #tpu.memory_space<vmem>>
        %dma_wait3A_425 = tpu.memref_slice %arg3[%add3A_416] : memref<640000xi32, #tpu.memory_space<hbm>> -> memref<80xi32, #tpu.memory_space<hbm>>
        tpu.wait_dma2 semaphore(%arg13 : memref<!tpu.dma_semaphore, #tpu.memory_space<semaphore_mem>>) src(%dma_wait3A_425 : memref<80xi32, #tpu.memory_space<hbm>>) dst(%dma_wait3A_424 : memref<80xi32, #tpu.memory_space<vmem>>)
        %dma_wait3A_426 = arith.constant 1 : i32
        %dma_wait3A_427 = arith.constant 0 : i32
        %dma_wait3A_428 = arith.constant 0 : i32
        %dma_wait3A_429 = tpu.memref_slice %arg6[%dma_wait3A_426, %dma_wait3A_427, %dma_wait3A_428] : memref<3x80x128xf32, #tpu.memory_space<vmem>> -> memref<1x80x128xf32, #tpu.memory_space<vmem>>
        %dma_wait3A_430 = tpu.memref_squeeze %dma_wait3A_429 : memref<1x80x128xf32, #tpu.memory_space<vmem>> -> memref<80x128xf32, #tpu.memory_space<vmem>>
        %dma_wait3A_431 = arith.constant 128 : i32
        %dma_wait3A_432 = tpu.memref_slice %arg2[%add3A_414, %dma_wait3A_431] : memref<320000x256xf32, #tpu.memory_space<hbm>> -> memref<80x128xf32, #tpu.memory_space<hbm>>
        %dma_wait3A_433 = arith.constant 0 : i32
        %dma_wait3A_434 = arith.constant 0 : i32
        %dma_wait3A_435 = tpu.memref_slice %arg6[%dma_wait3A_426, %dma_wait3A_433, %dma_wait3A_434] : memref<3x80x128xf32, #tpu.memory_space<vmem>> -> memref<1x80x128xf32, #tpu.memory_space<vmem>>
        %dma_wait3A_436 = tpu.memref_squeeze %dma_wait3A_435 : memref<1x80x128xf32, #tpu.memory_space<vmem>> -> memref<80x128xf32, #tpu.memory_space<vmem>>
        %dma_wait3A_437 = arith.constant 128 : i32
        %dma_wait3A_438 = tpu.memref_slice %arg2[%add3A_414, %dma_wait3A_437] : memref<320000x256xf32, #tpu.memory_space<hbm>> -> memref<80x128xf32, #tpu.memory_space<hbm>>
        tpu.wait_dma2 semaphore(%arg13 : memref<!tpu.dma_semaphore, #tpu.memory_space<semaphore_mem>>) src(%dma_wait3A_438 : memref<80x128xf32, #tpu.memory_space<hbm>>) dst(%dma_wait3A_436 : memref<80x128xf32, #tpu.memory_space<vmem>>)
        %dma_start3A_439 = arith.constant 1 : i32
        %dma_start3A_440 = arith.constant 1 : i32
        %dma_start3A_441 = arith.constant 0 : i32
        %dma_start3A_442 = arith.constant 0 : i32
        %dma_start3A_443 = tpu.memref_slice %arg6[%dma_start3A_439, %dma_start3A_441, %dma_start3A_442] : memref<3x80x128xf32, #tpu.memory_space<vmem>> -> memref<1x80x128xf32, #tpu.memory_space<vmem>>
        %dma_start3A_444 = tpu.memref_squeeze %dma_start3A_443 : memref<1x80x128xf32, #tpu.memory_space<vmem>> -> memref<80x128xf32, #tpu.memory_space<vmem>>
        %dma_start3A_445 = arith.constant 0 : i32
        %dma_start3A_446 = tpu.memref_slice %arg7[%dma_start3A_440, %dma_start3A_445] : memref<3x80xi32, #tpu.memory_space<vmem>> -> memref<1x80xi32, #tpu.memory_space<vmem>>
        %dma_start3A_447 = tpu.memref_squeeze %dma_start3A_446 : memref<1x80xi32, #tpu.memory_space<vmem>> -> memref<80xi32, #tpu.memory_space<vmem>>
        %dma_start3A_448 = arith.constant 0 : i32
        %dma_start3A_449 = arith.constant 0 : i32
        %dma_start3A_450 = tpu.memref_slice %arg10[%dma_start3A_448, %dma_start3A_449] : memref<10000x128xf32, #tpu.memory_space<vmem_shared>> -> memref<10000x128xf32, #tpu.memory_space<vmem_shared>>
        tpu.enqueue_indirect_dma source(%dma_start3A_444 : memref<80x128xf32, #tpu.memory_space<vmem>>) target(%dma_start3A_450 : memref<10000x128xf32, #tpu.memory_space<vmem_shared>>) offsets(%dma_start3A_447 : memref<80xi32, #tpu.memory_space<vmem>>) semaphore(%arg16 : memref<!tpu.dma_semaphore, #tpu.memory_space<semaphore_mem>>) {add = true}
        %dma_start3A_451 = arith.constant 1 : i32
        %dma_start3A_452 = arith.constant 0 : i32
        %dma_start3A_453 = tpu.memref_slice %arg7[%dma_start3A_451, %dma_start3A_452] : memref<3x80xi32, #tpu.memory_space<vmem>> -> memref<1x80xi32, #tpu.memory_space<vmem>>
        %dma_start3A_454 = tpu.memref_squeeze %dma_start3A_453 : memref<1x80xi32, #tpu.memory_space<vmem>> -> memref<80xi32, #tpu.memory_space<vmem>>
        %dma_start3A_455 = arith.constant 0 : i32
        %dma_start3A_456 = tpu.memref_slice %arg11[%dma_start3A_455] : memref<10000xf32, #tpu.memory_space<vmem_shared>> -> memref<10000xf32, #tpu.memory_space<vmem_shared>>
        tpu.enqueue_indirect_dma source(%arg8 : memref<80xf32, #tpu.memory_space<vmem>>) target(%dma_start3A_456 : memref<10000xf32, #tpu.memory_space<vmem_shared>>) offsets(%dma_start3A_454 : memref<80xi32, #tpu.memory_space<vmem>>) semaphore(%arg16 : memref<!tpu.dma_semaphore, #tpu.memory_space<semaphore_mem>>) {add = true}
        %dma_wait3A_457 = arith.constant 0 : i32
        %dma_wait3A_458 = arith.constant 0 : i32
        %dma_wait3A_459 = arith.constant 0 : i32
        %dma_wait3A_460 = arith.constant 0 : i32
        %dma_wait3A_461 = tpu.memref_slice %arg6[%dma_wait3A_457, %dma_wait3A_459, %dma_wait3A_460] : memref<3x80x128xf32, #tpu.memory_space<vmem>> -> memref<1x80x128xf32, #tpu.memory_space<vmem>>
        %dma_wait3A_462 = tpu.memref_squeeze %dma_wait3A_461 : memref<1x80x128xf32, #tpu.memory_space<vmem>> -> memref<80x128xf32, #tpu.memory_space<vmem>>
        %dma_wait3A_463 = arith.constant 0 : i32
        %dma_wait3A_464 = tpu.memref_slice %arg7[%dma_wait3A_458, %dma_wait3A_463] : memref<3x80xi32, #tpu.memory_space<vmem>> -> memref<1x80xi32, #tpu.memory_space<vmem>>
        %dma_wait3A_465 = tpu.memref_squeeze %dma_wait3A_464 : memref<1x80xi32, #tpu.memory_space<vmem>> -> memref<80xi32, #tpu.memory_space<vmem>>
        %dma_wait3A_466 = arith.constant 0 : i32
        %dma_wait3A_467 = arith.constant 0 : i32
        %dma_wait3A_468 = tpu.memref_slice %arg10[%dma_wait3A_466, %dma_wait3A_467] : memref<10000x128xf32, #tpu.memory_space<vmem_shared>> -> memref<10000x128xf32, #tpu.memory_space<vmem_shared>>
        tpu.wait_indirect_dma semaphore(%arg15 : memref<!tpu.dma_semaphore, #tpu.memory_space<semaphore_mem>>) src(%dma_wait3A_462 : memref<80x128xf32, #tpu.memory_space<vmem>>) dst(%dma_wait3A_468 : memref<10000x128xf32, #tpu.memory_space<vmem_shared>>)
        %dma_wait3A_469 = arith.constant 0 : i32
        %dma_wait3A_470 = arith.constant 0 : i32
        %dma_wait3A_471 = tpu.memref_slice %arg7[%dma_wait3A_469, %dma_wait3A_470] : memref<3x80xi32, #tpu.memory_space<vmem>> -> memref<1x80xi32, #tpu.memory_space<vmem>>
        %dma_wait3A_472 = tpu.memref_squeeze %dma_wait3A_471 : memref<1x80xi32, #tpu.memory_space<vmem>> -> memref<80xi32, #tpu.memory_space<vmem>>
        %dma_wait3A_473 = arith.constant 0 : i32
        %dma_wait3A_474 = tpu.memref_slice %arg11[%dma_wait3A_473] : memref<10000xf32, #tpu.memory_space<vmem_shared>> -> memref<10000xf32, #tpu.memory_space<vmem_shared>>
        tpu.wait_indirect_dma semaphore(%arg15 : memref<!tpu.dma_semaphore, #tpu.memory_space<semaphore_mem>>) src(%arg8 : memref<80xf32, #tpu.memory_space<vmem>>) dst(%dma_wait3A_474 : memref<10000xf32, #tpu.memory_space<vmem_shared>>)
        %add3A_475 = arith.constant 2 : i32
        %add3A_476 = arith.addi %add3A_411, %add3A_475 : i32
        %mul3A_477 = arith.constant 80 : i32
        %mul3A_478 = arith.muli %add3A_476, %mul3A_477 : i32
        %add3A_479 = arith.addi %mul3A_3, %mul3A_478 : i32
        %add3A_480 = arith.constant 0 : i32
        %add3A_481 = arith.addi %add3A_480, %add3A_479 : i32
        %dma_start3A_482 = arith.constant 0 : i32
        %dma_start3A_483 = arith.constant 0 : i32
        %dma_start3A_484 = tpu.memref_slice %arg7[%dma_start3A_482, %dma_start3A_483] : memref<3x80xi32, #tpu.memory_space<vmem>> -> memref<1x80xi32, #tpu.memory_space<vmem>>
        %dma_start3A_485 = tpu.memref_squeeze %dma_start3A_484 : memref<1x80xi32, #tpu.memory_space<vmem>> -> memref<80xi32, #tpu.memory_space<vmem>>
        %dma_start3A_486 = tpu.memref_slice %arg3[%add3A_481] : memref<640000xi32, #tpu.memory_space<hbm>> -> memref<80xi32, #tpu.memory_space<hbm>>
        %dma_start3A_487 = arith.constant 0 : i32
        %dma_start3A_488 = tpu.memref_slice %arg7[%dma_start3A_482, %dma_start3A_487] : memref<3x80xi32, #tpu.memory_space<vmem>> -> memref<1x80xi32, #tpu.memory_space<vmem>>
        %dma_start3A_489 = tpu.memref_squeeze %dma_start3A_488 : memref<1x80xi32, #tpu.memory_space<vmem>> -> memref<80xi32, #tpu.memory_space<vmem>>
        %dma_start3A_490 = tpu.memref_slice %arg3[%add3A_481] : memref<640000xi32, #tpu.memory_space<hbm>> -> memref<80xi32, #tpu.memory_space<hbm>>
        tpu.enqueue_dma source(%dma_start3A_490 : memref<80xi32, #tpu.memory_space<hbm>>) target(%dma_start3A_489 : memref<80xi32, #tpu.memory_space<vmem>>) target_semaphore(%arg12 : memref<!tpu.dma_semaphore, #tpu.memory_space<semaphore_mem>>)
        %dma_start3A_491 = arith.constant 0 : i32
        %dma_start3A_492 = arith.constant 0 : i32
        %dma_start3A_493 = arith.constant 0 : i32
        %dma_start3A_494 = tpu.memref_slice %arg6[%dma_start3A_491, %dma_start3A_492, %dma_start3A_493] : memref<3x80x128xf32, #tpu.memory_space<vmem>> -> memref<1x80x128xf32, #tpu.memory_space<vmem>>
        %dma_start3A_495 = tpu.memref_squeeze %dma_start3A_494 : memref<1x80x128xf32, #tpu.memory_space<vmem>> -> memref<80x128xf32, #tpu.memory_space<vmem>>
        %dma_start3A_496 = arith.constant 128 : i32
        %dma_start3A_497 = tpu.memref_slice %arg2[%add3A_479, %dma_start3A_496] : memref<320000x256xf32, #tpu.memory_space<hbm>> -> memref<80x128xf32, #tpu.memory_space<hbm>>
        %dma_start3A_498 = arith.constant 0 : i32
        %dma_start3A_499 = arith.constant 0 : i32
        %dma_start3A_500 = tpu.memref_slice %arg6[%dma_start3A_491, %dma_start3A_498, %dma_start3A_499] : memref<3x80x128xf32, #tpu.memory_space<vmem>> -> memref<1x80x128xf32, #tpu.memory_space<vmem>>
        %dma_start3A_501 = tpu.memref_squeeze %dma_start3A_500 : memref<1x80x128xf32, #tpu.memory_space<vmem>> -> memref<80x128xf32, #tpu.memory_space<vmem>>
        %dma_start3A_502 = arith.constant 128 : i32
        %dma_start3A_503 = tpu.memref_slice %arg2[%add3A_479, %dma_start3A_502] : memref<320000x256xf32, #tpu.memory_space<hbm>> -> memref<80x128xf32, #tpu.memory_space<hbm>>
        tpu.enqueue_dma source(%dma_start3A_503 : memref<80x128xf32, #tpu.memory_space<hbm>>) target(%dma_start3A_501 : memref<80x128xf32, #tpu.memory_space<vmem>>) target_semaphore(%arg12 : memref<!tpu.dma_semaphore, #tpu.memory_space<semaphore_mem>>)
        %mul3A_504 = arith.constant 3 : i32
        %mul3A_505 = arith.muli %scan3A_325, %mul3A_504 : i32
        %add3A_506 = arith.constant 2 : i32
        %add3A_507 = arith.addi %mul3A_505, %add3A_506 : i32
        %mul3A_508 = arith.constant 80 : i32
        %mul3A_509 = arith.muli %add3A_507, %mul3A_508 : i32
        %add3A_510 = arith.addi %mul3A_3, %mul3A_509 : i32
        %add3A_511 = arith.constant 0 : i32
        %add3A_512 = arith.addi %add3A_511, %add3A_510 : i32
        %dma_wait3A_513 = arith.constant 2 : i32
        %dma_wait3A_514 = arith.constant 0 : i32
        %dma_wait3A_515 = tpu.memref_slice %arg7[%dma_wait3A_513, %dma_wait3A_514] : memref<3x80xi32, #tpu.memory_space<vmem>> -> memref<1x80xi32, #tpu.memory_space<vmem>>
        %dma_wait3A_516 = tpu.memref_squeeze %dma_wait3A_515 : memref<1x80xi32, #tpu.memory_space<vmem>> -> memref<80xi32, #tpu.memory_space<vmem>>
        %dma_wait3A_517 = tpu.memref_slice %arg3[%add3A_512] : memref<640000xi32, #tpu.memory_space<hbm>> -> memref<80xi32, #tpu.memory_space<hbm>>
        %dma_wait3A_518 = arith.constant 0 : i32
        %dma_wait3A_519 = tpu.memref_slice %arg7[%dma_wait3A_513, %dma_wait3A_518] : memref<3x80xi32, #tpu.memory_space<vmem>> -> memref<1x80xi32, #tpu.memory_space<vmem>>
        %dma_wait3A_520 = tpu.memref_squeeze %dma_wait3A_519 : memref<1x80xi32, #tpu.memory_space<vmem>> -> memref<80xi32, #tpu.memory_space<vmem>>
        %dma_wait3A_521 = tpu.memref_slice %arg3[%add3A_512] : memref<640000xi32, #tpu.memory_space<hbm>> -> memref<80xi32, #tpu.memory_space<hbm>>
        tpu.wait_dma2 semaphore(%arg14 : memref<!tpu.dma_semaphore, #tpu.memory_space<semaphore_mem>>) src(%dma_wait3A_521 : memref<80xi32, #tpu.memory_space<hbm>>) dst(%dma_wait3A_520 : memref<80xi32, #tpu.memory_space<vmem>>)
        %dma_wait3A_522 = arith.constant 2 : i32
        %dma_wait3A_523 = arith.constant 0 : i32
        %dma_wait3A_524 = arith.constant 0 : i32
        %dma_wait3A_525 = tpu.memref_slice %arg6[%dma_wait3A_522, %dma_wait3A_523, %dma_wait3A_524] : memref<3x80x128xf32, #tpu.memory_space<vmem>> -> memref<1x80x128xf32, #tpu.memory_space<vmem>>
        %dma_wait3A_526 = tpu.memref_squeeze %dma_wait3A_525 : memref<1x80x128xf32, #tpu.memory_space<vmem>> -> memref<80x128xf32, #tpu.memory_space<vmem>>
        %dma_wait3A_527 = arith.constant 128 : i32
        %dma_wait3A_528 = tpu.memref_slice %arg2[%add3A_510, %dma_wait3A_527] : memref<320000x256xf32, #tpu.memory_space<hbm>> -> memref<80x128xf32, #tpu.memory_space<hbm>>
        %dma_wait3A_529 = arith.constant 0 : i32
        %dma_wait3A_530 = arith.constant 0 : i32
        %dma_wait3A_531 = tpu.memref_slice %arg6[%dma_wait3A_522, %dma_wait3A_529, %dma_wait3A_530] : memref<3x80x128xf32, #tpu.memory_space<vmem>> -> memref<1x80x128xf32, #tpu.memory_space<vmem>>
        %dma_wait3A_532 = tpu.memref_squeeze %dma_wait3A_531 : memref<1x80x128xf32, #tpu.memory_space<vmem>> -> memref<80x128xf32, #tpu.memory_space<vmem>>
        %dma_wait3A_533 = arith.constant 128 : i32
        %dma_wait3A_534 = tpu.memref_slice %arg2[%add3A_510, %dma_wait3A_533] : memref<320000x256xf32, #tpu.memory_space<hbm>> -> memref<80x128xf32, #tpu.memory_space<hbm>>
        tpu.wait_dma2 semaphore(%arg14 : memref<!tpu.dma_semaphore, #tpu.memory_space<semaphore_mem>>) src(%dma_wait3A_534 : memref<80x128xf32, #tpu.memory_space<hbm>>) dst(%dma_wait3A_532 : memref<80x128xf32, #tpu.memory_space<vmem>>)
        %dma_start3A_535 = arith.constant 2 : i32
        %dma_start3A_536 = arith.constant 2 : i32
        %dma_start3A_537 = arith.constant 0 : i32
        %dma_start3A_538 = arith.constant 0 : i32
        %dma_start3A_539 = tpu.memref_slice %arg6[%dma_start3A_535, %dma_start3A_537, %dma_start3A_538] : memref<3x80x128xf32, #tpu.memory_space<vmem>> -> memref<1x80x128xf32, #tpu.memory_space<vmem>>
        %dma_start3A_540 = tpu.memref_squeeze %dma_start3A_539 : memref<1x80x128xf32, #tpu.memory_space<vmem>> -> memref<80x128xf32, #tpu.memory_space<vmem>>
        %dma_start3A_541 = arith.constant 0 : i32
        %dma_start3A_542 = tpu.memref_slice %arg7[%dma_start3A_536, %dma_start3A_541] : memref<3x80xi32, #tpu.memory_space<vmem>> -> memref<1x80xi32, #tpu.memory_space<vmem>>
        %dma_start3A_543 = tpu.memref_squeeze %dma_start3A_542 : memref<1x80xi32, #tpu.memory_space<vmem>> -> memref<80xi32, #tpu.memory_space<vmem>>
        %dma_start3A_544 = arith.constant 0 : i32
        %dma_start3A_545 = arith.constant 0 : i32
        %dma_start3A_546 = tpu.memref_slice %arg10[%dma_start3A_544, %dma_start3A_545] : memref<10000x128xf32, #tpu.memory_space<vmem_shared>> -> memref<10000x128xf32, #tpu.memory_space<vmem_shared>>
        tpu.enqueue_indirect_dma source(%dma_start3A_540 : memref<80x128xf32, #tpu.memory_space<vmem>>) target(%dma_start3A_546 : memref<10000x128xf32, #tpu.memory_space<vmem_shared>>) offsets(%dma_start3A_543 : memref<80xi32, #tpu.memory_space<vmem>>) semaphore(%arg17 : memref<!tpu.dma_semaphore, #tpu.memory_space<semaphore_mem>>) {add = true}
        %dma_start3A_547 = arith.constant 2 : i32
        %dma_start3A_548 = arith.constant 0 : i32
        %dma_start3A_549 = tpu.memref_slice %arg7[%dma_start3A_547, %dma_start3A_548] : memref<3x80xi32, #tpu.memory_space<vmem>> -> memref<1x80xi32, #tpu.memory_space<vmem>>
        %dma_start3A_550 = tpu.memref_squeeze %dma_start3A_549 : memref<1x80xi32, #tpu.memory_space<vmem>> -> memref<80xi32, #tpu.memory_space<vmem>>
        %dma_start3A_551 = arith.constant 0 : i32
        %dma_start3A_552 = tpu.memref_slice %arg11[%dma_start3A_551] : memref<10000xf32, #tpu.memory_space<vmem_shared>> -> memref<10000xf32, #tpu.memory_space<vmem_shared>>
        tpu.enqueue_indirect_dma source(%arg8 : memref<80xf32, #tpu.memory_space<vmem>>) target(%dma_start3A_552 : memref<10000xf32, #tpu.memory_space<vmem_shared>>) offsets(%dma_start3A_550 : memref<80xi32, #tpu.memory_space<vmem>>) semaphore(%arg17 : memref<!tpu.dma_semaphore, #tpu.memory_space<semaphore_mem>>) {add = true}
        %dma_wait3A_553 = arith.constant 1 : i32
        %dma_wait3A_554 = arith.constant 1 : i32
        %dma_wait3A_555 = arith.constant 0 : i32
        %dma_wait3A_556 = arith.constant 0 : i32
        %dma_wait3A_557 = tpu.memref_slice %arg6[%dma_wait3A_553, %dma_wait3A_555, %dma_wait3A_556] : memref<3x80x128xf32, #tpu.memory_space<vmem>> -> memref<1x80x128xf32, #tpu.memory_space<vmem>>
        %dma_wait3A_558 = tpu.memref_squeeze %dma_wait3A_557 : memref<1x80x128xf32, #tpu.memory_space<vmem>> -> memref<80x128xf32, #tpu.memory_space<vmem>>
        %dma_wait3A_559 = arith.constant 0 : i32
        %dma_wait3A_560 = tpu.memref_slice %arg7[%dma_wait3A_554, %dma_wait3A_559] : memref<3x80xi32, #tpu.memory_space<vmem>> -> memref<1x80xi32, #tpu.memory_space<vmem>>
        %dma_wait3A_561 = tpu.memref_squeeze %dma_wait3A_560 : memref<1x80xi32, #tpu.memory_space<vmem>> -> memref<80xi32, #tpu.memory_space<vmem>>
        %dma_wait3A_562 = arith.constant 0 : i32
        %dma_wait3A_563 = arith.constant 0 : i32
        %dma_wait3A_564 = tpu.memref_slice %arg10[%dma_wait3A_562, %dma_wait3A_563] : memref<10000x128xf32, #tpu.memory_space<vmem_shared>> -> memref<10000x128xf32, #tpu.memory_space<vmem_shared>>
        tpu.wait_indirect_dma semaphore(%arg16 : memref<!tpu.dma_semaphore, #tpu.memory_space<semaphore_mem>>) src(%dma_wait3A_558 : memref<80x128xf32, #tpu.memory_space<vmem>>) dst(%dma_wait3A_564 : memref<10000x128xf32, #tpu.memory_space<vmem_shared>>)
        %dma_wait3A_565 = arith.constant 1 : i32
        %dma_wait3A_566 = arith.constant 0 : i32
        %dma_wait3A_567 = tpu.memref_slice %arg7[%dma_wait3A_565, %dma_wait3A_566] : memref<3x80xi32, #tpu.memory_space<vmem>> -> memref<1x80xi32, #tpu.memory_space<vmem>>
        %dma_wait3A_568 = tpu.memref_squeeze %dma_wait3A_567 : memref<1x80xi32, #tpu.memory_space<vmem>> -> memref<80xi32, #tpu.memory_space<vmem>>
        %dma_wait3A_569 = arith.constant 0 : i32
        %dma_wait3A_570 = tpu.memref_slice %arg11[%dma_wait3A_569] : memref<10000xf32, #tpu.memory_space<vmem_shared>> -> memref<10000xf32, #tpu.memory_space<vmem_shared>>
        tpu.wait_indirect_dma semaphore(%arg16 : memref<!tpu.dma_semaphore, #tpu.memory_space<semaphore_mem>>) src(%arg8 : memref<80xf32, #tpu.memory_space<vmem>>) dst(%dma_wait3A_570 : memref<10000xf32, #tpu.memory_space<vmem_shared>>)
        %lt3A = arith.constant 82 : i32
        %lt3A_571 = arith.cmpi slt, %scan3A_325, %lt3A : i32
        %convert_element_type3A_572 = arith.extui %lt3A_571 : i1 to i32
        %cond3A_573 = arith.constant 0 : i32
        %cond3A_574 = arith.cmpi ne, %convert_element_type3A_572, %cond3A_573 : i32
        scf.if %cond3A_574 {
          %add3A_575 = arith.constant 2 : i32
          %add3A_576 = arith.addi %add3A_507, %add3A_575 : i32
          %mul3A_577 = arith.constant 80 : i32
          %mul3A_578 = arith.muli %add3A_576, %mul3A_577 : i32
          %add3A_579 = arith.addi %mul3A_3, %mul3A_578 : i32
          %add3A_580 = arith.constant 0 : i32
          %add3A_581 = arith.addi %add3A_580, %add3A_579 : i32
          %dma_start3A_582 = arith.constant 1 : i32
          %dma_start3A_583 = arith.constant 0 : i32
          %dma_start3A_584 = tpu.memref_slice %arg7[%dma_start3A_582, %dma_start3A_583] : memref<3x80xi32, #tpu.memory_space<vmem>> -> memref<1x80xi32, #tpu.memory_space<vmem>>
          %dma_start3A_585 = tpu.memref_squeeze %dma_start3A_584 : memref<1x80xi32, #tpu.memory_space<vmem>> -> memref<80xi32, #tpu.memory_space<vmem>>
          %dma_start3A_586 = tpu.memref_slice %arg3[%add3A_581] : memref<640000xi32, #tpu.memory_space<hbm>> -> memref<80xi32, #tpu.memory_space<hbm>>
          %dma_start3A_587 = arith.constant 0 : i32
          %dma_start3A_588 = tpu.memref_slice %arg7[%dma_start3A_582, %dma_start3A_587] : memref<3x80xi32, #tpu.memory_space<vmem>> -> memref<1x80xi32, #tpu.memory_space<vmem>>
          %dma_start3A_589 = tpu.memref_squeeze %dma_start3A_588 : memref<1x80xi32, #tpu.memory_space<vmem>> -> memref<80xi32, #tpu.memory_space<vmem>>
          %dma_start3A_590 = tpu.memref_slice %arg3[%add3A_581] : memref<640000xi32, #tpu.memory_space<hbm>> -> memref<80xi32, #tpu.memory_space<hbm>>
          tpu.enqueue_dma source(%dma_start3A_590 : memref<80xi32, #tpu.memory_space<hbm>>) target(%dma_start3A_589 : memref<80xi32, #tpu.memory_space<vmem>>) target_semaphore(%arg13 : memref<!tpu.dma_semaphore, #tpu.memory_space<semaphore_mem>>)
          %dma_start3A_591 = arith.constant 1 : i32
          %dma_start3A_592 = arith.constant 0 : i32
          %dma_start3A_593 = arith.constant 0 : i32
          %dma_start3A_594 = tpu.memref_slice %arg6[%dma_start3A_591, %dma_start3A_592, %dma_start3A_593] : memref<3x80x128xf32, #tpu.memory_space<vmem>> -> memref<1x80x128xf32, #tpu.memory_space<vmem>>
          %dma_start3A_595 = tpu.memref_squeeze %dma_start3A_594 : memref<1x80x128xf32, #tpu.memory_space<vmem>> -> memref<80x128xf32, #tpu.memory_space<vmem>>
          %dma_start3A_596 = arith.constant 128 : i32
          %dma_start3A_597 = tpu.memref_slice %arg2[%add3A_579, %dma_start3A_596] : memref<320000x256xf32, #tpu.memory_space<hbm>> -> memref<80x128xf32, #tpu.memory_space<hbm>>
          %dma_start3A_598 = arith.constant 0 : i32
          %dma_start3A_599 = arith.constant 0 : i32
          %dma_start3A_600 = tpu.memref_slice %arg6[%dma_start3A_591, %dma_start3A_598, %dma_start3A_599] : memref<3x80x128xf32, #tpu.memory_space<vmem>> -> memref<1x80x128xf32, #tpu.memory_space<vmem>>
          %dma_start3A_601 = tpu.memref_squeeze %dma_start3A_600 : memref<1x80x128xf32, #tpu.memory_space<vmem>> -> memref<80x128xf32, #tpu.memory_space<vmem>>
          %dma_start3A_602 = arith.constant 128 : i32
          %dma_start3A_603 = tpu.memref_slice %arg2[%add3A_579, %dma_start3A_602] : memref<320000x256xf32, #tpu.memory_space<hbm>> -> memref<80x128xf32, #tpu.memory_space<hbm>>
          tpu.enqueue_dma source(%dma_start3A_603 : memref<80x128xf32, #tpu.memory_space<hbm>>) target(%dma_start3A_601 : memref<80x128xf32, #tpu.memory_space<vmem>>) target_semaphore(%arg13 : memref<!tpu.dma_semaphore, #tpu.memory_space<semaphore_mem>>)
        } else {
        }
      }
      %scan3A_246 = arith.constant 83 : i32
      %add3A_247 = arith.constant 19920 : i32
      %add3A_248 = arith.addi %mul3A_3, %add3A_247 : i32
      %add3A_249 = arith.constant 0 : i32
      %add3A_250 = arith.addi %add3A_249, %add3A_248 : i32
      %dma_wait3A = arith.constant 0 : i32
      %dma_wait3A_251 = arith.constant 0 : i32
      %dma_wait3A_252 = tpu.memref_slice %arg7[%dma_wait3A, %dma_wait3A_251] : memref<3x80xi32, #tpu.memory_space<vmem>> -> memref<1x80xi32, #tpu.memory_space<vmem>>
      %dma_wait3A_253 = tpu.memref_squeeze %dma_wait3A_252 : memref<1x80xi32, #tpu.memory_space<vmem>> -> memref<80xi32, #tpu.memory_space<vmem>>
      %dma_wait3A_254 = tpu.memref_slice %arg3[%add3A_250] : memref<640000xi32, #tpu.memory_space<hbm>> -> memref<80xi32, #tpu.memory_space<hbm>>
      %dma_wait3A_255 = arith.constant 0 : i32
      %dma_wait3A_256 = tpu.memref_slice %arg7[%dma_wait3A, %dma_wait3A_255] : memref<3x80xi32, #tpu.memory_space<vmem>> -> memref<1x80xi32, #tpu.memory_space<vmem>>
      %dma_wait3A_257 = tpu.memref_squeeze %dma_wait3A_256 : memref<1x80xi32, #tpu.memory_space<vmem>> -> memref<80xi32, #tpu.memory_space<vmem>>
      %dma_wait3A_258 = tpu.memref_slice %arg3[%add3A_250] : memref<640000xi32, #tpu.memory_space<hbm>> -> memref<80xi32, #tpu.memory_space<hbm>>
      tpu.wait_dma2 semaphore(%arg12 : memref<!tpu.dma_semaphore, #tpu.memory_space<semaphore_mem>>) src(%dma_wait3A_258 : memref<80xi32, #tpu.memory_space<hbm>>) dst(%dma_wait3A_257 : memref<80xi32, #tpu.memory_space<vmem>>)
      %dma_wait3A_259 = arith.constant 0 : i32
      %dma_wait3A_260 = arith.constant 0 : i32
      %dma_wait3A_261 = arith.constant 0 : i32
      %dma_wait3A_262 = tpu.memref_slice %arg6[%dma_wait3A_259, %dma_wait3A_260, %dma_wait3A_261] : memref<3x80x128xf32, #tpu.memory_space<vmem>> -> memref<1x80x128xf32, #tpu.memory_space<vmem>>
      %dma_wait3A_263 = tpu.memref_squeeze %dma_wait3A_262 : memref<1x80x128xf32, #tpu.memory_space<vmem>> -> memref<80x128xf32, #tpu.memory_space<vmem>>
      %dma_wait3A_264 = arith.constant 128 : i32
      %dma_wait3A_265 = tpu.memref_slice %arg2[%add3A_248, %dma_wait3A_264] : memref<320000x256xf32, #tpu.memory_space<hbm>> -> memref<80x128xf32, #tpu.memory_space<hbm>>
      %dma_wait3A_266 = arith.constant 0 : i32
      %dma_wait3A_267 = arith.constant 0 : i32
      %dma_wait3A_268 = tpu.memref_slice %arg6[%dma_wait3A_259, %dma_wait3A_266, %dma_wait3A_267] : memref<3x80x128xf32, #tpu.memory_space<vmem>> -> memref<1x80x128xf32, #tpu.memory_space<vmem>>
      %dma_wait3A_269 = tpu.memref_squeeze %dma_wait3A_268 : memref<1x80x128xf32, #tpu.memory_space<vmem>> -> memref<80x128xf32, #tpu.memory_space<vmem>>
      %dma_wait3A_270 = arith.constant 128 : i32
      %dma_wait3A_271 = tpu.memref_slice %arg2[%add3A_248, %dma_wait3A_270] : memref<320000x256xf32, #tpu.memory_space<hbm>> -> memref<80x128xf32, #tpu.memory_space<hbm>>
      tpu.wait_dma2 semaphore(%arg12 : memref<!tpu.dma_semaphore, #tpu.memory_space<semaphore_mem>>) src(%dma_wait3A_271 : memref<80x128xf32, #tpu.memory_space<hbm>>) dst(%dma_wait3A_269 : memref<80x128xf32, #tpu.memory_space<vmem>>)
      %dma_start3A = arith.constant 0 : i32
      %dma_start3A_272 = arith.constant 0 : i32
      %dma_start3A_273 = arith.constant 0 : i32
      %dma_start3A_274 = arith.constant 0 : i32
      %dma_start3A_275 = tpu.memref_slice %arg6[%dma_start3A, %dma_start3A_273, %dma_start3A_274] : memref<3x80x128xf32, #tpu.memory_space<vmem>> -> memref<1x80x128xf32, #tpu.memory_space<vmem>>
      %dma_start3A_276 = tpu.memref_squeeze %dma_start3A_275 : memref<1x80x128xf32, #tpu.memory_space<vmem>> -> memref<80x128xf32, #tpu.memory_space<vmem>>
      %dma_start3A_277 = arith.constant 0 : i32
      %dma_start3A_278 = tpu.memref_slice %arg7[%dma_start3A_272, %dma_start3A_277] : memref<3x80xi32, #tpu.memory_space<vmem>> -> memref<1x80xi32, #tpu.memory_space<vmem>>
      %dma_start3A_279 = tpu.memref_squeeze %dma_start3A_278 : memref<1x80xi32, #tpu.memory_space<vmem>> -> memref<80xi32, #tpu.memory_space<vmem>>
      %dma_start3A_280 = arith.constant 0 : i32
      %dma_start3A_281 = arith.constant 0 : i32
      %dma_start3A_282 = tpu.memref_slice %arg10[%dma_start3A_280, %dma_start3A_281] : memref<10000x128xf32, #tpu.memory_space<vmem_shared>> -> memref<10000x128xf32, #tpu.memory_space<vmem_shared>>
      tpu.enqueue_indirect_dma source(%dma_start3A_276 : memref<80x128xf32, #tpu.memory_space<vmem>>) target(%dma_start3A_282 : memref<10000x128xf32, #tpu.memory_space<vmem_shared>>) offsets(%dma_start3A_279 : memref<80xi32, #tpu.memory_space<vmem>>) semaphore(%arg15 : memref<!tpu.dma_semaphore, #tpu.memory_space<semaphore_mem>>) {add = true}
      %dma_start3A_283 = arith.constant 0 : i32
      %dma_start3A_284 = arith.constant 0 : i32
      %dma_start3A_285 = tpu.memref_slice %arg7[%dma_start3A_283, %dma_start3A_284] : memref<3x80xi32, #tpu.memory_space<vmem>> -> memref<1x80xi32, #tpu.memory_space<vmem>>
      %dma_start3A_286 = tpu.memref_squeeze %dma_start3A_285 : memref<1x80xi32, #tpu.memory_space<vmem>> -> memref<80xi32, #tpu.memory_space<vmem>>
      %dma_start3A_287 = arith.constant 0 : i32
      %dma_start3A_288 = tpu.memref_slice %arg11[%dma_start3A_287] : memref<10000xf32, #tpu.memory_space<vmem_shared>> -> memref<10000xf32, #tpu.memory_space<vmem_shared>>
      tpu.enqueue_indirect_dma source(%arg8 : memref<80xf32, #tpu.memory_space<vmem>>) target(%dma_start3A_288 : memref<10000xf32, #tpu.memory_space<vmem_shared>>) offsets(%dma_start3A_286 : memref<80xi32, #tpu.memory_space<vmem>>) semaphore(%arg15 : memref<!tpu.dma_semaphore, #tpu.memory_space<semaphore_mem>>) {add = true}
      %dma_wait3A_289 = arith.constant 2 : i32
      %dma_wait3A_290 = arith.constant 2 : i32
      %dma_wait3A_291 = arith.constant 0 : i32
      %dma_wait3A_292 = arith.constant 0 : i32
      %dma_wait3A_293 = tpu.memref_slice %arg6[%dma_wait3A_289, %dma_wait3A_291, %dma_wait3A_292] : memref<3x80x128xf32, #tpu.memory_space<vmem>> -> memref<1x80x128xf32, #tpu.memory_space<vmem>>
      %dma_wait3A_294 = tpu.memref_squeeze %dma_wait3A_293 : memref<1x80x128xf32, #tpu.memory_space<vmem>> -> memref<80x128xf32, #tpu.memory_space<vmem>>
      %dma_wait3A_295 = arith.constant 0 : i32
      %dma_wait3A_296 = tpu.memref_slice %arg7[%dma_wait3A_290, %dma_wait3A_295] : memref<3x80xi32, #tpu.memory_space<vmem>> -> memref<1x80xi32, #tpu.memory_space<vmem>>
      %dma_wait3A_297 = tpu.memref_squeeze %dma_wait3A_296 : memref<1x80xi32, #tpu.memory_space<vmem>> -> memref<80xi32, #tpu.memory_space<vmem>>
      %dma_wait3A_298 = arith.constant 0 : i32
      %dma_wait3A_299 = arith.constant 0 : i32
      %dma_wait3A_300 = tpu.memref_slice %arg10[%dma_wait3A_298, %dma_wait3A_299] : memref<10000x128xf32, #tpu.memory_space<vmem_shared>> -> memref<10000x128xf32, #tpu.memory_space<vmem_shared>>
      tpu.wait_indirect_dma semaphore(%arg17 : memref<!tpu.dma_semaphore, #tpu.memory_space<semaphore_mem>>) src(%dma_wait3A_294 : memref<80x128xf32, #tpu.memory_space<vmem>>) dst(%dma_wait3A_300 : memref<10000x128xf32, #tpu.memory_space<vmem_shared>>)
      %dma_wait3A_301 = arith.constant 2 : i32
      %dma_wait3A_302 = arith.constant 0 : i32
      %dma_wait3A_303 = tpu.memref_slice %arg7[%dma_wait3A_301, %dma_wait3A_302] : memref<3x80xi32, #tpu.memory_space<vmem>> -> memref<1x80xi32, #tpu.memory_space<vmem>>
      %dma_wait3A_304 = tpu.memref_squeeze %dma_wait3A_303 : memref<1x80xi32, #tpu.memory_space<vmem>> -> memref<80xi32, #tpu.memory_space<vmem>>
      %dma_wait3A_305 = arith.constant 0 : i32
      %dma_wait3A_306 = tpu.memref_slice %arg11[%dma_wait3A_305] : memref<10000xf32, #tpu.memory_space<vmem_shared>> -> memref<10000xf32, #tpu.memory_space<vmem_shared>>
      tpu.wait_indirect_dma semaphore(%arg17 : memref<!tpu.dma_semaphore, #tpu.memory_space<semaphore_mem>>) src(%arg8 : memref<80xf32, #tpu.memory_space<vmem>>) dst(%dma_wait3A_306 : memref<10000xf32, #tpu.memory_space<vmem_shared>>)
      %dma_wait3A_307 = arith.constant 0 : i32
      %dma_wait3A_308 = arith.constant 0 : i32
      %dma_wait3A_309 = arith.constant 0 : i32
      %dma_wait3A_310 = arith.constant 0 : i32
      %dma_wait3A_311 = tpu.memref_slice %arg6[%dma_wait3A_307, %dma_wait3A_309, %dma_wait3A_310] : memref<3x80x128xf32, #tpu.memory_space<vmem>> -> memref<1x80x128xf32, #tpu.memory_space<vmem>>
      %dma_wait3A_312 = tpu.memref_squeeze %dma_wait3A_311 : memref<1x80x128xf32, #tpu.memory_space<vmem>> -> memref<80x128xf32, #tpu.memory_space<vmem>>
      %dma_wait3A_313 = arith.constant 0 : i32
      %dma_wait3A_314 = tpu.memref_slice %arg7[%dma_wait3A_308, %dma_wait3A_313] : memref<3x80xi32, #tpu.memory_space<vmem>> -> memref<1x80xi32, #tpu.memory_space<vmem>>
      %dma_wait3A_315 = tpu.memref_squeeze %dma_wait3A_314 : memref<1x80xi32, #tpu.memory_space<vmem>> -> memref<80xi32, #tpu.memory_space<vmem>>
      %dma_wait3A_316 = arith.constant 0 : i32
      %dma_wait3A_317 = arith.constant 0 : i32
      %dma_wait3A_318 = tpu.memref_slice %arg10[%dma_wait3A_316, %dma_wait3A_317] : memref<10000x128xf32, #tpu.memory_space<vmem_shared>> -> memref<10000x128xf32, #tpu.memory_space<vmem_shared>>
      tpu.wait_indirect_dma semaphore(%arg15 : memref<!tpu.dma_semaphore, #tpu.memory_space<semaphore_mem>>) src(%dma_wait3A_312 : memref<80x128xf32, #tpu.memory_space<vmem>>) dst(%dma_wait3A_318 : memref<10000x128xf32, #tpu.memory_space<vmem_shared>>)
      %dma_wait3A_319 = arith.constant 0 : i32
      %dma_wait3A_320 = arith.constant 0 : i32
      %dma_wait3A_321 = tpu.memref_slice %arg7[%dma_wait3A_319, %dma_wait3A_320] : memref<3x80xi32, #tpu.memory_space<vmem>> -> memref<1x80xi32, #tpu.memory_space<vmem>>
      %dma_wait3A_322 = tpu.memref_squeeze %dma_wait3A_321 : memref<1x80xi32, #tpu.memory_space<vmem>> -> memref<80xi32, #tpu.memory_space<vmem>>
      %dma_wait3A_323 = arith.constant 0 : i32
      %dma_wait3A_324 = tpu.memref_slice %arg11[%dma_wait3A_323] : memref<10000xf32, #tpu.memory_space<vmem_shared>> -> memref<10000xf32, #tpu.memory_space<vmem_shared>>
      tpu.wait_indirect_dma semaphore(%arg15 : memref<!tpu.dma_semaphore, #tpu.memory_space<semaphore_mem>>) src(%arg8 : memref<80xf32, #tpu.memory_space<vmem>>) dst(%dma_wait3A_324 : memref<10000xf32, #tpu.memory_space<vmem_shared>>)
    } else {
    }
    %barrier3A = arith.constant 0 : index
    tpu.barrier barrier_id(%barrier3A)
    %eq3A_230 = arith.constant 0 : i32
    %eq3A_231 = arith.cmpi eq, %arg0, %eq3A_230 : i32
    %convert_element_type3A_232 = arith.extui %eq3A_231 : i1 to i32
    %cond3A_233 = arith.constant 0 : i32
    %cond3A_234 = arith.cmpi ne, %convert_element_type3A_232, %cond3A_233 : i32
    scf.if %cond3A_234 {
      %run_scoped3A_240 = arith.constant 0 : i32
      "tpu.region"() ({
        %run_scoped3A_246 = tpu.sem_alloc : memref<!tpu.dma_semaphore, #tpu.memory_space<semaphore_mem>>
        %dma_start3A = arith.constant 0 : i32
        %dma_start3A_247 = tpu.memref_slice %arg4[%run_scoped3A_240, %mul3A_192, %dma_start3A] : memref<2x10000x128xf32, #tpu.memory_space<hbm>> -> memref<1x624x128xf32, #tpu.memory_space<hbm>>
        %dma_start3A_248 = tpu.memref_squeeze %dma_start3A_247 : memref<1x624x128xf32, #tpu.memory_space<hbm>> -> memref<624x128xf32, #tpu.memory_space<hbm>>
        %dma_start3A_249 = arith.constant 0 : i32
        %dma_start3A_250 = tpu.memref_slice %arg10[%mul3A_192, %dma_start3A_249] : memref<10000x128xf32, #tpu.memory_space<vmem_shared>> -> memref<624x128xf32, #tpu.memory_space<vmem_shared>>
        tpu.enqueue_dma source(%dma_start3A_250 : memref<624x128xf32, #tpu.memory_space<vmem_shared>>) target(%dma_start3A_248 : memref<624x128xf32, #tpu.memory_space<hbm>>) target_semaphore(%run_scoped3A_246 : memref<!tpu.dma_semaphore, #tpu.memory_space<semaphore_mem>>)
        %dma_wait3A = arith.constant 0 : i32
        %dma_wait3A_251 = tpu.memref_slice %arg4[%run_scoped3A_240, %mul3A_192, %dma_wait3A] : memref<2x10000x128xf32, #tpu.memory_space<hbm>> -> memref<1x624x128xf32, #tpu.memory_space<hbm>>
        %dma_wait3A_252 = tpu.memref_squeeze %dma_wait3A_251 : memref<1x624x128xf32, #tpu.memory_space<hbm>> -> memref<624x128xf32, #tpu.memory_space<hbm>>
        %dma_wait3A_253 = arith.constant 0 : i32
        %dma_wait3A_254 = tpu.memref_slice %arg10[%mul3A_192, %dma_wait3A_253] : memref<10000x128xf32, #tpu.memory_space<vmem_shared>> -> memref<624x128xf32, #tpu.memory_space<vmem_shared>>
        tpu.wait_dma2 semaphore(%run_scoped3A_246 : memref<!tpu.dma_semaphore, #tpu.memory_space<semaphore_mem>>) src(%dma_wait3A_254 : memref<624x128xf32, #tpu.memory_space<vmem_shared>>) dst(%dma_wait3A_252 : memref<624x128xf32, #tpu.memory_space<hbm>>)
        tpu.yield
      }) : () -> ()
      "tpu.region"() ({
        %run_scoped3A_246 = tpu.sem_alloc : memref<!tpu.dma_semaphore, #tpu.memory_space<semaphore_mem>>
        %dma_start3A = tpu.memref_slice %arg11[%mul3A_192] : memref<10000xf32, #tpu.memory_space<vmem_shared>> -> memref<624xf32, #tpu.memory_space<vmem_shared>>
        %dma_start3A_247 = tpu.memref_slice %arg11[%mul3A_192] : memref<10000xf32, #tpu.memory_space<vmem_shared>> -> memref<624xf32, #tpu.memory_space<vmem_shared>>
        tpu.enqueue_dma source(%dma_start3A_247 : memref<624xf32, #tpu.memory_space<vmem_shared>>) target(%arg9 : memref<624xf32, #tpu.memory_space<vmem>>) target_semaphore(%run_scoped3A_246 : memref<!tpu.dma_semaphore, #tpu.memory_space<semaphore_mem>>)
        %dma_wait3A = tpu.memref_slice %arg11[%mul3A_192] : memref<10000xf32, #tpu.memory_space<vmem_shared>> -> memref<624xf32, #tpu.memory_space<vmem_shared>>
        %dma_wait3A_248 = tpu.memref_slice %arg11[%mul3A_192] : memref<10000xf32, #tpu.memory_space<vmem_shared>> -> memref<624xf32, #tpu.memory_space<vmem_shared>>
        tpu.wait_dma2 semaphore(%run_scoped3A_246 : memref<!tpu.dma_semaphore, #tpu.memory_space<semaphore_mem>>) src(%dma_wait3A_248 : memref<624xf32, #tpu.memory_space<vmem_shared>>) dst(%arg9 : memref<624xf32, #tpu.memory_space<vmem>>)
        tpu.yield
      }) : () -> ()
      "tpu.region"() ({
        %run_scoped3A_246 = tpu.sem_alloc : memref<!tpu.dma_semaphore, #tpu.memory_space<semaphore_mem>>
        %dma_start3A = tpu.memref_slice %arg5[%mul3A_192] : memref<20000xf32, #tpu.memory_space<hbm>> -> memref<624xf32, #tpu.memory_space<hbm>>
        %dma_start3A_247 = tpu.memref_slice %arg5[%mul3A_192] : memref<20000xf32, #tpu.memory_space<hbm>> -> memref<624xf32, #tpu.memory_space<hbm>>
        tpu.enqueue_dma source(%arg9 : memref<624xf32, #tpu.memory_space<vmem>>) target(%dma_start3A_247 : memref<624xf32, #tpu.memory_space<hbm>>) target_semaphore(%run_scoped3A_246 : memref<!tpu.dma_semaphore, #tpu.memory_space<semaphore_mem>>)
        %dma_wait3A = tpu.memref_slice %arg5[%mul3A_192] : memref<20000xf32, #tpu.memory_space<hbm>> -> memref<624xf32, #tpu.memory_space<hbm>>
        %dma_wait3A_248 = tpu.memref_slice %arg5[%mul3A_192] : memref<20000xf32, #tpu.memory_space<hbm>> -> memref<624xf32, #tpu.memory_space<hbm>>
        tpu.wait_dma2 semaphore(%run_scoped3A_246 : memref<!tpu.dma_semaphore, #tpu.memory_space<semaphore_mem>>) src(%arg9 : memref<624xf32, #tpu.memory_space<vmem>>) dst(%dma_wait3A_248 : memref<624xf32, #tpu.memory_space<hbm>>)
        tpu.yield
      }) : () -> ()
      %eq3A_241 = arith.constant 15 : i32
      %eq3A_242 = arith.cmpi eq, %arg1, %eq3A_241 : i32
      %convert_element_type3A_243 = arith.extui %eq3A_242 : i1 to i32
      %cond3A_244 = arith.constant 0 : i32
      %cond3A_245 = arith.cmpi ne, %convert_element_type3A_243, %cond3A_244 : i32
      scf.if %cond3A_245 {
        %run_scoped3A_246 = arith.constant 0 : i32
        "tpu.region"() ({
          %run_scoped3A_247 = tpu.sem_alloc : memref<!tpu.dma_semaphore, #tpu.memory_space<semaphore_mem>>
          %dma_start3A = arith.constant 9984 : i32
          %dma_start3A_248 = arith.constant 0 : i32
          %dma_start3A_249 = tpu.memref_slice %arg4[%run_scoped3A_246, %dma_start3A, %dma_start3A_248] : memref<2x10000x128xf32, #tpu.memory_space<hbm>> -> memref<1x16x128xf32, #tpu.memory_space<hbm>>
          %dma_start3A_250 = tpu.memref_squeeze %dma_start3A_249 : memref<1x16x128xf32, #tpu.memory_space<hbm>> -> memref<16x128xf32, #tpu.memory_space<hbm>>
          %dma_start3A_251 = arith.constant 9984 : i32
          %dma_start3A_252 = arith.constant 0 : i32
          %dma_start3A_253 = tpu.memref_slice %arg10[%dma_start3A_251, %dma_start3A_252] : memref<10000x128xf32, #tpu.memory_space<vmem_shared>> -> memref<16x128xf32, #tpu.memory_space<vmem_shared>>
          tpu.enqueue_dma source(%dma_start3A_253 : memref<16x128xf32, #tpu.memory_space<vmem_shared>>) target(%dma_start3A_250 : memref<16x128xf32, #tpu.memory_space<hbm>>) target_semaphore(%run_scoped3A_247 : memref<!tpu.dma_semaphore, #tpu.memory_space<semaphore_mem>>)
          %dma_wait3A = arith.constant 9984 : i32
          %dma_wait3A_254 = arith.constant 0 : i32
          %dma_wait3A_255 = tpu.memref_slice %arg4[%run_scoped3A_246, %dma_wait3A, %dma_wait3A_254] : memref<2x10000x128xf32, #tpu.memory_space<hbm>> -> memref<1x16x128xf32, #tpu.memory_space<hbm>>
          %dma_wait3A_256 = tpu.memref_squeeze %dma_wait3A_255 : memref<1x16x128xf32, #tpu.memory_space<hbm>> -> memref<16x128xf32, #tpu.memory_space<hbm>>
          %dma_wait3A_257 = arith.constant 9984 : i32
          %dma_wait3A_258 = arith.constant 0 : i32
          %dma_wait3A_259 = tpu.memref_slice %arg10[%dma_wait3A_257, %dma_wait3A_258] : memref<10000x128xf32, #tpu.memory_space<vmem_shared>> -> memref<16x128xf32, #tpu.memory_space<vmem_shared>>
          tpu.wait_dma2 semaphore(%run_scoped3A_247 : memref<!tpu.dma_semaphore, #tpu.memory_space<semaphore_mem>>) src(%dma_wait3A_259 : memref<16x128xf32, #tpu.memory_space<vmem_shared>>) dst(%dma_wait3A_256 : memref<16x128xf32, #tpu.memory_space<hbm>>)
          tpu.yield
        }) : () -> ()
        "tpu.region"() ({
          %run_scoped3A_247 = tpu.sem_alloc : memref<!tpu.dma_semaphore, #tpu.memory_space<semaphore_mem>>
          %dma_start3A = arith.constant 0 : i32
          %dma_start3A_248 = tpu.memref_slice %arg9[%dma_start3A] : memref<624xf32, #tpu.memory_space<vmem>> -> memref<16xf32, #tpu.memory_space<vmem>>
          %dma_start3A_249 = arith.constant 9984 : i32
          %dma_start3A_250 = tpu.memref_slice %arg11[%dma_start3A_249] : memref<10000xf32, #tpu.memory_space<vmem_shared>> -> memref<16xf32, #tpu.memory_space<vmem_shared>>
          %dma_start3A_251 = arith.constant 0 : i32
          %dma_start3A_252 = tpu.memref_slice %arg9[%dma_start3A_251] : memref<624xf32, #tpu.memory_space<vmem>> -> memref<16xf32, #tpu.memory_space<vmem>>
          %dma_start3A_253 = arith.constant 9984 : i32
          %dma_start3A_254 = tpu.memref_slice %arg11[%dma_start3A_253] : memref<10000xf32, #tpu.memory_space<vmem_shared>> -> memref<16xf32, #tpu.memory_space<vmem_shared>>
          tpu.enqueue_dma source(%dma_start3A_254 : memref<16xf32, #tpu.memory_space<vmem_shared>>) target(%dma_start3A_252 : memref<16xf32, #tpu.memory_space<vmem>>) target_semaphore(%run_scoped3A_247 : memref<!tpu.dma_semaphore, #tpu.memory_space<semaphore_mem>>)
          %dma_wait3A = arith.constant 0 : i32
          %dma_wait3A_255 = tpu.memref_slice %arg9[%dma_wait3A] : memref<624xf32, #tpu.memory_space<vmem>> -> memref<16xf32, #tpu.memory_space<vmem>>
          %dma_wait3A_256 = arith.constant 9984 : i32
          %dma_wait3A_257 = tpu.memref_slice %arg11[%dma_wait3A_256] : memref<10000xf32, #tpu.memory_space<vmem_shared>> -> memref<16xf32, #tpu.memory_space<vmem_shared>>
          %dma_wait3A_258 = arith.constant 0 : i32
          %dma_wait3A_259 = tpu.memref_slice %arg9[%dma_wait3A_258] : memref<624xf32, #tpu.memory_space<vmem>> -> memref<16xf32, #tpu.memory_space<vmem>>
          %dma_wait3A_260 = arith.constant 9984 : i32
          %dma_wait3A_261 = tpu.memref_slice %arg11[%dma_wait3A_260] : memref<10000xf32, #tpu.memory_space<vmem_shared>> -> memref<16xf32, #tpu.memory_space<vmem_shared>>
          tpu.wait_dma2 semaphore(%run_scoped3A_247 : memref<!tpu.dma_semaphore, #tpu.memory_space<semaphore_mem>>) src(%dma_wait3A_261 : memref<16xf32, #tpu.memory_space<vmem_shared>>) dst(%dma_wait3A_259 : memref<16xf32, #tpu.memory_space<vmem>>)
          tpu.yield
        }) : () -> ()
        "tpu.region"() ({
          %run_scoped3A_247 = tpu.sem_alloc : memref<!tpu.dma_semaphore, #tpu.memory_space<semaphore_mem>>
          %dma_start3A = arith.constant 0 : i32
          %dma_start3A_248 = tpu.memref_slice %arg9[%dma_start3A] : memref<624xf32, #tpu.memory_space<vmem>> -> memref<16xf32, #tpu.memory_space<vmem>>
          %dma_start3A_249 = arith.constant 9984 : i32
          %dma_start3A_250 = tpu.memref_slice %arg5[%dma_start3A_249] : memref<20000xf32, #tpu.memory_space<hbm>> -> memref<16xf32, #tpu.memory_space<hbm>>
          %dma_start3A_251 = arith.constant 9984 : i32
          %dma_start3A_252 = tpu.memref_slice %arg5[%dma_start3A_251] : memref<20000xf32, #tpu.memory_space<hbm>> -> memref<16xf32, #tpu.memory_space<hbm>>
          %dma_start3A_253 = arith.constant 0 : i32
          %dma_start3A_254 = tpu.memref_slice %arg9[%dma_start3A_253] : memref<624xf32, #tpu.memory_space<vmem>> -> memref<16xf32, #tpu.memory_space<vmem>>
          tpu.enqueue_dma source(%dma_start3A_254 : memref<16xf32, #tpu.memory_space<vmem>>) target(%dma_start3A_252 : memref<16xf32, #tpu.memory_space<hbm>>) target_semaphore(%run_scoped3A_247 : memref<!tpu.dma_semaphore, #tpu.memory_space<semaphore_mem>>)
          %dma_wait3A = arith.constant 0 : i32
          %dma_wait3A_255 = tpu.memref_slice %arg9[%dma_wait3A] : memref<624xf32, #tpu.memory_space<vmem>> -> memref<16xf32, #tpu.memory_space<vmem>>
          %dma_wait3A_256 = arith.constant 9984 : i32
          %dma_wait3A_257 = tpu.memref_slice %arg5[%dma_wait3A_256] : memref<20000xf32, #tpu.memory_space<hbm>> -> memref<16xf32, #tpu.memory_space<hbm>>
          %dma_wait3A_258 = arith.constant 9984 : i32
          %dma_wait3A_259 = tpu.memref_slice %arg5[%dma_wait3A_258] : memref<20000xf32, #tpu.memory_space<hbm>> -> memref<16xf32, #tpu.memory_space<hbm>>
          %dma_wait3A_260 = arith.constant 0 : i32
          %dma_wait3A_261 = tpu.memref_slice %arg9[%dma_wait3A_260] : memref<624xf32, #tpu.memory_space<vmem>> -> memref<16xf32, #tpu.memory_space<vmem>>
          tpu.wait_dma2 semaphore(%run_scoped3A_247 : memref<!tpu.dma_semaphore, #tpu.memory_space<semaphore_mem>>) src(%dma_wait3A_261 : memref<16xf32, #tpu.memory_space<vmem>>) dst(%dma_wait3A_259 : memref<16xf32, #tpu.memory_space<hbm>>)
          tpu.yield
        }) : () -> ()
      } else {
      }
    } else {
    }
    %eq3A_235 = arith.constant 1 : i32
    %eq3A_236 = arith.cmpi eq, %arg0, %eq3A_235 : i32
    %convert_element_type3A_237 = arith.extui %eq3A_236 : i1 to i32
    %cond3A_238 = arith.constant 0 : i32
    %cond3A_239 = arith.cmpi ne, %convert_element_type3A_237, %cond3A_238 : i32
    scf.if %cond3A_239 {
      %run_scoped3A_240 = arith.constant 1 : i32
      "tpu.region"() ({
        %run_scoped3A_248 = tpu.sem_alloc : memref<!tpu.dma_semaphore, #tpu.memory_space<semaphore_mem>>
        %dma_start3A = arith.constant 0 : i32
        %dma_start3A_249 = tpu.memref_slice %arg4[%run_scoped3A_240, %mul3A_192, %dma_start3A] : memref<2x10000x128xf32, #tpu.memory_space<hbm>> -> memref<1x624x128xf32, #tpu.memory_space<hbm>>
        %dma_start3A_250 = tpu.memref_squeeze %dma_start3A_249 : memref<1x624x128xf32, #tpu.memory_space<hbm>> -> memref<624x128xf32, #tpu.memory_space<hbm>>
        %dma_start3A_251 = arith.constant 0 : i32
        %dma_start3A_252 = tpu.memref_slice %arg10[%mul3A_192, %dma_start3A_251] : memref<10000x128xf32, #tpu.memory_space<vmem_shared>> -> memref<624x128xf32, #tpu.memory_space<vmem_shared>>
        tpu.enqueue_dma source(%dma_start3A_252 : memref<624x128xf32, #tpu.memory_space<vmem_shared>>) target(%dma_start3A_250 : memref<624x128xf32, #tpu.memory_space<hbm>>) target_semaphore(%run_scoped3A_248 : memref<!tpu.dma_semaphore, #tpu.memory_space<semaphore_mem>>)
        %dma_wait3A = arith.constant 0 : i32
        %dma_wait3A_253 = tpu.memref_slice %arg4[%run_scoped3A_240, %mul3A_192, %dma_wait3A] : memref<2x10000x128xf32, #tpu.memory_space<hbm>> -> memref<1x624x128xf32, #tpu.memory_space<hbm>>
        %dma_wait3A_254 = tpu.memref_squeeze %dma_wait3A_253 : memref<1x624x128xf32, #tpu.memory_space<hbm>> -> memref<624x128xf32, #tpu.memory_space<hbm>>
        %dma_wait3A_255 = arith.constant 0 : i32
        %dma_wait3A_256 = tpu.memref_slice %arg10[%mul3A_192, %dma_wait3A_255] : memref<10000x128xf32, #tpu.memory_space<vmem_shared>> -> memref<624x128xf32, #tpu.memory_space<vmem_shared>>
        tpu.wait_dma2 semaphore(%run_scoped3A_248 : memref<!tpu.dma_semaphore, #tpu.memory_space<semaphore_mem>>) src(%dma_wait3A_256 : memref<624x128xf32, #tpu.memory_space<vmem_shared>>) dst(%dma_wait3A_254 : memref<624x128xf32, #tpu.memory_space<hbm>>)
        tpu.yield
      }) : () -> ()
      "tpu.region"() ({
        %run_scoped3A_248 = tpu.sem_alloc : memref<!tpu.dma_semaphore, #tpu.memory_space<semaphore_mem>>
        %dma_start3A = tpu.memref_slice %arg11[%mul3A_192] : memref<10000xf32, #tpu.memory_space<vmem_shared>> -> memref<624xf32, #tpu.memory_space<vmem_shared>>
        %dma_start3A_249 = tpu.memref_slice %arg11[%mul3A_192] : memref<10000xf32, #tpu.memory_space<vmem_shared>> -> memref<624xf32, #tpu.memory_space<vmem_shared>>
        tpu.enqueue_dma source(%dma_start3A_249 : memref<624xf32, #tpu.memory_space<vmem_shared>>) target(%arg9 : memref<624xf32, #tpu.memory_space<vmem>>) target_semaphore(%run_scoped3A_248 : memref<!tpu.dma_semaphore, #tpu.memory_space<semaphore_mem>>)
        %dma_wait3A = tpu.memref_slice %arg11[%mul3A_192] : memref<10000xf32, #tpu.memory_space<vmem_shared>> -> memref<624xf32, #tpu.memory_space<vmem_shared>>
        %dma_wait3A_250 = tpu.memref_slice %arg11[%mul3A_192] : memref<10000xf32, #tpu.memory_space<vmem_shared>> -> memref<624xf32, #tpu.memory_space<vmem_shared>>
        tpu.wait_dma2 semaphore(%run_scoped3A_248 : memref<!tpu.dma_semaphore, #tpu.memory_space<semaphore_mem>>) src(%dma_wait3A_250 : memref<624xf32, #tpu.memory_space<vmem_shared>>) dst(%arg9 : memref<624xf32, #tpu.memory_space<vmem>>)
        tpu.yield
      }) : () -> ()
      %add3A_241 = arith.constant 10000 : i32
      %add3A_242 = arith.addi %add3A_241, %mul3A_192 : i32
      "tpu.region"() ({
        %run_scoped3A_248 = tpu.sem_alloc : memref<!tpu.dma_semaphore, #tpu.memory_space<semaphore_mem>>
        %dma_start3A = tpu.memref_slice %arg5[%add3A_242] : memref<20000xf32, #tpu.memory_space<hbm>> -> memref<624xf32, #tpu.memory_space<hbm>>
        %dma_start3A_249 = tpu.memref_slice %arg5[%add3A_242] : memref<20000xf32, #tpu.memory_space<hbm>> -> memref<624xf32, #tpu.memory_space<hbm>>
        tpu.enqueue_dma source(%arg9 : memref<624xf32, #tpu.memory_space<vmem>>) target(%dma_start3A_249 : memref<624xf32, #tpu.memory_space<hbm>>) target_semaphore(%run_scoped3A_248 : memref<!tpu.dma_semaphore, #tpu.memory_space<semaphore_mem>>)
        %dma_wait3A = tpu.memref_slice %arg5[%add3A_242] : memref<20000xf32, #tpu.memory_space<hbm>> -> memref<624xf32, #tpu.memory_space<hbm>>
        %dma_wait3A_250 = tpu.memref_slice %arg5[%add3A_242] : memref<20000xf32, #tpu.memory_space<hbm>> -> memref<624xf32, #tpu.memory_space<hbm>>
        tpu.wait_dma2 semaphore(%run_scoped3A_248 : memref<!tpu.dma_semaphore, #tpu.memory_space<semaphore_mem>>) src(%arg9 : memref<624xf32, #tpu.memory_space<vmem>>) dst(%dma_wait3A_250 : memref<624xf32, #tpu.memory_space<hbm>>)
        tpu.yield
      }) : () -> ()
      %eq3A_243 = arith.constant 15 : i32
      %eq3A_244 = arith.cmpi eq, %arg1, %eq3A_243 : i32
      %convert_element_type3A_245 = arith.extui %eq3A_244 : i1 to i32
      %cond3A_246 = arith.constant 0 : i32
      %cond3A_247 = arith.cmpi ne, %convert_element_type3A_245, %cond3A_246 : i32
      scf.if %cond3A_247 {
        %run_scoped3A_248 = arith.constant 1 : i32
        "tpu.region"() ({
          %run_scoped3A_249 = tpu.sem_alloc : memref<!tpu.dma_semaphore, #tpu.memory_space<semaphore_mem>>
          %dma_start3A = arith.constant 9984 : i32
          %dma_start3A_250 = arith.constant 0 : i32
          %dma_start3A_251 = tpu.memref_slice %arg4[%run_scoped3A_248, %dma_start3A, %dma_start3A_250] : memref<2x10000x128xf32, #tpu.memory_space<hbm>> -> memref<1x16x128xf32, #tpu.memory_space<hbm>>
          %dma_start3A_252 = tpu.memref_squeeze %dma_start3A_251 : memref<1x16x128xf32, #tpu.memory_space<hbm>> -> memref<16x128xf32, #tpu.memory_space<hbm>>
          %dma_start3A_253 = arith.constant 9984 : i32
          %dma_start3A_254 = arith.constant 0 : i32
          %dma_start3A_255 = tpu.memref_slice %arg10[%dma_start3A_253, %dma_start3A_254] : memref<10000x128xf32, #tpu.memory_space<vmem_shared>> -> memref<16x128xf32, #tpu.memory_space<vmem_shared>>
          tpu.enqueue_dma source(%dma_start3A_255 : memref<16x128xf32, #tpu.memory_space<vmem_shared>>) target(%dma_start3A_252 : memref<16x128xf32, #tpu.memory_space<hbm>>) target_semaphore(%run_scoped3A_249 : memref<!tpu.dma_semaphore, #tpu.memory_space<semaphore_mem>>)
          %dma_wait3A = arith.constant 9984 : i32
          %dma_wait3A_256 = arith.constant 0 : i32
          %dma_wait3A_257 = tpu.memref_slice %arg4[%run_scoped3A_248, %dma_wait3A, %dma_wait3A_256] : memref<2x10000x128xf32, #tpu.memory_space<hbm>> -> memref<1x16x128xf32, #tpu.memory_space<hbm>>
          %dma_wait3A_258 = tpu.memref_squeeze %dma_wait3A_257 : memref<1x16x128xf32, #tpu.memory_space<hbm>> -> memref<16x128xf32, #tpu.memory_space<hbm>>
          %dma_wait3A_259 = arith.constant 9984 : i32
          %dma_wait3A_260 = arith.constant 0 : i32
          %dma_wait3A_261 = tpu.memref_slice %arg10[%dma_wait3A_259, %dma_wait3A_260] : memref<10000x128xf32, #tpu.memory_space<vmem_shared>> -> memref<16x128xf32, #tpu.memory_space<vmem_shared>>
          tpu.wait_dma2 semaphore(%run_scoped3A_249 : memref<!tpu.dma_semaphore, #tpu.memory_space<semaphore_mem>>) src(%dma_wait3A_261 : memref<16x128xf32, #tpu.memory_space<vmem_shared>>) dst(%dma_wait3A_258 : memref<16x128xf32, #tpu.memory_space<hbm>>)
          tpu.yield
        }) : () -> ()
        "tpu.region"() ({
          %run_scoped3A_249 = tpu.sem_alloc : memref<!tpu.dma_semaphore, #tpu.memory_space<semaphore_mem>>
          %dma_start3A = arith.constant 0 : i32
          %dma_start3A_250 = tpu.memref_slice %arg9[%dma_start3A] : memref<624xf32, #tpu.memory_space<vmem>> -> memref<16xf32, #tpu.memory_space<vmem>>
          %dma_start3A_251 = arith.constant 9984 : i32
          %dma_start3A_252 = tpu.memref_slice %arg11[%dma_start3A_251] : memref<10000xf32, #tpu.memory_space<vmem_shared>> -> memref<16xf32, #tpu.memory_space<vmem_shared>>
          %dma_start3A_253 = arith.constant 0 : i32
          %dma_start3A_254 = tpu.memref_slice %arg9[%dma_start3A_253] : memref<624xf32, #tpu.memory_space<vmem>> -> memref<16xf32, #tpu.memory_space<vmem>>
          %dma_start3A_255 = arith.constant 9984 : i32
          %dma_start3A_256 = tpu.memref_slice %arg11[%dma_start3A_255] : memref<10000xf32, #tpu.memory_space<vmem_shared>> -> memref<16xf32, #tpu.memory_space<vmem_shared>>
          tpu.enqueue_dma source(%dma_start3A_256 : memref<16xf32, #tpu.memory_space<vmem_shared>>) target(%dma_start3A_254 : memref<16xf32, #tpu.memory_space<vmem>>) target_semaphore(%run_scoped3A_249 : memref<!tpu.dma_semaphore, #tpu.memory_space<semaphore_mem>>)
          %dma_wait3A = arith.constant 0 : i32
          %dma_wait3A_257 = tpu.memref_slice %arg9[%dma_wait3A] : memref<624xf32, #tpu.memory_space<vmem>> -> memref<16xf32, #tpu.memory_space<vmem>>
          %dma_wait3A_258 = arith.constant 9984 : i32
          %dma_wait3A_259 = tpu.memref_slice %arg11[%dma_wait3A_258] : memref<10000xf32, #tpu.memory_space<vmem_shared>> -> memref<16xf32, #tpu.memory_space<vmem_shared>>
          %dma_wait3A_260 = arith.constant 0 : i32
          %dma_wait3A_261 = tpu.memref_slice %arg9[%dma_wait3A_260] : memref<624xf32, #tpu.memory_space<vmem>> -> memref<16xf32, #tpu.memory_space<vmem>>
          %dma_wait3A_262 = arith.constant 9984 : i32
          %dma_wait3A_263 = tpu.memref_slice %arg11[%dma_wait3A_262] : memref<10000xf32, #tpu.memory_space<vmem_shared>> -> memref<16xf32, #tpu.memory_space<vmem_shared>>
          tpu.wait_dma2 semaphore(%run_scoped3A_249 : memref<!tpu.dma_semaphore, #tpu.memory_space<semaphore_mem>>) src(%dma_wait3A_263 : memref<16xf32, #tpu.memory_space<vmem_shared>>) dst(%dma_wait3A_261 : memref<16xf32, #tpu.memory_space<vmem>>)
          tpu.yield
        }) : () -> ()
        "tpu.region"() ({
          %run_scoped3A_249 = tpu.sem_alloc : memref<!tpu.dma_semaphore, #tpu.memory_space<semaphore_mem>>
          %dma_start3A = arith.constant 0 : i32
          %dma_start3A_250 = tpu.memref_slice %arg9[%dma_start3A] : memref<624xf32, #tpu.memory_space<vmem>> -> memref<16xf32, #tpu.memory_space<vmem>>
          %dma_start3A_251 = arith.constant 19984 : i32
          %dma_start3A_252 = tpu.memref_slice %arg5[%dma_start3A_251] : memref<20000xf32, #tpu.memory_space<hbm>> -> memref<16xf32, #tpu.memory_space<hbm>>
          %dma_start3A_253 = arith.constant 19984 : i32
          %dma_start3A_254 = tpu.memref_slice %arg5[%dma_start3A_253] : memref<20000xf32, #tpu.memory_space<hbm>> -> memref<16xf32, #tpu.memory_space<hbm>>
          %dma_start3A_255 = arith.constant 0 : i32
          %dma_start3A_256 = tpu.memref_slice %arg9[%dma_start3A_255] : memref<624xf32, #tpu.memory_space<vmem>> -> memref<16xf32, #tpu.memory_space<vmem>>
          tpu.enqueue_dma source(%dma_start3A_256 : memref<16xf32, #tpu.memory_space<vmem>>) target(%dma_start3A_254 : memref<16xf32, #tpu.memory_space<hbm>>) target_semaphore(%run_scoped3A_249 : memref<!tpu.dma_semaphore, #tpu.memory_space<semaphore_mem>>)
          %dma_wait3A = arith.constant 0 : i32
          %dma_wait3A_257 = tpu.memref_slice %arg9[%dma_wait3A] : memref<624xf32, #tpu.memory_space<vmem>> -> memref<16xf32, #tpu.memory_space<vmem>>
          %dma_wait3A_258 = arith.constant 19984 : i32
          %dma_wait3A_259 = tpu.memref_slice %arg5[%dma_wait3A_258] : memref<20000xf32, #tpu.memory_space<hbm>> -> memref<16xf32, #tpu.memory_space<hbm>>
          %dma_wait3A_260 = arith.constant 19984 : i32
          %dma_wait3A_261 = tpu.memref_slice %arg5[%dma_wait3A_260] : memref<20000xf32, #tpu.memory_space<hbm>> -> memref<16xf32, #tpu.memory_space<hbm>>
          %dma_wait3A_262 = arith.constant 0 : i32
          %dma_wait3A_263 = tpu.memref_slice %arg9[%dma_wait3A_262] : memref<624xf32, #tpu.memory_space<vmem>> -> memref<16xf32, #tpu.memory_space<vmem>>
          tpu.wait_dma2 semaphore(%run_scoped3A_249 : memref<!tpu.dma_semaphore, #tpu.memory_space<semaphore_mem>>) src(%dma_wait3A_263 : memref<16xf32, #tpu.memory_space<vmem>>) dst(%dma_wait3A_261 : memref<16xf32, #tpu.memory_space<hbm>>)
          tpu.yield
        }) : () -> ()
      } else {
      }
    } else {
    }
    return
  }
}

#map = affine_map<(d0, d1) -> (0, 0)>
#map1 = affine_map<(d0, d1) -> (0)>
module attributes {stable_mosaic.version = 14 : i64} {
  func.func @_gather_heads(%arg0: i32, %arg1: i32, %arg2: memref<10000x128xf32, #tpu.memory_space<hbm>>, %arg3: memref<10000x128xf32, #tpu.memory_space<hbm>>, %arg4: memref<640000xi32, #tpu.memory_space<hbm>>, %arg5: memref<320000x256xf32, #tpu.memory_space<hbm>>, %arg6: memref<3x80xi32, #tpu.memory_space<vmem>>, %arg7: memref<3x80x128xf32, #tpu.memory_space<vmem>>, %arg8: memref<10000x128xf32, #tpu.memory_space<vmem_shared>>, %arg9: memref<!tpu.dma_semaphore, #tpu.memory_space<semaphore_mem>>, %arg10: memref<!tpu.dma_semaphore, #tpu.memory_space<semaphore_mem>>, %arg11: memref<!tpu.dma_semaphore, #tpu.memory_space<semaphore_mem>>, %arg12: memref<!tpu.dma_semaphore, #tpu.memory_space<semaphore_mem>>, %arg13: memref<!tpu.dma_semaphore, #tpu.memory_space<semaphore_mem>>, %arg14: memref<!tpu.dma_semaphore, #tpu.memory_space<semaphore_mem>>, %arg15: memref<!tpu.dma_semaphore, #tpu.memory_space<semaphore_mem>>, %arg16: memref<!tpu.dma_semaphore, #tpu.memory_space<semaphore_mem>>, %arg17: memref<!tpu.dma_semaphore, #tpu.memory_space<semaphore_mem>>) attributes {dimension_semantics = [#tpu.dimension_semantics<core_parallel>, #tpu.dimension_semantics<subcore_parallel>], iteration_bounds = array<i64: 2, 16>, scalar_prefetch = 0 : i64, scratch_operands = 12 : i64, tpu.core_type = #tpu.core_type<sc_vector_subcore>, window_params = [{transform_indices = #map}, {transform_indices = #map}, {transform_indices = #map1}, {transform_indices = #map}]} {
    %mul3A = arith.constant 624 : i32
    %mul3A_0 = arith.muli %arg1, %mul3A : i32
    %mul3A_1 = arith.constant 20000 : i32
    %mul3A_2 = arith.muli %arg1, %mul3A_1 : i32
    %eq3A = arith.constant 0 : i32
    %eq3A_3 = arith.cmpi eq, %arg0, %eq3A : i32
    %convert_element_type3A = arith.extui %eq3A_3 : i1 to i32
    %cond3A = arith.constant 0 : i32
    %cond3A_4 = arith.cmpi ne, %convert_element_type3A, %cond3A : i32
    scf.if %cond3A_4 {
      %add3A = arith.constant 0 : i32
      %add3A_10 = arith.addi %add3A, %mul3A_2 : i32
      %add3A_11 = arith.constant 0 : i32
      %add3A_12 = arith.addi %add3A_10, %add3A_11 : i32
      %dma_start3A = arith.constant 0 : i32
      %dma_start3A_13 = arith.constant 0 : i32
      %dma_start3A_14 = tpu.memref_slice %arg6[%dma_start3A, %dma_start3A_13] : memref<3x80xi32, #tpu.memory_space<vmem>> -> memref<1x80xi32, #tpu.memory_space<vmem>>
      %dma_start3A_15 = tpu.memref_squeeze %dma_start3A_14 : memref<1x80xi32, #tpu.memory_space<vmem>> -> memref<80xi32, #tpu.memory_space<vmem>>
      %dma_start3A_16 = tpu.memref_slice %arg4[%add3A_12] : memref<640000xi32, #tpu.memory_space<hbm>> -> memref<80xi32, #tpu.memory_space<hbm>>
      %dma_start3A_17 = arith.constant 0 : i32
      %dma_start3A_18 = tpu.memref_slice %arg6[%dma_start3A, %dma_start3A_17] : memref<3x80xi32, #tpu.memory_space<vmem>> -> memref<1x80xi32, #tpu.memory_space<vmem>>
      %dma_start3A_19 = tpu.memref_squeeze %dma_start3A_18 : memref<1x80xi32, #tpu.memory_space<vmem>> -> memref<80xi32, #tpu.memory_space<vmem>>
      %dma_start3A_20 = tpu.memref_slice %arg4[%add3A_12] : memref<640000xi32, #tpu.memory_space<hbm>> -> memref<80xi32, #tpu.memory_space<hbm>>
      tpu.enqueue_dma source(%dma_start3A_20 : memref<80xi32, #tpu.memory_space<hbm>>) target(%dma_start3A_19 : memref<80xi32, #tpu.memory_space<vmem>>) target_semaphore(%arg9 : memref<!tpu.dma_semaphore, #tpu.memory_space<semaphore_mem>>)
      %add3A_21 = arith.constant 0 : i32
      %add3A_22 = arith.addi %add3A_21, %mul3A_2 : i32
      %add3A_23 = arith.constant 80 : i32
      %add3A_24 = arith.addi %add3A_22, %add3A_23 : i32
      %dma_start3A_25 = arith.constant 1 : i32
      %dma_start3A_26 = arith.constant 0 : i32
      %dma_start3A_27 = tpu.memref_slice %arg6[%dma_start3A_25, %dma_start3A_26] : memref<3x80xi32, #tpu.memory_space<vmem>> -> memref<1x80xi32, #tpu.memory_space<vmem>>
      %dma_start3A_28 = tpu.memref_squeeze %dma_start3A_27 : memref<1x80xi32, #tpu.memory_space<vmem>> -> memref<80xi32, #tpu.memory_space<vmem>>
      %dma_start3A_29 = tpu.memref_slice %arg4[%add3A_24] : memref<640000xi32, #tpu.memory_space<hbm>> -> memref<80xi32, #tpu.memory_space<hbm>>
      %dma_start3A_30 = arith.constant 0 : i32
      %dma_start3A_31 = tpu.memref_slice %arg6[%dma_start3A_25, %dma_start3A_30] : memref<3x80xi32, #tpu.memory_space<vmem>> -> memref<1x80xi32, #tpu.memory_space<vmem>>
      %dma_start3A_32 = tpu.memref_squeeze %dma_start3A_31 : memref<1x80xi32, #tpu.memory_space<vmem>> -> memref<80xi32, #tpu.memory_space<vmem>>
      %dma_start3A_33 = tpu.memref_slice %arg4[%add3A_24] : memref<640000xi32, #tpu.memory_space<hbm>> -> memref<80xi32, #tpu.memory_space<hbm>>
      tpu.enqueue_dma source(%dma_start3A_33 : memref<80xi32, #tpu.memory_space<hbm>>) target(%dma_start3A_32 : memref<80xi32, #tpu.memory_space<vmem>>) target_semaphore(%arg10 : memref<!tpu.dma_semaphore, #tpu.memory_space<semaphore_mem>>)
      "tpu.region"() ({
        %run_scoped3A = tpu.sem_alloc : memref<!tpu.dma_semaphore, #tpu.memory_space<semaphore_mem>>
        %dma_start3A_182 = arith.constant 0 : i32
        %dma_start3A_183 = tpu.memref_slice %arg8[%mul3A_0, %dma_start3A_182] : memref<10000x128xf32, #tpu.memory_space<vmem_shared>> -> memref<624x128xf32, #tpu.memory_space<vmem_shared>>
        %dma_start3A_184 = arith.constant 0 : i32
        %dma_start3A_185 = tpu.memref_slice %arg2[%mul3A_0, %dma_start3A_184] : memref<10000x128xf32, #tpu.memory_space<hbm>> -> memref<624x128xf32, #tpu.memory_space<hbm>>
        tpu.enqueue_dma source(%dma_start3A_185 : memref<624x128xf32, #tpu.memory_space<hbm>>) target(%dma_start3A_183 : memref<624x128xf32, #tpu.memory_space<vmem_shared>>) target_semaphore(%run_scoped3A : memref<!tpu.dma_semaphore, #tpu.memory_space<semaphore_mem>>)
        %dma_wait3A_186 = arith.constant 0 : i32
        %dma_wait3A_187 = tpu.memref_slice %arg8[%mul3A_0, %dma_wait3A_186] : memref<10000x128xf32, #tpu.memory_space<vmem_shared>> -> memref<624x128xf32, #tpu.memory_space<vmem_shared>>
        %dma_wait3A_188 = arith.constant 0 : i32
        %dma_wait3A_189 = tpu.memref_slice %arg2[%mul3A_0, %dma_wait3A_188] : memref<10000x128xf32, #tpu.memory_space<hbm>> -> memref<624x128xf32, #tpu.memory_space<hbm>>
        tpu.wait_dma2 semaphore(%run_scoped3A : memref<!tpu.dma_semaphore, #tpu.memory_space<semaphore_mem>>) src(%dma_wait3A_189 : memref<624x128xf32, #tpu.memory_space<hbm>>) dst(%dma_wait3A_187 : memref<624x128xf32, #tpu.memory_space<vmem_shared>>)
        tpu.yield
      }) : () -> ()
      %eq3A_34 = arith.constant 15 : i32
      %eq3A_35 = arith.cmpi eq, %arg1, %eq3A_34 : i32
      %convert_element_type3A_36 = arith.extui %eq3A_35 : i1 to i32
      %cond3A_37 = arith.constant 0 : i32
      %cond3A_38 = arith.cmpi ne, %convert_element_type3A_36, %cond3A_37 : i32
      scf.if %cond3A_38 {
        "tpu.region"() ({
          %run_scoped3A = tpu.sem_alloc : memref<!tpu.dma_semaphore, #tpu.memory_space<semaphore_mem>>
          %dma_start3A_182 = arith.constant 9984 : i32
          %dma_start3A_183 = arith.constant 0 : i32
          %dma_start3A_184 = tpu.memref_slice %arg8[%dma_start3A_182, %dma_start3A_183] : memref<10000x128xf32, #tpu.memory_space<vmem_shared>> -> memref<16x128xf32, #tpu.memory_space<vmem_shared>>
          %dma_start3A_185 = arith.constant 9984 : i32
          %dma_start3A_186 = arith.constant 0 : i32
          %dma_start3A_187 = tpu.memref_slice %arg2[%dma_start3A_185, %dma_start3A_186] : memref<10000x128xf32, #tpu.memory_space<hbm>> -> memref<16x128xf32, #tpu.memory_space<hbm>>
          tpu.enqueue_dma source(%dma_start3A_187 : memref<16x128xf32, #tpu.memory_space<hbm>>) target(%dma_start3A_184 : memref<16x128xf32, #tpu.memory_space<vmem_shared>>) target_semaphore(%run_scoped3A : memref<!tpu.dma_semaphore, #tpu.memory_space<semaphore_mem>>)
          %dma_wait3A_188 = arith.constant 9984 : i32
          %dma_wait3A_189 = arith.constant 0 : i32
          %dma_wait3A_190 = tpu.memref_slice %arg8[%dma_wait3A_188, %dma_wait3A_189] : memref<10000x128xf32, #tpu.memory_space<vmem_shared>> -> memref<16x128xf32, #tpu.memory_space<vmem_shared>>
          %dma_wait3A_191 = arith.constant 9984 : i32
          %dma_wait3A_192 = arith.constant 0 : i32
          %dma_wait3A_193 = tpu.memref_slice %arg2[%dma_wait3A_191, %dma_wait3A_192] : memref<10000x128xf32, #tpu.memory_space<hbm>> -> memref<16x128xf32, #tpu.memory_space<hbm>>
          tpu.wait_dma2 semaphore(%run_scoped3A : memref<!tpu.dma_semaphore, #tpu.memory_space<semaphore_mem>>) src(%dma_wait3A_193 : memref<16x128xf32, #tpu.memory_space<hbm>>) dst(%dma_wait3A_190 : memref<16x128xf32, #tpu.memory_space<vmem_shared>>)
          tpu.yield
        }) : () -> ()
      } else {
      }
      %barrier3A = arith.constant 0 : index
      tpu.barrier barrier_id(%barrier3A)
      %scan3A = arith.constant 0 : i32
      %scan3A_39 = arith.constant 0 : i32
      %scan3A_40 = arith.constant 83 : i32
      %scan3A_41 = arith.addi %scan3A_39, %scan3A_40 : i32
      %scan3A_42 = arith.constant 1 : i32
      scf.for %scan3A_182 = %scan3A_39 to %scan3A_41 step %scan3A_42  : i32 {
        %mul3A_183 = arith.constant 3 : i32
        %mul3A_184 = arith.muli %scan3A_182, %mul3A_183 : i32
        %add3A_185 = arith.constant 0 : i32
        %add3A_186 = arith.addi %mul3A_184, %add3A_185 : i32
        %add3A_187 = arith.constant 0 : i32
        %add3A_188 = arith.addi %add3A_187, %mul3A_2 : i32
        %mul3A_189 = arith.constant 80 : i32
        %mul3A_190 = arith.muli %add3A_186, %mul3A_189 : i32
        %add3A_191 = arith.addi %add3A_188, %mul3A_190 : i32
        %dma_wait3A_192 = arith.constant 0 : i32
        %dma_wait3A_193 = arith.constant 0 : i32
        %dma_wait3A_194 = tpu.memref_slice %arg6[%dma_wait3A_192, %dma_wait3A_193] : memref<3x80xi32, #tpu.memory_space<vmem>> -> memref<1x80xi32, #tpu.memory_space<vmem>>
        %dma_wait3A_195 = tpu.memref_squeeze %dma_wait3A_194 : memref<1x80xi32, #tpu.memory_space<vmem>> -> memref<80xi32, #tpu.memory_space<vmem>>
        %dma_wait3A_196 = tpu.memref_slice %arg4[%add3A_191] : memref<640000xi32, #tpu.memory_space<hbm>> -> memref<80xi32, #tpu.memory_space<hbm>>
        %dma_wait3A_197 = arith.constant 0 : i32
        %dma_wait3A_198 = tpu.memref_slice %arg6[%dma_wait3A_192, %dma_wait3A_197] : memref<3x80xi32, #tpu.memory_space<vmem>> -> memref<1x80xi32, #tpu.memory_space<vmem>>
        %dma_wait3A_199 = tpu.memref_squeeze %dma_wait3A_198 : memref<1x80xi32, #tpu.memory_space<vmem>> -> memref<80xi32, #tpu.memory_space<vmem>>
        %dma_wait3A_200 = tpu.memref_slice %arg4[%add3A_191] : memref<640000xi32, #tpu.memory_space<hbm>> -> memref<80xi32, #tpu.memory_space<hbm>>
        tpu.wait_dma2 semaphore(%arg9 : memref<!tpu.dma_semaphore, #tpu.memory_space<semaphore_mem>>) src(%dma_wait3A_200 : memref<80xi32, #tpu.memory_space<hbm>>) dst(%dma_wait3A_199 : memref<80xi32, #tpu.memory_space<vmem>>)
        %gt3A = arith.constant 0 : i32
        %gt3A_201 = arith.cmpi sgt, %scan3A_182, %gt3A : i32
        %convert_element_type3A_202 = arith.extui %gt3A_201 : i1 to i32
        %cond3A_203 = arith.constant 0 : i32
        %cond3A_204 = arith.cmpi ne, %convert_element_type3A_202, %cond3A_203 : i32
        scf.if %cond3A_204 {
          %sub3A_387 = arith.constant 3 : i32
          %sub3A_388 = arith.subi %add3A_186, %sub3A_387 : i32
          %mul3A_389 = arith.constant 80 : i32
          %mul3A_390 = arith.muli %sub3A_388, %mul3A_389 : i32
          %add3A_391 = arith.addi %mul3A_2, %mul3A_390 : i32
          %dma_wait3A_392 = arith.constant 0 : i32
          %dma_wait3A_393 = arith.constant 0 : i32
          %dma_wait3A_394 = arith.constant 0 : i32
          %dma_wait3A_395 = tpu.memref_slice %arg7[%dma_wait3A_392, %dma_wait3A_393, %dma_wait3A_394] : memref<3x80x128xf32, #tpu.memory_space<vmem>> -> memref<1x80x128xf32, #tpu.memory_space<vmem>>
          %dma_wait3A_396 = tpu.memref_squeeze %dma_wait3A_395 : memref<1x80x128xf32, #tpu.memory_space<vmem>> -> memref<80x128xf32, #tpu.memory_space<vmem>>
          %dma_wait3A_397 = arith.constant 0 : i32
          %dma_wait3A_398 = tpu.memref_slice %arg5[%add3A_391, %dma_wait3A_397] : memref<320000x256xf32, #tpu.memory_space<hbm>> -> memref<80x128xf32, #tpu.memory_space<hbm>>
          %dma_wait3A_399 = arith.constant 0 : i32
          %dma_wait3A_400 = tpu.memref_slice %arg5[%add3A_391, %dma_wait3A_399] : memref<320000x256xf32, #tpu.memory_space<hbm>> -> memref<80x128xf32, #tpu.memory_space<hbm>>
          %dma_wait3A_401 = arith.constant 0 : i32
          %dma_wait3A_402 = arith.constant 0 : i32
          %dma_wait3A_403 = tpu.memref_slice %arg7[%dma_wait3A_392, %dma_wait3A_401, %dma_wait3A_402] : memref<3x80x128xf32, #tpu.memory_space<vmem>> -> memref<1x80x128xf32, #tpu.memory_space<vmem>>
          %dma_wait3A_404 = tpu.memref_squeeze %dma_wait3A_403 : memref<1x80x128xf32, #tpu.memory_space<vmem>> -> memref<80x128xf32, #tpu.memory_space<vmem>>
          tpu.wait_dma2 semaphore(%arg12 : memref<!tpu.dma_semaphore, #tpu.memory_space<semaphore_mem>>) src(%dma_wait3A_404 : memref<80x128xf32, #tpu.memory_space<vmem>>) dst(%dma_wait3A_400 : memref<80x128xf32, #tpu.memory_space<hbm>>)
        } else {
        }
        %dma_start3A_205 = arith.constant 0 : i32
        %dma_start3A_206 = arith.constant 0 : i32
        %dma_start3A_207 = arith.constant 0 : i32
        %dma_start3A_208 = arith.constant 0 : i32
        %dma_start3A_209 = tpu.memref_slice %arg7[%dma_start3A_206, %dma_start3A_207, %dma_start3A_208] : memref<3x80x128xf32, #tpu.memory_space<vmem>> -> memref<1x80x128xf32, #tpu.memory_space<vmem>>
        %dma_start3A_210 = tpu.memref_squeeze %dma_start3A_209 : memref<1x80x128xf32, #tpu.memory_space<vmem>> -> memref<80x128xf32, #tpu.memory_space<vmem>>
        %dma_start3A_211 = arith.constant 0 : i32
        %dma_start3A_212 = tpu.memref_slice %arg6[%dma_start3A_205, %dma_start3A_211] : memref<3x80xi32, #tpu.memory_space<vmem>> -> memref<1x80xi32, #tpu.memory_space<vmem>>
        %dma_start3A_213 = tpu.memref_squeeze %dma_start3A_212 : memref<1x80xi32, #tpu.memory_space<vmem>> -> memref<80xi32, #tpu.memory_space<vmem>>
        %dma_start3A_214 = arith.constant 0 : i32
        %dma_start3A_215 = arith.constant 0 : i32
        %dma_start3A_216 = tpu.memref_slice %arg8[%dma_start3A_214, %dma_start3A_215] : memref<10000x128xf32, #tpu.memory_space<vmem_shared>> -> memref<10000x128xf32, #tpu.memory_space<vmem_shared>>
        tpu.enqueue_indirect_dma source(%dma_start3A_216 : memref<10000x128xf32, #tpu.memory_space<vmem_shared>>) target(%dma_start3A_210 : memref<80x128xf32, #tpu.memory_space<vmem>>) offsets(%dma_start3A_213 : memref<80xi32, #tpu.memory_space<vmem>>) semaphore(%arg15 : memref<!tpu.dma_semaphore, #tpu.memory_space<semaphore_mem>>)
        %gt3A_217 = arith.constant 0 : i32
        %gt3A_218 = arith.cmpi sgt, %scan3A_182, %gt3A_217 : i32
        %convert_element_type3A_219 = arith.extui %gt3A_218 : i1 to i32
        %cond3A_220 = arith.constant 0 : i32
        %cond3A_221 = arith.cmpi ne, %convert_element_type3A_219, %cond3A_220 : i32
        scf.if %cond3A_221 {
          %dma_wait3A_387 = arith.constant 2 : i32
          %dma_wait3A_388 = arith.constant 2 : i32
          %dma_wait3A_389 = arith.constant 0 : i32
          %dma_wait3A_390 = arith.constant 0 : i32
          %dma_wait3A_391 = tpu.memref_slice %arg7[%dma_wait3A_388, %dma_wait3A_389, %dma_wait3A_390] : memref<3x80x128xf32, #tpu.memory_space<vmem>> -> memref<1x80x128xf32, #tpu.memory_space<vmem>>
          %dma_wait3A_392 = tpu.memref_squeeze %dma_wait3A_391 : memref<1x80x128xf32, #tpu.memory_space<vmem>> -> memref<80x128xf32, #tpu.memory_space<vmem>>
          %dma_wait3A_393 = arith.constant 0 : i32
          %dma_wait3A_394 = tpu.memref_slice %arg6[%dma_wait3A_387, %dma_wait3A_393] : memref<3x80xi32, #tpu.memory_space<vmem>> -> memref<1x80xi32, #tpu.memory_space<vmem>>
          %dma_wait3A_395 = tpu.memref_squeeze %dma_wait3A_394 : memref<1x80xi32, #tpu.memory_space<vmem>> -> memref<80xi32, #tpu.memory_space<vmem>>
          %dma_wait3A_396 = arith.constant 0 : i32
          %dma_wait3A_397 = arith.constant 0 : i32
          %dma_wait3A_398 = tpu.memref_slice %arg8[%dma_wait3A_396, %dma_wait3A_397] : memref<10000x128xf32, #tpu.memory_space<vmem_shared>> -> memref<10000x128xf32, #tpu.memory_space<vmem_shared>>
          tpu.wait_indirect_dma semaphore(%arg17 : memref<!tpu.dma_semaphore, #tpu.memory_space<semaphore_mem>>) src(%dma_wait3A_398 : memref<10000x128xf32, #tpu.memory_space<vmem_shared>>) dst(%dma_wait3A_392 : memref<80x128xf32, #tpu.memory_space<vmem>>)
          %sub3A_399 = arith.constant 1 : i32
          %sub3A_400 = arith.subi %add3A_186, %sub3A_399 : i32
          %mul3A_401 = arith.constant 80 : i32
          %mul3A_402 = arith.muli %sub3A_400, %mul3A_401 : i32
          %add3A_403 = arith.addi %mul3A_2, %mul3A_402 : i32
          %dma_start3A_404 = arith.constant 2 : i32
          %dma_start3A_405 = arith.constant 0 : i32
          %dma_start3A_406 = arith.constant 0 : i32
          %dma_start3A_407 = tpu.memref_slice %arg7[%dma_start3A_404, %dma_start3A_405, %dma_start3A_406] : memref<3x80x128xf32, #tpu.memory_space<vmem>> -> memref<1x80x128xf32, #tpu.memory_space<vmem>>
          %dma_start3A_408 = tpu.memref_squeeze %dma_start3A_407 : memref<1x80x128xf32, #tpu.memory_space<vmem>> -> memref<80x128xf32, #tpu.memory_space<vmem>>
          %dma_start3A_409 = arith.constant 0 : i32
          %dma_start3A_410 = tpu.memref_slice %arg5[%add3A_403, %dma_start3A_409] : memref<320000x256xf32, #tpu.memory_space<hbm>> -> memref<80x128xf32, #tpu.memory_space<hbm>>
          %dma_start3A_411 = arith.constant 0 : i32
          %dma_start3A_412 = tpu.memref_slice %arg5[%add3A_403, %dma_start3A_411] : memref<320000x256xf32, #tpu.memory_space<hbm>> -> memref<80x128xf32, #tpu.memory_space<hbm>>
          %dma_start3A_413 = arith.constant 0 : i32
          %dma_start3A_414 = arith.constant 0 : i32
          %dma_start3A_415 = tpu.memref_slice %arg7[%dma_start3A_404, %dma_start3A_413, %dma_start3A_414] : memref<3x80x128xf32, #tpu.memory_space<vmem>> -> memref<1x80x128xf32, #tpu.memory_space<vmem>>
          %dma_start3A_416 = tpu.memref_squeeze %dma_start3A_415 : memref<1x80x128xf32, #tpu.memory_space<vmem>> -> memref<80x128xf32, #tpu.memory_space<vmem>>
          tpu.enqueue_dma source(%dma_start3A_416 : memref<80x128xf32, #tpu.memory_space<vmem>>) target(%dma_start3A_412 : memref<80x128xf32, #tpu.memory_space<hbm>>) target_semaphore(%arg14 : memref<!tpu.dma_semaphore, #tpu.memory_space<semaphore_mem>>)
        } else {
        }
        %add3A_222 = arith.constant 2 : i32
        %add3A_223 = arith.addi %add3A_186, %add3A_222 : i32
        %add3A_224 = arith.constant 0 : i32
        %add3A_225 = arith.addi %add3A_224, %mul3A_2 : i32
        %mul3A_226 = arith.constant 80 : i32
        %mul3A_227 = arith.muli %add3A_223, %mul3A_226 : i32
        %add3A_228 = arith.addi %add3A_225, %mul3A_227 : i32
        %dma_start3A_229 = arith.constant 2 : i32
        %dma_start3A_230 = arith.constant 0 : i32
        %dma_start3A_231 = tpu.memref_slice %arg6[%dma_start3A_229, %dma_start3A_230] : memref<3x80xi32, #tpu.memory_space<vmem>> -> memref<1x80xi32, #tpu.memory_space<vmem>>
        %dma_start3A_232 = tpu.memref_squeeze %dma_start3A_231 : memref<1x80xi32, #tpu.memory_space<vmem>> -> memref<80xi32, #tpu.memory_space<vmem>>
        %dma_start3A_233 = tpu.memref_slice %arg4[%add3A_228] : memref<640000xi32, #tpu.memory_space<hbm>> -> memref<80xi32, #tpu.memory_space<hbm>>
        %dma_start3A_234 = arith.constant 0 : i32
        %dma_start3A_235 = tpu.memref_slice %arg6[%dma_start3A_229, %dma_start3A_234] : memref<3x80xi32, #tpu.memory_space<vmem>> -> memref<1x80xi32, #tpu.memory_space<vmem>>
        %dma_start3A_236 = tpu.memref_squeeze %dma_start3A_235 : memref<1x80xi32, #tpu.memory_space<vmem>> -> memref<80xi32, #tpu.memory_space<vmem>>
        %dma_start3A_237 = tpu.memref_slice %arg4[%add3A_228] : memref<640000xi32, #tpu.memory_space<hbm>> -> memref<80xi32, #tpu.memory_space<hbm>>
        tpu.enqueue_dma source(%dma_start3A_237 : memref<80xi32, #tpu.memory_space<hbm>>) target(%dma_start3A_236 : memref<80xi32, #tpu.memory_space<vmem>>) target_semaphore(%arg11 : memref<!tpu.dma_semaphore, #tpu.memory_space<semaphore_mem>>)
        %mul3A_238 = arith.constant 3 : i32
        %mul3A_239 = arith.muli %scan3A_182, %mul3A_238 : i32
        %add3A_240 = arith.constant 1 : i32
        %add3A_241 = arith.addi %mul3A_239, %add3A_240 : i32
        %add3A_242 = arith.constant 0 : i32
        %add3A_243 = arith.addi %add3A_242, %mul3A_2 : i32
        %mul3A_244 = arith.constant 80 : i32
        %mul3A_245 = arith.muli %add3A_241, %mul3A_244 : i32
        %add3A_246 = arith.addi %add3A_243, %mul3A_245 : i32
        %dma_wait3A_247 = arith.constant 1 : i32
        %dma_wait3A_248 = arith.constant 0 : i32
        %dma_wait3A_249 = tpu.memref_slice %arg6[%dma_wait3A_247, %dma_wait3A_248] : memref<3x80xi32, #tpu.memory_space<vmem>> -> memref<1x80xi32, #tpu.memory_space<vmem>>
        %dma_wait3A_250 = tpu.memref_squeeze %dma_wait3A_249 : memref<1x80xi32, #tpu.memory_space<vmem>> -> memref<80xi32, #tpu.memory_space<vmem>>
        %dma_wait3A_251 = tpu.memref_slice %arg4[%add3A_246] : memref<640000xi32, #tpu.memory_space<hbm>> -> memref<80xi32, #tpu.memory_space<hbm>>
        %dma_wait3A_252 = arith.constant 0 : i32
        %dma_wait3A_253 = tpu.memref_slice %arg6[%dma_wait3A_247, %dma_wait3A_252] : memref<3x80xi32, #tpu.memory_space<vmem>> -> memref<1x80xi32, #tpu.memory_space<vmem>>
        %dma_wait3A_254 = tpu.memref_squeeze %dma_wait3A_253 : memref<1x80xi32, #tpu.memory_space<vmem>> -> memref<80xi32, #tpu.memory_space<vmem>>
        %dma_wait3A_255 = tpu.memref_slice %arg4[%add3A_246] : memref<640000xi32, #tpu.memory_space<hbm>> -> memref<80xi32, #tpu.memory_space<hbm>>
        tpu.wait_dma2 semaphore(%arg10 : memref<!tpu.dma_semaphore, #tpu.memory_space<semaphore_mem>>) src(%dma_wait3A_255 : memref<80xi32, #tpu.memory_space<hbm>>) dst(%dma_wait3A_254 : memref<80xi32, #tpu.memory_space<vmem>>)
        %gt3A_256 = arith.constant 0 : i32
        %gt3A_257 = arith.cmpi sgt, %scan3A_182, %gt3A_256 : i32
        %convert_element_type3A_258 = arith.extui %gt3A_257 : i1 to i32
        %cond3A_259 = arith.constant 0 : i32
        %cond3A_260 = arith.cmpi ne, %convert_element_type3A_258, %cond3A_259 : i32
        scf.if %cond3A_260 {
          %sub3A_387 = arith.constant 3 : i32
          %sub3A_388 = arith.subi %add3A_241, %sub3A_387 : i32
          %mul3A_389 = arith.constant 80 : i32
          %mul3A_390 = arith.muli %sub3A_388, %mul3A_389 : i32
          %add3A_391 = arith.addi %mul3A_2, %mul3A_390 : i32
          %dma_wait3A_392 = arith.constant 1 : i32
          %dma_wait3A_393 = arith.constant 0 : i32
          %dma_wait3A_394 = arith.constant 0 : i32
          %dma_wait3A_395 = tpu.memref_slice %arg7[%dma_wait3A_392, %dma_wait3A_393, %dma_wait3A_394] : memref<3x80x128xf32, #tpu.memory_space<vmem>> -> memref<1x80x128xf32, #tpu.memory_space<vmem>>
          %dma_wait3A_396 = tpu.memref_squeeze %dma_wait3A_395 : memref<1x80x128xf32, #tpu.memory_space<vmem>> -> memref<80x128xf32, #tpu.memory_space<vmem>>
          %dma_wait3A_397 = arith.constant 0 : i32
          %dma_wait3A_398 = tpu.memref_slice %arg5[%add3A_391, %dma_wait3A_397] : memref<320000x256xf32, #tpu.memory_space<hbm>> -> memref<80x128xf32, #tpu.memory_space<hbm>>
          %dma_wait3A_399 = arith.constant 0 : i32
          %dma_wait3A_400 = tpu.memref_slice %arg5[%add3A_391, %dma_wait3A_399] : memref<320000x256xf32, #tpu.memory_space<hbm>> -> memref<80x128xf32, #tpu.memory_space<hbm>>
          %dma_wait3A_401 = arith.constant 0 : i32
          %dma_wait3A_402 = arith.constant 0 : i32
          %dma_wait3A_403 = tpu.memref_slice %arg7[%dma_wait3A_392, %dma_wait3A_401, %dma_wait3A_402] : memref<3x80x128xf32, #tpu.memory_space<vmem>> -> memref<1x80x128xf32, #tpu.memory_space<vmem>>
          %dma_wait3A_404 = tpu.memref_squeeze %dma_wait3A_403 : memref<1x80x128xf32, #tpu.memory_space<vmem>> -> memref<80x128xf32, #tpu.memory_space<vmem>>
          tpu.wait_dma2 semaphore(%arg13 : memref<!tpu.dma_semaphore, #tpu.memory_space<semaphore_mem>>) src(%dma_wait3A_404 : memref<80x128xf32, #tpu.memory_space<vmem>>) dst(%dma_wait3A_400 : memref<80x128xf32, #tpu.memory_space<hbm>>)
        } else {
        }
        %dma_start3A_261 = arith.constant 1 : i32
        %dma_start3A_262 = arith.constant 1 : i32
        %dma_start3A_263 = arith.constant 0 : i32
        %dma_start3A_264 = arith.constant 0 : i32
        %dma_start3A_265 = tpu.memref_slice %arg7[%dma_start3A_262, %dma_start3A_263, %dma_start3A_264] : memref<3x80x128xf32, #tpu.memory_space<vmem>> -> memref<1x80x128xf32, #tpu.memory_space<vmem>>
        %dma_start3A_266 = tpu.memref_squeeze %dma_start3A_265 : memref<1x80x128xf32, #tpu.memory_space<vmem>> -> memref<80x128xf32, #tpu.memory_space<vmem>>
        %dma_start3A_267 = arith.constant 0 : i32
        %dma_start3A_268 = tpu.memref_slice %arg6[%dma_start3A_261, %dma_start3A_267] : memref<3x80xi32, #tpu.memory_space<vmem>> -> memref<1x80xi32, #tpu.memory_space<vmem>>
        %dma_start3A_269 = tpu.memref_squeeze %dma_start3A_268 : memref<1x80xi32, #tpu.memory_space<vmem>> -> memref<80xi32, #tpu.memory_space<vmem>>
        %dma_start3A_270 = arith.constant 0 : i32
        %dma_start3A_271 = arith.constant 0 : i32
        %dma_start3A_272 = tpu.memref_slice %arg8[%dma_start3A_270, %dma_start3A_271] : memref<10000x128xf32, #tpu.memory_space<vmem_shared>> -> memref<10000x128xf32, #tpu.memory_space<vmem_shared>>
        tpu.enqueue_indirect_dma source(%dma_start3A_272 : memref<10000x128xf32, #tpu.memory_space<vmem_shared>>) target(%dma_start3A_266 : memref<80x128xf32, #tpu.memory_space<vmem>>) offsets(%dma_start3A_269 : memref<80xi32, #tpu.memory_space<vmem>>) semaphore(%arg16 : memref<!tpu.dma_semaphore, #tpu.memory_space<semaphore_mem>>)
        %dma_wait3A_273 = arith.constant 0 : i32
        %dma_wait3A_274 = arith.constant 0 : i32
        %dma_wait3A_275 = arith.constant 0 : i32
        %dma_wait3A_276 = arith.constant 0 : i32
        %dma_wait3A_277 = tpu.memref_slice %arg7[%dma_wait3A_274, %dma_wait3A_275, %dma_wait3A_276] : memref<3x80x128xf32, #tpu.memory_space<vmem>> -> memref<1x80x128xf32, #tpu.memory_space<vmem>>
        %dma_wait3A_278 = tpu.memref_squeeze %dma_wait3A_277 : memref<1x80x128xf32, #tpu.memory_space<vmem>> -> memref<80x128xf32, #tpu.memory_space<vmem>>
        %dma_wait3A_279 = arith.constant 0 : i32
        %dma_wait3A_280 = tpu.memref_slice %arg6[%dma_wait3A_273, %dma_wait3A_279] : memref<3x80xi32, #tpu.memory_space<vmem>> -> memref<1x80xi32, #tpu.memory_space<vmem>>
        %dma_wait3A_281 = tpu.memref_squeeze %dma_wait3A_280 : memref<1x80xi32, #tpu.memory_space<vmem>> -> memref<80xi32, #tpu.memory_space<vmem>>
        %dma_wait3A_282 = arith.constant 0 : i32
        %dma_wait3A_283 = arith.constant 0 : i32
        %dma_wait3A_284 = tpu.memref_slice %arg8[%dma_wait3A_282, %dma_wait3A_283] : memref<10000x128xf32, #tpu.memory_space<vmem_shared>> -> memref<10000x128xf32, #tpu.memory_space<vmem_shared>>
        tpu.wait_indirect_dma semaphore(%arg15 : memref<!tpu.dma_semaphore, #tpu.memory_space<semaphore_mem>>) src(%dma_wait3A_284 : memref<10000x128xf32, #tpu.memory_space<vmem_shared>>) dst(%dma_wait3A_278 : memref<80x128xf32, #tpu.memory_space<vmem>>)
        %sub3A = arith.constant 1 : i32
        %sub3A_285 = arith.subi %add3A_241, %sub3A : i32
        %mul3A_286 = arith.constant 80 : i32
        %mul3A_287 = arith.muli %sub3A_285, %mul3A_286 : i32
        %add3A_288 = arith.addi %mul3A_2, %mul3A_287 : i32
        %dma_start3A_289 = arith.constant 0 : i32
        %dma_start3A_290 = arith.constant 0 : i32
        %dma_start3A_291 = arith.constant 0 : i32
        %dma_start3A_292 = tpu.memref_slice %arg7[%dma_start3A_289, %dma_start3A_290, %dma_start3A_291] : memref<3x80x128xf32, #tpu.memory_space<vmem>> -> memref<1x80x128xf32, #tpu.memory_space<vmem>>
        %dma_start3A_293 = tpu.memref_squeeze %dma_start3A_292 : memref<1x80x128xf32, #tpu.memory_space<vmem>> -> memref<80x128xf32, #tpu.memory_space<vmem>>
        %dma_start3A_294 = arith.constant 0 : i32
        %dma_start3A_295 = tpu.memref_slice %arg5[%add3A_288, %dma_start3A_294] : memref<320000x256xf32, #tpu.memory_space<hbm>> -> memref<80x128xf32, #tpu.memory_space<hbm>>
        %dma_start3A_296 = arith.constant 0 : i32
        %dma_start3A_297 = tpu.memref_slice %arg5[%add3A_288, %dma_start3A_296] : memref<320000x256xf32, #tpu.memory_space<hbm>> -> memref<80x128xf32, #tpu.memory_space<hbm>>
        %dma_start3A_298 = arith.constant 0 : i32
        %dma_start3A_299 = arith.constant 0 : i32
        %dma_start3A_300 = tpu.memref_slice %arg7[%dma_start3A_289, %dma_start3A_298, %dma_start3A_299] : memref<3x80x128xf32, #tpu.memory_space<vmem>> -> memref<1x80x128xf32, #tpu.memory_space<vmem>>
        %dma_start3A_301 = tpu.memref_squeeze %dma_start3A_300 : memref<1x80x128xf32, #tpu.memory_space<vmem>> -> memref<80x128xf32, #tpu.memory_space<vmem>>
        tpu.enqueue_dma source(%dma_start3A_301 : memref<80x128xf32, #tpu.memory_space<vmem>>) target(%dma_start3A_297 : memref<80x128xf32, #tpu.memory_space<hbm>>) target_semaphore(%arg12 : memref<!tpu.dma_semaphore, #tpu.memory_space<semaphore_mem>>)
        %add3A_302 = arith.constant 2 : i32
        %add3A_303 = arith.addi %add3A_241, %add3A_302 : i32
        %add3A_304 = arith.constant 0 : i32
        %add3A_305 = arith.addi %add3A_304, %mul3A_2 : i32
        %mul3A_306 = arith.constant 80 : i32
        %mul3A_307 = arith.muli %add3A_303, %mul3A_306 : i32
        %add3A_308 = arith.addi %add3A_305, %mul3A_307 : i32
        %dma_start3A_309 = arith.constant 0 : i32
        %dma_start3A_310 = arith.constant 0 : i32
        %dma_start3A_311 = tpu.memref_slice %arg6[%dma_start3A_309, %dma_start3A_310] : memref<3x80xi32, #tpu.memory_space<vmem>> -> memref<1x80xi32, #tpu.memory_space<vmem>>
        %dma_start3A_312 = tpu.memref_squeeze %dma_start3A_311 : memref<1x80xi32, #tpu.memory_space<vmem>> -> memref<80xi32, #tpu.memory_space<vmem>>
        %dma_start3A_313 = tpu.memref_slice %arg4[%add3A_308] : memref<640000xi32, #tpu.memory_space<hbm>> -> memref<80xi32, #tpu.memory_space<hbm>>
        %dma_start3A_314 = arith.constant 0 : i32
        %dma_start3A_315 = tpu.memref_slice %arg6[%dma_start3A_309, %dma_start3A_314] : memref<3x80xi32, #tpu.memory_space<vmem>> -> memref<1x80xi32, #tpu.memory_space<vmem>>
        %dma_start3A_316 = tpu.memref_squeeze %dma_start3A_315 : memref<1x80xi32, #tpu.memory_space<vmem>> -> memref<80xi32, #tpu.memory_space<vmem>>
        %dma_start3A_317 = tpu.memref_slice %arg4[%add3A_308] : memref<640000xi32, #tpu.memory_space<hbm>> -> memref<80xi32, #tpu.memory_space<hbm>>
        tpu.enqueue_dma source(%dma_start3A_317 : memref<80xi32, #tpu.memory_space<hbm>>) target(%dma_start3A_316 : memref<80xi32, #tpu.memory_space<vmem>>) target_semaphore(%arg9 : memref<!tpu.dma_semaphore, #tpu.memory_space<semaphore_mem>>)
        %mul3A_318 = arith.constant 3 : i32
        %mul3A_319 = arith.muli %scan3A_182, %mul3A_318 : i32
        %add3A_320 = arith.constant 2 : i32
        %add3A_321 = arith.addi %mul3A_319, %add3A_320 : i32
        %add3A_322 = arith.constant 0 : i32
        %add3A_323 = arith.addi %add3A_322, %mul3A_2 : i32
        %mul3A_324 = arith.constant 80 : i32
        %mul3A_325 = arith.muli %add3A_321, %mul3A_324 : i32
        %add3A_326 = arith.addi %add3A_323, %mul3A_325 : i32
        %dma_wait3A_327 = arith.constant 2 : i32
        %dma_wait3A_328 = arith.constant 0 : i32
        %dma_wait3A_329 = tpu.memref_slice %arg6[%dma_wait3A_327, %dma_wait3A_328] : memref<3x80xi32, #tpu.memory_space<vmem>> -> memref<1x80xi32, #tpu.memory_space<vmem>>
        %dma_wait3A_330 = tpu.memref_squeeze %dma_wait3A_329 : memref<1x80xi32, #tpu.memory_space<vmem>> -> memref<80xi32, #tpu.memory_space<vmem>>
        %dma_wait3A_331 = tpu.memref_slice %arg4[%add3A_326] : memref<640000xi32, #tpu.memory_space<hbm>> -> memref<80xi32, #tpu.memory_space<hbm>>
        %dma_wait3A_332 = arith.constant 0 : i32
        %dma_wait3A_333 = tpu.memref_slice %arg6[%dma_wait3A_327, %dma_wait3A_332] : memref<3x80xi32, #tpu.memory_space<vmem>> -> memref<1x80xi32, #tpu.memory_space<vmem>>
        %dma_wait3A_334 = tpu.memref_squeeze %dma_wait3A_333 : memref<1x80xi32, #tpu.memory_space<vmem>> -> memref<80xi32, #tpu.memory_space<vmem>>
        %dma_wait3A_335 = tpu.memref_slice %arg4[%add3A_326] : memref<640000xi32, #tpu.memory_space<hbm>> -> memref<80xi32, #tpu.memory_space<hbm>>
        tpu.wait_dma2 semaphore(%arg11 : memref<!tpu.dma_semaphore, #tpu.memory_space<semaphore_mem>>) src(%dma_wait3A_335 : memref<80xi32, #tpu.memory_space<hbm>>) dst(%dma_wait3A_334 : memref<80xi32, #tpu.memory_space<vmem>>)
        %gt3A_336 = arith.constant 0 : i32
        %gt3A_337 = arith.cmpi sgt, %scan3A_182, %gt3A_336 : i32
        %convert_element_type3A_338 = arith.extui %gt3A_337 : i1 to i32
        %cond3A_339 = arith.constant 0 : i32
        %cond3A_340 = arith.cmpi ne, %convert_element_type3A_338, %cond3A_339 : i32
        scf.if %cond3A_340 {
          %sub3A_387 = arith.constant 3 : i32
          %sub3A_388 = arith.subi %add3A_321, %sub3A_387 : i32
          %mul3A_389 = arith.constant 80 : i32
          %mul3A_390 = arith.muli %sub3A_388, %mul3A_389 : i32
          %add3A_391 = arith.addi %mul3A_2, %mul3A_390 : i32
          %dma_wait3A_392 = arith.constant 2 : i32
          %dma_wait3A_393 = arith.constant 0 : i32
          %dma_wait3A_394 = arith.constant 0 : i32
          %dma_wait3A_395 = tpu.memref_slice %arg7[%dma_wait3A_392, %dma_wait3A_393, %dma_wait3A_394] : memref<3x80x128xf32, #tpu.memory_space<vmem>> -> memref<1x80x128xf32, #tpu.memory_space<vmem>>
          %dma_wait3A_396 = tpu.memref_squeeze %dma_wait3A_395 : memref<1x80x128xf32, #tpu.memory_space<vmem>> -> memref<80x128xf32, #tpu.memory_space<vmem>>
          %dma_wait3A_397 = arith.constant 0 : i32
          %dma_wait3A_398 = tpu.memref_slice %arg5[%add3A_391, %dma_wait3A_397] : memref<320000x256xf32, #tpu.memory_space<hbm>> -> memref<80x128xf32, #tpu.memory_space<hbm>>
          %dma_wait3A_399 = arith.constant 0 : i32
          %dma_wait3A_400 = tpu.memref_slice %arg5[%add3A_391, %dma_wait3A_399] : memref<320000x256xf32, #tpu.memory_space<hbm>> -> memref<80x128xf32, #tpu.memory_space<hbm>>
          %dma_wait3A_401 = arith.constant 0 : i32
          %dma_wait3A_402 = arith.constant 0 : i32
          %dma_wait3A_403 = tpu.memref_slice %arg7[%dma_wait3A_392, %dma_wait3A_401, %dma_wait3A_402] : memref<3x80x128xf32, #tpu.memory_space<vmem>> -> memref<1x80x128xf32, #tpu.memory_space<vmem>>
          %dma_wait3A_404 = tpu.memref_squeeze %dma_wait3A_403 : memref<1x80x128xf32, #tpu.memory_space<vmem>> -> memref<80x128xf32, #tpu.memory_space<vmem>>
          tpu.wait_dma2 semaphore(%arg14 : memref<!tpu.dma_semaphore, #tpu.memory_space<semaphore_mem>>) src(%dma_wait3A_404 : memref<80x128xf32, #tpu.memory_space<vmem>>) dst(%dma_wait3A_400 : memref<80x128xf32, #tpu.memory_space<hbm>>)
        } else {
        }
        %dma_start3A_341 = arith.constant 2 : i32
        %dma_start3A_342 = arith.constant 2 : i32
        %dma_start3A_343 = arith.constant 0 : i32
        %dma_start3A_344 = arith.constant 0 : i32
        %dma_start3A_345 = tpu.memref_slice %arg7[%dma_start3A_342, %dma_start3A_343, %dma_start3A_344] : memref<3x80x128xf32, #tpu.memory_space<vmem>> -> memref<1x80x128xf32, #tpu.memory_space<vmem>>
        %dma_start3A_346 = tpu.memref_squeeze %dma_start3A_345 : memref<1x80x128xf32, #tpu.memory_space<vmem>> -> memref<80x128xf32, #tpu.memory_space<vmem>>
        %dma_start3A_347 = arith.constant 0 : i32
        %dma_start3A_348 = tpu.memref_slice %arg6[%dma_start3A_341, %dma_start3A_347] : memref<3x80xi32, #tpu.memory_space<vmem>> -> memref<1x80xi32, #tpu.memory_space<vmem>>
        %dma_start3A_349 = tpu.memref_squeeze %dma_start3A_348 : memref<1x80xi32, #tpu.memory_space<vmem>> -> memref<80xi32, #tpu.memory_space<vmem>>
        %dma_start3A_350 = arith.constant 0 : i32
        %dma_start3A_351 = arith.constant 0 : i32
        %dma_start3A_352 = tpu.memref_slice %arg8[%dma_start3A_350, %dma_start3A_351] : memref<10000x128xf32, #tpu.memory_space<vmem_shared>> -> memref<10000x128xf32, #tpu.memory_space<vmem_shared>>
        tpu.enqueue_indirect_dma source(%dma_start3A_352 : memref<10000x128xf32, #tpu.memory_space<vmem_shared>>) target(%dma_start3A_346 : memref<80x128xf32, #tpu.memory_space<vmem>>) offsets(%dma_start3A_349 : memref<80xi32, #tpu.memory_space<vmem>>) semaphore(%arg17 : memref<!tpu.dma_semaphore, #tpu.memory_space<semaphore_mem>>)
        %dma_wait3A_353 = arith.constant 1 : i32
        %dma_wait3A_354 = arith.constant 1 : i32
        %dma_wait3A_355 = arith.constant 0 : i32
        %dma_wait3A_356 = arith.constant 0 : i32
        %dma_wait3A_357 = tpu.memref_slice %arg7[%dma_wait3A_354, %dma_wait3A_355, %dma_wait3A_356] : memref<3x80x128xf32, #tpu.memory_space<vmem>> -> memref<1x80x128xf32, #tpu.memory_space<vmem>>
        %dma_wait3A_358 = tpu.memref_squeeze %dma_wait3A_357 : memref<1x80x128xf32, #tpu.memory_space<vmem>> -> memref<80x128xf32, #tpu.memory_space<vmem>>
        %dma_wait3A_359 = arith.constant 0 : i32
        %dma_wait3A_360 = tpu.memref_slice %arg6[%dma_wait3A_353, %dma_wait3A_359] : memref<3x80xi32, #tpu.memory_space<vmem>> -> memref<1x80xi32, #tpu.memory_space<vmem>>
        %dma_wait3A_361 = tpu.memref_squeeze %dma_wait3A_360 : memref<1x80xi32, #tpu.memory_space<vmem>> -> memref<80xi32, #tpu.memory_space<vmem>>
        %dma_wait3A_362 = arith.constant 0 : i32
        %dma_wait3A_363 = arith.constant 0 : i32
        %dma_wait3A_364 = tpu.memref_slice %arg8[%dma_wait3A_362, %dma_wait3A_363] : memref<10000x128xf32, #tpu.memory_space<vmem_shared>> -> memref<10000x128xf32, #tpu.memory_space<vmem_shared>>
        tpu.wait_indirect_dma semaphore(%arg16 : memref<!tpu.dma_semaphore, #tpu.memory_space<semaphore_mem>>) src(%dma_wait3A_364 : memref<10000x128xf32, #tpu.memory_space<vmem_shared>>) dst(%dma_wait3A_358 : memref<80x128xf32, #tpu.memory_space<vmem>>)
        %sub3A_365 = arith.constant 1 : i32
        %sub3A_366 = arith.subi %add3A_321, %sub3A_365 : i32
        %mul3A_367 = arith.constant 80 : i32
        %mul3A_368 = arith.muli %sub3A_366, %mul3A_367 : i32
        %add3A_369 = arith.addi %mul3A_2, %mul3A_368 : i32
        %dma_start3A_370 = arith.constant 1 : i32
        %dma_start3A_371 = arith.constant 0 : i32
        %dma_start3A_372 = arith.constant 0 : i32
        %dma_start3A_373 = tpu.memref_slice %arg7[%dma_start3A_370, %dma_start3A_371, %dma_start3A_372] : memref<3x80x128xf32, #tpu.memory_space<vmem>> -> memref<1x80x128xf32, #tpu.memory_space<vmem>>
        %dma_start3A_374 = tpu.memref_squeeze %dma_start3A_373 : memref<1x80x128xf32, #tpu.memory_space<vmem>> -> memref<80x128xf32, #tpu.memory_space<vmem>>
        %dma_start3A_375 = arith.constant 0 : i32
        %dma_start3A_376 = tpu.memref_slice %arg5[%add3A_369, %dma_start3A_375] : memref<320000x256xf32, #tpu.memory_space<hbm>> -> memref<80x128xf32, #tpu.memory_space<hbm>>
        %dma_start3A_377 = arith.constant 0 : i32
        %dma_start3A_378 = tpu.memref_slice %arg5[%add3A_369, %dma_start3A_377] : memref<320000x256xf32, #tpu.memory_space<hbm>> -> memref<80x128xf32, #tpu.memory_space<hbm>>
        %dma_start3A_379 = arith.constant 0 : i32
        %dma_start3A_380 = arith.constant 0 : i32
        %dma_start3A_381 = tpu.memref_slice %arg7[%dma_start3A_370, %dma_start3A_379, %dma_start3A_380] : memref<3x80x128xf32, #tpu.memory_space<vmem>> -> memref<1x80x128xf32, #tpu.memory_space<vmem>>
        %dma_start3A_382 = tpu.memref_squeeze %dma_start3A_381 : memref<1x80x128xf32, #tpu.memory_space<vmem>> -> memref<80x128xf32, #tpu.memory_space<vmem>>
        tpu.enqueue_dma source(%dma_start3A_382 : memref<80x128xf32, #tpu.memory_space<vmem>>) target(%dma_start3A_378 : memref<80x128xf32, #tpu.memory_space<hbm>>) target_semaphore(%arg13 : memref<!tpu.dma_semaphore, #tpu.memory_space<semaphore_mem>>)
        %lt3A = arith.constant 82 : i32
        %lt3A_383 = arith.cmpi slt, %scan3A_182, %lt3A : i32
        %convert_element_type3A_384 = arith.extui %lt3A_383 : i1 to i32
        %cond3A_385 = arith.constant 0 : i32
        %cond3A_386 = arith.cmpi ne, %convert_element_type3A_384, %cond3A_385 : i32
        scf.if %cond3A_386 {
          %add3A_387 = arith.constant 2 : i32
          %add3A_388 = arith.addi %add3A_321, %add3A_387 : i32
          %add3A_389 = arith.constant 0 : i32
          %add3A_390 = arith.addi %add3A_389, %mul3A_2 : i32
          %mul3A_391 = arith.constant 80 : i32
          %mul3A_392 = arith.muli %add3A_388, %mul3A_391 : i32
          %add3A_393 = arith.addi %add3A_390, %mul3A_392 : i32
          %dma_start3A_394 = arith.constant 1 : i32
          %dma_start3A_395 = arith.constant 0 : i32
          %dma_start3A_396 = tpu.memref_slice %arg6[%dma_start3A_394, %dma_start3A_395] : memref<3x80xi32, #tpu.memory_space<vmem>> -> memref<1x80xi32, #tpu.memory_space<vmem>>
          %dma_start3A_397 = tpu.memref_squeeze %dma_start3A_396 : memref<1x80xi32, #tpu.memory_space<vmem>> -> memref<80xi32, #tpu.memory_space<vmem>>
          %dma_start3A_398 = tpu.memref_slice %arg4[%add3A_393] : memref<640000xi32, #tpu.memory_space<hbm>> -> memref<80xi32, #tpu.memory_space<hbm>>
          %dma_start3A_399 = arith.constant 0 : i32
          %dma_start3A_400 = tpu.memref_slice %arg6[%dma_start3A_394, %dma_start3A_399] : memref<3x80xi32, #tpu.memory_space<vmem>> -> memref<1x80xi32, #tpu.memory_space<vmem>>
          %dma_start3A_401 = tpu.memref_squeeze %dma_start3A_400 : memref<1x80xi32, #tpu.memory_space<vmem>> -> memref<80xi32, #tpu.memory_space<vmem>>
          %dma_start3A_402 = tpu.memref_slice %arg4[%add3A_393] : memref<640000xi32, #tpu.memory_space<hbm>> -> memref<80xi32, #tpu.memory_space<hbm>>
          tpu.enqueue_dma source(%dma_start3A_402 : memref<80xi32, #tpu.memory_space<hbm>>) target(%dma_start3A_401 : memref<80xi32, #tpu.memory_space<vmem>>) target_semaphore(%arg10 : memref<!tpu.dma_semaphore, #tpu.memory_space<semaphore_mem>>)
        } else {
        }
      }
      %scan3A_43 = arith.constant 83 : i32
      %add3A_44 = arith.constant 0 : i32
      %add3A_45 = arith.addi %add3A_44, %mul3A_2 : i32
      %add3A_46 = arith.constant 19920 : i32
      %add3A_47 = arith.addi %add3A_45, %add3A_46 : i32
      %dma_wait3A = arith.constant 0 : i32
      %dma_wait3A_48 = arith.constant 0 : i32
      %dma_wait3A_49 = tpu.memref_slice %arg6[%dma_wait3A, %dma_wait3A_48] : memref<3x80xi32, #tpu.memory_space<vmem>> -> memref<1x80xi32, #tpu.memory_space<vmem>>
      %dma_wait3A_50 = tpu.memref_squeeze %dma_wait3A_49 : memref<1x80xi32, #tpu.memory_space<vmem>> -> memref<80xi32, #tpu.memory_space<vmem>>
      %dma_wait3A_51 = tpu.memref_slice %arg4[%add3A_47] : memref<640000xi32, #tpu.memory_space<hbm>> -> memref<80xi32, #tpu.memory_space<hbm>>
      %dma_wait3A_52 = arith.constant 0 : i32
      %dma_wait3A_53 = tpu.memref_slice %arg6[%dma_wait3A, %dma_wait3A_52] : memref<3x80xi32, #tpu.memory_space<vmem>> -> memref<1x80xi32, #tpu.memory_space<vmem>>
      %dma_wait3A_54 = tpu.memref_squeeze %dma_wait3A_53 : memref<1x80xi32, #tpu.memory_space<vmem>> -> memref<80xi32, #tpu.memory_space<vmem>>
      %dma_wait3A_55 = tpu.memref_slice %arg4[%add3A_47] : memref<640000xi32, #tpu.memory_space<hbm>> -> memref<80xi32, #tpu.memory_space<hbm>>
      tpu.wait_dma2 semaphore(%arg9 : memref<!tpu.dma_semaphore, #tpu.memory_space<semaphore_mem>>) src(%dma_wait3A_55 : memref<80xi32, #tpu.memory_space<hbm>>) dst(%dma_wait3A_54 : memref<80xi32, #tpu.memory_space<vmem>>)
      %add3A_56 = arith.constant 19680 : i32
      %add3A_57 = arith.addi %mul3A_2, %add3A_56 : i32
      %dma_wait3A_58 = arith.constant 0 : i32
      %dma_wait3A_59 = arith.constant 0 : i32
      %dma_wait3A_60 = arith.constant 0 : i32
      %dma_wait3A_61 = tpu.memref_slice %arg7[%dma_wait3A_58, %dma_wait3A_59, %dma_wait3A_60] : memref<3x80x128xf32, #tpu.memory_space<vmem>> -> memref<1x80x128xf32, #tpu.memory_space<vmem>>
      %dma_wait3A_62 = tpu.memref_squeeze %dma_wait3A_61 : memref<1x80x128xf32, #tpu.memory_space<vmem>> -> memref<80x128xf32, #tpu.memory_space<vmem>>
      %dma_wait3A_63 = arith.constant 0 : i32
      %dma_wait3A_64 = tpu.memref_slice %arg5[%add3A_57, %dma_wait3A_63] : memref<320000x256xf32, #tpu.memory_space<hbm>> -> memref<80x128xf32, #tpu.memory_space<hbm>>
      %dma_wait3A_65 = arith.constant 0 : i32
      %dma_wait3A_66 = tpu.memref_slice %arg5[%add3A_57, %dma_wait3A_65] : memref<320000x256xf32, #tpu.memory_space<hbm>> -> memref<80x128xf32, #tpu.memory_space<hbm>>
      %dma_wait3A_67 = arith.constant 0 : i32
      %dma_wait3A_68 = arith.constant 0 : i32
      %dma_wait3A_69 = tpu.memref_slice %arg7[%dma_wait3A_58, %dma_wait3A_67, %dma_wait3A_68] : memref<3x80x128xf32, #tpu.memory_space<vmem>> -> memref<1x80x128xf32, #tpu.memory_space<vmem>>
      %dma_wait3A_70 = tpu.memref_squeeze %dma_wait3A_69 : memref<1x80x128xf32, #tpu.memory_space<vmem>> -> memref<80x128xf32, #tpu.memory_space<vmem>>
      tpu.wait_dma2 semaphore(%arg12 : memref<!tpu.dma_semaphore, #tpu.memory_space<semaphore_mem>>) src(%dma_wait3A_70 : memref<80x128xf32, #tpu.memory_space<vmem>>) dst(%dma_wait3A_66 : memref<80x128xf32, #tpu.memory_space<hbm>>)
      %dma_start3A_71 = arith.constant 0 : i32
      %dma_start3A_72 = arith.constant 0 : i32
      %dma_start3A_73 = arith.constant 0 : i32
      %dma_start3A_74 = arith.constant 0 : i32
      %dma_start3A_75 = tpu.memref_slice %arg7[%dma_start3A_72, %dma_start3A_73, %dma_start3A_74] : memref<3x80x128xf32, #tpu.memory_space<vmem>> -> memref<1x80x128xf32, #tpu.memory_space<vmem>>
      %dma_start3A_76 = tpu.memref_squeeze %dma_start3A_75 : memref<1x80x128xf32, #tpu.memory_space<vmem>> -> memref<80x128xf32, #tpu.memory_space<vmem>>
      %dma_start3A_77 = arith.constant 0 : i32
      %dma_start3A_78 = tpu.memref_slice %arg6[%dma_start3A_71, %dma_start3A_77] : memref<3x80xi32, #tpu.memory_space<vmem>> -> memref<1x80xi32, #tpu.memory_space<vmem>>
      %dma_start3A_79 = tpu.memref_squeeze %dma_start3A_78 : memref<1x80xi32, #tpu.memory_space<vmem>> -> memref<80xi32, #tpu.memory_space<vmem>>
      %dma_start3A_80 = arith.constant 0 : i32
      %dma_start3A_81 = arith.constant 0 : i32
      %dma_start3A_82 = tpu.memref_slice %arg8[%dma_start3A_80, %dma_start3A_81] : memref<10000x128xf32, #tpu.memory_space<vmem_shared>> -> memref<10000x128xf32, #tpu.memory_space<vmem_shared>>
      tpu.enqueue_indirect_dma source(%dma_start3A_82 : memref<10000x128xf32, #tpu.memory_space<vmem_shared>>) target(%dma_start3A_76 : memref<80x128xf32, #tpu.memory_space<vmem>>) offsets(%dma_start3A_79 : memref<80xi32, #tpu.memory_space<vmem>>) semaphore(%arg15 : memref<!tpu.dma_semaphore, #tpu.memory_space<semaphore_mem>>)
      %dma_wait3A_83 = arith.constant 2 : i32
      %dma_wait3A_84 = arith.constant 2 : i32
      %dma_wait3A_85 = arith.constant 0 : i32
      %dma_wait3A_86 = arith.constant 0 : i32
      %dma_wait3A_87 = tpu.memref_slice %arg7[%dma_wait3A_84, %dma_wait3A_85, %dma_wait3A_86] : memref<3x80x128xf32, #tpu.memory_space<vmem>> -> memref<1x80x128xf32, #tpu.memory_space<vmem>>
      %dma_wait3A_88 = tpu.memref_squeeze %dma_wait3A_87 : memref<1x80x128xf32, #tpu.memory_space<vmem>> -> memref<80x128xf32, #tpu.memory_space<vmem>>
      %dma_wait3A_89 = arith.constant 0 : i32
      %dma_wait3A_90 = tpu.memref_slice %arg6[%dma_wait3A_83, %dma_wait3A_89] : memref<3x80xi32, #tpu.memory_space<vmem>> -> memref<1x80xi32, #tpu.memory_space<vmem>>
      %dma_wait3A_91 = tpu.memref_squeeze %dma_wait3A_90 : memref<1x80xi32, #tpu.memory_space<vmem>> -> memref<80xi32, #tpu.memory_space<vmem>>
      %dma_wait3A_92 = arith.constant 0 : i32
      %dma_wait3A_93 = arith.constant 0 : i32
      %dma_wait3A_94 = tpu.memref_slice %arg8[%dma_wait3A_92, %dma_wait3A_93] : memref<10000x128xf32, #tpu.memory_space<vmem_shared>> -> memref<10000x128xf32, #tpu.memory_space<vmem_shared>>
      tpu.wait_indirect_dma semaphore(%arg17 : memref<!tpu.dma_semaphore, #tpu.memory_space<semaphore_mem>>) src(%dma_wait3A_94 : memref<10000x128xf32, #tpu.memory_space<vmem_shared>>) dst(%dma_wait3A_88 : memref<80x128xf32, #tpu.memory_space<vmem>>)
      %add3A_95 = arith.constant 19840 : i32
      %add3A_96 = arith.addi %mul3A_2, %add3A_95 : i32
      %dma_start3A_97 = arith.constant 2 : i32
      %dma_start3A_98 = arith.constant 0 : i32
      %dma_start3A_99 = arith.constant 0 : i32
      %dma_start3A_100 = tpu.memref_slice %arg7[%dma_start3A_97, %dma_start3A_98, %dma_start3A_99] : memref<3x80x128xf32, #tpu.memory_space<vmem>> -> memref<1x80x128xf32, #tpu.memory_space<vmem>>
      %dma_start3A_101 = tpu.memref_squeeze %dma_start3A_100 : memref<1x80x128xf32, #tpu.memory_space<vmem>> -> memref<80x128xf32, #tpu.memory_space<vmem>>
      %dma_start3A_102 = arith.constant 0 : i32
      %dma_start3A_103 = tpu.memref_slice %arg5[%add3A_96, %dma_start3A_102] : memref<320000x256xf32, #tpu.memory_space<hbm>> -> memref<80x128xf32, #tpu.memory_space<hbm>>
      %dma_start3A_104 = arith.constant 0 : i32
      %dma_start3A_105 = tpu.memref_slice %arg5[%add3A_96, %dma_start3A_104] : memref<320000x256xf32, #tpu.memory_space<hbm>> -> memref<80x128xf32, #tpu.memory_space<hbm>>
      %dma_start3A_106 = arith.constant 0 : i32
      %dma_start3A_107 = arith.constant 0 : i32
      %dma_start3A_108 = tpu.memref_slice %arg7[%dma_start3A_97, %dma_start3A_106, %dma_start3A_107] : memref<3x80x128xf32, #tpu.memory_space<vmem>> -> memref<1x80x128xf32, #tpu.memory_space<vmem>>
      %dma_start3A_109 = tpu.memref_squeeze %dma_start3A_108 : memref<1x80x128xf32, #tpu.memory_space<vmem>> -> memref<80x128xf32, #tpu.memory_space<vmem>>
      tpu.enqueue_dma source(%dma_start3A_109 : memref<80x128xf32, #tpu.memory_space<vmem>>) target(%dma_start3A_105 : memref<80x128xf32, #tpu.memory_space<hbm>>) target_semaphore(%arg14 : memref<!tpu.dma_semaphore, #tpu.memory_space<semaphore_mem>>)
      %dma_wait3A_110 = arith.constant 0 : i32
      %dma_wait3A_111 = arith.constant 0 : i32
      %dma_wait3A_112 = arith.constant 0 : i32
      %dma_wait3A_113 = arith.constant 0 : i32
      %dma_wait3A_114 = tpu.memref_slice %arg7[%dma_wait3A_111, %dma_wait3A_112, %dma_wait3A_113] : memref<3x80x128xf32, #tpu.memory_space<vmem>> -> memref<1x80x128xf32, #tpu.memory_space<vmem>>
      %dma_wait3A_115 = tpu.memref_squeeze %dma_wait3A_114 : memref<1x80x128xf32, #tpu.memory_space<vmem>> -> memref<80x128xf32, #tpu.memory_space<vmem>>
      %dma_wait3A_116 = arith.constant 0 : i32
      %dma_wait3A_117 = tpu.memref_slice %arg6[%dma_wait3A_110, %dma_wait3A_116] : memref<3x80xi32, #tpu.memory_space<vmem>> -> memref<1x80xi32, #tpu.memory_space<vmem>>
      %dma_wait3A_118 = tpu.memref_squeeze %dma_wait3A_117 : memref<1x80xi32, #tpu.memory_space<vmem>> -> memref<80xi32, #tpu.memory_space<vmem>>
      %dma_wait3A_119 = arith.constant 0 : i32
      %dma_wait3A_120 = arith.constant 0 : i32
      %dma_wait3A_121 = tpu.memref_slice %arg8[%dma_wait3A_119, %dma_wait3A_120] : memref<10000x128xf32, #tpu.memory_space<vmem_shared>> -> memref<10000x128xf32, #tpu.memory_space<vmem_shared>>
      tpu.wait_indirect_dma semaphore(%arg15 : memref<!tpu.dma_semaphore, #tpu.memory_space<semaphore_mem>>) src(%dma_wait3A_121 : memref<10000x128xf32, #tpu.memory_space<vmem_shared>>) dst(%dma_wait3A_115 : memref<80x128xf32, #tpu.memory_space<vmem>>)
      %add3A_122 = arith.constant 19920 : i32
      %add3A_123 = arith.addi %mul3A_2, %add3A_122 : i32
      %dma_start3A_124 = arith.constant 0 : i32
      %dma_start3A_125 = arith.constant 0 : i32
      %dma_start3A_126 = arith.constant 0 : i32
      %dma_start3A_127 = tpu.memref_slice %arg7[%dma_start3A_124, %dma_start3A_125, %dma_start3A_126] : memref<3x80x128xf32, #tpu.memory_space<vmem>> -> memref<1x80x128xf32, #tpu.memory_space<vmem>>
      %dma_start3A_128 = tpu.memref_squeeze %dma_start3A_127 : memref<1x80x128xf32, #tpu.memory_space<vmem>> -> memref<80x128xf32, #tpu.memory_space<vmem>>
      %dma_start3A_129 = arith.constant 0 : i32
      %dma_start3A_130 = tpu.memref_slice %arg5[%add3A_123, %dma_start3A_129] : memref<320000x256xf32, #tpu.memory_space<hbm>> -> memref<80x128xf32, #tpu.memory_space<hbm>>
      %dma_start3A_131 = arith.constant 0 : i32
      %dma_start3A_132 = tpu.memref_slice %arg5[%add3A_123, %dma_start3A_131] : memref<320000x256xf32, #tpu.memory_space<hbm>> -> memref<80x128xf32, #tpu.memory_space<hbm>>
      %dma_start3A_133 = arith.constant 0 : i32
      %dma_start3A_134 = arith.constant 0 : i32
      %dma_start3A_135 = tpu.memref_slice %arg7[%dma_start3A_124, %dma_start3A_133, %dma_start3A_134] : memref<3x80x128xf32, #tpu.memory_space<vmem>> -> memref<1x80x128xf32, #tpu.memory_space<vmem>>
      %dma_start3A_136 = tpu.memref_squeeze %dma_start3A_135 : memref<1x80x128xf32, #tpu.memory_space<vmem>> -> memref<80x128xf32, #tpu.memory_space<vmem>>
      tpu.enqueue_dma source(%dma_start3A_136 : memref<80x128xf32, #tpu.memory_space<vmem>>) target(%dma_start3A_132 : memref<80x128xf32, #tpu.memory_space<hbm>>) target_semaphore(%arg12 : memref<!tpu.dma_semaphore, #tpu.memory_space<semaphore_mem>>)
      %add3A_137 = arith.constant 19760 : i32
      %add3A_138 = arith.addi %mul3A_2, %add3A_137 : i32
      %dma_wait3A_139 = arith.constant 1 : i32
      %dma_wait3A_140 = arith.constant 0 : i32
      %dma_wait3A_141 = arith.constant 0 : i32
      %dma_wait3A_142 = tpu.memref_slice %arg7[%dma_wait3A_139, %dma_wait3A_140, %dma_wait3A_141] : memref<3x80x128xf32, #tpu.memory_space<vmem>> -> memref<1x80x128xf32, #tpu.memory_space<vmem>>
      %dma_wait3A_143 = tpu.memref_squeeze %dma_wait3A_142 : memref<1x80x128xf32, #tpu.memory_space<vmem>> -> memref<80x128xf32, #tpu.memory_space<vmem>>
      %dma_wait3A_144 = arith.constant 0 : i32
      %dma_wait3A_145 = tpu.memref_slice %arg5[%add3A_138, %dma_wait3A_144] : memref<320000x256xf32, #tpu.memory_space<hbm>> -> memref<80x128xf32, #tpu.memory_space<hbm>>
      %dma_wait3A_146 = arith.constant 0 : i32
      %dma_wait3A_147 = tpu.memref_slice %arg5[%add3A_138, %dma_wait3A_146] : memref<320000x256xf32, #tpu.memory_space<hbm>> -> memref<80x128xf32, #tpu.memory_space<hbm>>
      %dma_wait3A_148 = arith.constant 0 : i32
      %dma_wait3A_149 = arith.constant 0 : i32
      %dma_wait3A_150 = tpu.memref_slice %arg7[%dma_wait3A_139, %dma_wait3A_148, %dma_wait3A_149] : memref<3x80x128xf32, #tpu.memory_space<vmem>> -> memref<1x80x128xf32, #tpu.memory_space<vmem>>
      %dma_wait3A_151 = tpu.memref_squeeze %dma_wait3A_150 : memref<1x80x128xf32, #tpu.memory_space<vmem>> -> memref<80x128xf32, #tpu.memory_space<vmem>>
      tpu.wait_dma2 semaphore(%arg13 : memref<!tpu.dma_semaphore, #tpu.memory_space<semaphore_mem>>) src(%dma_wait3A_151 : memref<80x128xf32, #tpu.memory_space<vmem>>) dst(%dma_wait3A_147 : memref<80x128xf32, #tpu.memory_space<hbm>>)
      %add3A_152 = arith.constant 19840 : i32
      %add3A_153 = arith.addi %mul3A_2, %add3A_152 : i32
      %dma_wait3A_154 = arith.constant 2 : i32
      %dma_wait3A_155 = arith.constant 0 : i32
      %dma_wait3A_156 = arith.constant 0 : i32
      %dma_wait3A_157 = tpu.memref_slice %arg7[%dma_wait3A_154, %dma_wait3A_155, %dma_wait3A_156] : memref<3x80x128xf32, #tpu.memory_space<vmem>> -> memref<1x80x128xf32, #tpu.memory_space<vmem>>
      %dma_wait3A_158 = tpu.memref_squeeze %dma_wait3A_157 : memref<1x80x128xf32, #tpu.memory_space<vmem>> -> memref<80x128xf32, #tpu.memory_space<vmem>>
      %dma_wait3A_159 = arith.constant 0 : i32
      %dma_wait3A_160 = tpu.memref_slice %arg5[%add3A_153, %dma_wait3A_159] : memref<320000x256xf32, #tpu.memory_space<hbm>> -> memref<80x128xf32, #tpu.memory_space<hbm>>
      %dma_wait3A_161 = arith.constant 0 : i32
      %dma_wait3A_162 = tpu.memref_slice %arg5[%add3A_153, %dma_wait3A_161] : memref<320000x256xf32, #tpu.memory_space<hbm>> -> memref<80x128xf32, #tpu.memory_space<hbm>>
      %dma_wait3A_163 = arith.constant 0 : i32
      %dma_wait3A_164 = arith.constant 0 : i32
      %dma_wait3A_165 = tpu.memref_slice %arg7[%dma_wait3A_154, %dma_wait3A_163, %dma_wait3A_164] : memref<3x80x128xf32, #tpu.memory_space<vmem>> -> memref<1x80x128xf32, #tpu.memory_space<vmem>>
      %dma_wait3A_166 = tpu.memref_squeeze %dma_wait3A_165 : memref<1x80x128xf32, #tpu.memory_space<vmem>> -> memref<80x128xf32, #tpu.memory_space<vmem>>
      tpu.wait_dma2 semaphore(%arg14 : memref<!tpu.dma_semaphore, #tpu.memory_space<semaphore_mem>>) src(%dma_wait3A_166 : memref<80x128xf32, #tpu.memory_space<vmem>>) dst(%dma_wait3A_162 : memref<80x128xf32, #tpu.memory_space<hbm>>)
      %add3A_167 = arith.constant 19920 : i32
      %add3A_168 = arith.addi %mul3A_2, %add3A_167 : i32
      %dma_wait3A_169 = arith.constant 0 : i32
      %dma_wait3A_170 = arith.constant 0 : i32
      %dma_wait3A_171 = arith.constant 0 : i32
      %dma_wait3A_172 = tpu.memref_slice %arg7[%dma_wait3A_169, %dma_wait3A_170, %dma_wait3A_171] : memref<3x80x128xf32, #tpu.memory_space<vmem>> -> memref<1x80x128xf32, #tpu.memory_space<vmem>>
      %dma_wait3A_173 = tpu.memref_squeeze %dma_wait3A_172 : memref<1x80x128xf32, #tpu.memory_space<vmem>> -> memref<80x128xf32, #tpu.memory_space<vmem>>
      %dma_wait3A_174 = arith.constant 0 : i32
      %dma_wait3A_175 = tpu.memref_slice %arg5[%add3A_168, %dma_wait3A_174] : memref<320000x256xf32, #tpu.memory_space<hbm>> -> memref<80x128xf32, #tpu.memory_space<hbm>>
      %dma_wait3A_176 = arith.constant 0 : i32
      %dma_wait3A_177 = tpu.memref_slice %arg5[%add3A_168, %dma_wait3A_176] : memref<320000x256xf32, #tpu.memory_space<hbm>> -> memref<80x128xf32, #tpu.memory_space<hbm>>
      %dma_wait3A_178 = arith.constant 0 : i32
      %dma_wait3A_179 = arith.constant 0 : i32
      %dma_wait3A_180 = tpu.memref_slice %arg7[%dma_wait3A_169, %dma_wait3A_178, %dma_wait3A_179] : memref<3x80x128xf32, #tpu.memory_space<vmem>> -> memref<1x80x128xf32, #tpu.memory_space<vmem>>
      %dma_wait3A_181 = tpu.memref_squeeze %dma_wait3A_180 : memref<1x80x128xf32, #tpu.memory_space<vmem>> -> memref<80x128xf32, #tpu.memory_space<vmem>>
      tpu.wait_dma2 semaphore(%arg12 : memref<!tpu.dma_semaphore, #tpu.memory_space<semaphore_mem>>) src(%dma_wait3A_181 : memref<80x128xf32, #tpu.memory_space<vmem>>) dst(%dma_wait3A_177 : memref<80x128xf32, #tpu.memory_space<hbm>>)
    } else {
    }
    %eq3A_5 = arith.constant 1 : i32
    %eq3A_6 = arith.cmpi eq, %arg0, %eq3A_5 : i32
    %convert_element_type3A_7 = arith.extui %eq3A_6 : i1 to i32
    %cond3A_8 = arith.constant 0 : i32
    %cond3A_9 = arith.cmpi ne, %convert_element_type3A_7, %cond3A_8 : i32
    scf.if %cond3A_9 {
      %add3A = arith.constant 320000 : i32
      %add3A_10 = arith.addi %add3A, %mul3A_2 : i32
      %add3A_11 = arith.constant 0 : i32
      %add3A_12 = arith.addi %add3A_10, %add3A_11 : i32
      %dma_start3A = arith.constant 0 : i32
      %dma_start3A_13 = arith.constant 0 : i32
      %dma_start3A_14 = tpu.memref_slice %arg6[%dma_start3A, %dma_start3A_13] : memref<3x80xi32, #tpu.memory_space<vmem>> -> memref<1x80xi32, #tpu.memory_space<vmem>>
      %dma_start3A_15 = tpu.memref_squeeze %dma_start3A_14 : memref<1x80xi32, #tpu.memory_space<vmem>> -> memref<80xi32, #tpu.memory_space<vmem>>
      %dma_start3A_16 = tpu.memref_slice %arg4[%add3A_12] : memref<640000xi32, #tpu.memory_space<hbm>> -> memref<80xi32, #tpu.memory_space<hbm>>
      %dma_start3A_17 = arith.constant 0 : i32
      %dma_start3A_18 = tpu.memref_slice %arg6[%dma_start3A, %dma_start3A_17] : memref<3x80xi32, #tpu.memory_space<vmem>> -> memref<1x80xi32, #tpu.memory_space<vmem>>
      %dma_start3A_19 = tpu.memref_squeeze %dma_start3A_18 : memref<1x80xi32, #tpu.memory_space<vmem>> -> memref<80xi32, #tpu.memory_space<vmem>>
      %dma_start3A_20 = tpu.memref_slice %arg4[%add3A_12] : memref<640000xi32, #tpu.memory_space<hbm>> -> memref<80xi32, #tpu.memory_space<hbm>>
      tpu.enqueue_dma source(%dma_start3A_20 : memref<80xi32, #tpu.memory_space<hbm>>) target(%dma_start3A_19 : memref<80xi32, #tpu.memory_space<vmem>>) target_semaphore(%arg9 : memref<!tpu.dma_semaphore, #tpu.memory_space<semaphore_mem>>)
      %add3A_21 = arith.constant 320000 : i32
      %add3A_22 = arith.addi %add3A_21, %mul3A_2 : i32
      %add3A_23 = arith.constant 80 : i32
      %add3A_24 = arith.addi %add3A_22, %add3A_23 : i32
      %dma_start3A_25 = arith.constant 1 : i32
      %dma_start3A_26 = arith.constant 0 : i32
      %dma_start3A_27 = tpu.memref_slice %arg6[%dma_start3A_25, %dma_start3A_26] : memref<3x80xi32, #tpu.memory_space<vmem>> -> memref<1x80xi32, #tpu.memory_space<vmem>>
      %dma_start3A_28 = tpu.memref_squeeze %dma_start3A_27 : memref<1x80xi32, #tpu.memory_space<vmem>> -> memref<80xi32, #tpu.memory_space<vmem>>
      %dma_start3A_29 = tpu.memref_slice %arg4[%add3A_24] : memref<640000xi32, #tpu.memory_space<hbm>> -> memref<80xi32, #tpu.memory_space<hbm>>
      %dma_start3A_30 = arith.constant 0 : i32
      %dma_start3A_31 = tpu.memref_slice %arg6[%dma_start3A_25, %dma_start3A_30] : memref<3x80xi32, #tpu.memory_space<vmem>> -> memref<1x80xi32, #tpu.memory_space<vmem>>
      %dma_start3A_32 = tpu.memref_squeeze %dma_start3A_31 : memref<1x80xi32, #tpu.memory_space<vmem>> -> memref<80xi32, #tpu.memory_space<vmem>>
      %dma_start3A_33 = tpu.memref_slice %arg4[%add3A_24] : memref<640000xi32, #tpu.memory_space<hbm>> -> memref<80xi32, #tpu.memory_space<hbm>>
      tpu.enqueue_dma source(%dma_start3A_33 : memref<80xi32, #tpu.memory_space<hbm>>) target(%dma_start3A_32 : memref<80xi32, #tpu.memory_space<vmem>>) target_semaphore(%arg10 : memref<!tpu.dma_semaphore, #tpu.memory_space<semaphore_mem>>)
      "tpu.region"() ({
        %run_scoped3A = tpu.sem_alloc : memref<!tpu.dma_semaphore, #tpu.memory_space<semaphore_mem>>
        %dma_start3A_182 = arith.constant 0 : i32
        %dma_start3A_183 = tpu.memref_slice %arg8[%mul3A_0, %dma_start3A_182] : memref<10000x128xf32, #tpu.memory_space<vmem_shared>> -> memref<624x128xf32, #tpu.memory_space<vmem_shared>>
        %dma_start3A_184 = arith.constant 0 : i32
        %dma_start3A_185 = tpu.memref_slice %arg3[%mul3A_0, %dma_start3A_184] : memref<10000x128xf32, #tpu.memory_space<hbm>> -> memref<624x128xf32, #tpu.memory_space<hbm>>
        tpu.enqueue_dma source(%dma_start3A_185 : memref<624x128xf32, #tpu.memory_space<hbm>>) target(%dma_start3A_183 : memref<624x128xf32, #tpu.memory_space<vmem_shared>>) target_semaphore(%run_scoped3A : memref<!tpu.dma_semaphore, #tpu.memory_space<semaphore_mem>>)
        %dma_wait3A_186 = arith.constant 0 : i32
        %dma_wait3A_187 = tpu.memref_slice %arg8[%mul3A_0, %dma_wait3A_186] : memref<10000x128xf32, #tpu.memory_space<vmem_shared>> -> memref<624x128xf32, #tpu.memory_space<vmem_shared>>
        %dma_wait3A_188 = arith.constant 0 : i32
        %dma_wait3A_189 = tpu.memref_slice %arg3[%mul3A_0, %dma_wait3A_188] : memref<10000x128xf32, #tpu.memory_space<hbm>> -> memref<624x128xf32, #tpu.memory_space<hbm>>
        tpu.wait_dma2 semaphore(%run_scoped3A : memref<!tpu.dma_semaphore, #tpu.memory_space<semaphore_mem>>) src(%dma_wait3A_189 : memref<624x128xf32, #tpu.memory_space<hbm>>) dst(%dma_wait3A_187 : memref<624x128xf32, #tpu.memory_space<vmem_shared>>)
        tpu.yield
      }) : () -> ()
      %eq3A_34 = arith.constant 15 : i32
      %eq3A_35 = arith.cmpi eq, %arg1, %eq3A_34 : i32
      %convert_element_type3A_36 = arith.extui %eq3A_35 : i1 to i32
      %cond3A_37 = arith.constant 0 : i32
      %cond3A_38 = arith.cmpi ne, %convert_element_type3A_36, %cond3A_37 : i32
      scf.if %cond3A_38 {
        "tpu.region"() ({
          %run_scoped3A = tpu.sem_alloc : memref<!tpu.dma_semaphore, #tpu.memory_space<semaphore_mem>>
          %dma_start3A_182 = arith.constant 9984 : i32
          %dma_start3A_183 = arith.constant 0 : i32
          %dma_start3A_184 = tpu.memref_slice %arg8[%dma_start3A_182, %dma_start3A_183] : memref<10000x128xf32, #tpu.memory_space<vmem_shared>> -> memref<16x128xf32, #tpu.memory_space<vmem_shared>>
          %dma_start3A_185 = arith.constant 9984 : i32
          %dma_start3A_186 = arith.constant 0 : i32
          %dma_start3A_187 = tpu.memref_slice %arg3[%dma_start3A_185, %dma_start3A_186] : memref<10000x128xf32, #tpu.memory_space<hbm>> -> memref<16x128xf32, #tpu.memory_space<hbm>>
          tpu.enqueue_dma source(%dma_start3A_187 : memref<16x128xf32, #tpu.memory_space<hbm>>) target(%dma_start3A_184 : memref<16x128xf32, #tpu.memory_space<vmem_shared>>) target_semaphore(%run_scoped3A : memref<!tpu.dma_semaphore, #tpu.memory_space<semaphore_mem>>)
          %dma_wait3A_188 = arith.constant 9984 : i32
          %dma_wait3A_189 = arith.constant 0 : i32
          %dma_wait3A_190 = tpu.memref_slice %arg8[%dma_wait3A_188, %dma_wait3A_189] : memref<10000x128xf32, #tpu.memory_space<vmem_shared>> -> memref<16x128xf32, #tpu.memory_space<vmem_shared>>
          %dma_wait3A_191 = arith.constant 9984 : i32
          %dma_wait3A_192 = arith.constant 0 : i32
          %dma_wait3A_193 = tpu.memref_slice %arg3[%dma_wait3A_191, %dma_wait3A_192] : memref<10000x128xf32, #tpu.memory_space<hbm>> -> memref<16x128xf32, #tpu.memory_space<hbm>>
          tpu.wait_dma2 semaphore(%run_scoped3A : memref<!tpu.dma_semaphore, #tpu.memory_space<semaphore_mem>>) src(%dma_wait3A_193 : memref<16x128xf32, #tpu.memory_space<hbm>>) dst(%dma_wait3A_190 : memref<16x128xf32, #tpu.memory_space<vmem_shared>>)
          tpu.yield
        }) : () -> ()
      } else {
      }
      %barrier3A = arith.constant 0 : index
      tpu.barrier barrier_id(%barrier3A)
      %scan3A = arith.constant 0 : i32
      %scan3A_39 = arith.constant 0 : i32
      %scan3A_40 = arith.constant 83 : i32
      %scan3A_41 = arith.addi %scan3A_39, %scan3A_40 : i32
      %scan3A_42 = arith.constant 1 : i32
      scf.for %scan3A_182 = %scan3A_39 to %scan3A_41 step %scan3A_42  : i32 {
        %mul3A_183 = arith.constant 3 : i32
        %mul3A_184 = arith.muli %scan3A_182, %mul3A_183 : i32
        %add3A_185 = arith.constant 0 : i32
        %add3A_186 = arith.addi %mul3A_184, %add3A_185 : i32
        %add3A_187 = arith.constant 320000 : i32
        %add3A_188 = arith.addi %add3A_187, %mul3A_2 : i32
        %mul3A_189 = arith.constant 80 : i32
        %mul3A_190 = arith.muli %add3A_186, %mul3A_189 : i32
        %add3A_191 = arith.addi %add3A_188, %mul3A_190 : i32
        %dma_wait3A_192 = arith.constant 0 : i32
        %dma_wait3A_193 = arith.constant 0 : i32
        %dma_wait3A_194 = tpu.memref_slice %arg6[%dma_wait3A_192, %dma_wait3A_193] : memref<3x80xi32, #tpu.memory_space<vmem>> -> memref<1x80xi32, #tpu.memory_space<vmem>>
        %dma_wait3A_195 = tpu.memref_squeeze %dma_wait3A_194 : memref<1x80xi32, #tpu.memory_space<vmem>> -> memref<80xi32, #tpu.memory_space<vmem>>
        %dma_wait3A_196 = tpu.memref_slice %arg4[%add3A_191] : memref<640000xi32, #tpu.memory_space<hbm>> -> memref<80xi32, #tpu.memory_space<hbm>>
        %dma_wait3A_197 = arith.constant 0 : i32
        %dma_wait3A_198 = tpu.memref_slice %arg6[%dma_wait3A_192, %dma_wait3A_197] : memref<3x80xi32, #tpu.memory_space<vmem>> -> memref<1x80xi32, #tpu.memory_space<vmem>>
        %dma_wait3A_199 = tpu.memref_squeeze %dma_wait3A_198 : memref<1x80xi32, #tpu.memory_space<vmem>> -> memref<80xi32, #tpu.memory_space<vmem>>
        %dma_wait3A_200 = tpu.memref_slice %arg4[%add3A_191] : memref<640000xi32, #tpu.memory_space<hbm>> -> memref<80xi32, #tpu.memory_space<hbm>>
        tpu.wait_dma2 semaphore(%arg9 : memref<!tpu.dma_semaphore, #tpu.memory_space<semaphore_mem>>) src(%dma_wait3A_200 : memref<80xi32, #tpu.memory_space<hbm>>) dst(%dma_wait3A_199 : memref<80xi32, #tpu.memory_space<vmem>>)
        %gt3A = arith.constant 0 : i32
        %gt3A_201 = arith.cmpi sgt, %scan3A_182, %gt3A : i32
        %convert_element_type3A_202 = arith.extui %gt3A_201 : i1 to i32
        %cond3A_203 = arith.constant 0 : i32
        %cond3A_204 = arith.cmpi ne, %convert_element_type3A_202, %cond3A_203 : i32
        scf.if %cond3A_204 {
          %sub3A_387 = arith.constant 3 : i32
          %sub3A_388 = arith.subi %add3A_186, %sub3A_387 : i32
          %mul3A_389 = arith.constant 80 : i32
          %mul3A_390 = arith.muli %sub3A_388, %mul3A_389 : i32
          %add3A_391 = arith.addi %mul3A_2, %mul3A_390 : i32
          %dma_wait3A_392 = arith.constant 0 : i32
          %dma_wait3A_393 = arith.constant 0 : i32
          %dma_wait3A_394 = arith.constant 0 : i32
          %dma_wait3A_395 = tpu.memref_slice %arg7[%dma_wait3A_392, %dma_wait3A_393, %dma_wait3A_394] : memref<3x80x128xf32, #tpu.memory_space<vmem>> -> memref<1x80x128xf32, #tpu.memory_space<vmem>>
          %dma_wait3A_396 = tpu.memref_squeeze %dma_wait3A_395 : memref<1x80x128xf32, #tpu.memory_space<vmem>> -> memref<80x128xf32, #tpu.memory_space<vmem>>
          %dma_wait3A_397 = arith.constant 128 : i32
          %dma_wait3A_398 = tpu.memref_slice %arg5[%add3A_391, %dma_wait3A_397] : memref<320000x256xf32, #tpu.memory_space<hbm>> -> memref<80x128xf32, #tpu.memory_space<hbm>>
          %dma_wait3A_399 = arith.constant 128 : i32
          %dma_wait3A_400 = tpu.memref_slice %arg5[%add3A_391, %dma_wait3A_399] : memref<320000x256xf32, #tpu.memory_space<hbm>> -> memref<80x128xf32, #tpu.memory_space<hbm>>
          %dma_wait3A_401 = arith.constant 0 : i32
          %dma_wait3A_402 = arith.constant 0 : i32
          %dma_wait3A_403 = tpu.memref_slice %arg7[%dma_wait3A_392, %dma_wait3A_401, %dma_wait3A_402] : memref<3x80x128xf32, #tpu.memory_space<vmem>> -> memref<1x80x128xf32, #tpu.memory_space<vmem>>
          %dma_wait3A_404 = tpu.memref_squeeze %dma_wait3A_403 : memref<1x80x128xf32, #tpu.memory_space<vmem>> -> memref<80x128xf32, #tpu.memory_space<vmem>>
          tpu.wait_dma2 semaphore(%arg12 : memref<!tpu.dma_semaphore, #tpu.memory_space<semaphore_mem>>) src(%dma_wait3A_404 : memref<80x128xf32, #tpu.memory_space<vmem>>) dst(%dma_wait3A_400 : memref<80x128xf32, #tpu.memory_space<hbm>>)
        } else {
        }
        %dma_start3A_205 = arith.constant 0 : i32
        %dma_start3A_206 = arith.constant 0 : i32
        %dma_start3A_207 = arith.constant 0 : i32
        %dma_start3A_208 = arith.constant 0 : i32
        %dma_start3A_209 = tpu.memref_slice %arg7[%dma_start3A_206, %dma_start3A_207, %dma_start3A_208] : memref<3x80x128xf32, #tpu.memory_space<vmem>> -> memref<1x80x128xf32, #tpu.memory_space<vmem>>
        %dma_start3A_210 = tpu.memref_squeeze %dma_start3A_209 : memref<1x80x128xf32, #tpu.memory_space<vmem>> -> memref<80x128xf32, #tpu.memory_space<vmem>>
        %dma_start3A_211 = arith.constant 0 : i32
        %dma_start3A_212 = tpu.memref_slice %arg6[%dma_start3A_205, %dma_start3A_211] : memref<3x80xi32, #tpu.memory_space<vmem>> -> memref<1x80xi32, #tpu.memory_space<vmem>>
        %dma_start3A_213 = tpu.memref_squeeze %dma_start3A_212 : memref<1x80xi32, #tpu.memory_space<vmem>> -> memref<80xi32, #tpu.memory_space<vmem>>
        %dma_start3A_214 = arith.constant 0 : i32
        %dma_start3A_215 = arith.constant 0 : i32
        %dma_start3A_216 = tpu.memref_slice %arg8[%dma_start3A_214, %dma_start3A_215] : memref<10000x128xf32, #tpu.memory_space<vmem_shared>> -> memref<10000x128xf32, #tpu.memory_space<vmem_shared>>
        tpu.enqueue_indirect_dma source(%dma_start3A_216 : memref<10000x128xf32, #tpu.memory_space<vmem_shared>>) target(%dma_start3A_210 : memref<80x128xf32, #tpu.memory_space<vmem>>) offsets(%dma_start3A_213 : memref<80xi32, #tpu.memory_space<vmem>>) semaphore(%arg15 : memref<!tpu.dma_semaphore, #tpu.memory_space<semaphore_mem>>)
        %gt3A_217 = arith.constant 0 : i32
        %gt3A_218 = arith.cmpi sgt, %scan3A_182, %gt3A_217 : i32
        %convert_element_type3A_219 = arith.extui %gt3A_218 : i1 to i32
        %cond3A_220 = arith.constant 0 : i32
        %cond3A_221 = arith.cmpi ne, %convert_element_type3A_219, %cond3A_220 : i32
        scf.if %cond3A_221 {
          %dma_wait3A_387 = arith.constant 2 : i32
          %dma_wait3A_388 = arith.constant 2 : i32
          %dma_wait3A_389 = arith.constant 0 : i32
          %dma_wait3A_390 = arith.constant 0 : i32
          %dma_wait3A_391 = tpu.memref_slice %arg7[%dma_wait3A_388, %dma_wait3A_389, %dma_wait3A_390] : memref<3x80x128xf32, #tpu.memory_space<vmem>> -> memref<1x80x128xf32, #tpu.memory_space<vmem>>
          %dma_wait3A_392 = tpu.memref_squeeze %dma_wait3A_391 : memref<1x80x128xf32, #tpu.memory_space<vmem>> -> memref<80x128xf32, #tpu.memory_space<vmem>>
          %dma_wait3A_393 = arith.constant 0 : i32
          %dma_wait3A_394 = tpu.memref_slice %arg6[%dma_wait3A_387, %dma_wait3A_393] : memref<3x80xi32, #tpu.memory_space<vmem>> -> memref<1x80xi32, #tpu.memory_space<vmem>>
          %dma_wait3A_395 = tpu.memref_squeeze %dma_wait3A_394 : memref<1x80xi32, #tpu.memory_space<vmem>> -> memref<80xi32, #tpu.memory_space<vmem>>
          %dma_wait3A_396 = arith.constant 0 : i32
          %dma_wait3A_397 = arith.constant 0 : i32
          %dma_wait3A_398 = tpu.memref_slice %arg8[%dma_wait3A_396, %dma_wait3A_397] : memref<10000x128xf32, #tpu.memory_space<vmem_shared>> -> memref<10000x128xf32, #tpu.memory_space<vmem_shared>>
          tpu.wait_indirect_dma semaphore(%arg17 : memref<!tpu.dma_semaphore, #tpu.memory_space<semaphore_mem>>) src(%dma_wait3A_398 : memref<10000x128xf32, #tpu.memory_space<vmem_shared>>) dst(%dma_wait3A_392 : memref<80x128xf32, #tpu.memory_space<vmem>>)
          %sub3A_399 = arith.constant 1 : i32
          %sub3A_400 = arith.subi %add3A_186, %sub3A_399 : i32
          %mul3A_401 = arith.constant 80 : i32
          %mul3A_402 = arith.muli %sub3A_400, %mul3A_401 : i32
          %add3A_403 = arith.addi %mul3A_2, %mul3A_402 : i32
          %dma_start3A_404 = arith.constant 2 : i32
          %dma_start3A_405 = arith.constant 0 : i32
          %dma_start3A_406 = arith.constant 0 : i32
          %dma_start3A_407 = tpu.memref_slice %arg7[%dma_start3A_404, %dma_start3A_405, %dma_start3A_406] : memref<3x80x128xf32, #tpu.memory_space<vmem>> -> memref<1x80x128xf32, #tpu.memory_space<vmem>>
          %dma_start3A_408 = tpu.memref_squeeze %dma_start3A_407 : memref<1x80x128xf32, #tpu.memory_space<vmem>> -> memref<80x128xf32, #tpu.memory_space<vmem>>
          %dma_start3A_409 = arith.constant 128 : i32
          %dma_start3A_410 = tpu.memref_slice %arg5[%add3A_403, %dma_start3A_409] : memref<320000x256xf32, #tpu.memory_space<hbm>> -> memref<80x128xf32, #tpu.memory_space<hbm>>
          %dma_start3A_411 = arith.constant 128 : i32
          %dma_start3A_412 = tpu.memref_slice %arg5[%add3A_403, %dma_start3A_411] : memref<320000x256xf32, #tpu.memory_space<hbm>> -> memref<80x128xf32, #tpu.memory_space<hbm>>
          %dma_start3A_413 = arith.constant 0 : i32
          %dma_start3A_414 = arith.constant 0 : i32
          %dma_start3A_415 = tpu.memref_slice %arg7[%dma_start3A_404, %dma_start3A_413, %dma_start3A_414] : memref<3x80x128xf32, #tpu.memory_space<vmem>> -> memref<1x80x128xf32, #tpu.memory_space<vmem>>
          %dma_start3A_416 = tpu.memref_squeeze %dma_start3A_415 : memref<1x80x128xf32, #tpu.memory_space<vmem>> -> memref<80x128xf32, #tpu.memory_space<vmem>>
          tpu.enqueue_dma source(%dma_start3A_416 : memref<80x128xf32, #tpu.memory_space<vmem>>) target(%dma_start3A_412 : memref<80x128xf32, #tpu.memory_space<hbm>>) target_semaphore(%arg14 : memref<!tpu.dma_semaphore, #tpu.memory_space<semaphore_mem>>)
        } else {
        }
        %add3A_222 = arith.constant 2 : i32
        %add3A_223 = arith.addi %add3A_186, %add3A_222 : i32
        %add3A_224 = arith.constant 320000 : i32
        %add3A_225 = arith.addi %add3A_224, %mul3A_2 : i32
        %mul3A_226 = arith.constant 80 : i32
        %mul3A_227 = arith.muli %add3A_223, %mul3A_226 : i32
        %add3A_228 = arith.addi %add3A_225, %mul3A_227 : i32
        %dma_start3A_229 = arith.constant 2 : i32
        %dma_start3A_230 = arith.constant 0 : i32
        %dma_start3A_231 = tpu.memref_slice %arg6[%dma_start3A_229, %dma_start3A_230] : memref<3x80xi32, #tpu.memory_space<vmem>> -> memref<1x80xi32, #tpu.memory_space<vmem>>
        %dma_start3A_232 = tpu.memref_squeeze %dma_start3A_231 : memref<1x80xi32, #tpu.memory_space<vmem>> -> memref<80xi32, #tpu.memory_space<vmem>>
        %dma_start3A_233 = tpu.memref_slice %arg4[%add3A_228] : memref<640000xi32, #tpu.memory_space<hbm>> -> memref<80xi32, #tpu.memory_space<hbm>>
        %dma_start3A_234 = arith.constant 0 : i32
        %dma_start3A_235 = tpu.memref_slice %arg6[%dma_start3A_229, %dma_start3A_234] : memref<3x80xi32, #tpu.memory_space<vmem>> -> memref<1x80xi32, #tpu.memory_space<vmem>>
        %dma_start3A_236 = tpu.memref_squeeze %dma_start3A_235 : memref<1x80xi32, #tpu.memory_space<vmem>> -> memref<80xi32, #tpu.memory_space<vmem>>
        %dma_start3A_237 = tpu.memref_slice %arg4[%add3A_228] : memref<640000xi32, #tpu.memory_space<hbm>> -> memref<80xi32, #tpu.memory_space<hbm>>
        tpu.enqueue_dma source(%dma_start3A_237 : memref<80xi32, #tpu.memory_space<hbm>>) target(%dma_start3A_236 : memref<80xi32, #tpu.memory_space<vmem>>) target_semaphore(%arg11 : memref<!tpu.dma_semaphore, #tpu.memory_space<semaphore_mem>>)
        %mul3A_238 = arith.constant 3 : i32
        %mul3A_239 = arith.muli %scan3A_182, %mul3A_238 : i32
        %add3A_240 = arith.constant 1 : i32
        %add3A_241 = arith.addi %mul3A_239, %add3A_240 : i32
        %add3A_242 = arith.constant 320000 : i32
        %add3A_243 = arith.addi %add3A_242, %mul3A_2 : i32
        %mul3A_244 = arith.constant 80 : i32
        %mul3A_245 = arith.muli %add3A_241, %mul3A_244 : i32
        %add3A_246 = arith.addi %add3A_243, %mul3A_245 : i32
        %dma_wait3A_247 = arith.constant 1 : i32
        %dma_wait3A_248 = arith.constant 0 : i32
        %dma_wait3A_249 = tpu.memref_slice %arg6[%dma_wait3A_247, %dma_wait3A_248] : memref<3x80xi32, #tpu.memory_space<vmem>> -> memref<1x80xi32, #tpu.memory_space<vmem>>
        %dma_wait3A_250 = tpu.memref_squeeze %dma_wait3A_249 : memref<1x80xi32, #tpu.memory_space<vmem>> -> memref<80xi32, #tpu.memory_space<vmem>>
        %dma_wait3A_251 = tpu.memref_slice %arg4[%add3A_246] : memref<640000xi32, #tpu.memory_space<hbm>> -> memref<80xi32, #tpu.memory_space<hbm>>
        %dma_wait3A_252 = arith.constant 0 : i32
        %dma_wait3A_253 = tpu.memref_slice %arg6[%dma_wait3A_247, %dma_wait3A_252] : memref<3x80xi32, #tpu.memory_space<vmem>> -> memref<1x80xi32, #tpu.memory_space<vmem>>
        %dma_wait3A_254 = tpu.memref_squeeze %dma_wait3A_253 : memref<1x80xi32, #tpu.memory_space<vmem>> -> memref<80xi32, #tpu.memory_space<vmem>>
        %dma_wait3A_255 = tpu.memref_slice %arg4[%add3A_246] : memref<640000xi32, #tpu.memory_space<hbm>> -> memref<80xi32, #tpu.memory_space<hbm>>
        tpu.wait_dma2 semaphore(%arg10 : memref<!tpu.dma_semaphore, #tpu.memory_space<semaphore_mem>>) src(%dma_wait3A_255 : memref<80xi32, #tpu.memory_space<hbm>>) dst(%dma_wait3A_254 : memref<80xi32, #tpu.memory_space<vmem>>)
        %gt3A_256 = arith.constant 0 : i32
        %gt3A_257 = arith.cmpi sgt, %scan3A_182, %gt3A_256 : i32
        %convert_element_type3A_258 = arith.extui %gt3A_257 : i1 to i32
        %cond3A_259 = arith.constant 0 : i32
        %cond3A_260 = arith.cmpi ne, %convert_element_type3A_258, %cond3A_259 : i32
        scf.if %cond3A_260 {
          %sub3A_387 = arith.constant 3 : i32
          %sub3A_388 = arith.subi %add3A_241, %sub3A_387 : i32
          %mul3A_389 = arith.constant 80 : i32
          %mul3A_390 = arith.muli %sub3A_388, %mul3A_389 : i32
          %add3A_391 = arith.addi %mul3A_2, %mul3A_390 : i32
          %dma_wait3A_392 = arith.constant 1 : i32
          %dma_wait3A_393 = arith.constant 0 : i32
          %dma_wait3A_394 = arith.constant 0 : i32
          %dma_wait3A_395 = tpu.memref_slice %arg7[%dma_wait3A_392, %dma_wait3A_393, %dma_wait3A_394] : memref<3x80x128xf32, #tpu.memory_space<vmem>> -> memref<1x80x128xf32, #tpu.memory_space<vmem>>
          %dma_wait3A_396 = tpu.memref_squeeze %dma_wait3A_395 : memref<1x80x128xf32, #tpu.memory_space<vmem>> -> memref<80x128xf32, #tpu.memory_space<vmem>>
          %dma_wait3A_397 = arith.constant 128 : i32
          %dma_wait3A_398 = tpu.memref_slice %arg5[%add3A_391, %dma_wait3A_397] : memref<320000x256xf32, #tpu.memory_space<hbm>> -> memref<80x128xf32, #tpu.memory_space<hbm>>
          %dma_wait3A_399 = arith.constant 128 : i32
          %dma_wait3A_400 = tpu.memref_slice %arg5[%add3A_391, %dma_wait3A_399] : memref<320000x256xf32, #tpu.memory_space<hbm>> -> memref<80x128xf32, #tpu.memory_space<hbm>>
          %dma_wait3A_401 = arith.constant 0 : i32
          %dma_wait3A_402 = arith.constant 0 : i32
          %dma_wait3A_403 = tpu.memref_slice %arg7[%dma_wait3A_392, %dma_wait3A_401, %dma_wait3A_402] : memref<3x80x128xf32, #tpu.memory_space<vmem>> -> memref<1x80x128xf32, #tpu.memory_space<vmem>>
          %dma_wait3A_404 = tpu.memref_squeeze %dma_wait3A_403 : memref<1x80x128xf32, #tpu.memory_space<vmem>> -> memref<80x128xf32, #tpu.memory_space<vmem>>
          tpu.wait_dma2 semaphore(%arg13 : memref<!tpu.dma_semaphore, #tpu.memory_space<semaphore_mem>>) src(%dma_wait3A_404 : memref<80x128xf32, #tpu.memory_space<vmem>>) dst(%dma_wait3A_400 : memref<80x128xf32, #tpu.memory_space<hbm>>)
        } else {
        }
        %dma_start3A_261 = arith.constant 1 : i32
        %dma_start3A_262 = arith.constant 1 : i32
        %dma_start3A_263 = arith.constant 0 : i32
        %dma_start3A_264 = arith.constant 0 : i32
        %dma_start3A_265 = tpu.memref_slice %arg7[%dma_start3A_262, %dma_start3A_263, %dma_start3A_264] : memref<3x80x128xf32, #tpu.memory_space<vmem>> -> memref<1x80x128xf32, #tpu.memory_space<vmem>>
        %dma_start3A_266 = tpu.memref_squeeze %dma_start3A_265 : memref<1x80x128xf32, #tpu.memory_space<vmem>> -> memref<80x128xf32, #tpu.memory_space<vmem>>
        %dma_start3A_267 = arith.constant 0 : i32
        %dma_start3A_268 = tpu.memref_slice %arg6[%dma_start3A_261, %dma_start3A_267] : memref<3x80xi32, #tpu.memory_space<vmem>> -> memref<1x80xi32, #tpu.memory_space<vmem>>
        %dma_start3A_269 = tpu.memref_squeeze %dma_start3A_268 : memref<1x80xi32, #tpu.memory_space<vmem>> -> memref<80xi32, #tpu.memory_space<vmem>>
        %dma_start3A_270 = arith.constant 0 : i32
        %dma_start3A_271 = arith.constant 0 : i32
        %dma_start3A_272 = tpu.memref_slice %arg8[%dma_start3A_270, %dma_start3A_271] : memref<10000x128xf32, #tpu.memory_space<vmem_shared>> -> memref<10000x128xf32, #tpu.memory_space<vmem_shared>>
        tpu.enqueue_indirect_dma source(%dma_start3A_272 : memref<10000x128xf32, #tpu.memory_space<vmem_shared>>) target(%dma_start3A_266 : memref<80x128xf32, #tpu.memory_space<vmem>>) offsets(%dma_start3A_269 : memref<80xi32, #tpu.memory_space<vmem>>) semaphore(%arg16 : memref<!tpu.dma_semaphore, #tpu.memory_space<semaphore_mem>>)
        %dma_wait3A_273 = arith.constant 0 : i32
        %dma_wait3A_274 = arith.constant 0 : i32
        %dma_wait3A_275 = arith.constant 0 : i32
        %dma_wait3A_276 = arith.constant 0 : i32
        %dma_wait3A_277 = tpu.memref_slice %arg7[%dma_wait3A_274, %dma_wait3A_275, %dma_wait3A_276] : memref<3x80x128xf32, #tpu.memory_space<vmem>> -> memref<1x80x128xf32, #tpu.memory_space<vmem>>
        %dma_wait3A_278 = tpu.memref_squeeze %dma_wait3A_277 : memref<1x80x128xf32, #tpu.memory_space<vmem>> -> memref<80x128xf32, #tpu.memory_space<vmem>>
        %dma_wait3A_279 = arith.constant 0 : i32
        %dma_wait3A_280 = tpu.memref_slice %arg6[%dma_wait3A_273, %dma_wait3A_279] : memref<3x80xi32, #tpu.memory_space<vmem>> -> memref<1x80xi32, #tpu.memory_space<vmem>>
        %dma_wait3A_281 = tpu.memref_squeeze %dma_wait3A_280 : memref<1x80xi32, #tpu.memory_space<vmem>> -> memref<80xi32, #tpu.memory_space<vmem>>
        %dma_wait3A_282 = arith.constant 0 : i32
        %dma_wait3A_283 = arith.constant 0 : i32
        %dma_wait3A_284 = tpu.memref_slice %arg8[%dma_wait3A_282, %dma_wait3A_283] : memref<10000x128xf32, #tpu.memory_space<vmem_shared>> -> memref<10000x128xf32, #tpu.memory_space<vmem_shared>>
        tpu.wait_indirect_dma semaphore(%arg15 : memref<!tpu.dma_semaphore, #tpu.memory_space<semaphore_mem>>) src(%dma_wait3A_284 : memref<10000x128xf32, #tpu.memory_space<vmem_shared>>) dst(%dma_wait3A_278 : memref<80x128xf32, #tpu.memory_space<vmem>>)
        %sub3A = arith.constant 1 : i32
        %sub3A_285 = arith.subi %add3A_241, %sub3A : i32
        %mul3A_286 = arith.constant 80 : i32
        %mul3A_287 = arith.muli %sub3A_285, %mul3A_286 : i32
        %add3A_288 = arith.addi %mul3A_2, %mul3A_287 : i32
        %dma_start3A_289 = arith.constant 0 : i32
        %dma_start3A_290 = arith.constant 0 : i32
        %dma_start3A_291 = arith.constant 0 : i32
        %dma_start3A_292 = tpu.memref_slice %arg7[%dma_start3A_289, %dma_start3A_290, %dma_start3A_291] : memref<3x80x128xf32, #tpu.memory_space<vmem>> -> memref<1x80x128xf32, #tpu.memory_space<vmem>>
        %dma_start3A_293 = tpu.memref_squeeze %dma_start3A_292 : memref<1x80x128xf32, #tpu.memory_space<vmem>> -> memref<80x128xf32, #tpu.memory_space<vmem>>
        %dma_start3A_294 = arith.constant 128 : i32
        %dma_start3A_295 = tpu.memref_slice %arg5[%add3A_288, %dma_start3A_294] : memref<320000x256xf32, #tpu.memory_space<hbm>> -> memref<80x128xf32, #tpu.memory_space<hbm>>
        %dma_start3A_296 = arith.constant 128 : i32
        %dma_start3A_297 = tpu.memref_slice %arg5[%add3A_288, %dma_start3A_296] : memref<320000x256xf32, #tpu.memory_space<hbm>> -> memref<80x128xf32, #tpu.memory_space<hbm>>
        %dma_start3A_298 = arith.constant 0 : i32
        %dma_start3A_299 = arith.constant 0 : i32
        %dma_start3A_300 = tpu.memref_slice %arg7[%dma_start3A_289, %dma_start3A_298, %dma_start3A_299] : memref<3x80x128xf32, #tpu.memory_space<vmem>> -> memref<1x80x128xf32, #tpu.memory_space<vmem>>
        %dma_start3A_301 = tpu.memref_squeeze %dma_start3A_300 : memref<1x80x128xf32, #tpu.memory_space<vmem>> -> memref<80x128xf32, #tpu.memory_space<vmem>>
        tpu.enqueue_dma source(%dma_start3A_301 : memref<80x128xf32, #tpu.memory_space<vmem>>) target(%dma_start3A_297 : memref<80x128xf32, #tpu.memory_space<hbm>>) target_semaphore(%arg12 : memref<!tpu.dma_semaphore, #tpu.memory_space<semaphore_mem>>)
        %add3A_302 = arith.constant 2 : i32
        %add3A_303 = arith.addi %add3A_241, %add3A_302 : i32
        %add3A_304 = arith.constant 320000 : i32
        %add3A_305 = arith.addi %add3A_304, %mul3A_2 : i32
        %mul3A_306 = arith.constant 80 : i32
        %mul3A_307 = arith.muli %add3A_303, %mul3A_306 : i32
        %add3A_308 = arith.addi %add3A_305, %mul3A_307 : i32
        %dma_start3A_309 = arith.constant 0 : i32
        %dma_start3A_310 = arith.constant 0 : i32
        %dma_start3A_311 = tpu.memref_slice %arg6[%dma_start3A_309, %dma_start3A_310] : memref<3x80xi32, #tpu.memory_space<vmem>> -> memref<1x80xi32, #tpu.memory_space<vmem>>
        %dma_start3A_312 = tpu.memref_squeeze %dma_start3A_311 : memref<1x80xi32, #tpu.memory_space<vmem>> -> memref<80xi32, #tpu.memory_space<vmem>>
        %dma_start3A_313 = tpu.memref_slice %arg4[%add3A_308] : memref<640000xi32, #tpu.memory_space<hbm>> -> memref<80xi32, #tpu.memory_space<hbm>>
        %dma_start3A_314 = arith.constant 0 : i32
        %dma_start3A_315 = tpu.memref_slice %arg6[%dma_start3A_309, %dma_start3A_314] : memref<3x80xi32, #tpu.memory_space<vmem>> -> memref<1x80xi32, #tpu.memory_space<vmem>>
        %dma_start3A_316 = tpu.memref_squeeze %dma_start3A_315 : memref<1x80xi32, #tpu.memory_space<vmem>> -> memref<80xi32, #tpu.memory_space<vmem>>
        %dma_start3A_317 = tpu.memref_slice %arg4[%add3A_308] : memref<640000xi32, #tpu.memory_space<hbm>> -> memref<80xi32, #tpu.memory_space<hbm>>
        tpu.enqueue_dma source(%dma_start3A_317 : memref<80xi32, #tpu.memory_space<hbm>>) target(%dma_start3A_316 : memref<80xi32, #tpu.memory_space<vmem>>) target_semaphore(%arg9 : memref<!tpu.dma_semaphore, #tpu.memory_space<semaphore_mem>>)
        %mul3A_318 = arith.constant 3 : i32
        %mul3A_319 = arith.muli %scan3A_182, %mul3A_318 : i32
        %add3A_320 = arith.constant 2 : i32
        %add3A_321 = arith.addi %mul3A_319, %add3A_320 : i32
        %add3A_322 = arith.constant 320000 : i32
        %add3A_323 = arith.addi %add3A_322, %mul3A_2 : i32
        %mul3A_324 = arith.constant 80 : i32
        %mul3A_325 = arith.muli %add3A_321, %mul3A_324 : i32
        %add3A_326 = arith.addi %add3A_323, %mul3A_325 : i32
        %dma_wait3A_327 = arith.constant 2 : i32
        %dma_wait3A_328 = arith.constant 0 : i32
        %dma_wait3A_329 = tpu.memref_slice %arg6[%dma_wait3A_327, %dma_wait3A_328] : memref<3x80xi32, #tpu.memory_space<vmem>> -> memref<1x80xi32, #tpu.memory_space<vmem>>
        %dma_wait3A_330 = tpu.memref_squeeze %dma_wait3A_329 : memref<1x80xi32, #tpu.memory_space<vmem>> -> memref<80xi32, #tpu.memory_space<vmem>>
        %dma_wait3A_331 = tpu.memref_slice %arg4[%add3A_326] : memref<640000xi32, #tpu.memory_space<hbm>> -> memref<80xi32, #tpu.memory_space<hbm>>
        %dma_wait3A_332 = arith.constant 0 : i32
        %dma_wait3A_333 = tpu.memref_slice %arg6[%dma_wait3A_327, %dma_wait3A_332] : memref<3x80xi32, #tpu.memory_space<vmem>> -> memref<1x80xi32, #tpu.memory_space<vmem>>
        %dma_wait3A_334 = tpu.memref_squeeze %dma_wait3A_333 : memref<1x80xi32, #tpu.memory_space<vmem>> -> memref<80xi32, #tpu.memory_space<vmem>>
        %dma_wait3A_335 = tpu.memref_slice %arg4[%add3A_326] : memref<640000xi32, #tpu.memory_space<hbm>> -> memref<80xi32, #tpu.memory_space<hbm>>
        tpu.wait_dma2 semaphore(%arg11 : memref<!tpu.dma_semaphore, #tpu.memory_space<semaphore_mem>>) src(%dma_wait3A_335 : memref<80xi32, #tpu.memory_space<hbm>>) dst(%dma_wait3A_334 : memref<80xi32, #tpu.memory_space<vmem>>)
        %gt3A_336 = arith.constant 0 : i32
        %gt3A_337 = arith.cmpi sgt, %scan3A_182, %gt3A_336 : i32
        %convert_element_type3A_338 = arith.extui %gt3A_337 : i1 to i32
        %cond3A_339 = arith.constant 0 : i32
        %cond3A_340 = arith.cmpi ne, %convert_element_type3A_338, %cond3A_339 : i32
        scf.if %cond3A_340 {
          %sub3A_387 = arith.constant 3 : i32
          %sub3A_388 = arith.subi %add3A_321, %sub3A_387 : i32
          %mul3A_389 = arith.constant 80 : i32
          %mul3A_390 = arith.muli %sub3A_388, %mul3A_389 : i32
          %add3A_391 = arith.addi %mul3A_2, %mul3A_390 : i32
          %dma_wait3A_392 = arith.constant 2 : i32
          %dma_wait3A_393 = arith.constant 0 : i32
          %dma_wait3A_394 = arith.constant 0 : i32
          %dma_wait3A_395 = tpu.memref_slice %arg7[%dma_wait3A_392, %dma_wait3A_393, %dma_wait3A_394] : memref<3x80x128xf32, #tpu.memory_space<vmem>> -> memref<1x80x128xf32, #tpu.memory_space<vmem>>
          %dma_wait3A_396 = tpu.memref_squeeze %dma_wait3A_395 : memref<1x80x128xf32, #tpu.memory_space<vmem>> -> memref<80x128xf32, #tpu.memory_space<vmem>>
          %dma_wait3A_397 = arith.constant 128 : i32
          %dma_wait3A_398 = tpu.memref_slice %arg5[%add3A_391, %dma_wait3A_397] : memref<320000x256xf32, #tpu.memory_space<hbm>> -> memref<80x128xf32, #tpu.memory_space<hbm>>
          %dma_wait3A_399 = arith.constant 128 : i32
          %dma_wait3A_400 = tpu.memref_slice %arg5[%add3A_391, %dma_wait3A_399] : memref<320000x256xf32, #tpu.memory_space<hbm>> -> memref<80x128xf32, #tpu.memory_space<hbm>>
          %dma_wait3A_401 = arith.constant 0 : i32
          %dma_wait3A_402 = arith.constant 0 : i32
          %dma_wait3A_403 = tpu.memref_slice %arg7[%dma_wait3A_392, %dma_wait3A_401, %dma_wait3A_402] : memref<3x80x128xf32, #tpu.memory_space<vmem>> -> memref<1x80x128xf32, #tpu.memory_space<vmem>>
          %dma_wait3A_404 = tpu.memref_squeeze %dma_wait3A_403 : memref<1x80x128xf32, #tpu.memory_space<vmem>> -> memref<80x128xf32, #tpu.memory_space<vmem>>
          tpu.wait_dma2 semaphore(%arg14 : memref<!tpu.dma_semaphore, #tpu.memory_space<semaphore_mem>>) src(%dma_wait3A_404 : memref<80x128xf32, #tpu.memory_space<vmem>>) dst(%dma_wait3A_400 : memref<80x128xf32, #tpu.memory_space<hbm>>)
        } else {
        }
        %dma_start3A_341 = arith.constant 2 : i32
        %dma_start3A_342 = arith.constant 2 : i32
        %dma_start3A_343 = arith.constant 0 : i32
        %dma_start3A_344 = arith.constant 0 : i32
        %dma_start3A_345 = tpu.memref_slice %arg7[%dma_start3A_342, %dma_start3A_343, %dma_start3A_344] : memref<3x80x128xf32, #tpu.memory_space<vmem>> -> memref<1x80x128xf32, #tpu.memory_space<vmem>>
        %dma_start3A_346 = tpu.memref_squeeze %dma_start3A_345 : memref<1x80x128xf32, #tpu.memory_space<vmem>> -> memref<80x128xf32, #tpu.memory_space<vmem>>
        %dma_start3A_347 = arith.constant 0 : i32
        %dma_start3A_348 = tpu.memref_slice %arg6[%dma_start3A_341, %dma_start3A_347] : memref<3x80xi32, #tpu.memory_space<vmem>> -> memref<1x80xi32, #tpu.memory_space<vmem>>
        %dma_start3A_349 = tpu.memref_squeeze %dma_start3A_348 : memref<1x80xi32, #tpu.memory_space<vmem>> -> memref<80xi32, #tpu.memory_space<vmem>>
        %dma_start3A_350 = arith.constant 0 : i32
        %dma_start3A_351 = arith.constant 0 : i32
        %dma_start3A_352 = tpu.memref_slice %arg8[%dma_start3A_350, %dma_start3A_351] : memref<10000x128xf32, #tpu.memory_space<vmem_shared>> -> memref<10000x128xf32, #tpu.memory_space<vmem_shared>>
        tpu.enqueue_indirect_dma source(%dma_start3A_352 : memref<10000x128xf32, #tpu.memory_space<vmem_shared>>) target(%dma_start3A_346 : memref<80x128xf32, #tpu.memory_space<vmem>>) offsets(%dma_start3A_349 : memref<80xi32, #tpu.memory_space<vmem>>) semaphore(%arg17 : memref<!tpu.dma_semaphore, #tpu.memory_space<semaphore_mem>>)
        %dma_wait3A_353 = arith.constant 1 : i32
        %dma_wait3A_354 = arith.constant 1 : i32
        %dma_wait3A_355 = arith.constant 0 : i32
        %dma_wait3A_356 = arith.constant 0 : i32
        %dma_wait3A_357 = tpu.memref_slice %arg7[%dma_wait3A_354, %dma_wait3A_355, %dma_wait3A_356] : memref<3x80x128xf32, #tpu.memory_space<vmem>> -> memref<1x80x128xf32, #tpu.memory_space<vmem>>
        %dma_wait3A_358 = tpu.memref_squeeze %dma_wait3A_357 : memref<1x80x128xf32, #tpu.memory_space<vmem>> -> memref<80x128xf32, #tpu.memory_space<vmem>>
        %dma_wait3A_359 = arith.constant 0 : i32
        %dma_wait3A_360 = tpu.memref_slice %arg6[%dma_wait3A_353, %dma_wait3A_359] : memref<3x80xi32, #tpu.memory_space<vmem>> -> memref<1x80xi32, #tpu.memory_space<vmem>>
        %dma_wait3A_361 = tpu.memref_squeeze %dma_wait3A_360 : memref<1x80xi32, #tpu.memory_space<vmem>> -> memref<80xi32, #tpu.memory_space<vmem>>
        %dma_wait3A_362 = arith.constant 0 : i32
        %dma_wait3A_363 = arith.constant 0 : i32
        %dma_wait3A_364 = tpu.memref_slice %arg8[%dma_wait3A_362, %dma_wait3A_363] : memref<10000x128xf32, #tpu.memory_space<vmem_shared>> -> memref<10000x128xf32, #tpu.memory_space<vmem_shared>>
        tpu.wait_indirect_dma semaphore(%arg16 : memref<!tpu.dma_semaphore, #tpu.memory_space<semaphore_mem>>) src(%dma_wait3A_364 : memref<10000x128xf32, #tpu.memory_space<vmem_shared>>) dst(%dma_wait3A_358 : memref<80x128xf32, #tpu.memory_space<vmem>>)
        %sub3A_365 = arith.constant 1 : i32
        %sub3A_366 = arith.subi %add3A_321, %sub3A_365 : i32
        %mul3A_367 = arith.constant 80 : i32
        %mul3A_368 = arith.muli %sub3A_366, %mul3A_367 : i32
        %add3A_369 = arith.addi %mul3A_2, %mul3A_368 : i32
        %dma_start3A_370 = arith.constant 1 : i32
        %dma_start3A_371 = arith.constant 0 : i32
        %dma_start3A_372 = arith.constant 0 : i32
        %dma_start3A_373 = tpu.memref_slice %arg7[%dma_start3A_370, %dma_start3A_371, %dma_start3A_372] : memref<3x80x128xf32, #tpu.memory_space<vmem>> -> memref<1x80x128xf32, #tpu.memory_space<vmem>>
        %dma_start3A_374 = tpu.memref_squeeze %dma_start3A_373 : memref<1x80x128xf32, #tpu.memory_space<vmem>> -> memref<80x128xf32, #tpu.memory_space<vmem>>
        %dma_start3A_375 = arith.constant 128 : i32
        %dma_start3A_376 = tpu.memref_slice %arg5[%add3A_369, %dma_start3A_375] : memref<320000x256xf32, #tpu.memory_space<hbm>> -> memref<80x128xf32, #tpu.memory_space<hbm>>
        %dma_start3A_377 = arith.constant 128 : i32
        %dma_start3A_378 = tpu.memref_slice %arg5[%add3A_369, %dma_start3A_377] : memref<320000x256xf32, #tpu.memory_space<hbm>> -> memref<80x128xf32, #tpu.memory_space<hbm>>
        %dma_start3A_379 = arith.constant 0 : i32
        %dma_start3A_380 = arith.constant 0 : i32
        %dma_start3A_381 = tpu.memref_slice %arg7[%dma_start3A_370, %dma_start3A_379, %dma_start3A_380] : memref<3x80x128xf32, #tpu.memory_space<vmem>> -> memref<1x80x128xf32, #tpu.memory_space<vmem>>
        %dma_start3A_382 = tpu.memref_squeeze %dma_start3A_381 : memref<1x80x128xf32, #tpu.memory_space<vmem>> -> memref<80x128xf32, #tpu.memory_space<vmem>>
        tpu.enqueue_dma source(%dma_start3A_382 : memref<80x128xf32, #tpu.memory_space<vmem>>) target(%dma_start3A_378 : memref<80x128xf32, #tpu.memory_space<hbm>>) target_semaphore(%arg13 : memref<!tpu.dma_semaphore, #tpu.memory_space<semaphore_mem>>)
        %lt3A = arith.constant 82 : i32
        %lt3A_383 = arith.cmpi slt, %scan3A_182, %lt3A : i32
        %convert_element_type3A_384 = arith.extui %lt3A_383 : i1 to i32
        %cond3A_385 = arith.constant 0 : i32
        %cond3A_386 = arith.cmpi ne, %convert_element_type3A_384, %cond3A_385 : i32
        scf.if %cond3A_386 {
          %add3A_387 = arith.constant 2 : i32
          %add3A_388 = arith.addi %add3A_321, %add3A_387 : i32
          %add3A_389 = arith.constant 320000 : i32
          %add3A_390 = arith.addi %add3A_389, %mul3A_2 : i32
          %mul3A_391 = arith.constant 80 : i32
          %mul3A_392 = arith.muli %add3A_388, %mul3A_391 : i32
          %add3A_393 = arith.addi %add3A_390, %mul3A_392 : i32
          %dma_start3A_394 = arith.constant 1 : i32
          %dma_start3A_395 = arith.constant 0 : i32
          %dma_start3A_396 = tpu.memref_slice %arg6[%dma_start3A_394, %dma_start3A_395] : memref<3x80xi32, #tpu.memory_space<vmem>> -> memref<1x80xi32, #tpu.memory_space<vmem>>
          %dma_start3A_397 = tpu.memref_squeeze %dma_start3A_396 : memref<1x80xi32, #tpu.memory_space<vmem>> -> memref<80xi32, #tpu.memory_space<vmem>>
          %dma_start3A_398 = tpu.memref_slice %arg4[%add3A_393] : memref<640000xi32, #tpu.memory_space<hbm>> -> memref<80xi32, #tpu.memory_space<hbm>>
          %dma_start3A_399 = arith.constant 0 : i32
          %dma_start3A_400 = tpu.memref_slice %arg6[%dma_start3A_394, %dma_start3A_399] : memref<3x80xi32, #tpu.memory_space<vmem>> -> memref<1x80xi32, #tpu.memory_space<vmem>>
          %dma_start3A_401 = tpu.memref_squeeze %dma_start3A_400 : memref<1x80xi32, #tpu.memory_space<vmem>> -> memref<80xi32, #tpu.memory_space<vmem>>
          %dma_start3A_402 = tpu.memref_slice %arg4[%add3A_393] : memref<640000xi32, #tpu.memory_space<hbm>> -> memref<80xi32, #tpu.memory_space<hbm>>
          tpu.enqueue_dma source(%dma_start3A_402 : memref<80xi32, #tpu.memory_space<hbm>>) target(%dma_start3A_401 : memref<80xi32, #tpu.memory_space<vmem>>) target_semaphore(%arg10 : memref<!tpu.dma_semaphore, #tpu.memory_space<semaphore_mem>>)
        } else {
        }
      }
      %scan3A_43 = arith.constant 83 : i32
      %add3A_44 = arith.constant 320000 : i32
      %add3A_45 = arith.addi %add3A_44, %mul3A_2 : i32
      %add3A_46 = arith.constant 19920 : i32
      %add3A_47 = arith.addi %add3A_45, %add3A_46 : i32
      %dma_wait3A = arith.constant 0 : i32
      %dma_wait3A_48 = arith.constant 0 : i32
      %dma_wait3A_49 = tpu.memref_slice %arg6[%dma_wait3A, %dma_wait3A_48] : memref<3x80xi32, #tpu.memory_space<vmem>> -> memref<1x80xi32, #tpu.memory_space<vmem>>
      %dma_wait3A_50 = tpu.memref_squeeze %dma_wait3A_49 : memref<1x80xi32, #tpu.memory_space<vmem>> -> memref<80xi32, #tpu.memory_space<vmem>>
      %dma_wait3A_51 = tpu.memref_slice %arg4[%add3A_47] : memref<640000xi32, #tpu.memory_space<hbm>> -> memref<80xi32, #tpu.memory_space<hbm>>
      %dma_wait3A_52 = arith.constant 0 : i32
      %dma_wait3A_53 = tpu.memref_slice %arg6[%dma_wait3A, %dma_wait3A_52] : memref<3x80xi32, #tpu.memory_space<vmem>> -> memref<1x80xi32, #tpu.memory_space<vmem>>
      %dma_wait3A_54 = tpu.memref_squeeze %dma_wait3A_53 : memref<1x80xi32, #tpu.memory_space<vmem>> -> memref<80xi32, #tpu.memory_space<vmem>>
      %dma_wait3A_55 = tpu.memref_slice %arg4[%add3A_47] : memref<640000xi32, #tpu.memory_space<hbm>> -> memref<80xi32, #tpu.memory_space<hbm>>
      tpu.wait_dma2 semaphore(%arg9 : memref<!tpu.dma_semaphore, #tpu.memory_space<semaphore_mem>>) src(%dma_wait3A_55 : memref<80xi32, #tpu.memory_space<hbm>>) dst(%dma_wait3A_54 : memref<80xi32, #tpu.memory_space<vmem>>)
      %add3A_56 = arith.constant 19680 : i32
      %add3A_57 = arith.addi %mul3A_2, %add3A_56 : i32
      %dma_wait3A_58 = arith.constant 0 : i32
      %dma_wait3A_59 = arith.constant 0 : i32
      %dma_wait3A_60 = arith.constant 0 : i32
      %dma_wait3A_61 = tpu.memref_slice %arg7[%dma_wait3A_58, %dma_wait3A_59, %dma_wait3A_60] : memref<3x80x128xf32, #tpu.memory_space<vmem>> -> memref<1x80x128xf32, #tpu.memory_space<vmem>>
      %dma_wait3A_62 = tpu.memref_squeeze %dma_wait3A_61 : memref<1x80x128xf32, #tpu.memory_space<vmem>> -> memref<80x128xf32, #tpu.memory_space<vmem>>
      %dma_wait3A_63 = arith.constant 128 : i32
      %dma_wait3A_64 = tpu.memref_slice %arg5[%add3A_57, %dma_wait3A_63] : memref<320000x256xf32, #tpu.memory_space<hbm>> -> memref<80x128xf32, #tpu.memory_space<hbm>>
      %dma_wait3A_65 = arith.constant 128 : i32
      %dma_wait3A_66 = tpu.memref_slice %arg5[%add3A_57, %dma_wait3A_65] : memref<320000x256xf32, #tpu.memory_space<hbm>> -> memref<80x128xf32, #tpu.memory_space<hbm>>
      %dma_wait3A_67 = arith.constant 0 : i32
      %dma_wait3A_68 = arith.constant 0 : i32
      %dma_wait3A_69 = tpu.memref_slice %arg7[%dma_wait3A_58, %dma_wait3A_67, %dma_wait3A_68] : memref<3x80x128xf32, #tpu.memory_space<vmem>> -> memref<1x80x128xf32, #tpu.memory_space<vmem>>
      %dma_wait3A_70 = tpu.memref_squeeze %dma_wait3A_69 : memref<1x80x128xf32, #tpu.memory_space<vmem>> -> memref<80x128xf32, #tpu.memory_space<vmem>>
      tpu.wait_dma2 semaphore(%arg12 : memref<!tpu.dma_semaphore, #tpu.memory_space<semaphore_mem>>) src(%dma_wait3A_70 : memref<80x128xf32, #tpu.memory_space<vmem>>) dst(%dma_wait3A_66 : memref<80x128xf32, #tpu.memory_space<hbm>>)
      %dma_start3A_71 = arith.constant 0 : i32
      %dma_start3A_72 = arith.constant 0 : i32
      %dma_start3A_73 = arith.constant 0 : i32
      %dma_start3A_74 = arith.constant 0 : i32
      %dma_start3A_75 = tpu.memref_slice %arg7[%dma_start3A_72, %dma_start3A_73, %dma_start3A_74] : memref<3x80x128xf32, #tpu.memory_space<vmem>> -> memref<1x80x128xf32, #tpu.memory_space<vmem>>
      %dma_start3A_76 = tpu.memref_squeeze %dma_start3A_75 : memref<1x80x128xf32, #tpu.memory_space<vmem>> -> memref<80x128xf32, #tpu.memory_space<vmem>>
      %dma_start3A_77 = arith.constant 0 : i32
      %dma_start3A_78 = tpu.memref_slice %arg6[%dma_start3A_71, %dma_start3A_77] : memref<3x80xi32, #tpu.memory_space<vmem>> -> memref<1x80xi32, #tpu.memory_space<vmem>>
      %dma_start3A_79 = tpu.memref_squeeze %dma_start3A_78 : memref<1x80xi32, #tpu.memory_space<vmem>> -> memref<80xi32, #tpu.memory_space<vmem>>
      %dma_start3A_80 = arith.constant 0 : i32
      %dma_start3A_81 = arith.constant 0 : i32
      %dma_start3A_82 = tpu.memref_slice %arg8[%dma_start3A_80, %dma_start3A_81] : memref<10000x128xf32, #tpu.memory_space<vmem_shared>> -> memref<10000x128xf32, #tpu.memory_space<vmem_shared>>
      tpu.enqueue_indirect_dma source(%dma_start3A_82 : memref<10000x128xf32, #tpu.memory_space<vmem_shared>>) target(%dma_start3A_76 : memref<80x128xf32, #tpu.memory_space<vmem>>) offsets(%dma_start3A_79 : memref<80xi32, #tpu.memory_space<vmem>>) semaphore(%arg15 : memref<!tpu.dma_semaphore, #tpu.memory_space<semaphore_mem>>)
      %dma_wait3A_83 = arith.constant 2 : i32
      %dma_wait3A_84 = arith.constant 2 : i32
      %dma_wait3A_85 = arith.constant 0 : i32
      %dma_wait3A_86 = arith.constant 0 : i32
      %dma_wait3A_87 = tpu.memref_slice %arg7[%dma_wait3A_84, %dma_wait3A_85, %dma_wait3A_86] : memref<3x80x128xf32, #tpu.memory_space<vmem>> -> memref<1x80x128xf32, #tpu.memory_space<vmem>>
      %dma_wait3A_88 = tpu.memref_squeeze %dma_wait3A_87 : memref<1x80x128xf32, #tpu.memory_space<vmem>> -> memref<80x128xf32, #tpu.memory_space<vmem>>
      %dma_wait3A_89 = arith.constant 0 : i32
      %dma_wait3A_90 = tpu.memref_slice %arg6[%dma_wait3A_83, %dma_wait3A_89] : memref<3x80xi32, #tpu.memory_space<vmem>> -> memref<1x80xi32, #tpu.memory_space<vmem>>
      %dma_wait3A_91 = tpu.memref_squeeze %dma_wait3A_90 : memref<1x80xi32, #tpu.memory_space<vmem>> -> memref<80xi32, #tpu.memory_space<vmem>>
      %dma_wait3A_92 = arith.constant 0 : i32
      %dma_wait3A_93 = arith.constant 0 : i32
      %dma_wait3A_94 = tpu.memref_slice %arg8[%dma_wait3A_92, %dma_wait3A_93] : memref<10000x128xf32, #tpu.memory_space<vmem_shared>> -> memref<10000x128xf32, #tpu.memory_space<vmem_shared>>
      tpu.wait_indirect_dma semaphore(%arg17 : memref<!tpu.dma_semaphore, #tpu.memory_space<semaphore_mem>>) src(%dma_wait3A_94 : memref<10000x128xf32, #tpu.memory_space<vmem_shared>>) dst(%dma_wait3A_88 : memref<80x128xf32, #tpu.memory_space<vmem>>)
      %add3A_95 = arith.constant 19840 : i32
      %add3A_96 = arith.addi %mul3A_2, %add3A_95 : i32
      %dma_start3A_97 = arith.constant 2 : i32
      %dma_start3A_98 = arith.constant 0 : i32
      %dma_start3A_99 = arith.constant 0 : i32
      %dma_start3A_100 = tpu.memref_slice %arg7[%dma_start3A_97, %dma_start3A_98, %dma_start3A_99] : memref<3x80x128xf32, #tpu.memory_space<vmem>> -> memref<1x80x128xf32, #tpu.memory_space<vmem>>
      %dma_start3A_101 = tpu.memref_squeeze %dma_start3A_100 : memref<1x80x128xf32, #tpu.memory_space<vmem>> -> memref<80x128xf32, #tpu.memory_space<vmem>>
      %dma_start3A_102 = arith.constant 128 : i32
      %dma_start3A_103 = tpu.memref_slice %arg5[%add3A_96, %dma_start3A_102] : memref<320000x256xf32, #tpu.memory_space<hbm>> -> memref<80x128xf32, #tpu.memory_space<hbm>>
      %dma_start3A_104 = arith.constant 128 : i32
      %dma_start3A_105 = tpu.memref_slice %arg5[%add3A_96, %dma_start3A_104] : memref<320000x256xf32, #tpu.memory_space<hbm>> -> memref<80x128xf32, #tpu.memory_space<hbm>>
      %dma_start3A_106 = arith.constant 0 : i32
      %dma_start3A_107 = arith.constant 0 : i32
      %dma_start3A_108 = tpu.memref_slice %arg7[%dma_start3A_97, %dma_start3A_106, %dma_start3A_107] : memref<3x80x128xf32, #tpu.memory_space<vmem>> -> memref<1x80x128xf32, #tpu.memory_space<vmem>>
      %dma_start3A_109 = tpu.memref_squeeze %dma_start3A_108 : memref<1x80x128xf32, #tpu.memory_space<vmem>> -> memref<80x128xf32, #tpu.memory_space<vmem>>
      tpu.enqueue_dma source(%dma_start3A_109 : memref<80x128xf32, #tpu.memory_space<vmem>>) target(%dma_start3A_105 : memref<80x128xf32, #tpu.memory_space<hbm>>) target_semaphore(%arg14 : memref<!tpu.dma_semaphore, #tpu.memory_space<semaphore_mem>>)
      %dma_wait3A_110 = arith.constant 0 : i32
      %dma_wait3A_111 = arith.constant 0 : i32
      %dma_wait3A_112 = arith.constant 0 : i32
      %dma_wait3A_113 = arith.constant 0 : i32
      %dma_wait3A_114 = tpu.memref_slice %arg7[%dma_wait3A_111, %dma_wait3A_112, %dma_wait3A_113] : memref<3x80x128xf32, #tpu.memory_space<vmem>> -> memref<1x80x128xf32, #tpu.memory_space<vmem>>
      %dma_wait3A_115 = tpu.memref_squeeze %dma_wait3A_114 : memref<1x80x128xf32, #tpu.memory_space<vmem>> -> memref<80x128xf32, #tpu.memory_space<vmem>>
      %dma_wait3A_116 = arith.constant 0 : i32
      %dma_wait3A_117 = tpu.memref_slice %arg6[%dma_wait3A_110, %dma_wait3A_116] : memref<3x80xi32, #tpu.memory_space<vmem>> -> memref<1x80xi32, #tpu.memory_space<vmem>>
      %dma_wait3A_118 = tpu.memref_squeeze %dma_wait3A_117 : memref<1x80xi32, #tpu.memory_space<vmem>> -> memref<80xi32, #tpu.memory_space<vmem>>
      %dma_wait3A_119 = arith.constant 0 : i32
      %dma_wait3A_120 = arith.constant 0 : i32
      %dma_wait3A_121 = tpu.memref_slice %arg8[%dma_wait3A_119, %dma_wait3A_120] : memref<10000x128xf32, #tpu.memory_space<vmem_shared>> -> memref<10000x128xf32, #tpu.memory_space<vmem_shared>>
      tpu.wait_indirect_dma semaphore(%arg15 : memref<!tpu.dma_semaphore, #tpu.memory_space<semaphore_mem>>) src(%dma_wait3A_121 : memref<10000x128xf32, #tpu.memory_space<vmem_shared>>) dst(%dma_wait3A_115 : memref<80x128xf32, #tpu.memory_space<vmem>>)
      %add3A_122 = arith.constant 19920 : i32
      %add3A_123 = arith.addi %mul3A_2, %add3A_122 : i32
      %dma_start3A_124 = arith.constant 0 : i32
      %dma_start3A_125 = arith.constant 0 : i32
      %dma_start3A_126 = arith.constant 0 : i32
      %dma_start3A_127 = tpu.memref_slice %arg7[%dma_start3A_124, %dma_start3A_125, %dma_start3A_126] : memref<3x80x128xf32, #tpu.memory_space<vmem>> -> memref<1x80x128xf32, #tpu.memory_space<vmem>>
      %dma_start3A_128 = tpu.memref_squeeze %dma_start3A_127 : memref<1x80x128xf32, #tpu.memory_space<vmem>> -> memref<80x128xf32, #tpu.memory_space<vmem>>
      %dma_start3A_129 = arith.constant 128 : i32
      %dma_start3A_130 = tpu.memref_slice %arg5[%add3A_123, %dma_start3A_129] : memref<320000x256xf32, #tpu.memory_space<hbm>> -> memref<80x128xf32, #tpu.memory_space<hbm>>
      %dma_start3A_131 = arith.constant 128 : i32
      %dma_start3A_132 = tpu.memref_slice %arg5[%add3A_123, %dma_start3A_131] : memref<320000x256xf32, #tpu.memory_space<hbm>> -> memref<80x128xf32, #tpu.memory_space<hbm>>
      %dma_start3A_133 = arith.constant 0 : i32
      %dma_start3A_134 = arith.constant 0 : i32
      %dma_start3A_135 = tpu.memref_slice %arg7[%dma_start3A_124, %dma_start3A_133, %dma_start3A_134] : memref<3x80x128xf32, #tpu.memory_space<vmem>> -> memref<1x80x128xf32, #tpu.memory_space<vmem>>
      %dma_start3A_136 = tpu.memref_squeeze %dma_start3A_135 : memref<1x80x128xf32, #tpu.memory_space<vmem>> -> memref<80x128xf32, #tpu.memory_space<vmem>>
      tpu.enqueue_dma source(%dma_start3A_136 : memref<80x128xf32, #tpu.memory_space<vmem>>) target(%dma_start3A_132 : memref<80x128xf32, #tpu.memory_space<hbm>>) target_semaphore(%arg12 : memref<!tpu.dma_semaphore, #tpu.memory_space<semaphore_mem>>)
      %add3A_137 = arith.constant 19760 : i32
      %add3A_138 = arith.addi %mul3A_2, %add3A_137 : i32
      %dma_wait3A_139 = arith.constant 1 : i32
      %dma_wait3A_140 = arith.constant 0 : i32
      %dma_wait3A_141 = arith.constant 0 : i32
      %dma_wait3A_142 = tpu.memref_slice %arg7[%dma_wait3A_139, %dma_wait3A_140, %dma_wait3A_141] : memref<3x80x128xf32, #tpu.memory_space<vmem>> -> memref<1x80x128xf32, #tpu.memory_space<vmem>>
      %dma_wait3A_143 = tpu.memref_squeeze %dma_wait3A_142 : memref<1x80x128xf32, #tpu.memory_space<vmem>> -> memref<80x128xf32, #tpu.memory_space<vmem>>
      %dma_wait3A_144 = arith.constant 128 : i32
      %dma_wait3A_145 = tpu.memref_slice %arg5[%add3A_138, %dma_wait3A_144] : memref<320000x256xf32, #tpu.memory_space<hbm>> -> memref<80x128xf32, #tpu.memory_space<hbm>>
      %dma_wait3A_146 = arith.constant 128 : i32
      %dma_wait3A_147 = tpu.memref_slice %arg5[%add3A_138, %dma_wait3A_146] : memref<320000x256xf32, #tpu.memory_space<hbm>> -> memref<80x128xf32, #tpu.memory_space<hbm>>
      %dma_wait3A_148 = arith.constant 0 : i32
      %dma_wait3A_149 = arith.constant 0 : i32
      %dma_wait3A_150 = tpu.memref_slice %arg7[%dma_wait3A_139, %dma_wait3A_148, %dma_wait3A_149] : memref<3x80x128xf32, #tpu.memory_space<vmem>> -> memref<1x80x128xf32, #tpu.memory_space<vmem>>
      %dma_wait3A_151 = tpu.memref_squeeze %dma_wait3A_150 : memref<1x80x128xf32, #tpu.memory_space<vmem>> -> memref<80x128xf32, #tpu.memory_space<vmem>>
      tpu.wait_dma2 semaphore(%arg13 : memref<!tpu.dma_semaphore, #tpu.memory_space<semaphore_mem>>) src(%dma_wait3A_151 : memref<80x128xf32, #tpu.memory_space<vmem>>) dst(%dma_wait3A_147 : memref<80x128xf32, #tpu.memory_space<hbm>>)
      %add3A_152 = arith.constant 19840 : i32
      %add3A_153 = arith.addi %mul3A_2, %add3A_152 : i32
      %dma_wait3A_154 = arith.constant 2 : i32
      %dma_wait3A_155 = arith.constant 0 : i32
      %dma_wait3A_156 = arith.constant 0 : i32
      %dma_wait3A_157 = tpu.memref_slice %arg7[%dma_wait3A_154, %dma_wait3A_155, %dma_wait3A_156] : memref<3x80x128xf32, #tpu.memory_space<vmem>> -> memref<1x80x128xf32, #tpu.memory_space<vmem>>
      %dma_wait3A_158 = tpu.memref_squeeze %dma_wait3A_157 : memref<1x80x128xf32, #tpu.memory_space<vmem>> -> memref<80x128xf32, #tpu.memory_space<vmem>>
      %dma_wait3A_159 = arith.constant 128 : i32
      %dma_wait3A_160 = tpu.memref_slice %arg5[%add3A_153, %dma_wait3A_159] : memref<320000x256xf32, #tpu.memory_space<hbm>> -> memref<80x128xf32, #tpu.memory_space<hbm>>
      %dma_wait3A_161 = arith.constant 128 : i32
      %dma_wait3A_162 = tpu.memref_slice %arg5[%add3A_153, %dma_wait3A_161] : memref<320000x256xf32, #tpu.memory_space<hbm>> -> memref<80x128xf32, #tpu.memory_space<hbm>>
      %dma_wait3A_163 = arith.constant 0 : i32
      %dma_wait3A_164 = arith.constant 0 : i32
      %dma_wait3A_165 = tpu.memref_slice %arg7[%dma_wait3A_154, %dma_wait3A_163, %dma_wait3A_164] : memref<3x80x128xf32, #tpu.memory_space<vmem>> -> memref<1x80x128xf32, #tpu.memory_space<vmem>>
      %dma_wait3A_166 = tpu.memref_squeeze %dma_wait3A_165 : memref<1x80x128xf32, #tpu.memory_space<vmem>> -> memref<80x128xf32, #tpu.memory_space<vmem>>
      tpu.wait_dma2 semaphore(%arg14 : memref<!tpu.dma_semaphore, #tpu.memory_space<semaphore_mem>>) src(%dma_wait3A_166 : memref<80x128xf32, #tpu.memory_space<vmem>>) dst(%dma_wait3A_162 : memref<80x128xf32, #tpu.memory_space<hbm>>)
      %add3A_167 = arith.constant 19920 : i32
      %add3A_168 = arith.addi %mul3A_2, %add3A_167 : i32
      %dma_wait3A_169 = arith.constant 0 : i32
      %dma_wait3A_170 = arith.constant 0 : i32
      %dma_wait3A_171 = arith.constant 0 : i32
      %dma_wait3A_172 = tpu.memref_slice %arg7[%dma_wait3A_169, %dma_wait3A_170, %dma_wait3A_171] : memref<3x80x128xf32, #tpu.memory_space<vmem>> -> memref<1x80x128xf32, #tpu.memory_space<vmem>>
      %dma_wait3A_173 = tpu.memref_squeeze %dma_wait3A_172 : memref<1x80x128xf32, #tpu.memory_space<vmem>> -> memref<80x128xf32, #tpu.memory_space<vmem>>
      %dma_wait3A_174 = arith.constant 128 : i32
      %dma_wait3A_175 = tpu.memref_slice %arg5[%add3A_168, %dma_wait3A_174] : memref<320000x256xf32, #tpu.memory_space<hbm>> -> memref<80x128xf32, #tpu.memory_space<hbm>>
      %dma_wait3A_176 = arith.constant 128 : i32
      %dma_wait3A_177 = tpu.memref_slice %arg5[%add3A_168, %dma_wait3A_176] : memref<320000x256xf32, #tpu.memory_space<hbm>> -> memref<80x128xf32, #tpu.memory_space<hbm>>
      %dma_wait3A_178 = arith.constant 0 : i32
      %dma_wait3A_179 = arith.constant 0 : i32
      %dma_wait3A_180 = tpu.memref_slice %arg7[%dma_wait3A_169, %dma_wait3A_178, %dma_wait3A_179] : memref<3x80x128xf32, #tpu.memory_space<vmem>> -> memref<1x80x128xf32, #tpu.memory_space<vmem>>
      %dma_wait3A_181 = tpu.memref_squeeze %dma_wait3A_180 : memref<1x80x128xf32, #tpu.memory_space<vmem>> -> memref<80x128xf32, #tpu.memory_space<vmem>>
      tpu.wait_dma2 semaphore(%arg12 : memref<!tpu.dma_semaphore, #tpu.memory_space<semaphore_mem>>) src(%dma_wait3A_181 : memref<80x128xf32, #tpu.memory_space<vmem>>) dst(%dma_wait3A_177 : memref<80x128xf32, #tpu.memory_space<hbm>>)
    } else {
    }
    return
  }
}

module attributes {stable_mosaic.version = 14 : i64} {
  func.func @_tc_heads_body(%arg0: memref<2x10000x128xf32, #tpu.memory_space<vmem>>, %arg1: memref<2x10000xf32, #tpu.memory_space<vmem>>, %arg2: memref<128x128xf32, #tpu.memory_space<vmem>>, %arg3: memref<1x128xf32, #tpu.memory_space<vmem>>, %arg4: memref<128x128xf32, #tpu.memory_space<vmem>>, %arg5: memref<1x128xf32, #tpu.memory_space<vmem>>, %arg6: memref<10000x128xf32, #tpu.memory_space<vmem>>, %arg7: memref<10000x128xf32, #tpu.memory_space<vmem>>) attributes {dimension_semantics = [], scalar_prefetch = 0 : i64, scratch_operands = 0 : i64, tpu.core_type = #tpu.core_type<tc>} {
    %get3A = arith.constant 0 : index
    %get3A_0 = arith.constant 0 : index
    %get3A_1 = vector.load %arg1[%get3A, %get3A_0] : memref<2x10000xf32, #tpu.memory_space<vmem>>, vector<2x10000xf32>
    %max3A = arith.constant 1.000000e+00 : f32
    %max3A_2 = vector.broadcast %max3A : f32 to vector<2x10000xf32>
    %max3A_3 = arith.maximumf %get3A_1, %max3A_2 : vector<2x10000xf32>
    %div3A = arith.constant 1.000000e+00 : f32
    %div3A_4 = vector.broadcast %div3A : f32 to vector<2x10000xf32>
    %div3A_5 = arith.divf %div3A_4, %max3A_3 : vector<2x10000xf32>
    %broadcast_in_dim3A = vector.shape_cast %div3A_5 : vector<2x10000xf32> to vector<2x10000x1xf32>
    %broadcast_in_dim3A_6 = vector.broadcast %broadcast_in_dim3A : vector<2x10000x1xf32> to vector<2x10000x128xf32>
    %get3A_7 = arith.constant 0 : index
    %get3A_8 = arith.constant 0 : index
    %get3A_9 = arith.constant 0 : index
    %get3A_10 = vector.load %arg0[%get3A_7, %get3A_8, %get3A_9] : memref<2x10000x128xf32, #tpu.memory_space<vmem>>, vector<1x10000x128xf32>
    %get3A_11 = vector.shape_cast %get3A_10 : vector<1x10000x128xf32> to vector<10000x128xf32>
    %slice3A = vector.extract_strided_slice %broadcast_in_dim3A_6 {offsets = [0, 0, 0], sizes = [1, 10000, 128], strides = [1, 1, 1]} : vector<2x10000x128xf32> to vector<1x10000x128xf32>
    %squeeze3A = vector.shape_cast %slice3A : vector<1x10000x128xf32> to vector<10000x128xf32>
    %mul3A = arith.mulf %get3A_11, %squeeze3A : vector<10000x128xf32>
    %get3A_12 = arith.constant 1 : index
    %get3A_13 = arith.constant 0 : index
    %get3A_14 = arith.constant 0 : index
    %get3A_15 = vector.load %arg0[%get3A_12, %get3A_13, %get3A_14] : memref<2x10000x128xf32, #tpu.memory_space<vmem>>, vector<1x10000x128xf32>
    %get3A_16 = vector.shape_cast %get3A_15 : vector<1x10000x128xf32> to vector<10000x128xf32>
    %slice3A_17 = vector.extract_strided_slice %broadcast_in_dim3A_6 {offsets = [1, 0, 0], sizes = [1, 10000, 128], strides = [1, 1, 1]} : vector<2x10000x128xf32> to vector<1x10000x128xf32>
    %squeeze3A_18 = vector.shape_cast %slice3A_17 : vector<1x10000x128xf32> to vector<10000x128xf32>
    %mul3A_19 = arith.mulf %get3A_16, %squeeze3A_18 : vector<10000x128xf32>
    %add3A = arith.addf %mul3A, %mul3A_19 : vector<10000x128xf32>
    %mul3A_20 = arith.constant 5.000000e-01 : f32
    %mul3A_21 = vector.broadcast %mul3A_20 : f32 to vector<10000x128xf32>
    %mul3A_22 = arith.mulf %mul3A_21, %add3A : vector<10000x128xf32>
    %get3A_23 = arith.constant 0 : index
    %get3A_24 = arith.constant 0 : index
    %get3A_25 = vector.load %arg2[%get3A_23, %get3A_24] : memref<128x128xf32, #tpu.memory_space<vmem>>, vector<128x128xf32>
    %dot_general3A = arith.constant dense<0.000000e+00> : vector<10000x128xf32>
    %dot_general3A_26 = tpu.matmul %mul3A_22, %get3A_25, %dot_general3A {dimension_numbers = #tpu.dot_dimension_numbers<[1], [0], [0], [1], [0, 0, 1, 1], [], []>, transpose_lhs_hint = false} : vector<10000x128xf32>, vector<128x128xf32>, vector<10000x128xf32> -> vector<10000x128xf32>
    %get3A_27 = arith.constant 0 : index
    %get3A_28 = arith.constant 0 : index
    %get3A_29 = vector.load %arg3[%get3A_27, %get3A_28] : memref<1x128xf32, #tpu.memory_space<vmem>>, vector<1x128xf32>
    %add3A_30 = vector.broadcast %get3A_29 : vector<1x128xf32> to vector<10000x128xf32>
    %add3A_31 = arith.addf %dot_general3A_26, %add3A_30 : vector<10000x128xf32>
    %swap3A = arith.constant 0 : index
    %swap3A_32 = arith.constant 0 : index
    %swap3A_33 = vector.load %arg6[%swap3A, %swap3A_32] : memref<10000x128xf32, #tpu.memory_space<vmem>>, vector<10000x128xf32>
    tpu.vector_store %arg6[%swap3A, %swap3A_32], %add3A_31 {strides = array<i32>} : memref<10000x128xf32, #tpu.memory_space<vmem>>, vector<10000x128xf32>,
    %get3A_34 = arith.constant 0 : index
    %get3A_35 = arith.constant 0 : index
    %get3A_36 = vector.load %arg4[%get3A_34, %get3A_35] : memref<128x128xf32, #tpu.memory_space<vmem>>, vector<128x128xf32>
    %dot_general3A_37 = arith.constant dense<0.000000e+00> : vector<10000x128xf32>
    %dot_general3A_38 = tpu.matmul %mul3A_22, %get3A_36, %dot_general3A_37 {dimension_numbers = #tpu.dot_dimension_numbers<[1], [0], [0], [1], [0, 0, 1, 1], [], []>, transpose_lhs_hint = false} : vector<10000x128xf32>, vector<128x128xf32>, vector<10000x128xf32> -> vector<10000x128xf32>
    %get3A_39 = arith.constant 0 : index
    %get3A_40 = arith.constant 0 : index
    %get3A_41 = vector.load %arg5[%get3A_39, %get3A_40] : memref<1x128xf32, #tpu.memory_space<vmem>>, vector<1x128xf32>
    %add3A_42 = vector.broadcast %get3A_41 : vector<1x128xf32> to vector<10000x128xf32>
    %add3A_43 = arith.addf %dot_general3A_38, %add3A_42 : vector<10000x128xf32>
    %swap3A_44 = arith.constant 0 : index
    %swap3A_45 = arith.constant 0 : index
    %swap3A_46 = vector.load %arg7[%swap3A_44, %swap3A_45] : memref<10000x128xf32, #tpu.memory_space<vmem>>, vector<10000x128xf32>
    tpu.vector_store %arg7[%swap3A_44, %swap3A_45], %add3A_43 {strides = array<i32>} : memref<10000x128xf32, #tpu.memory_space<vmem>>, vector<10000x128xf32>,
    return
  }
}

</mosaic_0001>

<sc_bundles>
// kernel: kernel.5.cloned.1.call-start
scs
__scs_entry_jumppad:
0x0: {  	(pc) =	sbr.rel $0x88, $3  }
0x1: {  	(tag) =	ssettag $0x0;
	lr =	simm.s32 $0x1  }
0x2: {  	[smem:$0x3F9B] =	sst lr;
	_ =	strace $0xD0000000  }
0x3: {  	_ = 	snop  }
0x4: {  	_ = 	snop  }
0x5: {  	_ = 	snop  }
0x6: {  	_ = 	snop  }
0x7: {  	_ = 	snop  }
__scs_overlays_trampoline_lowered:
0x8: {  	[smem:$0x3FAA] =	sst s0  }
0x9: {  	[smem:$0x3FAB] =	sst s1  }
0xa: {  	[smem:$0x3FAC] =	sst s2  }
0xb: {  	[smem:$0x3FAD] =	sst s3  }
0xc: {  	[smem:$0x3FAE] =	sst s4  }
0xd: {  	[smem:$0x3FAF] =	sst s5  }
0xe: {  	[smem:$0x3FB0] =	sst s6  }
0xf: {  	[smem:$0x3FB1] =	sst s7  }
0x10: {  	[smem:$0x3FB2] =	sst s8  }
0x11: {  	[smem:$0x3FB3] =	sst s9;
	s0 =	simm.s32 @!p0 $0x0  }
0x12: {  	s1 =	sld [smem:$0x3F99];
	s0 =	simm.s32 @p0 $0x1  }
0x13: {  	[smem:$0x3FB4] =	sst s0;
	s0 =	simm.s32 @!p1 $0x0  }
0x14: {  	s2 =	sld [smem:$0x3F98];
	s0 =	simm.s32 @p1 $0x1  }
0x15: {  	[smem:$0x3FB5] =	sst s0;
	s0 =	simm.s32 @!p2 $0x0  }
0x16: {  	s3 =	sld [smem:$0x3FDB];
	s0 =	simm.s32 @p2 $0x1  }
0x17: {  	s4 =	simm.s32 $0x1BF5;
	[smem:$0x3FB7] =	sst s0  }
0x18: {  	s0 =	sld [smem:$0x3F9A];
	_ =	swait.ge [sflag:s4], $0x0  }
0x19: {  	s7 =	sld [smem:$0x3F9B]  }
0x1a: {  	s8 =	sadd.s32 $0xFFFFE003, lr  }
0x1b: {  	s9 =	sadd.s32 $0xFFFFFEF7, lr;
	s5 =	simm.s32 $0xFFFFFFFF;
	p2 =	slt.u32 s8, $0xFFFFF086  }
0x1c: {  	p1 =	slt.u32 s9, $0xF7A;
	s5 =	simm.s32 @!p2 $0x0  }
0x1d: {  	s5 =	simm.s32 @p1 $0x1;
	p0 =	seq.s32 s7, s2  }
0x1e: {  	s7 =	smul.u32 @!p0 $0xF7A, s2;
	p2 =	seq.s32 @!p0 s5, $0x0  }
0x1f: {  	s9 =	smul.u32 $0xF7A, s1;
	s8 =	simm.s32 @!p0 $0x1BF5;
	p2 =	por !p2, p0  }
0x20: {  	[sflag:s8] =	ssyncset.s32 @!p0 $0xFFFFF086;
	s6 =	sadd.s32 @!p0 s3, s7;
	s7 =	simm.s32 @!p0 $0x108  }
0x21: {  	s3 =	sadd.s32 s3, s9;
	s6 =	sadd.s32 @!p0 $0x88, s6;
	s7 =	simm.s32 @p2 $0x1082  }
0x22: {  	[simem:s7], [sflag:s8] =	dma.local @!p0 [hbm:s6], $0xF7A  }
0x23: {  	s9 =	sor.u32 $0xD0000000, s2;
	s6 =	simm.s32 $0x108;
	_ =	swait.ge @!p0 [sflag:s8], $0x0  }
0x24: {  	s3 =	sadd.s32 $0x88, s3;
	s6 =	simm.s32 @!p1 $0x1082;
	[sflag:s4] =	ssyncset.s32 $0xFFFFF086  }
0x25: {  	[simem:s6], [sflag:s4] =	dma.local [hbm:s3], $0xF7A  }
0x26: {  	[smem:$0x3F9B] =	sst s1;
	(tag) =	ssettag s2;
	_ =	strace s9  }
0x27: {  	s1 =	sld [smem:$0x3FAB]  }
0x28: {  	s2 =	sld [smem:$0x3FAC]  }
0x29: {  	s4 =	sld [smem:$0x3FAE]  }
0x2a: {  	p0 =	seq.s32 s5, $0x0;
	s5 =	sld [smem:$0x3FAF]  }
0x2b: {  	s6 =	sld [smem:$0x3FB0]  }
0x2c: {  	s7 =	sld [smem:$0x3FB1]  }
0x2d: {  	s3 =	simm.s32 $0x108;
	s8 =	sld [smem:$0x3FB2]  }
0x2e: {  	s3 =	simm.s32 @!p0 $0x1082;
	s9 =	sld [smem:$0x3FB3]  }
0x2f: {  	lr =	sadd.s32 s0, s3;
	s0 =	sld [smem:$0x3FAA]  }
0x30: {  	s3 =	sld [smem:$0x3FAD]  }
0x31: {  	[smem:$0x3FB6] =	sst s10  }
0x32: {  	s10 =	sld [smem:$0x3FB4];
	_ =	sdelay $0x3  }
0x33: {  	p0 =	seq.s32 s10, $0x1;
	s10 =	sld [smem:$0x3FB6];
	_ =	sdelay $0x3  }
0x34: {  	[smem:$0x3FB6] =	sst s10  }
0x35: {  	s10 =	sld [smem:$0x3FB5];
	_ =	sdelay $0x3  }
0x36: {  	p1 =	seq.s32 s10, $0x1;
	s10 =	sld [smem:$0x3FB6];
	_ =	sdelay $0x3  }
0x37: {  	[smem:$0x3FB6] =	sst s10  }
0x38: {  	s10 =	sld [smem:$0x3FB7]  }
0x39: {  	_ = 	snop;
	(pc) =	sbr.ind lr, $3  }
0x3a: {  	_ = 	snop  }
0x3b: {  	_ = 	snop  }
0x3c: {  	p2 =	seq.s32 s10, $0x1;
	s10 =	sld [smem:$0x3FB6]  }
0x3d: {  	_ =	shalt  }
0x3e: {  	_ =	shalt  }
0x3f: {  	_ =	shalt  }
0x40: {  	_ =	shalt  }
0x41: {  	_ =	shalt  }
0x42: {  	_ =	shalt  }
0x43: {  	_ =	shalt  }
0x44: {  	_ =	shalt  }
0x45: {  	_ =	shalt  }
0x46: {  	_ =	shalt  }
0x47: {  	_ =	shalt  }
0x48: {  	_ =	shalt  }
0x49: {  	_ =	shalt  }
0x4a: {  	_ =	shalt  }
0x4b: {  	_ =	shalt  }
0x4c: {  	_ =	shalt  }
0x4d: {  	_ =	shalt  }
0x4e: {  	_ =	shalt  }
0x4f: {  	_ =	shalt  }
0x50: {  	_ =	shalt  }
0x51: {  	_ =	shalt  }
0x52: {  	_ =	shalt  }
0x53: {  	_ =	shalt  }
0x54: {  	_ =	shalt  }
0x55: {  	_ =	shalt  }
0x56: {  	_ =	shalt  }
0x57: {  	_ =	shalt  }
0x58: {  	_ =	shalt  }
0x59: {  	_ =	shalt  }
0x5a: {  	_ =	shalt  }
0x5b: {  	_ =	shalt  }
0x5c: {  	_ =	shalt  }
0x5d: {  	_ =	shalt  }
0x5e: {  	_ =	shalt  }
0x5f: {  	_ =	shalt  }
0x60: {  	_ =	shalt  }
0x61: {  	_ =	shalt  }
0x62: {  	_ =	shalt  }
0x63: {  	_ =	shalt  }
0x64: {  	_ =	shalt  }
0x65: {  	_ =	shalt  }
0x66: {  	_ =	shalt  }
0x67: {  	_ =	shalt  }
0x68: {  	_ =	shalt  }
0x69: {  	_ =	shalt  }
0x6a: {  	_ =	shalt  }
0x6b: {  	_ =	shalt  }
0x6c: {  	_ =	shalt  }
0x6d: {  	_ =	shalt  }
0x6e: {  	_ =	shalt  }
0x6f: {  	_ =	shalt  }
0x70: {  	_ =	shalt  }
0x71: {  	_ =	shalt  }
0x72: {  	_ =	shalt  }
0x73: {  	_ =	shalt  }
0x74: {  	_ =	shalt  }
0x75: {  	_ =	shalt  }
0x76: {  	_ =	shalt  }
0x77: {  	_ =	shalt  }
0x78: {  	_ =	shalt  }
0x79: {  	_ =	shalt  }
0x7a: {  	_ =	shalt  }
0x7b: {  	_ =	shalt  }
0x7c: {  	_ =	shalt  }
0x7d: {  	_ =	shalt  }
0x7e: {  	_ =	shalt  }
0x7f: {  	_ =	shalt  }
0x80: {  	_ =	shalt  }
0x81: {  	_ =	shalt  }
0x82: {  	_ =	shalt  }
0x83: {  	_ =	shalt  }
0x84: {  	_ =	shalt  }
0x85: {  	_ =	shalt  }
0x86: {  	_ =	shalt  }
0x87: {  	_ =	shalt  }
.Lfunc_end0:
.L_simem_size_0:
called_computation_lowered:
.L_overlay_start_0:
0x88: {  	s2 =	sld [smem:$0x3FD9]  }
0x89: {  	s3 =	sld [smem:$0x3FFE];
	_ =	sdelay $0x1  }
0x8a: {  	s1 =	srdreg.scid  }
0x8b: {  	s0 =	sand.u32 $0x1, s1  }
0x8c: {  	s17 =	sshll.u32 s0, $0xA;
	s2 =	sadd.s32 s3, s2  }
0x8d: {  	s2 =	sadd.s32 s2, s17  }
0x8e: {  	[smem:$0x3FC2] =	sst s2  }
0x8f: {  	_ = 	snop  }
0x90: {  	s2 =	sld [smem:$0x3FC9]  }
0x91: {  	s18 =	sld [smem:$0x3FD0];
	(tm) =	ssettm $0x1  }
0x92: {  	s4 =	sld [smem:$0x3FFB];
	_ =	sdelay $0x3  }
0x93: {  	_ =	strace s4  }
0x94: {  	s4 =	sld [smem:$0x3FFC];
	_ =	sdelay $0x3  }
0x95: {  	_ =	strace s4  }
0x96: {  	s4 =	sld [smem:$0x3FFD];
	_ =	sdelay $0x3  }
0x97: {  	_ =	strace s4  }
0x98: {  	_ =	strace $0x8FFFFFFF  }
0x99: {  	s19 =	sld [smem:$0x3FDB];
	_ =	sdelay $0x1  }
0x9a: {  	s5 =	simm.s32 $_scs_section_size  }
0x9b: {  	s6 =	simm.s32 $_size__tile_overlayer_lowered;
	s7 =	simm.s32 $_tile_overlayer_lowered  }
0x9c: {  	s22 =	simm.s32 $0x1BFF;
	s21 =	sshll.u32 s7, $0x1;
	s4 =	sadd.s32 s5, s19  }
0x9d: {  	s8 =	simm.s32 $0x0;
	s20 =	sshll.u32 s6, $0x1;
	s6 =	sadd.s32 s21, s4  }
0x9e: {  	[timem:s8], [sflag:s22] =	dma.local [hbm:s6], s20  }
0x9f: {  	_ =	swait.ge [sflag:s22], s20  }
0xa0: {  	s5 =	ssub.s32 $0x0, s20;
	[sflag:s22] =	ssyncset.done $0x0  }
0xa1: {  	[sflag:s22] =	ssyncadd.s32 s5;
	_ =	sdelay $0x1  }
0xa2: {  	s23 =	simm.s32 $0x1B8B  }
0xa3: {  	_ =	swait.ge [sflag:s23], $0x1  }
0xa4: {  	[sflag:s23] =	ssyncset.done $0x0  }
0xa5: {  	s25 =	simm.s32 $0x1B8E;
	s24 =	sld [smem:$0x3FFE];
	[sflag:s23] =	ssyncadd.s32 $0xFFFFFFFF  }
0xa6: {  	s26 =	simm.s32 $execute0_lowered;
	[smem:$0x3FD2] =	sst s25  }
0xa7: {  	s6 =	sshll.u32 s26, $0x1;
	_ =	strace $0x80000046;
	[dreg:$0x1] =	wrdreg $0xFFFFFFFF  }
0xa8: {  	s28 =	simm.s32 $_size_execute0_lowered;
	s4 =	sadd.s32 s4, s6;
	[dreg:$0x0] =	wrdreg $0x0  }
0xa9: {  	s6 =	sshll.u32 s28, $0x1;
	[dreg:$0x2] =	wrdreg s4  }
0xaa: {  	[dreg:$0x3] =	wrdreg s6  }
0xab: {  	[dreg:$0x4] =	wrdreg $0xC0  }
0xac: {  	_ =	task [dreg:s8], $0x5FFFF  }
0xad: {  	[dreg:$0x1] =	wrdreg $0xFFFFFFFF  }
0xae: {  	[dreg:$0x0] =	wrdreg $0x60  }
0xaf: {  	[dreg:$0x2] =	wrdreg s2  }
0xb0: {  	[dreg:$0x3] =	wrdreg s24  }
0xb1: {  	[dreg:$0x4] =	wrdreg s18  }
0xb2: {  	[dreg:$0x5] =	wrdreg $0x7D000  }
0xb3: {  	[dreg:$0x6] =	wrdreg $0x1B5800  }
0xb4: {  	[dreg:$0x7] =	wrdreg $0x9  }
0xb5: {  	_ =	task.clear_ibuf [dreg:s8], $0x8FFFF;
	_ =	strace $0x90000046  }
0xb6: {  	s29 =	simm.s32 $0x9;
	_ =	strace $0x80000048  }
0xb7: {  	_ =	swait.ge [sflag:s29], $0x1  }
0xb8: {  	[sflag:s29] =	ssyncadd.s32 $0xFFFFFFFF  }
0xb9: {  	_ =	strace $0x90000048  }
0xba: {  	_ =	sfence  }
0xbb: {  	s30 =	sld [smem:$0x0];
	_ =	sdelay $0x2  }
0xbc: {  	s31 =	sshll.u32 s1, $0xD;
	s1 =	sshrl.u32 s1, $0x2  }
0xbd: {  	s3 =	sand.u32 $0x4000, s31;
	s1 =	sadd.s32 s1, s30  }
0xbe: {  	s0 =	sor.u32 s3, s0;
	s1 =	sshll.u32 s1, $0x11  }
0xbf: {  	s0 =	sor.u32 s1, s0  }
0xc0: {  	s0 =	sadd.s32 $0x8F2B, s0  }
0xc1: {  	[sflag:s0] =	ssyncadd.remote.s32 $0x1  }
0xc2: {  	_ =	sfence.sel $0xFFFF  }
0xc3: {  	[dreg:$0x0] =	wrdreg $0xFFFFFFFF;
	(pc) =	sbr.abs _section_cstart, $3  }
0xc4: {  	[dreg:$0x1] =	wrdreg $0xFFFFFFFF  }
0xc5: {  	_ =	task.clear_ibuf [dreg:s8], $0x2FFFF;
	_ =	strace $0x9FFFFFFF  }
0xc6: {  	(tm) =	ssettm $0x7FFFFFFF  }
0xc7: {  	_ =	shalt  }
tec
execute0_lowered:
.L_overlay_start_1:
0x0: {  	(tag) =	ssettag $0x1  }
0x1: {  	s0 =	rddreg [dreg:$0x0]  }
0x2: {  	s1 =	rddreg [dreg:$0x1];
	s21 =	stileid.u32  }
0x3: {  	s5 =	rddreg [dreg:$0x2];
	s7 =	smul.u32 $0x270, s21  }
0x4: {  	s2 =	rddreg [dreg:$0x3];
	s12 =	smul.u32 $0x4E20, s21  }
0x5: {  	s3 =	rddreg [dreg:$0x4];
	s14 =	smul.u32 $0x9C400, s21  }
0x6: {  	s4 =	simm.s32 $0x0;
	s6 =	srdreg.scid;
	s20 =	smul.u32 $0x4E2000, s21  }
0x7: {  	[smem:$0x7FF] =	sst s4;
	s8 =	sand.u32 $0x1, s6;
	s17 =	smul.u32 $0x4E000, s21  }
0x8: {  	s9 =	sadd.s32 $0x1C00, s1;
	s16 =	sadd.s32 $0x80, s0;
	s24 =	smul.u32 $0x13800, s21  }
0x9: {  	p1 =	sne.s32 s21, $0xF;
	p2 =	seq.s32 s21, $0xF;
	s31 =	sadd.s32 $0x138000, s2  }
0xa: {  	_ =	strace $0x80000047;
	s6 =	ssub.s32 $0x2, s8;
	p0 =	seq.s32 s8, $0x0  }
0xb: {  	s10 =	sshrl.u32 s7, $0x3;
	s11 =	sshrl.u32 s6, $0x1;
	s15 =	sadd.s32 $0x50, s12  }
0xc: {  	s18 =	sadd.s32 $0x4E200, s12;
	s23 =	sshrl.u32 s17, $0x2;
	s19 =	sadd.s32 $0x4E250, s12  }
0xd: {  	s17 =	sshrl.u32 s24, $0x3;
	s13 =	sadd.s32 s10, s1;
	s11 =	ssub.s32 s6, s11  }
0xe: {  	s22 =	sshll.u32 s15, $0x5;
	s6 =	sshrl.u32 s20, $0x3;
	s28 =	sadd.s32 s5, s17  }
0xf: {  	s12 =	smov.u32 @p0 s18;
	s15 =	smov.u32 @p0 s19;
	s17 =	smul.u32 $0x2700, s21  }
0x10: {  	s18 =	smul.u32 $0x9C4, s21;
	s19 =	sadd.s32 $0x4E100, s5;
	s21 =	simm.s32 $0x7  }
0x11: {  	s22 =	sadd.s32 s22, s16;
	s6 =	sadd.s32 s0, s6;
	s29 =	sadd.s32 $0x15AE2, s13  }
0x12: {  	s16 =	smov.u32 @p0 s0;
	s12 =	sshrl.u32 s12, $0x3;
	s15 =	sshrl.u32 s15, $0x3  }
0x13: {  	[dreg:$0xd] =	wrdreg s19;
	s24 =	smax.u32 s11, $0x1;
	s11 =	simm.s32 $0x7800  }
0x14: {  	s19 =	simm.s32 $0x7880;
	s20 =	sadd.s32 $0xA00, s6;
	[dreg:$0xb] =	wrdreg s29  }
0x15: {  	s6 =	sadd.s32 s23, s2;
	s16 =	sadd.s32 s16, s14;
	[dreg:$0x15] =	wrdreg s24  }
0x16: {  	s14 =	sadd.s32 s14, s0;
	s12 =	sadd.s32 s9, s12;
	[dreg:$0xc] =	wrdreg s16  }
0x17: {  	s0 =	sadd.s32 s18, s9;
	s23 =	sadd.s32 $0x15600, s13;
	[dreg:$0xe] =	wrdreg s12  }
0x18: {  	s18 =	simm.s32 $0x5000;
	s10 =	sadd.s32 $0x2800, s6;
	[dreg:$0x12] =	wrdreg s23  }
0x19: {  	s13 =	simm.s32 $0x2;
	s25 =	sadd.s32 $0x5000, s6;
	[dreg:$0x7] =	wrdreg s10  }
0x1a: {  	s26 =	sadd.s32 $0x7800, s6;
	s22 =	smov.u32 @p0 s20;
	[dreg:$0x8] =	wrdreg s25  }
0x1b: {  	s20 =	sadd.s32 s9, s15;
	p0 =	sne.s32 s8, $0x0;
	[dreg:$0x9] =	wrdreg s26  }
0x1c: {  	s29 =	sadd.s32 $0xF000, s6;
	s30 =	sadd.s32 $0x11800, s6;
	[dreg:$0x6] =	wrdreg s22  }
0x1d: {  	s12 =	simm.s32 $0x400;
	s15 =	simm.s32 $0x800;
	[dreg:$0xf] =	wrdreg s20  }
0x1e: {  	s10 =	sadd.s32 s7, s3;
	s7 =	sadd.s32 $0x27100, s28;
	[dreg:$0x1a] =	wrdreg s29  }
0x1f: {  	s8 =	simm.s32 $0x7A00;
	s22 =	sadd.s32 $0x15FC2, s1;
	[dreg:$0xa] =	wrdreg s7  }
0x20: {  	s9 =	simm.s32 $0x7900;
	s1 =	sadd.s32 $0x15AE0, s1;
	[dreg:$0x10] =	wrdreg s22  }
0x21: {  	s16 =	simm.s32 $0x3;
	s25 =	sadd.s32 $0x28, s0;
	[dreg:$0x14] =	wrdreg s1  }
0x22: {  	s23 =	simm.s32 $0x6;
	s0 =	sadd.s32 $0x9C68, s0;
	[dreg:$0x16] =	wrdreg s25  }
0x23: {  	s26 =	sadd.s32 $0xA000, s6;
	s28 =	sadd.s32 $0xC800, s6;
	[dreg:$0x17] =	wrdreg s0  }
.Ltmp0:
0x24: {  	s20 =	simm.s32 $0x2800;
	[dreg:$0x18] =	wrdreg s26;
	(pc) =	sbr.rel .LBB2_1-.Ltmp0, $4  }
0x25: {  	s7 =	sadd.s32 s5, s17;
	s5 =	sadd.s32 $0x27000, s5;
	[dreg:$0x19] =	wrdreg s28  }
0x26: {  	s0 =	sadd.s32 $0x2700, s3;
	s22 =	simm.s32 $0x7A80;
	s1 =	simm.s32 $0x1  }
0x27: {  	s17 =	simm.s32 $0x5;
	s26 =	simm.s32 $0x0;
	[dreg:$0x11] =	wrdreg s7  }
0x28: {  	v0 =	vimm.f32 $0.0e+00;
	v1 =	vimm.f32 $1.000000000e+00;
	[dreg:$0x13] =	wrdreg s5;
	s7 =	simm.s32 $0x50;
	s5 =	simm.s32 $0x4  }
.LBB2_10:
0x29: {  	s29 =	sshrl.u32 s31, $0x3  }
0x2a: {  	[hbm:s28], [sflag:s24] =	dma.local [spmem:s29], $0x100  }
0x2b: {  	_ =	swait.ge [sflag:s21], $0x100  }
0x2c: {  	[sflag:s21] =	ssyncset.done $0x0  }
0x2d: {  	[sflag:s21] =	ssyncadd.s32 $0xFFFFFF00  }
0x2e: {  	[tilespmem:s22], [sflag:$0x7] =	stream.linear.gather [spmem:s0], $0x10, $0x38;
	[tilespmem:$0x1B7F8] =	vst v63  }
0x2f: {  	_ =	swait.ge [sflag:s21], $0x10  }
0x30: {  	[sflag:s21] =	ssyncset.done $0x0  }
0x31: {  	[sflag:s21] =	ssyncadd.s32 $0xFFFFFFF0  }
0x32: {  	[hbm4b:s25+s4] =	stream.linear.scatter [tilespmem:s22], [sflag:$0x7], $0x10, $0x38;
	[tilespmem:$0x1B7F8] =	vst v63  }
0x33: {  	_ =	swait.ge [sflag:s21], $0x10  }
0x34: {  	[sflag:s21] =	ssyncset.done $0x0  }
0x35: {  	[sflag:s21] =	ssyncadd.s32 $0xFFFFFFF0  }
.LBB2_11:
0x36: {  	s26 =	sadd.s32 $0x1, s26;
	s24 =	rddreg [dreg:$0x15]  }
0x37: {  	p3 =	sne.s32 s26, s24  }
.Ltmp1:
0x38: {  	_ = 	snop;
	(pc) =	sbr.rel @!p3 .LBB2_12-.Ltmp1, $1  }
0x39: {  	_ =	sdelay $0x3  }
.LBB2_1:
0x3a: {  	s24 =	rddreg [dreg:$0xe]  }
0x3b: {  	[tilespmem:s11], [sflag:$0x1] =	stream.linear.gather [hbm4b:s24+s4], $0x50, $0x38;
	[tilespmem:$0x1B7F8] =	vst v63  }
0x3c: {  	s25 =	rddreg [dreg:$0xc]  }
0x3d: {  	[tilespmem:s4], [sflag:$0x1] =	stream.strided.gather [hbm4b:s25+s12], $0x2800, s15, s12, $0x38;
	[tilespmem:$0x1B7F8] =	vst v63  }
0x3e: {  	s28 =	rddreg [dreg:$0xf]  }
0x3f: {  	[tilespmem:s19], [sflag:$0x2] =	stream.linear.gather [hbm4b:s28+s4], $0x50, $0x38;
	[tilespmem:$0x1B7F8] =	vst v63  }
0x40: {  	s29 =	rddreg [dreg:$0x6];
	s24 =	simm.s32 $0x0;
	s25 =	simm.s32 $0x200  }
0x41: {  	[tilespmem:s20], [sflag:$0x2] =	stream.strided.gather [hbm4b:s29+s12], $0x2800, s15, s12, $0x38;
	[tilespmem:$0x1B7F8] =	vst v63  }
.LBB2_2:
0x42: {  	p3 =	sne.s32 s25, $0x9E00;
	[tilespmem:s24+$0x5070] =	vst v0  }
0x43: {  	[tilespmem:s24+$0x5000] =	vst v0  }
0x44: {  	[tilespmem:s24+$0x5010] =	vst v0  }
.Ltmp2:
0x45: {  	[tilespmem:s24+$0x5020] =	vst v0;
	(pc) =	sbr.rel @p3 .LBB2_2-.Ltmp2, $4  }
0x46: {  	[tilespmem:s24+$0x5030] =	vst v0  }
0x47: {  	[tilespmem:s24+$0x5040] =	vst v0  }
0x48: {  	[tilespmem:s24+$0x5050] =	vst v0  }
0x49: {  	[tilespmem:s24+$0x5060] =	vst v0;
	s24 =	sshra.s32 s25, $0x2;
	s25 =	sadd.s32 $0x200, s25  }
0x4a: {  	[tilespmem:s24+$0x5070] =	vst v0  }
0x4b: {  	[tilespmem:s24+$0x5000] =	vst v0  }
0x4c: {  	[tilespmem:s24+$0x5010] =	vst v0  }
0x4d: {  	[tilespmem:s24+$0x5020] =	vst v0  }
0x4e: {  	[tilespmem:s24+$0x5030] =	vst v0  }
0x4f: {  	[tilespmem:s24+$0x5040] =	vst v0  }
0x50: {  	[tilespmem:s24+$0x5050] =	vst v0  }
0x51: {  	[tilespmem:s24+$0x5060] =	vst v0  }
0x52: {  	[tilespmem:$0x7A80] =	vst v0  }
0x53: {  	[tilespmem:$0x7A90] =	vst v0  }
0x54: {  	[tilespmem:$0x7AA0] =	vst v0  }
0x55: {  	[tilespmem:$0x7AB0] =	vst v0  }
0x56: {  	[tilespmem:$0x7AC0] =	vst v0  }
0x57: {  	[tilespmem:$0x7AD0] =	vst v0  }
0x58: {  	[tilespmem:$0x7AE0] =	vst v0  }
0x59: {  	[tilespmem:$0x7AF0] =	vst v0  }
0x5a: {  	[tilespmem:$0x7B00] =	vst v0  }
0x5b: {  	[tilespmem:$0x7B10] =	vst v0  }
0x5c: {  	[tilespmem:$0x7B20] =	vst v0  }
0x5d: {  	[tilespmem:$0x7B30] =	vst v0  }
0x5e: {  	[tilespmem:$0x7B40] =	vst v0  }
0x5f: {  	[tilespmem:$0x7B50] =	vst v0  }
0x60: {  	[tilespmem:$0x7B60] =	vst v0  }
0x61: {  	[tilespmem:$0x7B70] =	vst v0  }
0x62: {  	[tilespmem:$0x7B80] =	vst v0  }
0x63: {  	[tilespmem:$0x7B90] =	vst v0  }
0x64: {  	[tilespmem:$0x7BA0] =	vst v0  }
0x65: {  	[tilespmem:$0x7BB0] =	vst v0  }
0x66: {  	[tilespmem:$0x7BC0] =	vst v0  }
0x67: {  	[tilespmem:$0x7BD0] =	vst v0  }
0x68: {  	[tilespmem:$0x7BE0] =	vst v0  }
0x69: {  	[tilespmem:$0x7BF0] =	vst v0  }
0x6a: {  	[tilespmem:$0x7C00] =	vst v0  }
0x6b: {  	[tilespmem:$0x7C10] =	vst v0  }
0x6c: {  	[tilespmem:$0x7C20] =	vst v0  }
0x6d: {  	[tilespmem:$0x7C30] =	vst v0  }
0x6e: {  	[tilespmem:$0x7C40] =	vst v0  }
0x6f: {  	[tilespmem:$0x7C50] =	vst v0  }
0x70: {  	[tilespmem:$0x7C60] =	vst v0  }
0x71: {  	[tilespmem:$0x7C70] =	vst v0  }
0x72: {  	[tilespmem:$0x7C80] =	vst v0  }
0x73: {  	[tilespmem:$0x7C90] =	vst v0  }
0x74: {  	[tilespmem:$0x7CA0] =	vst v0  }
0x75: {  	[tilespmem:$0x7CB0] =	vst v0  }
0x76: {  	[tilespmem:$0x7CC0] =	vst v0  }
0x77: {  	[tilespmem:$0x7CD0] =	vst v0  }
0x78: {  	[tilespmem:$0x7CE0] =	vst v0  }
0x79: {  	[tilespmem:$0x7A00] =	vst v1  }
0x7a: {  	[tilespmem:$0x7A10] =	vst v1  }
0x7b: {  	[tilespmem:$0x7A20] =	vst v1  }
0x7c: {  	[tilespmem:$0x7A30] =	vst v1  }
0x7d: {  	[tilespmem:$0x7A40] =	vst v1  }
0x7e: {  	[spmem:s6] =	stream.linear.scatter [tilespmem:s18], [sflag:$0x7], $0x2800, $0x38;
	[tilespmem:$0x1B7F8] =	vst v63  }
0x7f: {  	_ =	swait.ge [sflag:s21], $0x2800  }
0x80: {  	[sflag:s21] =	ssyncset.done $0x0  }
0x81: {  	s25 =	rddreg [dreg:$0x7];
	[sflag:s21] =	ssyncadd.s32 $0xFFFFD800  }
0x82: {  	[spmem:s25] =	stream.linear.scatter [tilespmem:s18], [sflag:$0x7], $0x2800, $0x38;
	[tilespmem:$0x1B7F8] =	vst v63  }
0x83: {  	_ =	swait.ge [sflag:s21], $0x2800  }
0x84: {  	[sflag:s21] =	ssyncset.done $0x0  }
0x85: {  	s29 =	rddreg [dreg:$0x8];
	[sflag:s21] =	ssyncadd.s32 $0xFFFFD800  }
0x86: {  	[spmem:s29] =	stream.linear.scatter [tilespmem:s18], [sflag:$0x7], $0x2800, $0x38;
	[tilespmem:$0x1B7F8] =	vst v63  }
0x87: {  	_ =	swait.ge [sflag:s21], $0x2800  }
0x88: {  	[sflag:s21] =	ssyncset.done $0x0  }
0x89: {  	s25 =	rddreg [dreg:$0x9];
	[sflag:s21] =	ssyncadd.s32 $0xFFFFD800  }
0x8a: {  	[spmem:s25] =	stream.linear.scatter [tilespmem:s18], [sflag:$0x7], $0x2800, $0x38;
	[tilespmem:$0x1B7F8] =	vst v63  }
0x8b: {  	_ =	swait.ge [sflag:s21], $0x2800  }
0x8c: {  	[sflag:s21] =	ssyncset.done $0x0  }
0x8d: {  	s29 =	rddreg [dreg:$0x18];
	[sflag:s21] =	ssyncadd.s32 $0xFFFFD800  }
0x8e: {  	[spmem:s29] =	stream.linear.scatter [tilespmem:s18], [sflag:$0x7], $0x2800, $0x38;
	[tilespmem:$0x1B7F8] =	vst v63  }
0x8f: {  	_ =	swait.ge [sflag:s21], $0x2800  }
0x90: {  	[sflag:s21] =	ssyncset.done $0x0  }
0x91: {  	s25 =	rddreg [dreg:$0x19];
	[sflag:s21] =	ssyncadd.s32 $0xFFFFD800  }
0x92: {  	[spmem:s25] =	stream.linear.scatter [tilespmem:s18], [sflag:$0x7], $0x2800, $0x38;
	[tilespmem:$0x1B7F8] =	vst v63  }
0x93: {  	_ =	swait.ge [sflag:s21], $0x2800  }
0x94: {  	[sflag:s21] =	ssyncset.done $0x0  }
0x95: {  	s29 =	rddreg [dreg:$0x1a];
	[sflag:s21] =	ssyncadd.s32 $0xFFFFD800  }
0x96: {  	[spmem:s29] =	stream.linear.scatter [tilespmem:s18], [sflag:$0x7], $0x2800, $0x38;
	[tilespmem:$0x1B7F8] =	vst v63  }
0x97: {  	_ =	swait.ge [sflag:s21], $0x2800  }
0x98: {  	[sflag:s21] =	ssyncset.done $0x0  }
0x99: {  	[sflag:s21] =	ssyncadd.s32 $0xFFFFD800  }
0x9a: {  	[spmem:s30] =	stream.linear.scatter [tilespmem:s18], [sflag:$0x7], $0x2000, $0x38;
	[tilespmem:$0x1B7F8] =	vst v63  }
0x9b: {  	_ =	swait.ge [sflag:s21], $0x2000  }
0x9c: {  	[sflag:s21] =	ssyncset.done $0x0  }
0x9d: {  	[sflag:s21] =	ssyncadd.s32 $0xFFFFE000  }
0x9e: {  	[spmem:s10] =	stream.linear.scatter [tilespmem:s22], [sflag:$0x7], $0x270, $0x38;
	[tilespmem:$0x1B7F8] =	vst v63  }
0x9f: {  	_ =	swait.ge [sflag:s21], $0x270  }
0xa0: {  	[sflag:s21] =	ssyncset.done $0x0  }
0xa1: {  	s24 =	simm.s32 @!p1 $0x5000;
	[sflag:s21] =	ssyncadd.s32 $0xFFFFFD90  }
0xa2: {  	[spmem:s31] =	stream.linear.scatter @!p1 [tilespmem:s24], [sflag:$0x7], $0x800, $0x38;
	[tilespmem:$0x1B7F8] =	vst v63  }
0xa3: {  	s24 =	simm.s32 @!p1 $0x7  }
0xa4: {  	_ =	swait.ge @!p1 [sflag:s24], $0x800  }
0xa5: {  	[sflag:s24] =	ssyncset.done @!p1 $0x0  }
0xa6: {  	s25 =	simm.s32 @!p1 $0x7A80;
	[sflag:s24] =	ssyncadd.s32 @!p1 $0xFFFFF800  }
0xa7: {  	[spmem:s0] =	stream.linear.scatter @!p1 [tilespmem:s25], [sflag:$0x7], $0x10, $0x38;
	[tilespmem:$0x1B7F8] =	vst v63  }
0xa8: {  	_ =	swait.ge @!p1 [sflag:s24], $0x10  }
.Ltmp3:
0xa9: {  	[sflag:s24] =	ssyncset.done @!p1 $0x0;
	(pc) =	sbr.rel @p0 .LBB2_7-.Ltmp3, $4  }
0xaa: {  	[sflag:s24] =	ssyncadd.s32 @!p1 $0xFFFFFFF0  }
0xab: {  	[bflag:$0x0] =	sbarrier.arrive $0xFFFF  }
0xac: {  	s25 =	rddreg [dreg:$0x17]  }
0xad: {  	s24 =	simm.s32 $0x0;
	s28 =	rddreg [dreg:$0x16]  }
.LBB2_4:
0xae: {  	_ =	swait.ge [sflag:s1], $0x50  }
0xaf: {  	[sflag:s1] =	ssyncset.done $0x0  }
0xb0: {  	[sflag:s1] =	ssyncadd.s32 $0xFFFFFFB0  }
0xb1: {  	_ =	swait.ge [sflag:s1], $0x2800  }
0xb2: {  	[sflag:s1] =	ssyncset.done $0x0  }
0xb3: {  	p3 =	seq.s32 s24, $0x0;
	[sflag:s1] =	ssyncadd.s32 $0xFFFFD800  }
0xb4: {  	[spmem:s2] =	stream.indirect.scatter.add.f32 [tilespmem:s4], [sflag:$0x4], $0x80, s11, s7, $0xb8;
	[tilespmem:$0x1B7F8] =	vst v63  }
0xb5: {  	s28 =	simm.s32 @!p3 $0x6  }
0xb6: {  	[spmem:s3] =	stream.indirect.scatter.add.f32 [tilespmem:s8], [sflag:$0x4], $0x1, s11, s7, $0xb8;
	[tilespmem:$0x1B7F8] =	vst v63  }
0xb7: {  	_ =	swait.ge @!p3 [sflag:s28], $0x2800  }
0xb8: {  	[sflag:s28] =	ssyncset.done @!p3 $0x0  }
0xb9: {  	[sflag:s28] =	ssyncadd.s32 @!p3 $0xFFFFD800  }
0xba: {  	_ =	swait.ge @!p3 [sflag:s28], $0x50  }
0xbb: {  	[sflag:s28] =	ssyncset.done @!p3 $0x0  }
0xbc: {  	[sflag:s28] =	ssyncadd.s32 @!p3 $0xFFFFFFB0;
	s28 =	sadd.s32 $0xFFFFFFEC, s25  }
0xbd: {  	[tilespmem:s9], [sflag:$0x3] =	stream.linear.gather [hbm4b:s28+s4], $0x50, $0x38;
	[tilespmem:$0x1B7F8] =	vst v63  }
0xbe: {  	s28 =	sadd.s32 s24, s14  }
0xbf: {  	s29 =	sadd.s32 $0x1400, s28  }
0xc0: {  	[tilespmem:s18], [sflag:$0x3] =	stream.strided.gather [hbm4b:s29+s12], $0x2800, s15, s12, $0x38;
	[tilespmem:$0x1B7F8] =	vst v63  }
0xc1: {  	_ =	swait.ge [sflag:s13], $0x50  }
0xc2: {  	[sflag:s13] =	ssyncset.done $0x0  }
0xc3: {  	[sflag:s13] =	ssyncadd.s32 $0xFFFFFFB0  }
0xc4: {  	_ =	swait.ge [sflag:s13], $0x2800  }
0xc5: {  	[sflag:s13] =	ssyncset.done $0x0  }
0xc6: {  	[sflag:s13] =	ssyncadd.s32 $0xFFFFD800  }
0xc7: {  	[spmem:s2] =	stream.indirect.scatter.add.f32 [tilespmem:s20], [sflag:$0x5], $0x80, s19, s7, $0xb8;
	[tilespmem:$0x1B7F8] =	vst v63  }
0xc8: {  	_ = 	snop  }
0xc9: {  	[spmem:s3] =	stream.indirect.scatter.add.f32 [tilespmem:s8], [sflag:$0x5], $0x1, s19, s7, $0xb8;
	[tilespmem:$0x1B7F8] =	vst v63  }
0xca: {  	_ =	swait.ge [sflag:s5], $0x2800  }
0xcb: {  	[sflag:s5] =	ssyncset.done $0x0  }
0xcc: {  	[sflag:s5] =	ssyncadd.s32 $0xFFFFD800  }
0xcd: {  	_ =	swait.ge [sflag:s5], $0x50  }
0xce: {  	[sflag:s5] =	ssyncset.done $0x0  }
0xcf: {  	s29 =	sadd.s32 $0xFFFFFFF6, s25;
	[sflag:s5] =	ssyncadd.s32 $0xFFFFFFB0  }
0xd0: {  	[tilespmem:s11], [sflag:$0x1] =	stream.linear.gather [hbm4b:s29+s4], $0x50, $0x38;
	[tilespmem:$0x1B7F8] =	vst v63  }
0xd1: {  	s29 =	sadd.s32 $0x1E00, s28  }
0xd2: {  	[tilespmem:s4], [sflag:$0x1] =	stream.strided.gather [hbm4b:s29+s12], $0x2800, s15, s12, $0x38;
	[tilespmem:$0x1B7F8] =	vst v63  }
0xd3: {  	_ =	swait.ge [sflag:s16], $0x50  }
0xd4: {  	[sflag:s16] =	ssyncset.done $0x0  }
0xd5: {  	[sflag:s16] =	ssyncadd.s32 $0xFFFFFFB0  }
0xd6: {  	_ =	swait.ge [sflag:s16], $0x2800  }
0xd7: {  	[sflag:s16] =	ssyncset.done $0x0  }
0xd8: {  	[sflag:s16] =	ssyncadd.s32 $0xFFFFD800  }
0xd9: {  	[spmem:s2] =	stream.indirect.scatter.add.f32 [tilespmem:s18], [sflag:$0x6], $0x80, s9, s7, $0xb8;
	[tilespmem:$0x1B7F8] =	vst v63  }
0xda: {  	_ = 	snop  }
0xdb: {  	[spmem:s3] =	stream.indirect.scatter.add.f32 [tilespmem:s8], [sflag:$0x6], $0x1, s9, s7, $0xb8;
	[tilespmem:$0x1B7F8] =	vst v63  }
0xdc: {  	p3 =	seq.s32 s24, $0x99C00;
	_ =	swait.ge [sflag:s17], $0x2800  }
.Ltmp4:
0xdd: {  	[sflag:s17] =	ssyncset.done $0x0;
	(pc) =	sbr.rel @p3 .LBB2_6-.Ltmp4, $4  }
0xde: {  	[sflag:s17] =	ssyncadd.s32 $0xFFFFD800  }
0xdf: {  	_ =	swait.ge [sflag:s17], $0x50  }
0xe0: {  	[sflag:s17] =	ssyncset.done $0x0  }
0xe1: {  	[sflag:s17] =	ssyncadd.s32 $0xFFFFFFB0  }
.Ltmp5:
0xe2: {  	(pc) =	sbr.rel .LBB2_4-.Ltmp5, $4  }
0xe3: {  	_ = 	snop  }
0xe4: {  	[tilespmem:s19], [sflag:$0x2] =	stream.linear.gather [hbm4b:s25+s4], $0x50, $0x38;
	[tilespmem:$0x1B7F8] =	vst v63  }
0xe5: {  	s28 =	sadd.s32 $0x2800, s28;
	s24 =	sadd.s32 $0x1E00, s24;
	s25 =	sadd.s32 $0x1E, s25  }
0xe6: {  	[tilespmem:s20], [sflag:$0x2] =	stream.strided.gather [hbm4b:s28+s12], $0x2800, s15, s12, $0x38;
	[tilespmem:$0x1B7F8] =	vst v63  }
.LBB2_7:
0xe7: {  	_ =	swait.ge [sflag:s1], $0x50  }
0xe8: {  	[sflag:s1] =	ssyncset.done $0x0  }
0xe9: {  	[sflag:s1] =	ssyncadd.s32 $0xFFFFFFB0  }
0xea: {  	_ =	swait.ge [sflag:s1], $0x2800  }
0xeb: {  	[sflag:s1] =	ssyncset.done $0x0  }
0xec: {  	p3 =	seq.s32 s24, $0x0;
	[sflag:s1] =	ssyncadd.s32 $0xFFFFD800  }
0xed: {  	[spmem:s2] =	stream.indirect.scatter.add.f32 [tilespmem:s4], [sflag:$0x4], $0x80, s11, s7, $0xb8;
	[tilespmem:$0x1B7F8] =	vst v63  }
0xee: {  	s25 =	simm.s32 @!p3 $0x6  }
0xef: {  	[spmem:s3] =	stream.indirect.scatter.add.f32 [tilespmem:s8], [sflag:$0x4], $0x1, s11, s7, $0xb8;
	[tilespmem:$0x1B7F8] =	vst v63  }
0xf0: {  	_ =	swait.ge @!p3 [sflag:s25], $0x2800  }
0xf1: {  	[sflag:s25] =	ssyncset.done @!p3 $0x0  }
0xf2: {  	[sflag:s25] =	ssyncadd.s32 @!p3 $0xFFFFD800  }
0xf3: {  	_ =	swait.ge @!p3 [sflag:s25], $0x50  }
0xf4: {  	[sflag:s25] =	ssyncset.done @!p3 $0x0  }
0xf5: {  	s29 =	sadd.s32 $0xFFFFFFEC, s28;
	[sflag:s25] =	ssyncadd.s32 @!p3 $0xFFFFFFB0;
	s25 =	sadd.s32 s24, s14  }
0xf6: {  	[tilespmem:s9], [sflag:$0x3] =	stream.linear.gather [hbm4b:s29+s4], $0x50, $0x38;
	[tilespmem:$0x1B7F8] =	vst v63  }
0xf7: {  	s29 =	sadd.s32 $0x1480, s25  }
0xf8: {  	[tilespmem:s18], [sflag:$0x3] =	stream.strided.gather [hbm4b:s29+s12], $0x2800, s15, s12, $0x38;
	[tilespmem:$0x1B7F8] =	vst v63  }
0xf9: {  	_ =	swait.ge [sflag:s13], $0x50  }
0xfa: {  	[sflag:s13] =	ssyncset.done $0x0  }
0xfb: {  	[sflag:s13] =	ssyncadd.s32 $0xFFFFFFB0  }
0xfc: {  	_ =	swait.ge [sflag:s13], $0x2800  }
0xfd: {  	[sflag:s13] =	ssyncset.done $0x0  }
0xfe: {  	[sflag:s13] =	ssyncadd.s32 $0xFFFFD800  }
0xff: {  	[spmem:s2] =	stream.indirect.scatter.add.f32 [tilespmem:s20], [sflag:$0x5], $0x80, s19, s7, $0xb8;
	[tilespmem:$0x1B7F8] =	vst v63  }
0x100: {  	_ = 	snop  }
0x101: {  	[spmem:s3] =	stream.indirect.scatter.add.f32 [tilespmem:s8], [sflag:$0x5], $0x1, s19, s7, $0xb8;
	[tilespmem:$0x1B7F8] =	vst v63  }
0x102: {  	_ =	swait.ge [sflag:s5], $0x2800  }
0x103: {  	[sflag:s5] =	ssyncset.done $0x0  }
0x104: {  	[sflag:s5] =	ssyncadd.s32 $0xFFFFD800  }
0x105: {  	_ =	swait.ge [sflag:s5], $0x50  }
0x106: {  	[sflag:s5] =	ssyncset.done $0x0  }
0x107: {  	s29 =	sadd.s32 $0xFFFFFFF6, s28;
	[sflag:s5] =	ssyncadd.s32 $0xFFFFFFB0  }
0x108: {  	[tilespmem:s11], [sflag:$0x1] =	stream.linear.gather [hbm4b:s29+s4], $0x50, $0x38;
	[tilespmem:$0x1B7F8] =	vst v63  }
0x109: {  	s29 =	sadd.s32 $0x1E80, s25  }
0x10a: {  	[tilespmem:s4], [sflag:$0x1] =	stream.strided.gather [hbm4b:s29+s12], $0x2800, s15, s12, $0x38;
	[tilespmem:$0x1B7F8] =	vst v63  }
0x10b: {  	_ =	swait.ge [sflag:s16], $0x50  }
0x10c: {  	[sflag:s16] =	ssyncset.done $0x0  }
0x10d: {  	[sflag:s16] =	ssyncadd.s32 $0xFFFFFFB0  }
0x10e: {  	_ =	swait.ge [sflag:s16], $0x2800  }
0x10f: {  	[sflag:s16] =	ssyncset.done $0x0  }
0x110: {  	[sflag:s16] =	ssyncadd.s32 $0xFFFFD800  }
0x111: {  	[spmem:s2] =	stream.indirect.scatter.add.f32 [tilespmem:s18], [sflag:$0x6], $0x80, s9, s7, $0xb8;
	[tilespmem:$0x1B7F8] =	vst v63  }
0x112: {  	_ = 	snop  }
0x113: {  	[spmem:s3] =	stream.indirect.scatter.add.f32 [tilespmem:s8], [sflag:$0x6], $0x1, s9, s7, $0xb8;
	[tilespmem:$0x1B7F8] =	vst v63  }
0x114: {  	p3 =	seq.s32 s24, $0x99C00;
	_ =	swait.ge [sflag:s17], $0x2800  }
.Ltmp6:
0x115: {  	[sflag:s17] =	ssyncset.done $0x0;
	(pc) =	sbr.rel @p3 .LBB2_9-.Ltmp6, $4  }
0x116: {  	[sflag:s17] =	ssyncadd.s32 $0xFFFFD800  }
0x117: {  	_ =	swait.ge [sflag:s17], $0x50  }
0x118: {  	[sflag:s17] =	ssyncset.done $0x0  }
0x119: {  	[sflag:s17] =	ssyncadd.s32 $0xFFFFFFB0  }
.Ltmp7:
0x11a: {  	(pc) =	sbr.rel .LBB2_7-.Ltmp7, $4  }
0x11b: {  	_ = 	snop  }
0x11c: {  	[tilespmem:s19], [sflag:$0x2] =	stream.linear.gather [hbm4b:s28+s4], $0x50, $0x38;
	[tilespmem:$0x1B7F8] =	vst v63  }
0x11d: {  	s25 =	sadd.s32 $0x2880, s25;
	s24 =	sadd.s32 $0x1E00, s24;
	s28 =	sadd.s32 $0x1E, s28  }
0x11e: {  	[tilespmem:s20], [sflag:$0x2] =	stream.strided.gather [hbm4b:s25+s12], $0x2800, s15, s12, $0x38;
	[tilespmem:$0x1B7F8] =	vst v63  }
.LBB2_6:
0x11f: {  	_ =	swait.ge [sflag:s1], $0x50  }
0x120: {  	[sflag:s1] =	ssyncset.done $0x0  }
0x121: {  	[sflag:s1] =	ssyncadd.s32 $0xFFFFFFB0  }
0x122: {  	_ =	swait.ge [sflag:s1], $0x2800  }
0x123: {  	[sflag:s1] =	ssyncset.done $0x0  }
0x124: {  	[sflag:s1] =	ssyncadd.s32 $0xFFFFD800  }
0x125: {  	[spmem:s2] =	stream.indirect.scatter.add.f32 [tilespmem:s4], [sflag:$0x4], $0x80, s11, s7, $0xb8;
	[tilespmem:$0x1B7F8] =	vst v63  }
0x126: {  	_ = 	snop  }
0x127: {  	[spmem:s3] =	stream.indirect.scatter.add.f32 [tilespmem:s8], [sflag:$0x4], $0x1, s11, s7, $0xb8;
	[tilespmem:$0x1B7F8] =	vst v63  }
0x128: {  	_ =	swait.ge [sflag:s23], $0x2800  }
0x129: {  	[sflag:s23] =	ssyncset.done $0x0  }
0x12a: {  	[sflag:s23] =	ssyncadd.s32 $0xFFFFD800  }
0x12b: {  	_ =	swait.ge [sflag:s23], $0x50  }
0x12c: {  	[sflag:s23] =	ssyncset.done $0x0  }
0x12d: {  	[sflag:s23] =	ssyncadd.s32 $0xFFFFFFB0  }
0x12e: {  	_ =	swait.ge [sflag:s5], $0x2800  }
0x12f: {  	[sflag:s5] =	ssyncset.done $0x0  }
0x130: {  	[sflag:s5] =	ssyncadd.s32 $0xFFFFD800  }
0x131: {  	_ =	swait.ge [sflag:s5], $0x50  }
0x132: {  	[sflag:s5] =	ssyncset.done $0x0  }
0x133: {  	s24 =	stileid.u32;
	[sflag:s5] =	ssyncadd.s32 $0xFFFFFFB0  }
0x134: {  	s24 =	sshll.u32 s24, $0x6;
	[bflag:$0x0] =	sbarrier.arrive $0xFFFF  }
0x135: {  	s25 =	sshrl.u32 s6, $0x3;
	s24 =	sor.u32 $0x1C07, s24;
	s28 =	rddreg [dreg:$0x11]  }
0x136: {  	[hbm:s28], [sflag:s24] =	dma.local [spmem:s25], $0x2700  }
0x137: {  	_ =	swait.ge [sflag:s21], $0x2700  }
0x138: {  	[sflag:s21] =	ssyncset.done $0x0  }
0x139: {  	[sflag:s21] =	ssyncadd.s32 $0xFFFFD900  }
0x13a: {  	[tilespmem:s22], [sflag:$0x7] =	stream.linear.gather [spmem:s10], $0x270, $0x38;
	[tilespmem:$0x1B7F8] =	vst v63  }
0x13b: {  	_ =	swait.ge [sflag:s21], $0x270  }
0x13c: {  	[sflag:s21] =	ssyncset.done $0x0  }
0x13d: {  	s29 =	rddreg [dreg:$0x12];
	[sflag:s21] =	ssyncadd.s32 $0xFFFFFD90  }
0x13e: {  	[hbm4b:s29+s4] =	stream.linear.scatter [tilespmem:s22], [sflag:$0x7], $0x270, $0x38;
	[tilespmem:$0x1B7F8] =	vst v63  }
.Ltmp8:
0x13f: {  	_ = 	snop;
	(pc) =	sbr.rel @p2 .LBB2_10-.Ltmp8, $4  }
.Ltmp9:
0x140: {  	_ = 	snop;
	(pc) =	sbr.rel @!p2 .LBB2_11-.Ltmp9, $4  }
0x141: {  	_ =	swait.ge [sflag:s21], $0x270  }
0x142: {  	[sflag:s21] =	ssyncset.done $0x0;
	s28 =	rddreg [dreg:$0x13]  }
0x143: {  	s25 =	rddreg [dreg:$0x14];
	[sflag:s21] =	ssyncadd.s32 $0xFFFFFD90  }
0x144: {  	_ = 	snop  }
.LBB2_9:
0x145: {  	_ =	swait.ge [sflag:s1], $0x50  }
0x146: {  	[sflag:s1] =	ssyncset.done $0x0  }
0x147: {  	[sflag:s1] =	ssyncadd.s32 $0xFFFFFFB0  }
0x148: {  	_ =	swait.ge [sflag:s1], $0x2800  }
0x149: {  	[sflag:s1] =	ssyncset.done $0x0  }
0x14a: {  	[sflag:s1] =	ssyncadd.s32 $0xFFFFD800  }
0x14b: {  	[spmem:s2] =	stream.indirect.scatter.add.f32 [tilespmem:s4], [sflag:$0x4], $0x80, s11, s7, $0xb8;
	[tilespmem:$0x1B7F8] =	vst v63  }
0x14c: {  	_ = 	snop  }
0x14d: {  	[spmem:s3] =	stream.indirect.scatter.add.f32 [tilespmem:s8], [sflag:$0x4], $0x1, s11, s7, $0xb8;
	[tilespmem:$0x1B7F8] =	vst v63  }
0x14e: {  	_ =	swait.ge [sflag:s23], $0x2800  }
0x14f: {  	[sflag:s23] =	ssyncset.done $0x0  }
0x150: {  	[sflag:s23] =	ssyncadd.s32 $0xFFFFD800  }
0x151: {  	_ =	swait.ge [sflag:s23], $0x50  }
0x152: {  	[sflag:s23] =	ssyncset.done $0x0  }
0x153: {  	[sflag:s23] =	ssyncadd.s32 $0xFFFFFFB0  }
0x154: {  	_ =	swait.ge [sflag:s5], $0x2800  }
0x155: {  	[sflag:s5] =	ssyncset.done $0x0  }
0x156: {  	[sflag:s5] =	ssyncadd.s32 $0xFFFFD800  }
0x157: {  	_ =	swait.ge [sflag:s5], $0x50  }
0x158: {  	[sflag:s5] =	ssyncset.done $0x0  }
0x159: {  	s24 =	stileid.u32;
	[sflag:s5] =	ssyncadd.s32 $0xFFFFFFB0  }
0x15a: {  	s24 =	sshll.u32 s24, $0x6;
	[bflag:$0x0] =	sbarrier.arrive $0xFFFF  }
0x15b: {  	s25 =	sshrl.u32 s6, $0x3;
	s24 =	sor.u32 $0x1C07, s24;
	s28 =	rddreg [dreg:$0xa]  }
0x15c: {  	[hbm:s28], [sflag:s24] =	dma.local [spmem:s25], $0x2700  }
0x15d: {  	_ =	swait.ge [sflag:s21], $0x2700  }
0x15e: {  	[sflag:s21] =	ssyncset.done $0x0  }
0x15f: {  	[sflag:s21] =	ssyncadd.s32 $0xFFFFD900  }
0x160: {  	[tilespmem:s22], [sflag:$0x7] =	stream.linear.gather [spmem:s10], $0x270, $0x38;
	[tilespmem:$0x1B7F8] =	vst v63  }
0x161: {  	_ =	swait.ge [sflag:s21], $0x270  }
0x162: {  	[sflag:s21] =	ssyncset.done $0x0  }
0x163: {  	s29 =	rddreg [dreg:$0xb];
	[sflag:s21] =	ssyncadd.s32 $0xFFFFFD90  }
0x164: {  	[hbm4b:s29+s4] =	stream.linear.scatter [tilespmem:s22], [sflag:$0x7], $0x270, $0x38;
	[tilespmem:$0x1B7F8] =	vst v63  }
.Ltmp10:
0x165: {  	_ = 	snop;
	(pc) =	sbr.rel @p1 .LBB2_11-.Ltmp10, $4  }
.Ltmp11:
0x166: {  	_ = 	snop;
	(pc) =	sbr.rel @!p1 .LBB2_10-.Ltmp11, $4  }
0x167: {  	_ =	swait.ge [sflag:s21], $0x270  }
0x168: {  	[sflag:s21] =	ssyncset.done $0x0;
	s28 =	rddreg [dreg:$0xd]  }
0x169: {  	s25 =	rddreg [dreg:$0x10];
	[sflag:s21] =	ssyncadd.s32 $0xFFFFFD90  }
0x16a: {  	_ = 	snop  }
.LBB2_12:
0x16b: {  	_ =	sfence.sel $0x180000  }
0x16c: {  	[bflag:$0x0] =	sbarrier.arrive $0xFFFF  }
0x16d: {  	_ =	strace $0x90000047  }
0x16e: {  	s0 =	stileid.u32;
	[bflag:$0x2] =	sbarrier.arrive $0xFFFF  }
0x16f: {  	p0 =	sne.s32 s0, $0x0;
	s0 =	rddreg [dreg:$0x5]  }
0x170: {  	s0 =	sadd.s32 @!p0 $0x100000, s0  }
0x171: {  	[sflag:s0] =	ssyncadd.tile.s32 @!p0 $0x1;
	_ =	shalt  }
.Lfunc_end2:
_tile_overlayer_lowered:
.L_overlay_start_2:
0x172: {  	(tag) =	ssettag $0x2  }
0x173: {  	s0 =	rddreg [dreg:$0x0];
	s2 =	stileid.u32  }
0x174: {  	s1 =	rddreg [dreg:$0x1];
	p0 =	sne.s32 s2, $0x0  }
0x175: {  	s3 =	rddreg [dreg:$0x2];
	[bflag:$0x3] =	sbarrier.arrive $0xFFFF;
	s2 =	simm.s32 @!p0 $0x1C07  }
0x176: {  	[timem:s3], [sflag:s2] =	dma.local @!p0 [hbm:s0], s1  }
0x177: {  	s0 =	simm.s32 @!p0 $0x7  }
0x178: {  	_ =	swait.ge @!p0 [sflag:s0], s1  }
0x179: {  	s1 =	ssub.s32 @!p0 $0x0, s1;
	[sflag:s0] =	ssyncset.done @!p0 $0x0  }
0x17a: {  	[sflag:s0] =	ssyncadd.s32 @!p0 s1  }
0x17b: {  	[bflag:$0x3] =	sbarrier.arrive $0xFFFF  }
0x17c: {  	_ =	shalt  }

// kernel: kernel.8.cloned.1.call-start
scs
__scs_entry_jumppad:
0x0: {  	(pc) =	sbr.rel $0x88, $3  }
0x1: {  	(tag) =	ssettag $0x0;
	lr =	simm.s32 $0x1  }
0x2: {  	[smem:$0x3F9B] =	sst lr;
	_ =	strace $0xD0000000  }
0x3: {  	_ = 	snop  }
0x4: {  	_ = 	snop  }
0x5: {  	_ = 	snop  }
0x6: {  	_ = 	snop  }
0x7: {  	_ = 	snop  }
__scs_overlays_trampoline_lowered:
0x8: {  	[smem:$0x3FAA] =	sst s0  }
0x9: {  	[smem:$0x3FAB] =	sst s1  }
0xa: {  	[smem:$0x3FAC] =	sst s2  }
0xb: {  	[smem:$0x3FAD] =	sst s3  }
0xc: {  	[smem:$0x3FAE] =	sst s4  }
0xd: {  	[smem:$0x3FAF] =	sst s5  }
0xe: {  	[smem:$0x3FB0] =	sst s6  }
0xf: {  	[smem:$0x3FB1] =	sst s7  }
0x10: {  	[smem:$0x3FB2] =	sst s8  }
0x11: {  	[smem:$0x3FB3] =	sst s9;
	s0 =	simm.s32 @!p0 $0x0  }
0x12: {  	s1 =	sld [smem:$0x3F99];
	s0 =	simm.s32 @p0 $0x1  }
0x13: {  	[smem:$0x3FB4] =	sst s0;
	s0 =	simm.s32 @!p1 $0x0  }
0x14: {  	s2 =	sld [smem:$0x3F98];
	s0 =	simm.s32 @p1 $0x1  }
0x15: {  	[smem:$0x3FB5] =	sst s0;
	s0 =	simm.s32 @!p2 $0x0  }
0x16: {  	s3 =	sld [smem:$0x3FDB];
	s0 =	simm.s32 @p2 $0x1  }
0x17: {  	s4 =	simm.s32 $0x1BF5;
	[smem:$0x3FB7] =	sst s0  }
0x18: {  	s0 =	sld [smem:$0x3F9A];
	_ =	swait.ge [sflag:s4], $0x0  }
0x19: {  	s7 =	sld [smem:$0x3F9B]  }
0x1a: {  	s8 =	sadd.s32 $0xFFFFE003, lr  }
0x1b: {  	s9 =	sadd.s32 $0xFFFFFEF7, lr;
	s5 =	simm.s32 $0xFFFFFFFF;
	p2 =	slt.u32 s8, $0xFFFFF086  }
0x1c: {  	p1 =	slt.u32 s9, $0xF7A;
	s5 =	simm.s32 @!p2 $0x0  }
0x1d: {  	s5 =	simm.s32 @p1 $0x1;
	p0 =	seq.s32 s7, s2  }
0x1e: {  	s7 =	smul.u32 @!p0 $0xF7A, s2;
	p2 =	seq.s32 @!p0 s5, $0x0  }
0x1f: {  	s9 =	smul.u32 $0xF7A, s1;
	s8 =	simm.s32 @!p0 $0x1BF5;
	p2 =	por !p2, p0  }
0x20: {  	[sflag:s8] =	ssyncset.s32 @!p0 $0xFFFFF086;
	s6 =	sadd.s32 @!p0 s3, s7;
	s7 =	simm.s32 @!p0 $0x108  }
0x21: {  	s3 =	sadd.s32 s3, s9;
	s6 =	sadd.s32 @!p0 $0x88, s6;
	s7 =	simm.s32 @p2 $0x1082  }
0x22: {  	[simem:s7], [sflag:s8] =	dma.local @!p0 [hbm:s6], $0xF7A  }
0x23: {  	s9 =	sor.u32 $0xD0000000, s2;
	s6 =	simm.s32 $0x108;
	_ =	swait.ge @!p0 [sflag:s8], $0x0  }
0x24: {  	s3 =	sadd.s32 $0x88, s3;
	s6 =	simm.s32 @!p1 $0x1082;
	[sflag:s4] =	ssyncset.s32 $0xFFFFF086  }
0x25: {  	[simem:s6], [sflag:s4] =	dma.local [hbm:s3], $0xF7A  }
0x26: {  	[smem:$0x3F9B] =	sst s1;
	(tag) =	ssettag s2;
	_ =	strace s9  }
0x27: {  	s1 =	sld [smem:$0x3FAB]  }
0x28: {  	s2 =	sld [smem:$0x3FAC]  }
0x29: {  	s4 =	sld [smem:$0x3FAE]  }
0x2a: {  	p0 =	seq.s32 s5, $0x0;
	s5 =	sld [smem:$0x3FAF]  }
0x2b: {  	s6 =	sld [smem:$0x3FB0]  }
0x2c: {  	s7 =	sld [smem:$0x3FB1]  }
0x2d: {  	s3 =	simm.s32 $0x108;
	s8 =	sld [smem:$0x3FB2]  }
0x2e: {  	s3 =	simm.s32 @!p0 $0x1082;
	s9 =	sld [smem:$0x3FB3]  }
0x2f: {  	lr =	sadd.s32 s0, s3;
	s0 =	sld [smem:$0x3FAA]  }
0x30: {  	s3 =	sld [smem:$0x3FAD]  }
0x31: {  	[smem:$0x3FB6] =	sst s10  }
0x32: {  	s10 =	sld [smem:$0x3FB4];
	_ =	sdelay $0x3  }
0x33: {  	p0 =	seq.s32 s10, $0x1;
	s10 =	sld [smem:$0x3FB6];
	_ =	sdelay $0x3  }
0x34: {  	[smem:$0x3FB6] =	sst s10  }
0x35: {  	s10 =	sld [smem:$0x3FB5];
	_ =	sdelay $0x3  }
0x36: {  	p1 =	seq.s32 s10, $0x1;
	s10 =	sld [smem:$0x3FB6];
	_ =	sdelay $0x3  }
0x37: {  	[smem:$0x3FB6] =	sst s10  }
0x38: {  	s10 =	sld [smem:$0x3FB7]  }
0x39: {  	_ = 	snop;
	(pc) =	sbr.ind lr, $3  }
0x3a: {  	_ = 	snop  }
0x3b: {  	_ = 	snop  }
0x3c: {  	p2 =	seq.s32 s10, $0x1;
	s10 =	sld [smem:$0x3FB6]  }
0x3d: {  	_ =	shalt  }
0x3e: {  	_ =	shalt  }
0x3f: {  	_ =	shalt  }
0x40: {  	_ =	shalt  }
0x41: {  	_ =	shalt  }
0x42: {  	_ =	shalt  }
0x43: {  	_ =	shalt  }
0x44: {  	_ =	shalt  }
0x45: {  	_ =	shalt  }
0x46: {  	_ =	shalt  }
0x47: {  	_ =	shalt  }
0x48: {  	_ =	shalt  }
0x49: {  	_ =	shalt  }
0x4a: {  	_ =	shalt  }
0x4b: {  	_ =	shalt  }
0x4c: {  	_ =	shalt  }
0x4d: {  	_ =	shalt  }
0x4e: {  	_ =	shalt  }
0x4f: {  	_ =	shalt  }
0x50: {  	_ =	shalt  }
0x51: {  	_ =	shalt  }
0x52: {  	_ =	shalt  }
0x53: {  	_ =	shalt  }
0x54: {  	_ =	shalt  }
0x55: {  	_ =	shalt  }
0x56: {  	_ =	shalt  }
0x57: {  	_ =	shalt  }
0x58: {  	_ =	shalt  }
0x59: {  	_ =	shalt  }
0x5a: {  	_ =	shalt  }
0x5b: {  	_ =	shalt  }
0x5c: {  	_ =	shalt  }
0x5d: {  	_ =	shalt  }
0x5e: {  	_ =	shalt  }
0x5f: {  	_ =	shalt  }
0x60: {  	_ =	shalt  }
0x61: {  	_ =	shalt  }
0x62: {  	_ =	shalt  }
0x63: {  	_ =	shalt  }
0x64: {  	_ =	shalt  }
0x65: {  	_ =	shalt  }
0x66: {  	_ =	shalt  }
0x67: {  	_ =	shalt  }
0x68: {  	_ =	shalt  }
0x69: {  	_ =	shalt  }
0x6a: {  	_ =	shalt  }
0x6b: {  	_ =	shalt  }
0x6c: {  	_ =	shalt  }
0x6d: {  	_ =	shalt  }
0x6e: {  	_ =	shalt  }
0x6f: {  	_ =	shalt  }
0x70: {  	_ =	shalt  }
0x71: {  	_ =	shalt  }
0x72: {  	_ =	shalt  }
0x73: {  	_ =	shalt  }
0x74: {  	_ =	shalt  }
0x75: {  	_ =	shalt  }
0x76: {  	_ =	shalt  }
0x77: {  	_ =	shalt  }
0x78: {  	_ =	shalt  }
0x79: {  	_ =	shalt  }
0x7a: {  	_ =	shalt  }
0x7b: {  	_ =	shalt  }
0x7c: {  	_ =	shalt  }
0x7d: {  	_ =	shalt  }
0x7e: {  	_ =	shalt  }
0x7f: {  	_ =	shalt  }
0x80: {  	_ =	shalt  }
0x81: {  	_ =	shalt  }
0x82: {  	_ =	shalt  }
0x83: {  	_ =	shalt  }
0x84: {  	_ =	shalt  }
0x85: {  	_ =	shalt  }
0x86: {  	_ =	shalt  }
0x87: {  	_ =	shalt  }
.Lfunc_end0:
.L_simem_size_0:
called_computation.1_lowered:
.L_overlay_start_0:
0x88: {  	s2 =	sld [smem:$0x3FD9]  }
0x89: {  	s3 =	sld [smem:$0x3FFE];
	_ =	sdelay $0x1  }
0x8a: {  	s1 =	srdreg.scid  }
0x8b: {  	s0 =	sand.u32 $0x1, s1  }
0x8c: {  	s17 =	sshll.u32 s0, $0xA;
	s2 =	sadd.s32 s3, s2  }
0x8d: {  	s2 =	sadd.s32 s2, s17  }
0x8e: {  	[smem:$0x3FC2] =	sst s2  }
0x8f: {  	_ = 	snop  }
0x90: {  	s2 =	sld [smem:$0x3FD0];
	(tm) =	ssettm $0x1  }
0x91: {  	s18 =	sld [smem:$0x3FFB];
	_ =	sdelay $0x3  }
0x92: {  	_ =	strace s18  }
0x93: {  	s3 =	sld [smem:$0x3FFC];
	_ =	sdelay $0x3  }
0x94: {  	_ =	strace s3  }
0x95: {  	s3 =	sld [smem:$0x3FFD];
	_ =	sdelay $0x3  }
0x96: {  	_ =	strace s3  }
0x97: {  	_ =	strace $0x8FFFFFFF  }
0x98: {  	s19 =	sld [smem:$0x3FDB];
	_ =	sdelay $0x1  }
0x99: {  	s4 =	simm.s32 $_scs_section_size  }
0x9a: {  	s5 =	simm.s32 $_size__tile_overlayer_lowered;
	s6 =	simm.s32 $_tile_overlayer_lowered  }
0x9b: {  	s22 =	simm.s32 $0x1BFF;
	s21 =	sshll.u32 s6, $0x1;
	s3 =	sadd.s32 s4, s19  }
0x9c: {  	s7 =	simm.s32 $0x0;
	s20 =	sshll.u32 s5, $0x1;
	s5 =	sadd.s32 s21, s3  }
0x9d: {  	[timem:s7], [sflag:s22] =	dma.local [hbm:s5], s20  }
0x9e: {  	_ =	swait.ge [sflag:s22], s20  }
0x9f: {  	s4 =	ssub.s32 $0x0, s20;
	[sflag:s22] =	ssyncset.done $0x0  }
0xa0: {  	[sflag:s22] =	ssyncadd.s32 s4;
	_ =	sdelay $0x1  }
0xa1: {  	s23 =	simm.s32 $0x1B8B  }
0xa2: {  	_ =	swait.ge [sflag:s23], $0x1  }
0xa3: {  	[sflag:s23] =	ssyncset.done $0x0  }
0xa4: {  	s25 =	simm.s32 $0x1B8E;
	s24 =	sld [smem:$0x3FFE];
	[sflag:s23] =	ssyncadd.s32 $0xFFFFFFFF  }
0xa5: {  	s26 =	simm.s32 $execute0_lowered;
	[smem:$0x3FD2] =	sst s25  }
0xa6: {  	s5 =	sshll.u32 s26, $0x1;
	_ =	strace $0x80000049;
	[dreg:$0x1] =	wrdreg $0xFFFFFFFF  }
0xa7: {  	s28 =	simm.s32 $_size_execute0_lowered;
	s3 =	sadd.s32 s3, s5;
	[dreg:$0x0] =	wrdreg $0x0  }
0xa8: {  	s5 =	sshll.u32 s28, $0x1;
	[dreg:$0x2] =	wrdreg s3  }
0xa9: {  	[dreg:$0x3] =	wrdreg s5  }
0xaa: {  	[dreg:$0x4] =	wrdreg $0xC0  }
0xab: {  	_ =	task [dreg:s7], $0x5FFFF  }
0xac: {  	[dreg:$0x1] =	wrdreg $0xFFFFFFFF  }
0xad: {  	[dreg:$0x0] =	wrdreg $0x60  }
0xae: {  	[dreg:$0x2] =	wrdreg s24  }
0xaf: {  	[dreg:$0x3] =	wrdreg s2  }
0xb0: {  	[dreg:$0x4] =	wrdreg $0x7A000  }
0xb1: {  	[dreg:$0x5] =	wrdreg $0x9  }
0xb2: {  	_ =	task.clear_ibuf [dreg:s7], $0x6FFFF;
	_ =	strace $0x90000049  }
0xb3: {  	s29 =	simm.s32 $0x9;
	_ =	strace $0x8000004B  }
0xb4: {  	_ =	swait.ge [sflag:s29], $0x1  }
0xb5: {  	[sflag:s29] =	ssyncadd.s32 $0xFFFFFFFF  }
0xb6: {  	_ =	strace $0x9000004B  }
0xb7: {  	_ =	sfence  }
0xb8: {  	s30 =	sld [smem:$0x0];
	_ =	sdelay $0x2  }
0xb9: {  	s31 =	sshll.u32 s1, $0xD;
	s1 =	sshrl.u32 s1, $0x2  }
0xba: {  	s3 =	sand.u32 $0x4000, s31;
	s1 =	sadd.s32 s1, s30  }
0xbb: {  	s0 =	sor.u32 s3, s0;
	s1 =	sshll.u32 s1, $0x11  }
0xbc: {  	s0 =	sor.u32 s1, s0  }
0xbd: {  	s0 =	sadd.s32 $0x8F2B, s0  }
0xbe: {  	[sflag:s0] =	ssyncadd.remote.s32 $0x1  }
0xbf: {  	_ =	sfence.sel $0xFFFF  }
0xc0: {  	[dreg:$0x0] =	wrdreg $0xFFFFFFFF;
	(pc) =	sbr.abs _section_cstart, $3  }
0xc1: {  	[dreg:$0x1] =	wrdreg $0xFFFFFFFF  }
0xc2: {  	_ =	task.clear_ibuf [dreg:s7], $0x2FFFF;
	_ =	strace $0x9FFFFFFF  }
0xc3: {  	(tm) =	ssettm $0x7FFFFFFF  }
tec
execute0_lowered:
.L_overlay_start_1:
0x0: {  	(tag) =	ssettag $0x1  }
0x1: {  	s0 =	rddreg [dreg:$0x0]  }
0x2: {  	s1 =	rddreg [dreg:$0x1];
	s2 =	stileid.u32  }
0x3: {  	s3 =	rddreg [dreg:$0x2];
	s5 =	smul.u32 $0x2700, s2  }
0x4: {  	s4 =	simm.s32 $0x0;
	s6 =	srdreg.scid;
	s7 =	smul.u32 $0x4E20, s2  }
0x5: {  	s28 =	simm.s32 $0x2;
	s29 =	simm.s32 $0x50;
	s11 =	smul.u32 $0x4E000, s2  }
0x6: {  	s30 =	simm.s32 $0x2A00;
	s31 =	simm.s32 $0x7;
	s14 =	smul.u32 $0x4E2000, s2  }
0x7: {  	[smem:$0x7FF] =	sst s4;
	s6 =	sand.u32 $0x1, s6;
	s20 =	smul.u32 $0x9C400, s2  }
0x8: {  	s10 =	sadd.s32 $0x1C00, s0;
	s16 =	sadd.s32 $0x63800, s0;
	s22 =	smul.u32 $0x9C4, s2  }
0x9: {  	p1 =	sne.s32 s2, $0xF;
	_ =	strace $0x8000004A;
	s25 =	ssub.s32 $0x2, s6  }
0xa: {  	p0 =	seq.s32 s6, $0x1;
	[dreg:$0x7] =	wrdreg s16;
	s16 =	simm.s32 $0x6  }
0xb: {  	s8 =	sadd.s32 s5, s0;
	s9 =	sshrl.u32 s25, $0x1;
	s7 =	sshrl.u32 s7, $0x3  }
0xc: {  	s17 =	sadd.s32 $0x4D8000, s14;
	s18 =	sadd.s32 $0x4DD000, s14;
	s0 =	sadd.s32 $0x3C600, s0  }
0xd: {  	s13 =	sshrl.u32 s11, $0x2;
	s23 =	sadd.s32 $0x4D8400, s14;
	s24 =	sadd.s32 $0x4DD400, s14  }
0xe: {  	s6 =	sadd.s32 s20, s1;
	s20 =	sadd.s32 s22, s10;
	[dreg:$0x8] =	wrdreg s17  }
0xf: {  	s11 =	simm.s32 $0x8;
	s14 =	simm.s32 $0x4;
	[dreg:$0x9] =	wrdreg s18  }
0x10: {  	s12 =	ssub.s32 s25, s9;
	s26 =	sadd.s32 s10, s7;
	[dreg:$0xd] =	wrdreg s0  }
0x11: {  	s7 =	sadd.s32 s13, s3;
	s15 =	sadd.s32 $0x3C800, s8;
	[dreg:$0xe] =	wrdreg s23  }
0x12: {  	s21 =	sadd.s32 $0x15600, s8;
	[dreg:$0xf] =	wrdreg s24;
	s25 =	sadd.s32 $0xA00, s6  }
0x13: {  	s23 =	simm.s32 $0x80;
	s24 =	simm.s32 $0xA;
	s0 =	simm.s32 $0x400  }
0x14: {  	s8 =	simm.s32 $0x200;
	s10 =	simm.s32 $0x3;
	[dreg:$0x6] =	wrdreg s15  }
0x15: {  	s13 =	simm.s32 $0x5200;
	s17 =	simm.s32 $0x0;
	[dreg:$0x4] =	wrdreg s26  }
0x16: {  	s9 =	sadd.s32 $0xA, s26;
	s19 =	sadd.s32 $0x9C40, s26;
	[dreg:$0xc] =	wrdreg s21  }
.Ltmp0:
0x17: {  	s5 =	sadd.s32 $0x9C4A, s26;
	[dreg:$0x10] =	wrdreg s25;
	(pc) =	sbr.rel .LBB2_1-.Ltmp0, $4  }
0x18: {  	s26 =	sadd.s32 $0xA80, s6;
	s25 =	simm.s32 $0x1;
	[dreg:$0x5] =	wrdreg s9  }
0x19: {  	s6 =	simm.s32 $0x800;
	s15 =	simm.s32 $0x5;
	[dreg:$0xa] =	wrdreg s19  }
0x1a: {  	s9 =	sadd.s32 $0x138000, s3;
	[dreg:$0xb] =	wrdreg s5;
	s19 =	smax.u32 s12, $0x1  }
0x1b: {  	[dreg:$0x11] =	wrdreg s26;
	s26 =	simm.s32 $0x100;
	s12 =	simm.s32 $0x9  }
.LBB2_8:
0x1c: {  	s21 =	rddreg [dreg:$0xe]  }
0x1d: {  	s18 =	rddreg [dreg:$0xf]  }
.LBB2_9:
0x1e: {  	_ =	swait.ge [sflag:s25], $0x50  }
0x1f: {  	[sflag:s25] =	ssyncset.done $0x0  }
0x20: {  	[sflag:s25] =	ssyncadd.s32 $0xFFFFFFB0  }
0x21: {  	_ =	swait.ge [sflag:s14], $0x2800  }
0x22: {  	[sflag:s14] =	ssyncset.done $0x0  }
0x23: {  	[sflag:s14] =	ssyncadd.s32 $0xFFFFD800  }
0x24: {  	[tilespmem:s8], [sflag:$0x7] =	stream.indirect.gather [spmem:s3], $0x80, s4, s29, $0xb8;
	[tilespmem:$0x1B280] =	vst v63  }
0x25: {  	_ =	swait.ge [sflag:s12], $0x2800  }
0x26: {  	[sflag:s12] =	ssyncset.done $0x0  }
0x27: {  	s1 =	sshrl.u32 s21, $0x3;
	s2 =	rddreg [dreg:$0x1]  }
0x28: {  	[sflag:s12] =	ssyncadd.s32 $0xFFFFD800;
	s1 =	sadd.s32 s2, s1  }
0x29: {  	[hbm4b:s1+s0] =	stream.strided.scatter [tilespmem:s13], [sflag:$0x6], $0x2800, s6, s0, $0x38;
	[tilespmem:$0x1B280] =	vst v63  }
0x2a: {  	_ =	swait.ge [sflag:s31], $0x2800  }
0x2b: {  	s22 =	sshrl.u32 s18, $0x3;
	[sflag:s31] =	ssyncset.done $0x0  }
0x2c: {  	s1 =	sadd.s32 s2, s22;
	[sflag:s31] =	ssyncadd.s32 $0xFFFFD800  }
0x2d: {  	[hbm4b:s1+s0] =	stream.strided.scatter [tilespmem:s8], [sflag:$0x4], $0x2800, s6, s0, $0x38;
	[tilespmem:$0x1B280] =	vst v63  }
0x2e: {  	_ =	swait.ge [sflag:s15], $0x2800  }
0x2f: {  	[sflag:s15] =	ssyncset.done $0x0  }
0x30: {  	s17 =	sadd.s32 $0x1, s17;
	[sflag:s15] =	ssyncadd.s32 $0xFFFFD800  }
0x31: {  	p2 =	sne.s32 s17, s19;
	_ =	swait.ge [sflag:s16], $0x2800  }
.Ltmp1:
0x32: {  	[sflag:s16] =	ssyncset.done $0x0;
	(pc) =	sbr.rel @!p2 .LBB2_10-.Ltmp1, $4  }
0x33: {  	[sflag:s16] =	ssyncadd.s32 $0xFFFFD800  }
0x34: {  	_ =	swait.ge [sflag:s14], $0x2800  }
0x35: {  	[sflag:s14] =	ssyncset.done $0x0  }
0x36: {  	[sflag:s14] =	ssyncadd.s32 $0xFFFFD800  }
.LBB2_1:
.Ltmp2:
0x37: {  	(pc) =	sbr.rel @!p0 .LBB2_2-.Ltmp2, $4  }
0x38: {  	_ = 	snop  }
0x39: {  	s1 =	stileid.u32  }
0x3a: {  	s21 =	sshll.u32 s1, $0x6  }
0x3b: {  	s18 =	sshrl.u32 @!p1 s9, $0x3;
	s22 =	sshrl.u32 s7, $0x3;
	s21 =	sor.u32 $0x1C0A, s21  }
0x3c: {  	s1 =	rddreg [dreg:$0xa]  }
0x3d: {  	s2 =	rddreg [dreg:$0xb]  }
0x3e: {  	[tilespmem:s4], [sflag:$0x1] =	stream.linear.gather [hbm4b:s1+s4], $0x50, $0x38;
	[tilespmem:$0x1B280] =	vst v63  }
0x3f: {  	s5 =	rddreg [dreg:$0xc]  }
0x40: {  	[tilespmem:s23], [sflag:$0x2] =	stream.linear.gather [hbm4b:s2+s4], $0x50, $0x38;
	[tilespmem:$0x1B280] =	vst v63  }
0x41: {  	[spmem:s22], [sflag:s21] =	dma.local [hbm:s5], $0x2700  }
0x42: {  	_ =	swait.ge [sflag:s24], $0x2700  }
0x43: {  	[sflag:s24] =	ssyncset.done $0x0  }
0x44: {  	s1 =	rddreg [dreg:$0xd];
	[sflag:s24] =	ssyncadd.s32 $0xFFFFD900  }
0x45: {  	[spmem:s18], [sflag:s21] =	dma.local @!p1 [hbm:s1], $0x100  }
0x46: {  	s1 =	simm.s32 @!p1 $0xA  }
0x47: {  	_ =	swait.ge @!p1 [sflag:s1], $0x100  }
0x48: {  	[sflag:s1] =	ssyncset.done @!p1 $0x0  }
0x49: {  	[sflag:s1] =	ssyncadd.s32 @!p1 $0xFFFFFF00  }
0x4a: {  	[bflag:$0x0] =	sbarrier.arrive $0xFFFF  }
0x4b: {  	s18 =	simm.s32 $0x0;
	s21 =	rddreg [dreg:$0x11]  }
.LBB2_7:
0x4c: {  	_ =	swait.ge [sflag:s25], $0x50;
	p2 =	seq.s32 s18, $0x0  }
0x4d: {  	[sflag:s25] =	ssyncset.done $0x0;
	s1 =	simm.s32 @p2 $0x50  }
0x4e: {  	s2 =	simm.s32 @p2 $0x0;
	s5 =	simm.s32 @p2 $0x200;
	[sflag:s25] =	ssyncadd.s32 $0xFFFFFFB0  }
0x4f: {  	[tilespmem:s5], [sflag:$0x7] =	stream.indirect.gather @p2 [spmem:s3], $0x80, s2, s1, $0xb8;
	[tilespmem:$0x1B280] =	vst v63  }
0x50: {  	s1 =	simm.s32 @!p2 $0x4  }
0x51: {  	_ =	swait.ge @!p2 [sflag:s1], $0x2800  }
0x52: {  	s2 =	simm.s32 @!p2 $0x0;
	[sflag:s1] =	ssyncset.done @!p2 $0x0  }
0x53: {  	s5 =	simm.s32 @!p2 $0x200;
	[sflag:s1] =	ssyncadd.s32 @!p2 $0xFFFFD800;
	s1 =	simm.s32 @!p2 $0x50  }
0x54: {  	[tilespmem:s5], [sflag:$0x7] =	stream.indirect.gather @!p2 [spmem:s3], $0x80, s2, s1, $0xb8;
	[tilespmem:$0x1B280] =	vst v63  }
0x55: {  	s1 =	simm.s32 @!p2 $0x9  }
0x56: {  	_ =	swait.ge @!p2 [sflag:s1], $0x2800  }
0x57: {  	s22 =	simm.s32 @!p2 $0x5200;
	s2 =	simm.s32 @!p2 $0x400;
	[sflag:s1] =	ssyncset.done @!p2 $0x0  }
0x58: {  	s5 =	simm.s32 @!p2 $0x800;
	[sflag:s1] =	ssyncadd.s32 @!p2 $0xFFFFD800;
	s1 =	sadd.s32 @!p2 $0xFFFFEC00, s21  }
0x59: {  	[hbm4b:s1+s2] =	stream.strided.scatter @!p2 [tilespmem:s22], [sflag:$0x6], $0x2800, s5, s2, $0x38;
	[tilespmem:$0x1B280] =	vst v63  }
0x5a: {  	s22 =	sadd.s32 s18, s20  }
0x5b: {  	s5 =	sadd.s32 $0x9C54, s22  }
0x5c: {  	[tilespmem:s26], [sflag:$0x3] =	stream.linear.gather [hbm4b:s5+s4], $0x50, $0x38;
	[tilespmem:$0x1B280] =	vst v63  }
0x5d: {  	_ =	swait.ge [sflag:s28], $0x50  }
0x5e: {  	[sflag:s28] =	ssyncset.done $0x0  }
0x5f: {  	s1 =	simm.s32 @!p2 $0x5;
	[sflag:s28] =	ssyncadd.s32 $0xFFFFFFB0  }
0x60: {  	_ =	swait.ge @!p2 [sflag:s1], $0x2800  }
0x61: {  	[sflag:s1] =	ssyncset.done @!p2 $0x0  }
0x62: {  	[sflag:s1] =	ssyncadd.s32 @!p2 $0xFFFFD800  }
0x63: {  	[tilespmem:s30], [sflag:$0x8] =	stream.indirect.gather [spmem:s3], $0x80, s23, s29, $0xb8;
	[tilespmem:$0x1B280] =	vst v63  }
0x64: {  	_ =	swait.ge [sflag:s31], $0x2800  }
0x65: {  	[sflag:s31] =	ssyncset.done $0x0  }
0x66: {  	s2 =	sadd.s32 $0xFFFFF600, s21;
	[sflag:s31] =	ssyncadd.s32 $0xFFFFD800  }
0x67: {  	[hbm4b:s2+s0] =	stream.strided.scatter [tilespmem:s8], [sflag:$0x4], $0x2800, s6, s0, $0x38;
	[tilespmem:$0x1B280] =	vst v63  }
0x68: {  	s5 =	sadd.s32 $0x9C5E, s22  }
0x69: {  	[tilespmem:s4], [sflag:$0x1] =	stream.linear.gather [hbm4b:s5+s4], $0x50, $0x38;
	[tilespmem:$0x1B280] =	vst v63  }
0x6a: {  	_ =	swait.ge [sflag:s10], $0x50  }
0x6b: {  	[sflag:s10] =	ssyncset.done $0x0  }
0x6c: {  	s1 =	simm.s32 @!p2 $0x6;
	[sflag:s10] =	ssyncadd.s32 $0xFFFFFFB0  }
0x6d: {  	_ =	swait.ge @!p2 [sflag:s1], $0x2800  }
0x6e: {  	[sflag:s1] =	ssyncset.done @!p2 $0x0  }
0x6f: {  	[sflag:s1] =	ssyncadd.s32 @!p2 $0xFFFFD800;
	p2 =	seq.s32 s18, $0x99C  }
0x70: {  	[tilespmem:s13], [sflag:$0x9] =	stream.indirect.gather [spmem:s3], $0x80, s26, s29, $0xb8;
	[tilespmem:$0x1B280] =	vst v63  }
.Ltmp3:
0x71: {  	_ = 	snop;
	(pc) =	sbr.rel @p2 .LBB2_8-.Ltmp3, $4  }
0x72: {  	_ =	swait.ge [sflag:s11], $0x2800  }
0x73: {  	[sflag:s11] =	ssyncset.done $0x0  }
0x74: {  	[sflag:s11] =	ssyncadd.s32 $0xFFFFD800  }
0x75: {  	[hbm4b:s21+s0] =	stream.strided.scatter [tilespmem:s30], [sflag:$0x5], $0x2800, s6, s0, $0x38;
	[tilespmem:$0x1B280] =	vst v63  }
.Ltmp4:
0x76: {  	(pc) =	sbr.rel .LBB2_7-.Ltmp4, $3  }
0x77: {  	_ =	sdelay $0x1  }
0x78: {  	s1 =	sadd.s32 $0x9C68, s22;
	s18 =	sadd.s32 $0x1E, s18;
	s21 =	sadd.s32 $0x1E00, s21  }
0x79: {  	[tilespmem:s23], [sflag:$0x2] =	stream.linear.gather [hbm4b:s1+s4], $0x50, $0x38;
	[tilespmem:$0x1B280] =	vst v63  }
.LBB2_2:
0x7a: {  	s1 =	rddreg [dreg:$0x4]  }
0x7b: {  	s2 =	rddreg [dreg:$0x5]  }
0x7c: {  	[tilespmem:s4], [sflag:$0x1] =	stream.linear.gather [hbm4b:s1+s4], $0x50, $0x38;
	[tilespmem:$0x1B280] =	vst v63  }
0x7d: {  	s5 =	rddreg [dreg:$0x6]  }
0x7e: {  	[tilespmem:s23], [sflag:$0x2] =	stream.linear.gather [hbm4b:s2+s4], $0x50, $0x38;
	[tilespmem:$0x1B280] =	vst v63  }
0x7f: {  	[spmem:s22], [sflag:s21] =	dma.local [hbm:s5], $0x2700  }
0x80: {  	_ =	swait.ge [sflag:s24], $0x2700  }
0x81: {  	[sflag:s24] =	ssyncset.done $0x0  }
0x82: {  	s1 =	rddreg [dreg:$0x7];
	[sflag:s24] =	ssyncadd.s32 $0xFFFFD900  }
0x83: {  	[spmem:s18], [sflag:s21] =	dma.local @!p1 [hbm:s1], $0x100  }
0x84: {  	s18 =	simm.s32 @!p1 $0xA  }
0x85: {  	_ =	swait.ge @!p1 [sflag:s18], $0x100  }
0x86: {  	[sflag:s18] =	ssyncset.done @!p1 $0x0  }
0x87: {  	[sflag:s18] =	ssyncadd.s32 @!p1 $0xFFFFFF00  }
0x88: {  	[bflag:$0x0] =	sbarrier.arrive $0xFFFF  }
0x89: {  	s18 =	simm.s32 $0x0;
	s21 =	rddreg [dreg:$0x10]  }
.LBB2_3:
0x8a: {  	_ =	swait.ge [sflag:s25], $0x50;
	p2 =	seq.s32 s18, $0x0  }
0x8b: {  	[sflag:s25] =	ssyncset.done $0x0;
	s22 =	simm.s32 @p2 $0x50  }
0x8c: {  	s2 =	simm.s32 @p2 $0x0;
	s5 =	simm.s32 @p2 $0x200;
	[sflag:s25] =	ssyncadd.s32 $0xFFFFFFB0  }
0x8d: {  	[tilespmem:s5], [sflag:$0x7] =	stream.indirect.gather @p2 [spmem:s3], $0x80, s2, s22, $0xb8;
	[tilespmem:$0x1B280] =	vst v63  }
0x8e: {  	s2 =	simm.s32 @!p2 $0x4  }
0x8f: {  	_ =	swait.ge @!p2 [sflag:s2], $0x2800  }
0x90: {  	s5 =	simm.s32 @!p2 $0x0;
	[sflag:s2] =	ssyncset.done @!p2 $0x0  }
0x91: {  	s22 =	simm.s32 @!p2 $0x200;
	[sflag:s2] =	ssyncadd.s32 @!p2 $0xFFFFD800;
	s2 =	simm.s32 @!p2 $0x50  }
0x92: {  	[tilespmem:s22], [sflag:$0x7] =	stream.indirect.gather @!p2 [spmem:s3], $0x80, s5, s2, $0xb8;
	[tilespmem:$0x1B280] =	vst v63  }
0x93: {  	s2 =	simm.s32 @!p2 $0x9  }
0x94: {  	_ =	swait.ge @!p2 [sflag:s2], $0x2800  }
0x95: {  	s1 =	simm.s32 @!p2 $0x5200;
	s5 =	simm.s32 @!p2 $0x400;
	[sflag:s2] =	ssyncset.done @!p2 $0x0  }
0x96: {  	s22 =	simm.s32 @!p2 $0x800;
	[sflag:s2] =	ssyncadd.s32 @!p2 $0xFFFFD800;
	s2 =	sadd.s32 @!p2 $0xFFFFEC00, s21  }
0x97: {  	[hbm4b:s2+s5] =	stream.strided.scatter @!p2 [tilespmem:s1], [sflag:$0x6], $0x2800, s22, s5, $0x38;
	[tilespmem:$0x1B280] =	vst v63  }
0x98: {  	s22 =	sadd.s32 s18, s20  }
0x99: {  	s5 =	sadd.s32 $0x14, s22  }
0x9a: {  	[tilespmem:s26], [sflag:$0x3] =	stream.linear.gather [hbm4b:s5+s4], $0x50, $0x38;
	[tilespmem:$0x1B280] =	vst v63  }
0x9b: {  	_ =	swait.ge [sflag:s28], $0x50  }
0x9c: {  	[sflag:s28] =	ssyncset.done $0x0  }
0x9d: {  	s1 =	simm.s32 @!p2 $0x5;
	[sflag:s28] =	ssyncadd.s32 $0xFFFFFFB0  }
0x9e: {  	_ =	swait.ge @!p2 [sflag:s1], $0x2800  }
0x9f: {  	[sflag:s1] =	ssyncset.done @!p2 $0x0  }
0xa0: {  	[sflag:s1] =	ssyncadd.s32 @!p2 $0xFFFFD800  }
0xa1: {  	[tilespmem:s30], [sflag:$0x8] =	stream.indirect.gather [spmem:s3], $0x80, s23, s29, $0xb8;
	[tilespmem:$0x1B280] =	vst v63  }
0xa2: {  	_ =	swait.ge [sflag:s31], $0x2800  }
0xa3: {  	[sflag:s31] =	ssyncset.done $0x0  }
0xa4: {  	s2 =	sadd.s32 $0xFFFFF600, s21;
	[sflag:s31] =	ssyncadd.s32 $0xFFFFD800  }
0xa5: {  	[hbm4b:s2+s0] =	stream.strided.scatter [tilespmem:s8], [sflag:$0x4], $0x2800, s6, s0, $0x38;
	[tilespmem:$0x1B280] =	vst v63  }
0xa6: {  	s5 =	sadd.s32 $0x1E, s22  }
0xa7: {  	[tilespmem:s4], [sflag:$0x1] =	stream.linear.gather [hbm4b:s5+s4], $0x50, $0x38;
	[tilespmem:$0x1B280] =	vst v63  }
0xa8: {  	_ =	swait.ge [sflag:s10], $0x50  }
0xa9: {  	[sflag:s10] =	ssyncset.done $0x0  }
0xaa: {  	s1 =	simm.s32 @!p2 $0x6;
	[sflag:s10] =	ssyncadd.s32 $0xFFFFFFB0  }
0xab: {  	_ =	swait.ge @!p2 [sflag:s1], $0x2800  }
0xac: {  	[sflag:s1] =	ssyncset.done @!p2 $0x0  }
0xad: {  	[sflag:s1] =	ssyncadd.s32 @!p2 $0xFFFFD800;
	p2 =	seq.s32 s18, $0x99C  }
0xae: {  	[tilespmem:s13], [sflag:$0x9] =	stream.indirect.gather [spmem:s3], $0x80, s26, s29, $0xb8;
	[tilespmem:$0x1B280] =	vst v63  }
.Ltmp5:
0xaf: {  	_ = 	snop;
	(pc) =	sbr.rel @p2 .LBB2_4-.Ltmp5, $4  }
0xb0: {  	_ =	swait.ge [sflag:s11], $0x2800  }
0xb1: {  	[sflag:s11] =	ssyncset.done $0x0  }
0xb2: {  	[sflag:s11] =	ssyncadd.s32 $0xFFFFD800  }
0xb3: {  	[hbm4b:s21+s0] =	stream.strided.scatter [tilespmem:s30], [sflag:$0x5], $0x2800, s6, s0, $0x38;
	[tilespmem:$0x1B280] =	vst v63  }
.Ltmp6:
0xb4: {  	(pc) =	sbr.rel .LBB2_3-.Ltmp6, $3  }
0xb5: {  	_ =	sdelay $0x1  }
0xb6: {  	s1 =	sadd.s32 $0x28, s22;
	s18 =	sadd.s32 $0x1E, s18;
	s21 =	sadd.s32 $0x1E00, s21  }
0xb7: {  	[tilespmem:s23], [sflag:$0x2] =	stream.linear.gather [hbm4b:s1+s4], $0x50, $0x38;
	[tilespmem:$0x1B280] =	vst v63  }
.LBB2_4:
.Ltmp7:
0xb8: {  	(pc) =	sbr.rel .LBB2_9-.Ltmp7, $3  }
0xb9: {  	_ =	sdelay $0x1  }
0xba: {  	s21 =	rddreg [dreg:$0x8]  }
0xbb: {  	s18 =	rddreg [dreg:$0x9]  }
.LBB2_10:
0xbc: {  	_ =	sfence.sel $0x180000  }
0xbd: {  	[bflag:$0x0] =	sbarrier.arrive $0xFFFF  }
0xbe: {  	_ =	strace $0x9000004A  }
0xbf: {  	s0 =	stileid.u32;
	[bflag:$0x2] =	sbarrier.arrive $0xFFFF  }
0xc0: {  	p0 =	sne.s32 s0, $0x0;
	s0 =	rddreg [dreg:$0x3]  }
0xc1: {  	s0 =	sadd.s32 @!p0 $0x100000, s0  }
0xc2: {  	[sflag:s0] =	ssyncadd.tile.s32 @!p0 $0x1;
	_ =	shalt  }
.Lfunc_end2:
_tile_overlayer_lowered:
.L_overlay_start_2:
0xc3: {  	(tag) =	ssettag $0x2  }
0xc4: {  	s0 =	rddreg [dreg:$0x0];
	s2 =	stileid.u32  }
0xc5: {  	s1 =	rddreg [dreg:$0x1];
	p0 =	sne.s32 s2, $0x0  }
0xc6: {  	s3 =	rddreg [dreg:$0x2];
	[bflag:$0x3] =	sbarrier.arrive $0xFFFF;
	s2 =	simm.s32 @!p0 $0x1C0A  }
0xc7: {  	[timem:s3], [sflag:s2] =	dma.local @!p0 [hbm:s0], s1  }
0xc8: {  	s0 =	simm.s32 @!p0 $0xA  }
0xc9: {  	_ =	swait.ge @!p0 [sflag:s0], s1  }
0xca: {  	s1 =	ssub.s32 @!p0 $0x0, s1;
	[sflag:s0] =	ssyncset.done @!p0 $0x0  }
0xcb: {  	[sflag:s0] =	ssyncadd.s32 @!p0 s1  }
0xcc: {  	[bflag:$0x3] =	sbarrier.arrive $0xFFFF  }
0xcd: {  	_ =	shalt  }

</sc_bundles>
